<compile_context>
chip_gen: v7x
topology: tpu7x:2x2x1
jax: 0.10.2.dev20260603
libtpu: 0.0.44.dev20260713+nightly
codegen_flags: <defaults>
</compile_context>

<pallas_src>
import functools

import jax
import jax.numpy as jnp
from jax import lax
from jax.experimental import pallas as pl
from jax.experimental.pallas import tpu as pltpu
from jax.experimental.pallas import tpu_sc as plsc

N, E, D, DE, H = 10000, 320000, 128, 4, 128
NPAD = 10240
NC, NS = 2, 16
NW = NC * NS
C = 80
ROWS_PER_TILE = NPAD // NS
HALVES = ((0, 179200), (179200, 140800))

f32 = jnp.float32
i32 = jnp.int32
MESH = dict(core_axis_name="c", subcore_axis_name="s",
            num_cores=NC, num_subcores=NS)


def _prep_body(h_ref, w1a_ref, w1b_ref, ta_ref, tb_ref):
    hb = h_ref[...]
    ta_ref[...] = jnp.dot(hb, w1a_ref[...], preferred_element_type=f32)
    tb_ref[...] = jnp.dot(hb, w1b_ref[...], preferred_element_type=f32)


def _prep_tables(h, w1a, w1b):
    bn = 1000
    return pl.pallas_call(
        _prep_body,
        grid=(N // bn,),
        in_specs=[
            pl.BlockSpec((bn, 128), lambda i: (i, 0)),
            pl.BlockSpec((128, 128), lambda i: (0, 0)),
            pl.BlockSpec((128, 128), lambda i: (0, 0)),
        ],
        out_specs=[
            pl.BlockSpec((bn, 128), lambda i: (i, 0)),
            pl.BlockSpec((bn, 128), lambda i: (i, 0)),
        ],
        out_shape=[
            jax.ShapeDtypeStruct((N, 128), f32),
            jax.ShapeDtypeStruct((N, 128), f32),
        ],
    )(h, w1a, w1b)


@functools.cache
def _gather_pre(e0, ne):
    PER_W = ne // NW
    CH = PER_W // C

    def body(ta, tb, row, col, out, idxr, idxc, bufr, bufc,
             semr0, semr1, semc0, semc1):
        c = lax.axis_index("c")
        s = lax.axis_index("s")
        wid = s * NC + c
        gbase = e0 + wid * PER_W
        obase = wid * PER_W
        pltpu.sync_copy(row.at[pl.ds(gbase, PER_W)], idxr)
        pltpu.sync_copy(col.at[pl.ds(gbase, PER_W)], idxc)
        semr = (semr0, semr1)
        semc = (semc0, semc1)

        def start(k, p):
            pltpu.async_copy(ta.at[idxr.at[pl.ds(k * C, C)]], bufr.at[p],
                             semr[p])
            pltpu.async_copy(tb.at[idxc.at[pl.ds(k * C, C)]], bufc.at[p],
                             semc[p])

        def bodyc(k, p):
            pltpu.make_async_copy(ta.at[idxr.at[pl.ds(0, C)]], bufr.at[p],
                                  semr[p]).wait()
            pltpu.make_async_copy(tb.at[idxc.at[pl.ds(0, C)]], bufc.at[p],
                                  semc[p]).wait()

            def rowfn(i, carry2):
                for j in range(8):
                    sl = pl.ds(j * 16, 16)
                    bufr[p, i, sl] = bufr[p, i, sl] + bufc[p, i, sl]
                return carry2

            lax.fori_loop(0, C, rowfn, 0)
            pltpu.sync_copy(bufr.at[p], out.at[pl.ds(obase + k * C, C)])

        start(0, 0)
        start(1, 1)

        def chunk2(k2, carry):
            for p in range(2):
                k = k2 * 2 + p
                bodyc(k, p)

                @pl.when(k + 2 < CH)
                def _():
                    start(k + 2, p)
            return carry

        lax.fori_loop(0, CH // 2, chunk2, 0)

        @pl.when((CH % 2) == 1)
        def _():
            bodyc(CH - 1, 0)

    return pl.kernel(
        body,
        out_type=jax.ShapeDtypeStruct((ne, 128), f32),
        mesh=plsc.VectorSubcoreMesh(**MESH),
        scratch_types=[
            pltpu.VMEM((PER_W,), i32),
            pltpu.VMEM((PER_W,), i32),
            pltpu.VMEM((2, C, 128), f32),
            pltpu.VMEM((2, C, 128), f32),
            pltpu.SemaphoreType.DMA,
            pltpu.SemaphoreType.DMA,
            pltpu.SemaphoreType.DMA,
            pltpu.SemaphoreType.DMA,
        ],
    )


@functools.cache
def _coord_feats(e0, ne):
    PER_W = ne // NW
    CH = PER_W // C

    def body(c16, row, col, out, idxr, idxc, bufr, bufc,
             semr0, semr1, semc0, semc1):
        c = lax.axis_index("c")
        s = lax.axis_index("s")
        wid = s * NC + c
        gbase = e0 + wid * PER_W
        obase = wid * PER_W
        pltpu.sync_copy(row.at[pl.ds(gbase, PER_W)], idxr)
        pltpu.sync_copy(col.at[pl.ds(gbase, PER_W)], idxc)
        semr = (semr0, semr1)
        semc = (semc0, semc1)

        def start(k, p):
            pltpu.async_copy(c16.at[idxr.at[pl.ds(k * C, C)]], bufr.at[p],
                             semr[p])
            pltpu.async_copy(c16.at[idxc.at[pl.ds(k * C, C)]], bufc.at[p],
                             semc[p])

        def bodyc(k, p):
            pltpu.make_async_copy(c16.at[idxr.at[pl.ds(0, C)]], bufr.at[p],
                                  semr[p]).wait()
            pltpu.make_async_copy(c16.at[idxc.at[pl.ds(0, C)]], bufc.at[p],
                                  semc[p]).wait()

            def rowfn(i, carry2):
                bufr[p, i, :] = bufr[p, i, :] - bufc[p, i, :]
                return carry2

            lax.fori_loop(0, C, rowfn, 0)
            pltpu.sync_copy(bufr.at[p], out.at[pl.ds(obase + k * C, C)])

        start(0, 0)
        start(1, 1)

        def chunk2(k2, carry):
            for p in range(2):
                k = k2 * 2 + p
                bodyc(k, p)

                @pl.when(k + 2 < CH)
                def _():
                    start(k + 2, p)
            return carry

        lax.fori_loop(0, CH // 2, chunk2, 0)

        @pl.when((CH % 2) == 1)
        def _():
            bodyc(CH - 1, 0)

    return pl.kernel(
        body,
        out_type=jax.ShapeDtypeStruct((ne, 16), f32),
        mesh=plsc.VectorSubcoreMesh(**MESH),
        compiler_params=pltpu.CompilerParams(use_tc_tiling_on_sc=False,
                                             needs_layout_passes=False),
        scratch_types=[
            pltpu.VMEM((PER_W,), i32),
            pltpu.VMEM((PER_W,), i32),
            pltpu.VMEM((2, C, 16), f32),
            pltpu.VMEM((2, C, 16), f32),
            pltpu.SemaphoreType.DMA,
            pltpu.SemaphoreType.DMA,
            pltpu.SemaphoreType.DMA,
            pltpu.SemaphoreType.DMA,
        ],
    )


def _edge_body(pre_ref, dr_ref, ea_ref, wr_ref, wea_ref, be1_ref,
               we2_ref, be2_ref, wc1_ref, bc1_ref, wc2_ref, bc2_ref,
               m_ref, t_ref):
    be = m_ref.shape[0]
    dr = dr_ref[...]
    rad = jnp.sum(dr * dr, axis=1, keepdims=True)
    x1 = (pre_ref[...] + rad * wr_ref[...] +
          jnp.dot(ea_ref[...], wea_ref[...], preferred_element_type=f32) +
          be1_ref[...])
    x1 = jnp.maximum(x1, 0.0)
    m = jnp.maximum(
        jnp.dot(x1, we2_ref[...], preferred_element_type=f32) + be2_ref[...],
        0.0)
    m_ref[...] = m
    cfh = jnp.maximum(
        jnp.dot(m, wc1_ref[...], preferred_element_type=f32) + bc1_ref[...],
        0.0)
    cf = jnp.dot(cfh, wc2_ref[...], preferred_element_type=f32) + bc2_ref[...]
    t = dr * cf
    iot = lax.broadcasted_iota(i32, t.shape, 1)
    t16 = jnp.where(iot == 3, 1.0, t)
    t_ref[...] = jnp.concatenate([t16, jnp.zeros((be, 112), f32)], axis=1)


def _edge_mlp(e0, ne, pre, dr, edge_attr,
              wr, wea, be1, we2, be2, wc1, bc1, wc2, bc2):
    be = 1600
    off = e0 // be
    wfull = lambda shape: pl.BlockSpec(shape, lambda i: (0, 0))
    return pl.pallas_call(
        _edge_body,
        grid=(ne // be,),
        in_specs=[
            pl.BlockSpec((be, 128), lambda i: (i + off, 0)),
            pl.BlockSpec((be, 16), lambda i: (i + off, 0)),
            pl.BlockSpec((be, DE), lambda i: (i + off, 0)),
            wfull((1, 128)), wfull((DE, 128)), wfull((1, 128)),
            wfull((128, 128)), wfull((1, 128)),
            wfull((128, 128)), wfull((1, 128)),
            wfull((128, 1)), wfull((1, 1)),
        ],
        out_specs=[
            pl.BlockSpec((be, 128), lambda i: (i, 0)),
            pl.BlockSpec((be, 128), lambda i: (i, 0)),
        ],
        out_shape=[
            jax.ShapeDtypeStruct((ne, 128), f32),
            jax.ShapeDtypeStruct((ne, 128), f32),
        ],
    )(pre, dr, edge_attr, wr, wea, be1, we2, be2, wc1, bc1, wc2, bc2)


def _make_scatter(e0, ne):
    PER_W = ne // NW
    CH = PER_W // C

    def body(val, row, z128, acc_out, idxv, vbuf, accsh, sem0, sem1):
        c = lax.axis_index("c")
        s = lax.axis_index("s")
        wid = s * NC + c
        ibase = e0 + wid * PER_W
        vbase = wid * PER_W
        rsl = pl.ds(s * ROWS_PER_TILE, ROWS_PER_TILE)
        pltpu.sync_copy(z128.at[rsl], accsh.at[rsl])
        plsc.subcore_barrier()
        sems = (sem0, sem1)

        def start(k, p):
            pltpu.sync_copy(row.at[pl.ds(ibase + k * C, C)], idxv.at[p])
            pltpu.async_copy(val.at[pl.ds(vbase + k * C, C)], vbuf.at[p],
                             sems[p])

        def bodyc(p):
            pltpu.make_async_copy(val.at[pl.ds(0, C)], vbuf.at[p],
                                  sems[p]).wait()
            pltpu.sync_copy(vbuf.at[p], accsh.at[idxv.at[p]], add=True)

        start(0, 0)
        start(1, 1)

        def chunk2(k2, carry):
            for p in range(2):
                k = k2 * 2 + p
                bodyc(p)

                @pl.when(k + 2 < CH)
                def _():
                    start(k + 2, p)
            return carry

        lax.fori_loop(0, CH // 2, chunk2, 0)

        @pl.when((CH % 2) == 1)
        def _():
            bodyc(0)

        plsc.subcore_barrier()
        pltpu.sync_copy(accsh.at[rsl], acc_out.at[c].at[rsl])

    return pl.kernel(
        body,
        out_type=jax.ShapeDtypeStruct((NC, NPAD, 128), f32),
        mesh=plsc.VectorSubcoreMesh(**MESH),
        scratch_types=[
            pltpu.VMEM((2, C), i32),
            pltpu.VMEM((2, C, 128), f32),
            pltpu.VMEM_SHARED((NPAD, 128), f32),
            pltpu.SemaphoreType.DMA,
            pltpu.SemaphoreType.DMA,
        ],
    )


@functools.cache
def _scatter_m(e0, ne):
    return _make_scatter(e0, ne)


@functools.cache
def _scatter_t(e0, ne):
    return _make_scatter(e0, ne)


def _node_body(h_ref, a00_ref, a01_ref, a10_ref, a11_ref,
               t00_ref, t01_ref, t10_ref, t11_ref, coord_ref,
               wn1a_ref, wn1b_ref, bn1_ref, wn2_ref, bn2_ref,
               hout_ref, cout_ref):
    agg = a00_ref[0] + a01_ref[0] + a10_ref[0] + a11_ref[0]
    u = jnp.maximum(
        jnp.dot(h_ref[...], wn1a_ref[...], preferred_element_type=f32) +
        jnp.dot(agg, wn1b_ref[...], preferred_element_type=f32) +
        bn1_ref[...], 0.0)
    hout_ref[...] = (jnp.dot(u, wn2_ref[...], preferred_element_type=f32) +
                     bn2_ref[...])
    t = t00_ref[0] + t01_ref[0] + t10_ref[0] + t11_ref[0]
    s3 = t[:, 0:3]
    cnt = t[:, 3:4]
    cout_ref[...] = coord_ref[...] + s3 / jnp.maximum(cnt, 1.0)


def _node_model(h, agg0, agg1, t0, t1, coord, wn1a, wn1b, bn1, wn2, bn2):
    bn = 1000
    wfull = lambda shape: pl.BlockSpec(shape, lambda i: (0, 0))
    p0 = pl.BlockSpec((1, bn, 128), lambda i: (0, i, 0))
    p1 = pl.BlockSpec((1, bn, 128), lambda i: (1, i, 0))
    return pl.pallas_call(
        _node_body,
        grid=(N // bn,),
        in_specs=[
            pl.BlockSpec((bn, 128), lambda i: (i, 0)),
            p0, p1, p0, p1, p0, p1, p0, p1,
            pl.BlockSpec((bn, 3), lambda i: (i, 0)),
            wfull((128, 128)), wfull((128, 128)), wfull((1, 128)),
            wfull((128, 128)), wfull((1, 128)),
        ],
        out_specs=[
            pl.BlockSpec((bn, 128), lambda i: (i, 0)),
            pl.BlockSpec((bn, 3), lambda i: (i, 0)),
        ],
        out_shape=[
            jax.ShapeDtypeStruct((N, 128), f32),
            jax.ShapeDtypeStruct((N, 3), f32),
        ],
    )(h, agg0, agg0, agg1, agg1, t0, t0, t1, t1, coord,
      wn1a, wn1b, bn1, wn2, bn2)


def kernel(h, edge_index, coord, edge_attr,
           W_e1, b_e1, W_e2, b_e2,
           W_n1, b_n1, W_n2, b_n2,
           W_c1, b_c1, W_c2, b_c2):
    row = edge_index[0]
    col = edge_index[1]
    c16 = jnp.pad(coord, ((0, 0), (0, 13)))
    w1a = W_e1[0:D]
    w1b = W_e1[D:2 * D]
    wr = W_e1[2 * D:2 * D + 1]
    wea = W_e1[2 * D + 1:]
    ew = (wr, wea, b_e1.reshape(1, H), W_e2, b_e2.reshape(1, H),
          W_c1, b_c1.reshape(1, H), W_c2, b_c2.reshape(1, 1))
    ta, tb = _prep_tables(h, w1a, w1b)
    z128 = jnp.zeros((NPAD, 128), f32)

    (a0, na), (a1, nb) = HALVES
    dr = _coord_feats(0, E)(c16, row, col)
    pre = _gather_pre(0, E)(ta, tb, row, col)
    m0, t0 = _edge_mlp(a0, na, pre, dr, edge_attr, *ew)
    m1, t1 = _edge_mlp(a1, nb, pre, dr, edge_attr, *ew)

    agg0 = _scatter_m(a0, na)(m0, row, z128)
    t_p0 = _scatter_t(a0, na)(t0, row, z128)
    agg1 = _scatter_m(a1, nb)(m1, row, z128)
    t_p1 = _scatter_t(a1, nb)(t1, row, z128)

    m_ij = jnp.concatenate([m0, m1], axis=0)
    h_out, coord_out = _node_model(h, agg0, agg1, t_p0, t_p1, coord,
                                   W_n1[0:D], W_n1[D:], b_n1.reshape(1, H),
                                   W_n2, b_n2.reshape(1, H))
    return (h_out, coord_out, m_ij)

# --- scband reference (transcript-rebuilt; emitter-appended) ---
"""Pipeline reference for scband-e-gcl-22703197126945 (READ-ONLY COPY).

The authoritative reference and input builder live on the scoring server;
editing this copy changes nothing except your own understanding.
"""

import jax, jax.numpy as jnp
import numpy as np

N, E, D, DE, H = 10000, 320000, 128, 4, 128

def _xavier(k, shape, gain=1.0):
    bound = gain * np.sqrt(6.0 / (shape[0] + shape[1]))
    return jax.random.uniform(k, shape, jnp.float32, minval=-bound, maxval=bound)

def setup_inputs(seed: int = 0) -> dict:
    key = jax.random.key(seed)
    ks = jax.random.split(key, 16)
    h = jax.random.normal(ks[0], (N, D), dtype=jnp.float32)
    coord = jax.random.normal(ks[1], (N, 3), dtype=jnp.float32)
    edge_index = jax.random.randint(ks[2], (2, E), 0, N, dtype=jnp.int32)
    edge_attr = jax.random.normal(ks[3], (E, DE), dtype=jnp.float32)
    # edge_mlp: Dense(2D+1+DE -> H), Dense(H -> H)
    W_e1 = _xavier(ks[4], (2 * D + 1 + DE, H)); b_e1 = jnp.zeros((H,), jnp.float32)
    W_e2 = _xavier(ks[5], (H, H)); b_e2 = jnp.zeros((H,), jnp.float32)
    # node_mlp: Dense(2D -> H), Dense(H -> H)
    W_n1 = _xavier(ks[6], (D + H, H)); b_n1 = jnp.zeros((H,), jnp.float32)
    W_n2 = _xavier(ks[7], (H, H)); b_n2 = jnp.zeros((H,), jnp.float32)
    # coord_mlp: Dense(H -> H), Dense(H -> 1, xavier gain=0.001)
    W_c1 = _xavier(ks[8], (H, H)); b_c1 = jnp.zeros((H,), jnp.float32)
    W_c2 = _xavier(ks[9], (H, 1), gain=0.001); b_c2 = jnp.zeros((1,), jnp.float32)
    return {"h": h, "edge_index": edge_index, "coord": coord, "edge_attr": edge_attr,
            "W_e1": W_e1, "b_e1": b_e1, "W_e2": W_e2, "b_e2": b_e2,
            "W_n1": W_n1, "b_n1": b_n1, "W_n2": W_n2, "b_n2": b_n2,
            "W_c1": W_c1, "b_c1": b_c1, "W_c2": W_c2, "b_c2": b_c2}

def reference(h, edge_index, coord, edge_attr,
              W_e1, b_e1, W_e2, b_e2,
              W_n1, b_n1, W_n2, b_n2,
              W_c1, b_c1, W_c2, b_c2):
    act = jax.nn.relu
    row, col = edge_index[0], edge_index[1]
    n_nodes = h.shape[0]
    # coord2radial (senders, receivers) == (row, col)
    diff = coord[row] - coord[col]
    radial = jnp.sum(diff ** 2, axis=1, keepdims=True)
    # edge_model
    edge_in = jnp.concatenate([h[row], h[col], radial, edge_attr], axis=1)
    m = act(edge_in @ W_e1 + b_e1)
    m_ij = act(m @ W_e2 + b_e2)
    # node_model: unsorted_segment_sum over row
    agg = jax.ops.segment_sum(m_ij, row, num_segments=n_nodes)
    node_in = jnp.concatenate([h, agg], axis=1)
    h_out = act(node_in @ W_n1 + b_n1) @ W_n2 + b_n2
    # coord_model: coord_mlp on m_ij, then unsorted_segment_mean over row
    coord_feat = act(m_ij @ W_c1 + b_c1) @ W_c2 + b_c2
    trans = diff * coord_feat
    s = jax.ops.segment_sum(trans, row, num_segments=n_nodes)
    cnt = jax.ops.segment_sum(jnp.ones_like(trans), row, num_segments=n_nodes)
    coord_out = coord + s / jnp.maximum(cnt, 1.0)
    return (h_out, coord_out, m_ij)

if __name__ == "__main__":
    import jax
    _d = setup_inputs()
    print(jax.jit(kernel)(*tuple(_d.values())))

</pallas_src>

<mosaic_0001>
#map = affine_map<(d0, d1) -> (0, 0)>
#map1 = affine_map<(d0, d1) -> (0)>
module attributes {stable_mosaic.version = 14 : i64} {
  func.func @body(%arg0: i32, %arg1: i32, %arg2: memref<10000x16xf32, #tpu.memory_space<hbm>>, %arg3: memref<320000xi32, #tpu.memory_space<hbm>>, %arg4: memref<320000xi32, #tpu.memory_space<hbm>>, %arg5: memref<320000x16xf32, #tpu.memory_space<hbm>>, %arg6: memref<10000xi32, #tpu.memory_space<vmem>>, %arg7: memref<10000xi32, #tpu.memory_space<vmem>>, %arg8: memref<2x80x16xf32, #tpu.memory_space<vmem>>, %arg9: memref<2x80x16xf32, #tpu.memory_space<vmem>>, %arg10: memref<!tpu.dma_semaphore, #tpu.memory_space<semaphore_mem>>, %arg11: memref<!tpu.dma_semaphore, #tpu.memory_space<semaphore_mem>>, %arg12: memref<!tpu.dma_semaphore, #tpu.memory_space<semaphore_mem>>, %arg13: memref<!tpu.dma_semaphore, #tpu.memory_space<semaphore_mem>>) attributes {dimension_semantics = [#tpu.dimension_semantics<core_parallel>, #tpu.dimension_semantics<subcore_parallel>], iteration_bounds = array<i64: 2, 16>, scalar_prefetch = 0 : i64, scratch_operands = 8 : i64, tpu.core_type = #tpu.core_type<sc_vector_subcore>, window_params = [{transform_indices = #map}, {transform_indices = #map1}, {transform_indices = #map1}, {transform_indices = #map}]} {
    %mul3A = arith.constant 2 : i32
    %mul3A_0 = arith.muli %arg1, %mul3A : i32
    %add3A = arith.addi %mul3A_0, %arg0 : i32
    %mul3A_1 = arith.constant 10000 : i32
    %mul3A_2 = arith.muli %add3A, %mul3A_1 : i32
    %add3A_3 = arith.constant 0 : i32
    %add3A_4 = arith.addi %add3A_3, %mul3A_2 : i32
    %mul3A_5 = arith.constant 10000 : i32
    %mul3A_6 = arith.muli %add3A, %mul3A_5 : i32
    "tpu.region"() ({
      %run_scoped3A_78 = tpu.sem_alloc : memref<!tpu.dma_semaphore, #tpu.memory_space<semaphore_mem>>
      %dma_start3A_79 = tpu.memref_slice %arg3[%add3A_4] : memref<320000xi32, #tpu.memory_space<hbm>> -> memref<10000xi32, #tpu.memory_space<hbm>>
      %dma_start3A_80 = tpu.memref_slice %arg3[%add3A_4] : memref<320000xi32, #tpu.memory_space<hbm>> -> memref<10000xi32, #tpu.memory_space<hbm>>
      tpu.enqueue_dma source(%dma_start3A_80 : memref<10000xi32, #tpu.memory_space<hbm>>) target(%arg6 : memref<10000xi32, #tpu.memory_space<vmem>>) target_semaphore(%run_scoped3A_78 : memref<!tpu.dma_semaphore, #tpu.memory_space<semaphore_mem>>)
      %dma_wait3A_81 = tpu.memref_slice %arg3[%add3A_4] : memref<320000xi32, #tpu.memory_space<hbm>> -> memref<10000xi32, #tpu.memory_space<hbm>>
      %dma_wait3A_82 = tpu.memref_slice %arg3[%add3A_4] : memref<320000xi32, #tpu.memory_space<hbm>> -> memref<10000xi32, #tpu.memory_space<hbm>>
      tpu.wait_dma2 semaphore(%run_scoped3A_78 : memref<!tpu.dma_semaphore, #tpu.memory_space<semaphore_mem>>) src(%dma_wait3A_82 : memref<10000xi32, #tpu.memory_space<hbm>>) dst(%arg6 : memref<10000xi32, #tpu.memory_space<vmem>>)
      tpu.yield
    }) : () -> ()
    "tpu.region"() ({
      %run_scoped3A_78 = tpu.sem_alloc : memref<!tpu.dma_semaphore, #tpu.memory_space<semaphore_mem>>
      %dma_start3A_79 = tpu.memref_slice %arg4[%add3A_4] : memref<320000xi32, #tpu.memory_space<hbm>> -> memref<10000xi32, #tpu.memory_space<hbm>>
      %dma_start3A_80 = tpu.memref_slice %arg4[%add3A_4] : memref<320000xi32, #tpu.memory_space<hbm>> -> memref<10000xi32, #tpu.memory_space<hbm>>
      tpu.enqueue_dma source(%dma_start3A_80 : memref<10000xi32, #tpu.memory_space<hbm>>) target(%arg7 : memref<10000xi32, #tpu.memory_space<vmem>>) target_semaphore(%run_scoped3A_78 : memref<!tpu.dma_semaphore, #tpu.memory_space<semaphore_mem>>)
      %dma_wait3A_81 = tpu.memref_slice %arg4[%add3A_4] : memref<320000xi32, #tpu.memory_space<hbm>> -> memref<10000xi32, #tpu.memory_space<hbm>>
      %dma_wait3A_82 = tpu.memref_slice %arg4[%add3A_4] : memref<320000xi32, #tpu.memory_space<hbm>> -> memref<10000xi32, #tpu.memory_space<hbm>>
      tpu.wait_dma2 semaphore(%run_scoped3A_78 : memref<!tpu.dma_semaphore, #tpu.memory_space<semaphore_mem>>) src(%dma_wait3A_82 : memref<10000xi32, #tpu.memory_space<hbm>>) dst(%arg7 : memref<10000xi32, #tpu.memory_space<vmem>>)
      tpu.yield
    }) : () -> ()
    %dma_start3A = arith.constant 0 : i32
    %dma_start3A_7 = arith.constant 0 : i32
    %dma_start3A_8 = arith.constant 0 : i32
    %dma_start3A_9 = tpu.memref_slice %arg8[%dma_start3A, %dma_start3A_7, %dma_start3A_8] : memref<2x80x16xf32, #tpu.memory_space<vmem>> -> memref<1x80x16xf32, #tpu.memory_space<vmem>>
    %dma_start3A_10 = tpu.memref_squeeze %dma_start3A_9 : memref<1x80x16xf32, #tpu.memory_space<vmem>> -> memref<80x16xf32, #tpu.memory_space<vmem>>
    %dma_start3A_11 = arith.constant 0 : i32
    %dma_start3A_12 = tpu.memref_slice %arg6[%dma_start3A_11] : memref<10000xi32, #tpu.memory_space<vmem>> -> memref<80xi32, #tpu.memory_space<vmem>>
    %dma_start3A_13 = arith.constant 0 : i32
    %dma_start3A_14 = arith.constant 0 : i32
    %dma_start3A_15 = tpu.memref_slice %arg2[%dma_start3A_13, %dma_start3A_14] : memref<10000x16xf32, #tpu.memory_space<hbm>> -> memref<10000x16xf32, #tpu.memory_space<hbm>>
    tpu.enqueue_indirect_dma source(%dma_start3A_15 : memref<10000x16xf32, #tpu.memory_space<hbm>>) target(%dma_start3A_10 : memref<80x16xf32, #tpu.memory_space<vmem>>) offsets(%dma_start3A_12 : memref<80xi32, #tpu.memory_space<vmem>>) semaphore(%arg10 : memref<!tpu.dma_semaphore, #tpu.memory_space<semaphore_mem>>)
    %dma_start3A_16 = arith.constant 0 : i32
    %dma_start3A_17 = arith.constant 0 : i32
    %dma_start3A_18 = arith.constant 0 : i32
    %dma_start3A_19 = tpu.memref_slice %arg9[%dma_start3A_16, %dma_start3A_17, %dma_start3A_18] : memref<2x80x16xf32, #tpu.memory_space<vmem>> -> memref<1x80x16xf32, #tpu.memory_space<vmem>>
    %dma_start3A_20 = tpu.memref_squeeze %dma_start3A_19 : memref<1x80x16xf32, #tpu.memory_space<vmem>> -> memref<80x16xf32, #tpu.memory_space<vmem>>
    %dma_start3A_21 = arith.constant 0 : i32
    %dma_start3A_22 = tpu.memref_slice %arg7[%dma_start3A_21] : memref<10000xi32, #tpu.memory_space<vmem>> -> memref<80xi32, #tpu.memory_space<vmem>>
    %dma_start3A_23 = arith.constant 0 : i32
    %dma_start3A_24 = arith.constant 0 : i32
    %dma_start3A_25 = tpu.memref_slice %arg2[%dma_start3A_23, %dma_start3A_24] : memref<10000x16xf32, #tpu.memory_space<hbm>> -> memref<10000x16xf32, #tpu.memory_space<hbm>>
    tpu.enqueue_indirect_dma source(%dma_start3A_25 : memref<10000x16xf32, #tpu.memory_space<hbm>>) target(%dma_start3A_20 : memref<80x16xf32, #tpu.memory_space<vmem>>) offsets(%dma_start3A_22 : memref<80xi32, #tpu.memory_space<vmem>>) semaphore(%arg12 : memref<!tpu.dma_semaphore, #tpu.memory_space<semaphore_mem>>)
    %dma_start3A_26 = arith.constant 1 : i32
    %dma_start3A_27 = arith.constant 0 : i32
    %dma_start3A_28 = arith.constant 0 : i32
    %dma_start3A_29 = tpu.memref_slice %arg8[%dma_start3A_26, %dma_start3A_27, %dma_start3A_28] : memref<2x80x16xf32, #tpu.memory_space<vmem>> -> memref<1x80x16xf32, #tpu.memory_space<vmem>>
    %dma_start3A_30 = tpu.memref_squeeze %dma_start3A_29 : memref<1x80x16xf32, #tpu.memory_space<vmem>> -> memref<80x16xf32, #tpu.memory_space<vmem>>
    %dma_start3A_31 = arith.constant 80 : i32
    %dma_start3A_32 = tpu.memref_slice %arg6[%dma_start3A_31] : memref<10000xi32, #tpu.memory_space<vmem>> -> memref<80xi32, #tpu.memory_space<vmem>>
    %dma_start3A_33 = arith.constant 0 : i32
    %dma_start3A_34 = arith.constant 0 : i32
    %dma_start3A_35 = tpu.memref_slice %arg2[%dma_start3A_33, %dma_start3A_34] : memref<10000x16xf32, #tpu.memory_space<hbm>> -> memref<10000x16xf32, #tpu.memory_space<hbm>>
    tpu.enqueue_indirect_dma source(%dma_start3A_35 : memref<10000x16xf32, #tpu.memory_space<hbm>>) target(%dma_start3A_30 : memref<80x16xf32, #tpu.memory_space<vmem>>) offsets(%dma_start3A_32 : memref<80xi32, #tpu.memory_space<vmem>>) semaphore(%arg11 : memref<!tpu.dma_semaphore, #tpu.memory_space<semaphore_mem>>)
    %dma_start3A_36 = arith.constant 1 : i32
    %dma_start3A_37 = arith.constant 0 : i32
    %dma_start3A_38 = arith.constant 0 : i32
    %dma_start3A_39 = tpu.memref_slice %arg9[%dma_start3A_36, %dma_start3A_37, %dma_start3A_38] : memref<2x80x16xf32, #tpu.memory_space<vmem>> -> memref<1x80x16xf32, #tpu.memory_space<vmem>>
    %dma_start3A_40 = tpu.memref_squeeze %dma_start3A_39 : memref<1x80x16xf32, #tpu.memory_space<vmem>> -> memref<80x16xf32, #tpu.memory_space<vmem>>
    %dma_start3A_41 = arith.constant 80 : i32
    %dma_start3A_42 = tpu.memref_slice %arg7[%dma_start3A_41] : memref<10000xi32, #tpu.memory_space<vmem>> -> memref<80xi32, #tpu.memory_space<vmem>>
    %dma_start3A_43 = arith.constant 0 : i32
    %dma_start3A_44 = arith.constant 0 : i32
    %dma_start3A_45 = tpu.memref_slice %arg2[%dma_start3A_43, %dma_start3A_44] : memref<10000x16xf32, #tpu.memory_space<hbm>> -> memref<10000x16xf32, #tpu.memory_space<hbm>>
    tpu.enqueue_indirect_dma source(%dma_start3A_45 : memref<10000x16xf32, #tpu.memory_space<hbm>>) target(%dma_start3A_40 : memref<80x16xf32, #tpu.memory_space<vmem>>) offsets(%dma_start3A_42 : memref<80xi32, #tpu.memory_space<vmem>>) semaphore(%arg13 : memref<!tpu.dma_semaphore, #tpu.memory_space<semaphore_mem>>)
    %scan3A = arith.constant 0 : i32
    %scan3A_46 = arith.constant 0 : i32
    %scan3A_47 = arith.constant 62 : i32
    %scan3A_48 = arith.addi %scan3A_46, %scan3A_47 : i32
    %scan3A_49 = arith.constant 1 : i32
    scf.for %scan3A_78 = %scan3A_46 to %scan3A_48 step %scan3A_49  : i32 {
      %mul3A_79 = arith.constant 2 : i32
      %mul3A_80 = arith.muli %scan3A_78, %mul3A_79 : i32
      %add3A_81 = arith.constant 0 : i32
      %add3A_82 = arith.addi %mul3A_80, %add3A_81 : i32
      %dma_wait3A_83 = arith.constant 0 : i32
      %dma_wait3A_84 = arith.constant 0 : i32
      %dma_wait3A_85 = arith.constant 0 : i32
      %dma_wait3A_86 = tpu.memref_slice %arg8[%dma_wait3A_83, %dma_wait3A_84, %dma_wait3A_85] : memref<2x80x16xf32, #tpu.memory_space<vmem>> -> memref<1x80x16xf32, #tpu.memory_space<vmem>>
      %dma_wait3A_87 = tpu.memref_squeeze %dma_wait3A_86 : memref<1x80x16xf32, #tpu.memory_space<vmem>> -> memref<80x16xf32, #tpu.memory_space<vmem>>
      %dma_wait3A_88 = arith.constant 0 : i32
      %dma_wait3A_89 = tpu.memref_slice %arg6[%dma_wait3A_88] : memref<10000xi32, #tpu.memory_space<vmem>> -> memref<80xi32, #tpu.memory_space<vmem>>
      %dma_wait3A_90 = arith.constant 0 : i32
      %dma_wait3A_91 = arith.constant 0 : i32
      %dma_wait3A_92 = tpu.memref_slice %arg2[%dma_wait3A_90, %dma_wait3A_91] : memref<10000x16xf32, #tpu.memory_space<hbm>> -> memref<10000x16xf32, #tpu.memory_space<hbm>>
      tpu.wait_indirect_dma semaphore(%arg10 : memref<!tpu.dma_semaphore, #tpu.memory_space<semaphore_mem>>) src(%dma_wait3A_92 : memref<10000x16xf32, #tpu.memory_space<hbm>>) dst(%dma_wait3A_87 : memref<80x16xf32, #tpu.memory_space<vmem>>)
      %dma_wait3A_93 = arith.constant 0 : i32
      %dma_wait3A_94 = arith.constant 0 : i32
      %dma_wait3A_95 = arith.constant 0 : i32
      %dma_wait3A_96 = tpu.memref_slice %arg9[%dma_wait3A_93, %dma_wait3A_94, %dma_wait3A_95] : memref<2x80x16xf32, #tpu.memory_space<vmem>> -> memref<1x80x16xf32, #tpu.memory_space<vmem>>
      %dma_wait3A_97 = tpu.memref_squeeze %dma_wait3A_96 : memref<1x80x16xf32, #tpu.memory_space<vmem>> -> memref<80x16xf32, #tpu.memory_space<vmem>>
      %dma_wait3A_98 = arith.constant 0 : i32
      %dma_wait3A_99 = tpu.memref_slice %arg7[%dma_wait3A_98] : memref<10000xi32, #tpu.memory_space<vmem>> -> memref<80xi32, #tpu.memory_space<vmem>>
      %dma_wait3A_100 = arith.constant 0 : i32
      %dma_wait3A_101 = arith.constant 0 : i32
      %dma_wait3A_102 = tpu.memref_slice %arg2[%dma_wait3A_100, %dma_wait3A_101] : memref<10000x16xf32, #tpu.memory_space<hbm>> -> memref<10000x16xf32, #tpu.memory_space<hbm>>
      tpu.wait_indirect_dma semaphore(%arg12 : memref<!tpu.dma_semaphore, #tpu.memory_space<semaphore_mem>>) src(%dma_wait3A_102 : memref<10000x16xf32, #tpu.memory_space<hbm>>) dst(%dma_wait3A_97 : memref<80x16xf32, #tpu.memory_space<vmem>>)
      %scan3A_103 = arith.constant 0 : i32
      %scan3A_104 = arith.constant 0 : i32
      %scan3A_105 = arith.constant 80 : i32
      %scan3A_106 = arith.addi %scan3A_104, %scan3A_105 : i32
      %scan3A_107 = arith.constant 1 : i32
      scf.for %scan3A_158 = %scan3A_104 to %scan3A_106 step %scan3A_107  : i32 {
        %get3A = arith.constant 0 : i32
        %get3A_159 = arith.index_cast %get3A : i32 to index
        %get3A_160 = arith.index_cast %scan3A_158 : i32 to index
        %get3A_161 = arith.constant 0 : index
        %get3A_162 = tpu.vector_load %arg8[%get3A_159, %get3A_160, %get3A_161] {strides = array<i32>} : memref<2x80x16xf32, #tpu.memory_space<vmem>>, vector<16xf32>,
        %get3A_163 = arith.constant 0 : i32
        %get3A_164 = arith.index_cast %get3A_163 : i32 to index
        %get3A_165 = arith.index_cast %scan3A_158 : i32 to index
        %get3A_166 = arith.constant 0 : index
        %get3A_167 = tpu.vector_load %arg9[%get3A_164, %get3A_165, %get3A_166] {strides = array<i32>} : memref<2x80x16xf32, #tpu.memory_space<vmem>>, vector<16xf32>,
        %sub3A = arith.subf %get3A_162, %get3A_167 : vector<16xf32>
        %swap3A = arith.constant 0 : i32
        %swap3A_168 = arith.index_cast %swap3A : i32 to index
        %swap3A_169 = arith.index_cast %scan3A_158 : i32 to index
        %swap3A_170 = arith.constant 0 : index
        %swap3A_171 = tpu.vector_load %arg8[%swap3A_168, %swap3A_169, %swap3A_170] {strides = array<i32>} : memref<2x80x16xf32, #tpu.memory_space<vmem>>, vector<16xf32>,
        tpu.vector_store %arg8[%swap3A_168, %swap3A_169, %swap3A_170], %sub3A {strides = array<i32>} : memref<2x80x16xf32, #tpu.memory_space<vmem>>, vector<16xf32>,
      }
      %scan3A_108 = arith.constant 80 : i32
      %mul3A_109 = arith.constant 80 : i32
      %mul3A_110 = arith.muli %add3A_82, %mul3A_109 : i32
      %add3A_111 = arith.addi %mul3A_6, %mul3A_110 : i32
      %run_scoped3A_112 = arith.constant 0 : i32
      "tpu.region"() ({
        %run_scoped3A_158 = tpu.sem_alloc : memref<!tpu.dma_semaphore, #tpu.memory_space<semaphore_mem>>
        %dma_start3A_159 = arith.constant 0 : i32
        %dma_start3A_160 = arith.constant 0 : i32
        %dma_start3A_161 = tpu.memref_slice %arg8[%run_scoped3A_112, %dma_start3A_159, %dma_start3A_160] : memref<2x80x16xf32, #tpu.memory_space<vmem>> -> memref<1x80x16xf32, #tpu.memory_space<vmem>>
        %dma_start3A_162 = tpu.memref_squeeze %dma_start3A_161 : memref<1x80x16xf32, #tpu.memory_space<vmem>> -> memref<80x16xf32, #tpu.memory_space<vmem>>
        %dma_start3A_163 = arith.constant 0 : i32
        %dma_start3A_164 = tpu.memref_slice %arg5[%add3A_111, %dma_start3A_163] : memref<320000x16xf32, #tpu.memory_space<hbm>> -> memref<80x16xf32, #tpu.memory_space<hbm>>
        %dma_start3A_165 = arith.constant 0 : i32
        %dma_start3A_166 = tpu.memref_slice %arg5[%add3A_111, %dma_start3A_165] : memref<320000x16xf32, #tpu.memory_space<hbm>> -> memref<80x16xf32, #tpu.memory_space<hbm>>
        %dma_start3A_167 = arith.constant 0 : i32
        %dma_start3A_168 = arith.constant 0 : i32
        %dma_start3A_169 = tpu.memref_slice %arg8[%run_scoped3A_112, %dma_start3A_167, %dma_start3A_168] : memref<2x80x16xf32, #tpu.memory_space<vmem>> -> memref<1x80x16xf32, #tpu.memory_space<vmem>>
        %dma_start3A_170 = tpu.memref_squeeze %dma_start3A_169 : memref<1x80x16xf32, #tpu.memory_space<vmem>> -> memref<80x16xf32, #tpu.memory_space<vmem>>
        tpu.enqueue_dma source(%dma_start3A_170 : memref<80x16xf32, #tpu.memory_space<vmem>>) target(%dma_start3A_166 : memref<80x16xf32, #tpu.memory_space<hbm>>) target_semaphore(%run_scoped3A_158 : memref<!tpu.dma_semaphore, #tpu.memory_space<semaphore_mem>>)
        %dma_wait3A_171 = arith.constant 0 : i32
        %dma_wait3A_172 = arith.constant 0 : i32
        %dma_wait3A_173 = tpu.memref_slice %arg8[%run_scoped3A_112, %dma_wait3A_171, %dma_wait3A_172] : memref<2x80x16xf32, #tpu.memory_space<vmem>> -> memref<1x80x16xf32, #tpu.memory_space<vmem>>
        %dma_wait3A_174 = tpu.memref_squeeze %dma_wait3A_173 : memref<1x80x16xf32, #tpu.memory_space<vmem>> -> memref<80x16xf32, #tpu.memory_space<vmem>>
        %dma_wait3A_175 = arith.constant 0 : i32
        %dma_wait3A_176 = tpu.memref_slice %arg5[%add3A_111, %dma_wait3A_175] : memref<320000x16xf32, #tpu.memory_space<hbm>> -> memref<80x16xf32, #tpu.memory_space<hbm>>
        %dma_wait3A_177 = arith.constant 0 : i32
        %dma_wait3A_178 = tpu.memref_slice %arg5[%add3A_111, %dma_wait3A_177] : memref<320000x16xf32, #tpu.memory_space<hbm>> -> memref<80x16xf32, #tpu.memory_space<hbm>>
        %dma_wait3A_179 = arith.constant 0 : i32
        %dma_wait3A_180 = arith.constant 0 : i32
        %dma_wait3A_181 = tpu.memref_slice %arg8[%run_scoped3A_112, %dma_wait3A_179, %dma_wait3A_180] : memref<2x80x16xf32, #tpu.memory_space<vmem>> -> memref<1x80x16xf32, #tpu.memory_space<vmem>>
        %dma_wait3A_182 = tpu.memref_squeeze %dma_wait3A_181 : memref<1x80x16xf32, #tpu.memory_space<vmem>> -> memref<80x16xf32, #tpu.memory_space<vmem>>
        tpu.wait_dma2 semaphore(%run_scoped3A_158 : memref<!tpu.dma_semaphore, #tpu.memory_space<semaphore_mem>>) src(%dma_wait3A_182 : memref<80x16xf32, #tpu.memory_space<vmem>>) dst(%dma_wait3A_178 : memref<80x16xf32, #tpu.memory_space<hbm>>)
        tpu.yield
      }) : () -> ()
      %add3A_113 = arith.constant 2 : i32
      %add3A_114 = arith.addi %add3A_82, %add3A_113 : i32
      %lt3A = arith.constant 125 : i32
      %lt3A_115 = arith.cmpi slt, %add3A_114, %lt3A : i32
      %convert_element_type3A = arith.extui %lt3A_115 : i1 to i32
      %cond3A = arith.constant 0 : i32
      %cond3A_116 = arith.cmpi ne, %convert_element_type3A, %cond3A : i32
      scf.if %cond3A_116 {
        %add3A_158 = arith.constant 2 : i32
        %add3A_159 = arith.addi %add3A_82, %add3A_158 : i32
        %mul3A_160 = arith.constant 80 : i32
        %mul3A_161 = arith.muli %add3A_159, %mul3A_160 : i32
        %dma_start3A_162 = arith.constant 0 : i32
        %dma_start3A_163 = arith.constant 0 : i32
        %dma_start3A_164 = arith.constant 0 : i32
        %dma_start3A_165 = tpu.memref_slice %arg8[%dma_start3A_162, %dma_start3A_163, %dma_start3A_164] : memref<2x80x16xf32, #tpu.memory_space<vmem>> -> memref<1x80x16xf32, #tpu.memory_space<vmem>>
        %dma_start3A_166 = tpu.memref_squeeze %dma_start3A_165 : memref<1x80x16xf32, #tpu.memory_space<vmem>> -> memref<80x16xf32, #tpu.memory_space<vmem>>
        %dma_start3A_167 = tpu.memref_slice %arg6[%mul3A_161] : memref<10000xi32, #tpu.memory_space<vmem>> -> memref<80xi32, #tpu.memory_space<vmem>>
        %dma_start3A_168 = arith.constant 0 : i32
        %dma_start3A_169 = arith.constant 0 : i32
        %dma_start3A_170 = tpu.memref_slice %arg2[%dma_start3A_168, %dma_start3A_169] : memref<10000x16xf32, #tpu.memory_space<hbm>> -> memref<10000x16xf32, #tpu.memory_space<hbm>>
        tpu.enqueue_indirect_dma source(%dma_start3A_170 : memref<10000x16xf32, #tpu.memory_space<hbm>>) target(%dma_start3A_166 : memref<80x16xf32, #tpu.memory_space<vmem>>) offsets(%dma_start3A_167 : memref<80xi32, #tpu.memory_space<vmem>>) semaphore(%arg10 : memref<!tpu.dma_semaphore, #tpu.memory_space<semaphore_mem>>)
        %mul3A_171 = arith.constant 80 : i32
        %mul3A_172 = arith.muli %add3A_159, %mul3A_171 : i32
        %dma_start3A_173 = arith.constant 0 : i32
        %dma_start3A_174 = arith.constant 0 : i32
        %dma_start3A_175 = arith.constant 0 : i32
        %dma_start3A_176 = tpu.memref_slice %arg9[%dma_start3A_173, %dma_start3A_174, %dma_start3A_175] : memref<2x80x16xf32, #tpu.memory_space<vmem>> -> memref<1x80x16xf32, #tpu.memory_space<vmem>>
        %dma_start3A_177 = tpu.memref_squeeze %dma_start3A_176 : memref<1x80x16xf32, #tpu.memory_space<vmem>> -> memref<80x16xf32, #tpu.memory_space<vmem>>
        %dma_start3A_178 = tpu.memref_slice %arg7[%mul3A_172] : memref<10000xi32, #tpu.memory_space<vmem>> -> memref<80xi32, #tpu.memory_space<vmem>>
        %dma_start3A_179 = arith.constant 0 : i32
        %dma_start3A_180 = arith.constant 0 : i32
        %dma_start3A_181 = tpu.memref_slice %arg2[%dma_start3A_179, %dma_start3A_180] : memref<10000x16xf32, #tpu.memory_space<hbm>> -> memref<10000x16xf32, #tpu.memory_space<hbm>>
        tpu.enqueue_indirect_dma source(%dma_start3A_181 : memref<10000x16xf32, #tpu.memory_space<hbm>>) target(%dma_start3A_177 : memref<80x16xf32, #tpu.memory_space<vmem>>) offsets(%dma_start3A_178 : memref<80xi32, #tpu.memory_space<vmem>>) semaphore(%arg12 : memref<!tpu.dma_semaphore, #tpu.memory_space<semaphore_mem>>)
      } else {
      }
      %mul3A_117 = arith.constant 2 : i32
      %mul3A_118 = arith.muli %scan3A_78, %mul3A_117 : i32
      %add3A_119 = arith.constant 1 : i32
      %add3A_120 = arith.addi %mul3A_118, %add3A_119 : i32
      %dma_wait3A_121 = arith.constant 1 : i32
      %dma_wait3A_122 = arith.constant 0 : i32
      %dma_wait3A_123 = arith.constant 0 : i32
      %dma_wait3A_124 = tpu.memref_slice %arg8[%dma_wait3A_121, %dma_wait3A_122, %dma_wait3A_123] : memref<2x80x16xf32, #tpu.memory_space<vmem>> -> memref<1x80x16xf32, #tpu.memory_space<vmem>>
      %dma_wait3A_125 = tpu.memref_squeeze %dma_wait3A_124 : memref<1x80x16xf32, #tpu.memory_space<vmem>> -> memref<80x16xf32, #tpu.memory_space<vmem>>
      %dma_wait3A_126 = arith.constant 0 : i32
      %dma_wait3A_127 = tpu.memref_slice %arg6[%dma_wait3A_126] : memref<10000xi32, #tpu.memory_space<vmem>> -> memref<80xi32, #tpu.memory_space<vmem>>
      %dma_wait3A_128 = arith.constant 0 : i32
      %dma_wait3A_129 = arith.constant 0 : i32
      %dma_wait3A_130 = tpu.memref_slice %arg2[%dma_wait3A_128, %dma_wait3A_129] : memref<10000x16xf32, #tpu.memory_space<hbm>> -> memref<10000x16xf32, #tpu.memory_space<hbm>>
      tpu.wait_indirect_dma semaphore(%arg11 : memref<!tpu.dma_semaphore, #tpu.memory_space<semaphore_mem>>) src(%dma_wait3A_130 : memref<10000x16xf32, #tpu.memory_space<hbm>>) dst(%dma_wait3A_125 : memref<80x16xf32, #tpu.memory_space<vmem>>)
      %dma_wait3A_131 = arith.constant 1 : i32
      %dma_wait3A_132 = arith.constant 0 : i32
      %dma_wait3A_133 = arith.constant 0 : i32
      %dma_wait3A_134 = tpu.memref_slice %arg9[%dma_wait3A_131, %dma_wait3A_132, %dma_wait3A_133] : memref<2x80x16xf32, #tpu.memory_space<vmem>> -> memref<1x80x16xf32, #tpu.memory_space<vmem>>
      %dma_wait3A_135 = tpu.memref_squeeze %dma_wait3A_134 : memref<1x80x16xf32, #tpu.memory_space<vmem>> -> memref<80x16xf32, #tpu.memory_space<vmem>>
      %dma_wait3A_136 = arith.constant 0 : i32
      %dma_wait3A_137 = tpu.memref_slice %arg7[%dma_wait3A_136] : memref<10000xi32, #tpu.memory_space<vmem>> -> memref<80xi32, #tpu.memory_space<vmem>>
      %dma_wait3A_138 = arith.constant 0 : i32
      %dma_wait3A_139 = arith.constant 0 : i32
      %dma_wait3A_140 = tpu.memref_slice %arg2[%dma_wait3A_138, %dma_wait3A_139] : memref<10000x16xf32, #tpu.memory_space<hbm>> -> memref<10000x16xf32, #tpu.memory_space<hbm>>
      tpu.wait_indirect_dma semaphore(%arg13 : memref<!tpu.dma_semaphore, #tpu.memory_space<semaphore_mem>>) src(%dma_wait3A_140 : memref<10000x16xf32, #tpu.memory_space<hbm>>) dst(%dma_wait3A_135 : memref<80x16xf32, #tpu.memory_space<vmem>>)
      %scan3A_141 = arith.constant 0 : i32
      %scan3A_142 = arith.constant 0 : i32
      %scan3A_143 = arith.constant 80 : i32
      %scan3A_144 = arith.addi %scan3A_142, %scan3A_143 : i32
      %scan3A_145 = arith.constant 1 : i32
      scf.for %scan3A_158 = %scan3A_142 to %scan3A_144 step %scan3A_145  : i32 {
        %get3A = arith.constant 1 : i32
        %get3A_159 = arith.index_cast %get3A : i32 to index
        %get3A_160 = arith.index_cast %scan3A_158 : i32 to index
        %get3A_161 = arith.constant 0 : index
        %get3A_162 = tpu.vector_load %arg8[%get3A_159, %get3A_160, %get3A_161] {strides = array<i32>} : memref<2x80x16xf32, #tpu.memory_space<vmem>>, vector<16xf32>,
        %get3A_163 = arith.constant 1 : i32
        %get3A_164 = arith.index_cast %get3A_163 : i32 to index
        %get3A_165 = arith.index_cast %scan3A_158 : i32 to index
        %get3A_166 = arith.constant 0 : index
        %get3A_167 = tpu.vector_load %arg9[%get3A_164, %get3A_165, %get3A_166] {strides = array<i32>} : memref<2x80x16xf32, #tpu.memory_space<vmem>>, vector<16xf32>,
        %sub3A = arith.subf %get3A_162, %get3A_167 : vector<16xf32>
        %swap3A = arith.constant 1 : i32
        %swap3A_168 = arith.index_cast %swap3A : i32 to index
        %swap3A_169 = arith.index_cast %scan3A_158 : i32 to index
        %swap3A_170 = arith.constant 0 : index
        %swap3A_171 = tpu.vector_load %arg8[%swap3A_168, %swap3A_169, %swap3A_170] {strides = array<i32>} : memref<2x80x16xf32, #tpu.memory_space<vmem>>, vector<16xf32>,
        tpu.vector_store %arg8[%swap3A_168, %swap3A_169, %swap3A_170], %sub3A {strides = array<i32>} : memref<2x80x16xf32, #tpu.memory_space<vmem>>, vector<16xf32>,
      }
      %scan3A_146 = arith.constant 80 : i32
      %mul3A_147 = arith.constant 80 : i32
      %mul3A_148 = arith.muli %add3A_120, %mul3A_147 : i32
      %add3A_149 = arith.addi %mul3A_6, %mul3A_148 : i32
      %run_scoped3A_150 = arith.constant 1 : i32
      "tpu.region"() ({
        %run_scoped3A_158 = tpu.sem_alloc : memref<!tpu.dma_semaphore, #tpu.memory_space<semaphore_mem>>
        %dma_start3A_159 = arith.constant 0 : i32
        %dma_start3A_160 = arith.constant 0 : i32
        %dma_start3A_161 = tpu.memref_slice %arg8[%run_scoped3A_150, %dma_start3A_159, %dma_start3A_160] : memref<2x80x16xf32, #tpu.memory_space<vmem>> -> memref<1x80x16xf32, #tpu.memory_space<vmem>>
        %dma_start3A_162 = tpu.memref_squeeze %dma_start3A_161 : memref<1x80x16xf32, #tpu.memory_space<vmem>> -> memref<80x16xf32, #tpu.memory_space<vmem>>
        %dma_start3A_163 = arith.constant 0 : i32
        %dma_start3A_164 = tpu.memref_slice %arg5[%add3A_149, %dma_start3A_163] : memref<320000x16xf32, #tpu.memory_space<hbm>> -> memref<80x16xf32, #tpu.memory_space<hbm>>
        %dma_start3A_165 = arith.constant 0 : i32
        %dma_start3A_166 = tpu.memref_slice %arg5[%add3A_149, %dma_start3A_165] : memref<320000x16xf32, #tpu.memory_space<hbm>> -> memref<80x16xf32, #tpu.memory_space<hbm>>
        %dma_start3A_167 = arith.constant 0 : i32
        %dma_start3A_168 = arith.constant 0 : i32
        %dma_start3A_169 = tpu.memref_slice %arg8[%run_scoped3A_150, %dma_start3A_167, %dma_start3A_168] : memref<2x80x16xf32, #tpu.memory_space<vmem>> -> memref<1x80x16xf32, #tpu.memory_space<vmem>>
        %dma_start3A_170 = tpu.memref_squeeze %dma_start3A_169 : memref<1x80x16xf32, #tpu.memory_space<vmem>> -> memref<80x16xf32, #tpu.memory_space<vmem>>
        tpu.enqueue_dma source(%dma_start3A_170 : memref<80x16xf32, #tpu.memory_space<vmem>>) target(%dma_start3A_166 : memref<80x16xf32, #tpu.memory_space<hbm>>) target_semaphore(%run_scoped3A_158 : memref<!tpu.dma_semaphore, #tpu.memory_space<semaphore_mem>>)
        %dma_wait3A_171 = arith.constant 0 : i32
        %dma_wait3A_172 = arith.constant 0 : i32
        %dma_wait3A_173 = tpu.memref_slice %arg8[%run_scoped3A_150, %dma_wait3A_171, %dma_wait3A_172] : memref<2x80x16xf32, #tpu.memory_space<vmem>> -> memref<1x80x16xf32, #tpu.memory_space<vmem>>
        %dma_wait3A_174 = tpu.memref_squeeze %dma_wait3A_173 : memref<1x80x16xf32, #tpu.memory_space<vmem>> -> memref<80x16xf32, #tpu.memory_space<vmem>>
        %dma_wait3A_175 = arith.constant 0 : i32
        %dma_wait3A_176 = tpu.memref_slice %arg5[%add3A_149, %dma_wait3A_175] : memref<320000x16xf32, #tpu.memory_space<hbm>> -> memref<80x16xf32, #tpu.memory_space<hbm>>
        %dma_wait3A_177 = arith.constant 0 : i32
        %dma_wait3A_178 = tpu.memref_slice %arg5[%add3A_149, %dma_wait3A_177] : memref<320000x16xf32, #tpu.memory_space<hbm>> -> memref<80x16xf32, #tpu.memory_space<hbm>>
        %dma_wait3A_179 = arith.constant 0 : i32
        %dma_wait3A_180 = arith.constant 0 : i32
        %dma_wait3A_181 = tpu.memref_slice %arg8[%run_scoped3A_150, %dma_wait3A_179, %dma_wait3A_180] : memref<2x80x16xf32, #tpu.memory_space<vmem>> -> memref<1x80x16xf32, #tpu.memory_space<vmem>>
        %dma_wait3A_182 = tpu.memref_squeeze %dma_wait3A_181 : memref<1x80x16xf32, #tpu.memory_space<vmem>> -> memref<80x16xf32, #tpu.memory_space<vmem>>
        tpu.wait_dma2 semaphore(%run_scoped3A_158 : memref<!tpu.dma_semaphore, #tpu.memory_space<semaphore_mem>>) src(%dma_wait3A_182 : memref<80x16xf32, #tpu.memory_space<vmem>>) dst(%dma_wait3A_178 : memref<80x16xf32, #tpu.memory_space<hbm>>)
        tpu.yield
      }) : () -> ()
      %add3A_151 = arith.constant 2 : i32
      %add3A_152 = arith.addi %add3A_120, %add3A_151 : i32
      %lt3A_153 = arith.constant 125 : i32
      %lt3A_154 = arith.cmpi slt, %add3A_152, %lt3A_153 : i32
      %convert_element_type3A_155 = arith.extui %lt3A_154 : i1 to i32
      %cond3A_156 = arith.constant 0 : i32
      %cond3A_157 = arith.cmpi ne, %convert_element_type3A_155, %cond3A_156 : i32
      scf.if %cond3A_157 {
        %add3A_158 = arith.constant 2 : i32
        %add3A_159 = arith.addi %add3A_120, %add3A_158 : i32
        %mul3A_160 = arith.constant 80 : i32
        %mul3A_161 = arith.muli %add3A_159, %mul3A_160 : i32
        %dma_start3A_162 = arith.constant 1 : i32
        %dma_start3A_163 = arith.constant 0 : i32
        %dma_start3A_164 = arith.constant 0 : i32
        %dma_start3A_165 = tpu.memref_slice %arg8[%dma_start3A_162, %dma_start3A_163, %dma_start3A_164] : memref<2x80x16xf32, #tpu.memory_space<vmem>> -> memref<1x80x16xf32, #tpu.memory_space<vmem>>
        %dma_start3A_166 = tpu.memref_squeeze %dma_start3A_165 : memref<1x80x16xf32, #tpu.memory_space<vmem>> -> memref<80x16xf32, #tpu.memory_space<vmem>>
        %dma_start3A_167 = tpu.memref_slice %arg6[%mul3A_161] : memref<10000xi32, #tpu.memory_space<vmem>> -> memref<80xi32, #tpu.memory_space<vmem>>
        %dma_start3A_168 = arith.constant 0 : i32
        %dma_start3A_169 = arith.constant 0 : i32
        %dma_start3A_170 = tpu.memref_slice %arg2[%dma_start3A_168, %dma_start3A_169] : memref<10000x16xf32, #tpu.memory_space<hbm>> -> memref<10000x16xf32, #tpu.memory_space<hbm>>
        tpu.enqueue_indirect_dma source(%dma_start3A_170 : memref<10000x16xf32, #tpu.memory_space<hbm>>) target(%dma_start3A_166 : memref<80x16xf32, #tpu.memory_space<vmem>>) offsets(%dma_start3A_167 : memref<80xi32, #tpu.memory_space<vmem>>) semaphore(%arg11 : memref<!tpu.dma_semaphore, #tpu.memory_space<semaphore_mem>>)
        %mul3A_171 = arith.constant 80 : i32
        %mul3A_172 = arith.muli %add3A_159, %mul3A_171 : i32
        %dma_start3A_173 = arith.constant 1 : i32
        %dma_start3A_174 = arith.constant 0 : i32
        %dma_start3A_175 = arith.constant 0 : i32
        %dma_start3A_176 = tpu.memref_slice %arg9[%dma_start3A_173, %dma_start3A_174, %dma_start3A_175] : memref<2x80x16xf32, #tpu.memory_space<vmem>> -> memref<1x80x16xf32, #tpu.memory_space<vmem>>
        %dma_start3A_177 = tpu.memref_squeeze %dma_start3A_176 : memref<1x80x16xf32, #tpu.memory_space<vmem>> -> memref<80x16xf32, #tpu.memory_space<vmem>>
        %dma_start3A_178 = tpu.memref_slice %arg7[%mul3A_172] : memref<10000xi32, #tpu.memory_space<vmem>> -> memref<80xi32, #tpu.memory_space<vmem>>
        %dma_start3A_179 = arith.constant 0 : i32
        %dma_start3A_180 = arith.constant 0 : i32
        %dma_start3A_181 = tpu.memref_slice %arg2[%dma_start3A_179, %dma_start3A_180] : memref<10000x16xf32, #tpu.memory_space<hbm>> -> memref<10000x16xf32, #tpu.memory_space<hbm>>
        tpu.enqueue_indirect_dma source(%dma_start3A_181 : memref<10000x16xf32, #tpu.memory_space<hbm>>) target(%dma_start3A_177 : memref<80x16xf32, #tpu.memory_space<vmem>>) offsets(%dma_start3A_178 : memref<80xi32, #tpu.memory_space<vmem>>) semaphore(%arg13 : memref<!tpu.dma_semaphore, #tpu.memory_space<semaphore_mem>>)
      } else {
      }
    }
    %scan3A_50 = arith.constant 62 : i32
    %dma_wait3A = arith.constant 0 : i32
    %dma_wait3A_51 = arith.constant 0 : i32
    %dma_wait3A_52 = arith.constant 0 : i32
    %dma_wait3A_53 = tpu.memref_slice %arg8[%dma_wait3A, %dma_wait3A_51, %dma_wait3A_52] : memref<2x80x16xf32, #tpu.memory_space<vmem>> -> memref<1x80x16xf32, #tpu.memory_space<vmem>>
    %dma_wait3A_54 = tpu.memref_squeeze %dma_wait3A_53 : memref<1x80x16xf32, #tpu.memory_space<vmem>> -> memref<80x16xf32, #tpu.memory_space<vmem>>
    %dma_wait3A_55 = arith.constant 0 : i32
    %dma_wait3A_56 = tpu.memref_slice %arg6[%dma_wait3A_55] : memref<10000xi32, #tpu.memory_space<vmem>> -> memref<80xi32, #tpu.memory_space<vmem>>
    %dma_wait3A_57 = arith.constant 0 : i32
    %dma_wait3A_58 = arith.constant 0 : i32
    %dma_wait3A_59 = tpu.memref_slice %arg2[%dma_wait3A_57, %dma_wait3A_58] : memref<10000x16xf32, #tpu.memory_space<hbm>> -> memref<10000x16xf32, #tpu.memory_space<hbm>>
    tpu.wait_indirect_dma semaphore(%arg10 : memref<!tpu.dma_semaphore, #tpu.memory_space<semaphore_mem>>) src(%dma_wait3A_59 : memref<10000x16xf32, #tpu.memory_space<hbm>>) dst(%dma_wait3A_54 : memref<80x16xf32, #tpu.memory_space<vmem>>)
    %dma_wait3A_60 = arith.constant 0 : i32
    %dma_wait3A_61 = arith.constant 0 : i32
    %dma_wait3A_62 = arith.constant 0 : i32
    %dma_wait3A_63 = tpu.memref_slice %arg9[%dma_wait3A_60, %dma_wait3A_61, %dma_wait3A_62] : memref<2x80x16xf32, #tpu.memory_space<vmem>> -> memref<1x80x16xf32, #tpu.memory_space<vmem>>
    %dma_wait3A_64 = tpu.memref_squeeze %dma_wait3A_63 : memref<1x80x16xf32, #tpu.memory_space<vmem>> -> memref<80x16xf32, #tpu.memory_space<vmem>>
    %dma_wait3A_65 = arith.constant 0 : i32
    %dma_wait3A_66 = tpu.memref_slice %arg7[%dma_wait3A_65] : memref<10000xi32, #tpu.memory_space<vmem>> -> memref<80xi32, #tpu.memory_space<vmem>>
    %dma_wait3A_67 = arith.constant 0 : i32
    %dma_wait3A_68 = arith.constant 0 : i32
    %dma_wait3A_69 = tpu.memref_slice %arg2[%dma_wait3A_67, %dma_wait3A_68] : memref<10000x16xf32, #tpu.memory_space<hbm>> -> memref<10000x16xf32, #tpu.memory_space<hbm>>
    tpu.wait_indirect_dma semaphore(%arg12 : memref<!tpu.dma_semaphore, #tpu.memory_space<semaphore_mem>>) src(%dma_wait3A_69 : memref<10000x16xf32, #tpu.memory_space<hbm>>) dst(%dma_wait3A_64 : memref<80x16xf32, #tpu.memory_space<vmem>>)
    %scan3A_70 = arith.constant 0 : i32
    %scan3A_71 = arith.constant 0 : i32
    %scan3A_72 = arith.constant 80 : i32
    %scan3A_73 = arith.addi %scan3A_71, %scan3A_72 : i32
    %scan3A_74 = arith.constant 1 : i32
    scf.for %scan3A_78 = %scan3A_71 to %scan3A_73 step %scan3A_74  : i32 {
      %get3A = arith.constant 0 : i32
      %get3A_79 = arith.index_cast %get3A : i32 to index
      %get3A_80 = arith.index_cast %scan3A_78 : i32 to index
      %get3A_81 = arith.constant 0 : index
      %get3A_82 = tpu.vector_load %arg8[%get3A_79, %get3A_80, %get3A_81] {strides = array<i32>} : memref<2x80x16xf32, #tpu.memory_space<vmem>>, vector<16xf32>,
      %get3A_83 = arith.constant 0 : i32
      %get3A_84 = arith.index_cast %get3A_83 : i32 to index
      %get3A_85 = arith.index_cast %scan3A_78 : i32 to index
      %get3A_86 = arith.constant 0 : index
      %get3A_87 = tpu.vector_load %arg9[%get3A_84, %get3A_85, %get3A_86] {strides = array<i32>} : memref<2x80x16xf32, #tpu.memory_space<vmem>>, vector<16xf32>,
      %sub3A = arith.subf %get3A_82, %get3A_87 : vector<16xf32>
      %swap3A = arith.constant 0 : i32
      %swap3A_88 = arith.index_cast %swap3A : i32 to index
      %swap3A_89 = arith.index_cast %scan3A_78 : i32 to index
      %swap3A_90 = arith.constant 0 : index
      %swap3A_91 = tpu.vector_load %arg8[%swap3A_88, %swap3A_89, %swap3A_90] {strides = array<i32>} : memref<2x80x16xf32, #tpu.memory_space<vmem>>, vector<16xf32>,
      tpu.vector_store %arg8[%swap3A_88, %swap3A_89, %swap3A_90], %sub3A {strides = array<i32>} : memref<2x80x16xf32, #tpu.memory_space<vmem>>, vector<16xf32>,
    }
    %scan3A_75 = arith.constant 80 : i32
    %add3A_76 = arith.constant 9920 : i32
    %add3A_77 = arith.addi %mul3A_6, %add3A_76 : i32
    %run_scoped3A = arith.constant 0 : i32
    "tpu.region"() ({
      %run_scoped3A_78 = tpu.sem_alloc : memref<!tpu.dma_semaphore, #tpu.memory_space<semaphore_mem>>
      %dma_start3A_79 = arith.constant 0 : i32
      %dma_start3A_80 = arith.constant 0 : i32
      %dma_start3A_81 = tpu.memref_slice %arg8[%run_scoped3A, %dma_start3A_79, %dma_start3A_80] : memref<2x80x16xf32, #tpu.memory_space<vmem>> -> memref<1x80x16xf32, #tpu.memory_space<vmem>>
      %dma_start3A_82 = tpu.memref_squeeze %dma_start3A_81 : memref<1x80x16xf32, #tpu.memory_space<vmem>> -> memref<80x16xf32, #tpu.memory_space<vmem>>
      %dma_start3A_83 = arith.constant 0 : i32
      %dma_start3A_84 = tpu.memref_slice %arg5[%add3A_77, %dma_start3A_83] : memref<320000x16xf32, #tpu.memory_space<hbm>> -> memref<80x16xf32, #tpu.memory_space<hbm>>
      %dma_start3A_85 = arith.constant 0 : i32
      %dma_start3A_86 = tpu.memref_slice %arg5[%add3A_77, %dma_start3A_85] : memref<320000x16xf32, #tpu.memory_space<hbm>> -> memref<80x16xf32, #tpu.memory_space<hbm>>
      %dma_start3A_87 = arith.constant 0 : i32
      %dma_start3A_88 = arith.constant 0 : i32
      %dma_start3A_89 = tpu.memref_slice %arg8[%run_scoped3A, %dma_start3A_87, %dma_start3A_88] : memref<2x80x16xf32, #tpu.memory_space<vmem>> -> memref<1x80x16xf32, #tpu.memory_space<vmem>>
      %dma_start3A_90 = tpu.memref_squeeze %dma_start3A_89 : memref<1x80x16xf32, #tpu.memory_space<vmem>> -> memref<80x16xf32, #tpu.memory_space<vmem>>
      tpu.enqueue_dma source(%dma_start3A_90 : memref<80x16xf32, #tpu.memory_space<vmem>>) target(%dma_start3A_86 : memref<80x16xf32, #tpu.memory_space<hbm>>) target_semaphore(%run_scoped3A_78 : memref<!tpu.dma_semaphore, #tpu.memory_space<semaphore_mem>>)
      %dma_wait3A_91 = arith.constant 0 : i32
      %dma_wait3A_92 = arith.constant 0 : i32
      %dma_wait3A_93 = tpu.memref_slice %arg8[%run_scoped3A, %dma_wait3A_91, %dma_wait3A_92] : memref<2x80x16xf32, #tpu.memory_space<vmem>> -> memref<1x80x16xf32, #tpu.memory_space<vmem>>
      %dma_wait3A_94 = tpu.memref_squeeze %dma_wait3A_93 : memref<1x80x16xf32, #tpu.memory_space<vmem>> -> memref<80x16xf32, #tpu.memory_space<vmem>>
      %dma_wait3A_95 = arith.constant 0 : i32
      %dma_wait3A_96 = tpu.memref_slice %arg5[%add3A_77, %dma_wait3A_95] : memref<320000x16xf32, #tpu.memory_space<hbm>> -> memref<80x16xf32, #tpu.memory_space<hbm>>
      %dma_wait3A_97 = arith.constant 0 : i32
      %dma_wait3A_98 = tpu.memref_slice %arg5[%add3A_77, %dma_wait3A_97] : memref<320000x16xf32, #tpu.memory_space<hbm>> -> memref<80x16xf32, #tpu.memory_space<hbm>>
      %dma_wait3A_99 = arith.constant 0 : i32
      %dma_wait3A_100 = arith.constant 0 : i32
      %dma_wait3A_101 = tpu.memref_slice %arg8[%run_scoped3A, %dma_wait3A_99, %dma_wait3A_100] : memref<2x80x16xf32, #tpu.memory_space<vmem>> -> memref<1x80x16xf32, #tpu.memory_space<vmem>>
      %dma_wait3A_102 = tpu.memref_squeeze %dma_wait3A_101 : memref<1x80x16xf32, #tpu.memory_space<vmem>> -> memref<80x16xf32, #tpu.memory_space<vmem>>
      tpu.wait_dma2 semaphore(%run_scoped3A_78 : memref<!tpu.dma_semaphore, #tpu.memory_space<semaphore_mem>>) src(%dma_wait3A_102 : memref<80x16xf32, #tpu.memory_space<vmem>>) dst(%dma_wait3A_98 : memref<80x16xf32, #tpu.memory_space<hbm>>)
      tpu.yield
    }) : () -> ()
    return
  }
}

#map = affine_map<(d0, d1) -> (0, 0)>
#map1 = affine_map<(d0, d1) -> (0)>
#map2 = affine_map<(d0, d1) -> (0, 0, 0)>
module attributes {stable_mosaic.version = 14 : i64} {
  func.func @body(%arg0: i32, %arg1: i32, %arg2: memref<140800x128xf32, #tpu.memory_space<hbm>>, %arg3: memref<320000xi32, #tpu.memory_space<hbm>>, %arg4: memref<10240x128xf32, #tpu.memory_space<hbm>>, %arg5: memref<2x10240x128xf32, #tpu.memory_space<hbm>>, %arg6: memref<2x80xi32, #tpu.memory_space<vmem>>, %arg7: memref<2x80x128xf32, #tpu.memory_space<vmem>>, %arg8: memref<10240x128xf32, #tpu.memory_space<vmem_shared>>, %arg9: memref<!tpu.dma_semaphore, #tpu.memory_space<semaphore_mem>>, %arg10: memref<!tpu.dma_semaphore, #tpu.memory_space<semaphore_mem>>) attributes {dimension_semantics = [#tpu.dimension_semantics<core_parallel>, #tpu.dimension_semantics<subcore_parallel>], iteration_bounds = array<i64: 2, 16>, scalar_prefetch = 0 : i64, scratch_operands = 5 : i64, tpu.core_type = #tpu.core_type<sc_vector_subcore>, window_params = [{transform_indices = #map}, {transform_indices = #map1}, {transform_indices = #map}, {transform_indices = #map2}]} {
    %mul3A = arith.constant 2 : i32
    %mul3A_0 = arith.muli %arg1, %mul3A : i32
    %add3A = arith.addi %mul3A_0, %arg0 : i32
    %mul3A_1 = arith.constant 4400 : i32
    %mul3A_2 = arith.muli %add3A, %mul3A_1 : i32
    %add3A_3 = arith.constant 179200 : i32
    %add3A_4 = arith.addi %add3A_3, %mul3A_2 : i32
    %mul3A_5 = arith.constant 4400 : i32
    %mul3A_6 = arith.muli %add3A, %mul3A_5 : i32
    %mul3A_7 = arith.constant 640 : i32
    %mul3A_8 = arith.muli %arg1, %mul3A_7 : i32
    "tpu.region"() ({
      %run_scoped3A_65 = tpu.sem_alloc : memref<!tpu.dma_semaphore, #tpu.memory_space<semaphore_mem>>
      %dma_start3A_66 = arith.constant 0 : i32
      %dma_start3A_67 = tpu.memref_slice %arg8[%mul3A_8, %dma_start3A_66] : memref<10240x128xf32, #tpu.memory_space<vmem_shared>> -> memref<640x128xf32, #tpu.memory_space<vmem_shared>>
      %dma_start3A_68 = arith.constant 0 : i32
      %dma_start3A_69 = tpu.memref_slice %arg4[%mul3A_8, %dma_start3A_68] : memref<10240x128xf32, #tpu.memory_space<hbm>> -> memref<640x128xf32, #tpu.memory_space<hbm>>
      tpu.enqueue_dma source(%dma_start3A_69 : memref<640x128xf32, #tpu.memory_space<hbm>>) target(%dma_start3A_67 : memref<640x128xf32, #tpu.memory_space<vmem_shared>>) target_semaphore(%run_scoped3A_65 : memref<!tpu.dma_semaphore, #tpu.memory_space<semaphore_mem>>)
      %dma_wait3A_70 = arith.constant 0 : i32
      %dma_wait3A_71 = tpu.memref_slice %arg8[%mul3A_8, %dma_wait3A_70] : memref<10240x128xf32, #tpu.memory_space<vmem_shared>> -> memref<640x128xf32, #tpu.memory_space<vmem_shared>>
      %dma_wait3A_72 = arith.constant 0 : i32
      %dma_wait3A_73 = tpu.memref_slice %arg4[%mul3A_8, %dma_wait3A_72] : memref<10240x128xf32, #tpu.memory_space<hbm>> -> memref<640x128xf32, #tpu.memory_space<hbm>>
      tpu.wait_dma2 semaphore(%run_scoped3A_65 : memref<!tpu.dma_semaphore, #tpu.memory_space<semaphore_mem>>) src(%dma_wait3A_73 : memref<640x128xf32, #tpu.memory_space<hbm>>) dst(%dma_wait3A_71 : memref<640x128xf32, #tpu.memory_space<vmem_shared>>)
      tpu.yield
    }) : () -> ()
    %barrier3A = arith.constant 0 : index
    tpu.barrier barrier_id(%barrier3A)
    %add3A_9 = arith.constant 0 : i32
    %add3A_10 = arith.addi %add3A_4, %add3A_9 : i32
    %run_scoped3A = arith.constant 0 : i32
    "tpu.region"() ({
      %run_scoped3A_65 = tpu.sem_alloc : memref<!tpu.dma_semaphore, #tpu.memory_space<semaphore_mem>>
      %dma_start3A_66 = arith.constant 0 : i32
      %dma_start3A_67 = tpu.memref_slice %arg6[%run_scoped3A, %dma_start3A_66] : memref<2x80xi32, #tpu.memory_space<vmem>> -> memref<1x80xi32, #tpu.memory_space<vmem>>
      %dma_start3A_68 = tpu.memref_squeeze %dma_start3A_67 : memref<1x80xi32, #tpu.memory_space<vmem>> -> memref<80xi32, #tpu.memory_space<vmem>>
      %dma_start3A_69 = tpu.memref_slice %arg3[%add3A_10] : memref<320000xi32, #tpu.memory_space<hbm>> -> memref<80xi32, #tpu.memory_space<hbm>>
      %dma_start3A_70 = arith.constant 0 : i32
      %dma_start3A_71 = tpu.memref_slice %arg6[%run_scoped3A, %dma_start3A_70] : memref<2x80xi32, #tpu.memory_space<vmem>> -> memref<1x80xi32, #tpu.memory_space<vmem>>
      %dma_start3A_72 = tpu.memref_squeeze %dma_start3A_71 : memref<1x80xi32, #tpu.memory_space<vmem>> -> memref<80xi32, #tpu.memory_space<vmem>>
      %dma_start3A_73 = tpu.memref_slice %arg3[%add3A_10] : memref<320000xi32, #tpu.memory_space<hbm>> -> memref<80xi32, #tpu.memory_space<hbm>>
      tpu.enqueue_dma source(%dma_start3A_73 : memref<80xi32, #tpu.memory_space<hbm>>) target(%dma_start3A_72 : memref<80xi32, #tpu.memory_space<vmem>>) target_semaphore(%run_scoped3A_65 : memref<!tpu.dma_semaphore, #tpu.memory_space<semaphore_mem>>)
      %dma_wait3A_74 = arith.constant 0 : i32
      %dma_wait3A_75 = tpu.memref_slice %arg6[%run_scoped3A, %dma_wait3A_74] : memref<2x80xi32, #tpu.memory_space<vmem>> -> memref<1x80xi32, #tpu.memory_space<vmem>>
      %dma_wait3A_76 = tpu.memref_squeeze %dma_wait3A_75 : memref<1x80xi32, #tpu.memory_space<vmem>> -> memref<80xi32, #tpu.memory_space<vmem>>
      %dma_wait3A_77 = tpu.memref_slice %arg3[%add3A_10] : memref<320000xi32, #tpu.memory_space<hbm>> -> memref<80xi32, #tpu.memory_space<hbm>>
      %dma_wait3A_78 = arith.constant 0 : i32
      %dma_wait3A_79 = tpu.memref_slice %arg6[%run_scoped3A, %dma_wait3A_78] : memref<2x80xi32, #tpu.memory_space<vmem>> -> memref<1x80xi32, #tpu.memory_space<vmem>>
      %dma_wait3A_80 = tpu.memref_squeeze %dma_wait3A_79 : memref<1x80xi32, #tpu.memory_space<vmem>> -> memref<80xi32, #tpu.memory_space<vmem>>
      %dma_wait3A_81 = tpu.memref_slice %arg3[%add3A_10] : memref<320000xi32, #tpu.memory_space<hbm>> -> memref<80xi32, #tpu.memory_space<hbm>>
      tpu.wait_dma2 semaphore(%run_scoped3A_65 : memref<!tpu.dma_semaphore, #tpu.memory_space<semaphore_mem>>) src(%dma_wait3A_81 : memref<80xi32, #tpu.memory_space<hbm>>) dst(%dma_wait3A_80 : memref<80xi32, #tpu.memory_space<vmem>>)
      tpu.yield
    }) : () -> ()
    %add3A_11 = arith.constant 0 : i32
    %add3A_12 = arith.addi %mul3A_6, %add3A_11 : i32
    %dma_start3A = arith.constant 0 : i32
    %dma_start3A_13 = arith.constant 0 : i32
    %dma_start3A_14 = arith.constant 0 : i32
    %dma_start3A_15 = tpu.memref_slice %arg7[%dma_start3A, %dma_start3A_13, %dma_start3A_14] : memref<2x80x128xf32, #tpu.memory_space<vmem>> -> memref<1x80x128xf32, #tpu.memory_space<vmem>>
    %dma_start3A_16 = tpu.memref_squeeze %dma_start3A_15 : memref<1x80x128xf32, #tpu.memory_space<vmem>> -> memref<80x128xf32, #tpu.memory_space<vmem>>
    %dma_start3A_17 = arith.constant 0 : i32
    %dma_start3A_18 = tpu.memref_slice %arg2[%add3A_12, %dma_start3A_17] : memref<140800x128xf32, #tpu.memory_space<hbm>> -> memref<80x128xf32, #tpu.memory_space<hbm>>
    %dma_start3A_19 = arith.constant 0 : i32
    %dma_start3A_20 = arith.constant 0 : i32
    %dma_start3A_21 = tpu.memref_slice %arg7[%dma_start3A, %dma_start3A_19, %dma_start3A_20] : memref<2x80x128xf32, #tpu.memory_space<vmem>> -> memref<1x80x128xf32, #tpu.memory_space<vmem>>
    %dma_start3A_22 = tpu.memref_squeeze %dma_start3A_21 : memref<1x80x128xf32, #tpu.memory_space<vmem>> -> memref<80x128xf32, #tpu.memory_space<vmem>>
    %dma_start3A_23 = arith.constant 0 : i32
    %dma_start3A_24 = tpu.memref_slice %arg2[%add3A_12, %dma_start3A_23] : memref<140800x128xf32, #tpu.memory_space<hbm>> -> memref<80x128xf32, #tpu.memory_space<hbm>>
    tpu.enqueue_dma source(%dma_start3A_24 : memref<80x128xf32, #tpu.memory_space<hbm>>) target(%dma_start3A_22 : memref<80x128xf32, #tpu.memory_space<vmem>>) target_semaphore(%arg9 : memref<!tpu.dma_semaphore, #tpu.memory_space<semaphore_mem>>)
    %add3A_25 = arith.constant 80 : i32
    %add3A_26 = arith.addi %add3A_4, %add3A_25 : i32
    %run_scoped3A_27 = arith.constant 1 : i32
    "tpu.region"() ({
      %run_scoped3A_65 = tpu.sem_alloc : memref<!tpu.dma_semaphore, #tpu.memory_space<semaphore_mem>>
      %dma_start3A_66 = arith.constant 0 : i32
      %dma_start3A_67 = tpu.memref_slice %arg6[%run_scoped3A_27, %dma_start3A_66] : memref<2x80xi32, #tpu.memory_space<vmem>> -> memref<1x80xi32, #tpu.memory_space<vmem>>
      %dma_start3A_68 = tpu.memref_squeeze %dma_start3A_67 : memref<1x80xi32, #tpu.memory_space<vmem>> -> memref<80xi32, #tpu.memory_space<vmem>>
      %dma_start3A_69 = tpu.memref_slice %arg3[%add3A_26] : memref<320000xi32, #tpu.memory_space<hbm>> -> memref<80xi32, #tpu.memory_space<hbm>>
      %dma_start3A_70 = arith.constant 0 : i32
      %dma_start3A_71 = tpu.memref_slice %arg6[%run_scoped3A_27, %dma_start3A_70] : memref<2x80xi32, #tpu.memory_space<vmem>> -> memref<1x80xi32, #tpu.memory_space<vmem>>
      %dma_start3A_72 = tpu.memref_squeeze %dma_start3A_71 : memref<1x80xi32, #tpu.memory_space<vmem>> -> memref<80xi32, #tpu.memory_space<vmem>>
      %dma_start3A_73 = tpu.memref_slice %arg3[%add3A_26] : memref<320000xi32, #tpu.memory_space<hbm>> -> memref<80xi32, #tpu.memory_space<hbm>>
      tpu.enqueue_dma source(%dma_start3A_73 : memref<80xi32, #tpu.memory_space<hbm>>) target(%dma_start3A_72 : memref<80xi32, #tpu.memory_space<vmem>>) target_semaphore(%run_scoped3A_65 : memref<!tpu.dma_semaphore, #tpu.memory_space<semaphore_mem>>)
      %dma_wait3A_74 = arith.constant 0 : i32
      %dma_wait3A_75 = tpu.memref_slice %arg6[%run_scoped3A_27, %dma_wait3A_74] : memref<2x80xi32, #tpu.memory_space<vmem>> -> memref<1x80xi32, #tpu.memory_space<vmem>>
      %dma_wait3A_76 = tpu.memref_squeeze %dma_wait3A_75 : memref<1x80xi32, #tpu.memory_space<vmem>> -> memref<80xi32, #tpu.memory_space<vmem>>
      %dma_wait3A_77 = tpu.memref_slice %arg3[%add3A_26] : memref<320000xi32, #tpu.memory_space<hbm>> -> memref<80xi32, #tpu.memory_space<hbm>>
      %dma_wait3A_78 = arith.constant 0 : i32
      %dma_wait3A_79 = tpu.memref_slice %arg6[%run_scoped3A_27, %dma_wait3A_78] : memref<2x80xi32, #tpu.memory_space<vmem>> -> memref<1x80xi32, #tpu.memory_space<vmem>>
      %dma_wait3A_80 = tpu.memref_squeeze %dma_wait3A_79 : memref<1x80xi32, #tpu.memory_space<vmem>> -> memref<80xi32, #tpu.memory_space<vmem>>
      %dma_wait3A_81 = tpu.memref_slice %arg3[%add3A_26] : memref<320000xi32, #tpu.memory_space<hbm>> -> memref<80xi32, #tpu.memory_space<hbm>>
      tpu.wait_dma2 semaphore(%run_scoped3A_65 : memref<!tpu.dma_semaphore, #tpu.memory_space<semaphore_mem>>) src(%dma_wait3A_81 : memref<80xi32, #tpu.memory_space<hbm>>) dst(%dma_wait3A_80 : memref<80xi32, #tpu.memory_space<vmem>>)
      tpu.yield
    }) : () -> ()
    %add3A_28 = arith.constant 80 : i32
    %add3A_29 = arith.addi %mul3A_6, %add3A_28 : i32
    %dma_start3A_30 = arith.constant 1 : i32
    %dma_start3A_31 = arith.constant 0 : i32
    %dma_start3A_32 = arith.constant 0 : i32
    %dma_start3A_33 = tpu.memref_slice %arg7[%dma_start3A_30, %dma_start3A_31, %dma_start3A_32] : memref<2x80x128xf32, #tpu.memory_space<vmem>> -> memref<1x80x128xf32, #tpu.memory_space<vmem>>
    %dma_start3A_34 = tpu.memref_squeeze %dma_start3A_33 : memref<1x80x128xf32, #tpu.memory_space<vmem>> -> memref<80x128xf32, #tpu.memory_space<vmem>>
    %dma_start3A_35 = arith.constant 0 : i32
    %dma_start3A_36 = tpu.memref_slice %arg2[%add3A_29, %dma_start3A_35] : memref<140800x128xf32, #tpu.memory_space<hbm>> -> memref<80x128xf32, #tpu.memory_space<hbm>>
    %dma_start3A_37 = arith.constant 0 : i32
    %dma_start3A_38 = arith.constant 0 : i32
    %dma_start3A_39 = tpu.memref_slice %arg7[%dma_start3A_30, %dma_start3A_37, %dma_start3A_38] : memref<2x80x128xf32, #tpu.memory_space<vmem>> -> memref<1x80x128xf32, #tpu.memory_space<vmem>>
    %dma_start3A_40 = tpu.memref_squeeze %dma_start3A_39 : memref<1x80x128xf32, #tpu.memory_space<vmem>> -> memref<80x128xf32, #tpu.memory_space<vmem>>
    %dma_start3A_41 = arith.constant 0 : i32
    %dma_start3A_42 = tpu.memref_slice %arg2[%add3A_29, %dma_start3A_41] : memref<140800x128xf32, #tpu.memory_space<hbm>> -> memref<80x128xf32, #tpu.memory_space<hbm>>
    tpu.enqueue_dma source(%dma_start3A_42 : memref<80x128xf32, #tpu.memory_space<hbm>>) target(%dma_start3A_40 : memref<80x128xf32, #tpu.memory_space<vmem>>) target_semaphore(%arg10 : memref<!tpu.dma_semaphore, #tpu.memory_space<semaphore_mem>>)
    %scan3A = arith.constant 0 : i32
    %scan3A_43 = arith.constant 0 : i32
    %scan3A_44 = arith.constant 27 : i32
    %scan3A_45 = arith.addi %scan3A_43, %scan3A_44 : i32
    %scan3A_46 = arith.constant 1 : i32
    scf.for %scan3A_65 = %scan3A_43 to %scan3A_45 step %scan3A_46  : i32 {
      %mul3A_66 = arith.constant 2 : i32
      %mul3A_67 = arith.muli %scan3A_65, %mul3A_66 : i32
      %add3A_68 = arith.constant 0 : i32
      %add3A_69 = arith.addi %mul3A_67, %add3A_68 : i32
      %dma_wait3A_70 = arith.constant 0 : i32
      %dma_wait3A_71 = arith.constant 0 : i32
      %dma_wait3A_72 = arith.constant 0 : i32
      %dma_wait3A_73 = tpu.memref_slice %arg7[%dma_wait3A_70, %dma_wait3A_71, %dma_wait3A_72] : memref<2x80x128xf32, #tpu.memory_space<vmem>> -> memref<1x80x128xf32, #tpu.memory_space<vmem>>
      %dma_wait3A_74 = tpu.memref_squeeze %dma_wait3A_73 : memref<1x80x128xf32, #tpu.memory_space<vmem>> -> memref<80x128xf32, #tpu.memory_space<vmem>>
      %dma_wait3A_75 = arith.constant 0 : i32
      %dma_wait3A_76 = arith.constant 0 : i32
      %dma_wait3A_77 = tpu.memref_slice %arg2[%dma_wait3A_75, %dma_wait3A_76] : memref<140800x128xf32, #tpu.memory_space<hbm>> -> memref<80x128xf32, #tpu.memory_space<hbm>>
      %dma_wait3A_78 = arith.constant 0 : i32
      %dma_wait3A_79 = arith.constant 0 : i32
      %dma_wait3A_80 = tpu.memref_slice %arg7[%dma_wait3A_70, %dma_wait3A_78, %dma_wait3A_79] : memref<2x80x128xf32, #tpu.memory_space<vmem>> -> memref<1x80x128xf32, #tpu.memory_space<vmem>>
      %dma_wait3A_81 = tpu.memref_squeeze %dma_wait3A_80 : memref<1x80x128xf32, #tpu.memory_space<vmem>> -> memref<80x128xf32, #tpu.memory_space<vmem>>
      %dma_wait3A_82 = arith.constant 0 : i32
      %dma_wait3A_83 = arith.constant 0 : i32
      %dma_wait3A_84 = tpu.memref_slice %arg2[%dma_wait3A_82, %dma_wait3A_83] : memref<140800x128xf32, #tpu.memory_space<hbm>> -> memref<80x128xf32, #tpu.memory_space<hbm>>
      tpu.wait_dma2 semaphore(%arg9 : memref<!tpu.dma_semaphore, #tpu.memory_space<semaphore_mem>>) src(%dma_wait3A_84 : memref<80x128xf32, #tpu.memory_space<hbm>>) dst(%dma_wait3A_81 : memref<80x128xf32, #tpu.memory_space<vmem>>)
      %run_scoped3A_85 = arith.constant 0 : i32
      %run_scoped3A_86 = arith.constant 0 : i32
      "tpu.region"() ({
        %run_scoped3A_119 = tpu.sem_alloc : memref<!tpu.dma_semaphore, #tpu.memory_space<semaphore_mem>>
        %dma_start3A_120 = arith.constant 0 : i32
        %dma_start3A_121 = arith.constant 0 : i32
        %dma_start3A_122 = tpu.memref_slice %arg7[%run_scoped3A_85, %dma_start3A_120, %dma_start3A_121] : memref<2x80x128xf32, #tpu.memory_space<vmem>> -> memref<1x80x128xf32, #tpu.memory_space<vmem>>
        %dma_start3A_123 = tpu.memref_squeeze %dma_start3A_122 : memref<1x80x128xf32, #tpu.memory_space<vmem>> -> memref<80x128xf32, #tpu.memory_space<vmem>>
        %dma_start3A_124 = arith.constant 0 : i32
        %dma_start3A_125 = tpu.memref_slice %arg6[%run_scoped3A_86, %dma_start3A_124] : memref<2x80xi32, #tpu.memory_space<vmem>> -> memref<1x80xi32, #tpu.memory_space<vmem>>
        %dma_start3A_126 = tpu.memref_squeeze %dma_start3A_125 : memref<1x80xi32, #tpu.memory_space<vmem>> -> memref<80xi32, #tpu.memory_space<vmem>>
        %dma_start3A_127 = arith.constant 0 : i32
        %dma_start3A_128 = arith.constant 0 : i32
        %dma_start3A_129 = tpu.memref_slice %arg8[%dma_start3A_127, %dma_start3A_128] : memref<10240x128xf32, #tpu.memory_space<vmem_shared>> -> memref<10240x128xf32, #tpu.memory_space<vmem_shared>>
        tpu.enqueue_indirect_dma source(%dma_start3A_123 : memref<80x128xf32, #tpu.memory_space<vmem>>) target(%dma_start3A_129 : memref<10240x128xf32, #tpu.memory_space<vmem_shared>>) offsets(%dma_start3A_126 : memref<80xi32, #tpu.memory_space<vmem>>) semaphore(%run_scoped3A_119 : memref<!tpu.dma_semaphore, #tpu.memory_space<semaphore_mem>>) {add = true}
        %dma_wait3A_130 = arith.constant 0 : i32
        %dma_wait3A_131 = arith.constant 0 : i32
        %dma_wait3A_132 = tpu.memref_slice %arg7[%run_scoped3A_85, %dma_wait3A_130, %dma_wait3A_131] : memref<2x80x128xf32, #tpu.memory_space<vmem>> -> memref<1x80x128xf32, #tpu.memory_space<vmem>>
        %dma_wait3A_133 = tpu.memref_squeeze %dma_wait3A_132 : memref<1x80x128xf32, #tpu.memory_space<vmem>> -> memref<80x128xf32, #tpu.memory_space<vmem>>
        %dma_wait3A_134 = arith.constant 0 : i32
        %dma_wait3A_135 = tpu.memref_slice %arg6[%run_scoped3A_86, %dma_wait3A_134] : memref<2x80xi32, #tpu.memory_space<vmem>> -> memref<1x80xi32, #tpu.memory_space<vmem>>
        %dma_wait3A_136 = tpu.memref_squeeze %dma_wait3A_135 : memref<1x80xi32, #tpu.memory_space<vmem>> -> memref<80xi32, #tpu.memory_space<vmem>>
        %dma_wait3A_137 = arith.constant 0 : i32
        %dma_wait3A_138 = arith.constant 0 : i32
        %dma_wait3A_139 = tpu.memref_slice %arg8[%dma_wait3A_137, %dma_wait3A_138] : memref<10240x128xf32, #tpu.memory_space<vmem_shared>> -> memref<10240x128xf32, #tpu.memory_space<vmem_shared>>
        tpu.wait_indirect_dma semaphore(%run_scoped3A_119 : memref<!tpu.dma_semaphore, #tpu.memory_space<semaphore_mem>>) src(%dma_wait3A_133 : memref<80x128xf32, #tpu.memory_space<vmem>>) dst(%dma_wait3A_139 : memref<10240x128xf32, #tpu.memory_space<vmem_shared>>)
        tpu.yield
      }) : () -> ()
      %add3A_87 = arith.constant 2 : i32
      %add3A_88 = arith.addi %add3A_69, %add3A_87 : i32
      %lt3A = arith.constant 55 : i32
      %lt3A_89 = arith.cmpi slt, %add3A_88, %lt3A : i32
      %convert_element_type3A = arith.extui %lt3A_89 : i1 to i32
      %cond3A = arith.constant 0 : i32
      %cond3A_90 = arith.cmpi ne, %convert_element_type3A, %cond3A : i32
      scf.if %cond3A_90 {
        %add3A_119 = arith.constant 2 : i32
        %add3A_120 = arith.addi %add3A_69, %add3A_119 : i32
        %mul3A_121 = arith.constant 80 : i32
        %mul3A_122 = arith.muli %add3A_120, %mul3A_121 : i32
        %add3A_123 = arith.addi %add3A_4, %mul3A_122 : i32
        %run_scoped3A_124 = arith.constant 0 : i32
        "tpu.region"() ({
          %run_scoped3A_141 = tpu.sem_alloc : memref<!tpu.dma_semaphore, #tpu.memory_space<semaphore_mem>>
          %dma_start3A_142 = arith.constant 0 : i32
          %dma_start3A_143 = tpu.memref_slice %arg6[%run_scoped3A_124, %dma_start3A_142] : memref<2x80xi32, #tpu.memory_space<vmem>> -> memref<1x80xi32, #tpu.memory_space<vmem>>
          %dma_start3A_144 = tpu.memref_squeeze %dma_start3A_143 : memref<1x80xi32, #tpu.memory_space<vmem>> -> memref<80xi32, #tpu.memory_space<vmem>>
          %dma_start3A_145 = tpu.memref_slice %arg3[%add3A_123] : memref<320000xi32, #tpu.memory_space<hbm>> -> memref<80xi32, #tpu.memory_space<hbm>>
          %dma_start3A_146 = arith.constant 0 : i32
          %dma_start3A_147 = tpu.memref_slice %arg6[%run_scoped3A_124, %dma_start3A_146] : memref<2x80xi32, #tpu.memory_space<vmem>> -> memref<1x80xi32, #tpu.memory_space<vmem>>
          %dma_start3A_148 = tpu.memref_squeeze %dma_start3A_147 : memref<1x80xi32, #tpu.memory_space<vmem>> -> memref<80xi32, #tpu.memory_space<vmem>>
          %dma_start3A_149 = tpu.memref_slice %arg3[%add3A_123] : memref<320000xi32, #tpu.memory_space<hbm>> -> memref<80xi32, #tpu.memory_space<hbm>>
          tpu.enqueue_dma source(%dma_start3A_149 : memref<80xi32, #tpu.memory_space<hbm>>) target(%dma_start3A_148 : memref<80xi32, #tpu.memory_space<vmem>>) target_semaphore(%run_scoped3A_141 : memref<!tpu.dma_semaphore, #tpu.memory_space<semaphore_mem>>)
          %dma_wait3A_150 = arith.constant 0 : i32
          %dma_wait3A_151 = tpu.memref_slice %arg6[%run_scoped3A_124, %dma_wait3A_150] : memref<2x80xi32, #tpu.memory_space<vmem>> -> memref<1x80xi32, #tpu.memory_space<vmem>>
          %dma_wait3A_152 = tpu.memref_squeeze %dma_wait3A_151 : memref<1x80xi32, #tpu.memory_space<vmem>> -> memref<80xi32, #tpu.memory_space<vmem>>
          %dma_wait3A_153 = tpu.memref_slice %arg3[%add3A_123] : memref<320000xi32, #tpu.memory_space<hbm>> -> memref<80xi32, #tpu.memory_space<hbm>>
          %dma_wait3A_154 = arith.constant 0 : i32
          %dma_wait3A_155 = tpu.memref_slice %arg6[%run_scoped3A_124, %dma_wait3A_154] : memref<2x80xi32, #tpu.memory_space<vmem>> -> memref<1x80xi32, #tpu.memory_space<vmem>>
          %dma_wait3A_156 = tpu.memref_squeeze %dma_wait3A_155 : memref<1x80xi32, #tpu.memory_space<vmem>> -> memref<80xi32, #tpu.memory_space<vmem>>
          %dma_wait3A_157 = tpu.memref_slice %arg3[%add3A_123] : memref<320000xi32, #tpu.memory_space<hbm>> -> memref<80xi32, #tpu.memory_space<hbm>>
          tpu.wait_dma2 semaphore(%run_scoped3A_141 : memref<!tpu.dma_semaphore, #tpu.memory_space<semaphore_mem>>) src(%dma_wait3A_157 : memref<80xi32, #tpu.memory_space<hbm>>) dst(%dma_wait3A_156 : memref<80xi32, #tpu.memory_space<vmem>>)
          tpu.yield
        }) : () -> ()
        %mul3A_125 = arith.constant 80 : i32
        %mul3A_126 = arith.muli %add3A_120, %mul3A_125 : i32
        %add3A_127 = arith.addi %mul3A_6, %mul3A_126 : i32
        %dma_start3A_128 = arith.constant 0 : i32
        %dma_start3A_129 = arith.constant 0 : i32
        %dma_start3A_130 = arith.constant 0 : i32
        %dma_start3A_131 = tpu.memref_slice %arg7[%dma_start3A_128, %dma_start3A_129, %dma_start3A_130] : memref<2x80x128xf32, #tpu.memory_space<vmem>> -> memref<1x80x128xf32, #tpu.memory_space<vmem>>
        %dma_start3A_132 = tpu.memref_squeeze %dma_start3A_131 : memref<1x80x128xf32, #tpu.memory_space<vmem>> -> memref<80x128xf32, #tpu.memory_space<vmem>>
        %dma_start3A_133 = arith.constant 0 : i32
        %dma_start3A_134 = tpu.memref_slice %arg2[%add3A_127, %dma_start3A_133] : memref<140800x128xf32, #tpu.memory_space<hbm>> -> memref<80x128xf32, #tpu.memory_space<hbm>>
        %dma_start3A_135 = arith.constant 0 : i32
        %dma_start3A_136 = arith.constant 0 : i32
        %dma_start3A_137 = tpu.memref_slice %arg7[%dma_start3A_128, %dma_start3A_135, %dma_start3A_136] : memref<2x80x128xf32, #tpu.memory_space<vmem>> -> memref<1x80x128xf32, #tpu.memory_space<vmem>>
        %dma_start3A_138 = tpu.memref_squeeze %dma_start3A_137 : memref<1x80x128xf32, #tpu.memory_space<vmem>> -> memref<80x128xf32, #tpu.memory_space<vmem>>
        %dma_start3A_139 = arith.constant 0 : i32
        %dma_start3A_140 = tpu.memref_slice %arg2[%add3A_127, %dma_start3A_139] : memref<140800x128xf32, #tpu.memory_space<hbm>> -> memref<80x128xf32, #tpu.memory_space<hbm>>
        tpu.enqueue_dma source(%dma_start3A_140 : memref<80x128xf32, #tpu.memory_space<hbm>>) target(%dma_start3A_138 : memref<80x128xf32, #tpu.memory_space<vmem>>) target_semaphore(%arg9 : memref<!tpu.dma_semaphore, #tpu.memory_space<semaphore_mem>>)
      } else {
      }
      %mul3A_91 = arith.constant 2 : i32
      %mul3A_92 = arith.muli %scan3A_65, %mul3A_91 : i32
      %add3A_93 = arith.constant 1 : i32
      %add3A_94 = arith.addi %mul3A_92, %add3A_93 : i32
      %dma_wait3A_95 = arith.constant 1 : i32
      %dma_wait3A_96 = arith.constant 0 : i32
      %dma_wait3A_97 = arith.constant 0 : i32
      %dma_wait3A_98 = tpu.memref_slice %arg7[%dma_wait3A_95, %dma_wait3A_96, %dma_wait3A_97] : memref<2x80x128xf32, #tpu.memory_space<vmem>> -> memref<1x80x128xf32, #tpu.memory_space<vmem>>
      %dma_wait3A_99 = tpu.memref_squeeze %dma_wait3A_98 : memref<1x80x128xf32, #tpu.memory_space<vmem>> -> memref<80x128xf32, #tpu.memory_space<vmem>>
      %dma_wait3A_100 = arith.constant 0 : i32
      %dma_wait3A_101 = arith.constant 0 : i32
      %dma_wait3A_102 = tpu.memref_slice %arg2[%dma_wait3A_100, %dma_wait3A_101] : memref<140800x128xf32, #tpu.memory_space<hbm>> -> memref<80x128xf32, #tpu.memory_space<hbm>>
      %dma_wait3A_103 = arith.constant 0 : i32
      %dma_wait3A_104 = arith.constant 0 : i32
      %dma_wait3A_105 = tpu.memref_slice %arg7[%dma_wait3A_95, %dma_wait3A_103, %dma_wait3A_104] : memref<2x80x128xf32, #tpu.memory_space<vmem>> -> memref<1x80x128xf32, #tpu.memory_space<vmem>>
      %dma_wait3A_106 = tpu.memref_squeeze %dma_wait3A_105 : memref<1x80x128xf32, #tpu.memory_space<vmem>> -> memref<80x128xf32, #tpu.memory_space<vmem>>
      %dma_wait3A_107 = arith.constant 0 : i32
      %dma_wait3A_108 = arith.constant 0 : i32
      %dma_wait3A_109 = tpu.memref_slice %arg2[%dma_wait3A_107, %dma_wait3A_108] : memref<140800x128xf32, #tpu.memory_space<hbm>> -> memref<80x128xf32, #tpu.memory_space<hbm>>
      tpu.wait_dma2 semaphore(%arg10 : memref<!tpu.dma_semaphore, #tpu.memory_space<semaphore_mem>>) src(%dma_wait3A_109 : memref<80x128xf32, #tpu.memory_space<hbm>>) dst(%dma_wait3A_106 : memref<80x128xf32, #tpu.memory_space<vmem>>)
      %run_scoped3A_110 = arith.constant 1 : i32
      %run_scoped3A_111 = arith.constant 1 : i32
      "tpu.region"() ({
        %run_scoped3A_119 = tpu.sem_alloc : memref<!tpu.dma_semaphore, #tpu.memory_space<semaphore_mem>>
        %dma_start3A_120 = arith.constant 0 : i32
        %dma_start3A_121 = arith.constant 0 : i32
        %dma_start3A_122 = tpu.memref_slice %arg7[%run_scoped3A_110, %dma_start3A_120, %dma_start3A_121] : memref<2x80x128xf32, #tpu.memory_space<vmem>> -> memref<1x80x128xf32, #tpu.memory_space<vmem>>
        %dma_start3A_123 = tpu.memref_squeeze %dma_start3A_122 : memref<1x80x128xf32, #tpu.memory_space<vmem>> -> memref<80x128xf32, #tpu.memory_space<vmem>>
        %dma_start3A_124 = arith.constant 0 : i32
        %dma_start3A_125 = tpu.memref_slice %arg6[%run_scoped3A_111, %dma_start3A_124] : memref<2x80xi32, #tpu.memory_space<vmem>> -> memref<1x80xi32, #tpu.memory_space<vmem>>
        %dma_start3A_126 = tpu.memref_squeeze %dma_start3A_125 : memref<1x80xi32, #tpu.memory_space<vmem>> -> memref<80xi32, #tpu.memory_space<vmem>>
        %dma_start3A_127 = arith.constant 0 : i32
        %dma_start3A_128 = arith.constant 0 : i32
        %dma_start3A_129 = tpu.memref_slice %arg8[%dma_start3A_127, %dma_start3A_128] : memref<10240x128xf32, #tpu.memory_space<vmem_shared>> -> memref<10240x128xf32, #tpu.memory_space<vmem_shared>>
        tpu.enqueue_indirect_dma source(%dma_start3A_123 : memref<80x128xf32, #tpu.memory_space<vmem>>) target(%dma_start3A_129 : memref<10240x128xf32, #tpu.memory_space<vmem_shared>>) offsets(%dma_start3A_126 : memref<80xi32, #tpu.memory_space<vmem>>) semaphore(%run_scoped3A_119 : memref<!tpu.dma_semaphore, #tpu.memory_space<semaphore_mem>>) {add = true}
        %dma_wait3A_130 = arith.constant 0 : i32
        %dma_wait3A_131 = arith.constant 0 : i32
        %dma_wait3A_132 = tpu.memref_slice %arg7[%run_scoped3A_110, %dma_wait3A_130, %dma_wait3A_131] : memref<2x80x128xf32, #tpu.memory_space<vmem>> -> memref<1x80x128xf32, #tpu.memory_space<vmem>>
        %dma_wait3A_133 = tpu.memref_squeeze %dma_wait3A_132 : memref<1x80x128xf32, #tpu.memory_space<vmem>> -> memref<80x128xf32, #tpu.memory_space<vmem>>
        %dma_wait3A_134 = arith.constant 0 : i32
        %dma_wait3A_135 = tpu.memref_slice %arg6[%run_scoped3A_111, %dma_wait3A_134] : memref<2x80xi32, #tpu.memory_space<vmem>> -> memref<1x80xi32, #tpu.memory_space<vmem>>
        %dma_wait3A_136 = tpu.memref_squeeze %dma_wait3A_135 : memref<1x80xi32, #tpu.memory_space<vmem>> -> memref<80xi32, #tpu.memory_space<vmem>>
        %dma_wait3A_137 = arith.constant 0 : i32
        %dma_wait3A_138 = arith.constant 0 : i32
        %dma_wait3A_139 = tpu.memref_slice %arg8[%dma_wait3A_137, %dma_wait3A_138] : memref<10240x128xf32, #tpu.memory_space<vmem_shared>> -> memref<10240x128xf32, #tpu.memory_space<vmem_shared>>
        tpu.wait_indirect_dma semaphore(%run_scoped3A_119 : memref<!tpu.dma_semaphore, #tpu.memory_space<semaphore_mem>>) src(%dma_wait3A_133 : memref<80x128xf32, #tpu.memory_space<vmem>>) dst(%dma_wait3A_139 : memref<10240x128xf32, #tpu.memory_space<vmem_shared>>)
        tpu.yield
      }) : () -> ()
      %add3A_112 = arith.constant 2 : i32
      %add3A_113 = arith.addi %add3A_94, %add3A_112 : i32
      %lt3A_114 = arith.constant 55 : i32
      %lt3A_115 = arith.cmpi slt, %add3A_113, %lt3A_114 : i32
      %convert_element_type3A_116 = arith.extui %lt3A_115 : i1 to i32
      %cond3A_117 = arith.constant 0 : i32
      %cond3A_118 = arith.cmpi ne, %convert_element_type3A_116, %cond3A_117 : i32
      scf.if %cond3A_118 {
        %add3A_119 = arith.constant 2 : i32
        %add3A_120 = arith.addi %add3A_94, %add3A_119 : i32
        %mul3A_121 = arith.constant 80 : i32
        %mul3A_122 = arith.muli %add3A_120, %mul3A_121 : i32
        %add3A_123 = arith.addi %add3A_4, %mul3A_122 : i32
        %run_scoped3A_124 = arith.constant 1 : i32
        "tpu.region"() ({
          %run_scoped3A_141 = tpu.sem_alloc : memref<!tpu.dma_semaphore, #tpu.memory_space<semaphore_mem>>
          %dma_start3A_142 = arith.constant 0 : i32
          %dma_start3A_143 = tpu.memref_slice %arg6[%run_scoped3A_124, %dma_start3A_142] : memref<2x80xi32, #tpu.memory_space<vmem>> -> memref<1x80xi32, #tpu.memory_space<vmem>>
          %dma_start3A_144 = tpu.memref_squeeze %dma_start3A_143 : memref<1x80xi32, #tpu.memory_space<vmem>> -> memref<80xi32, #tpu.memory_space<vmem>>
          %dma_start3A_145 = tpu.memref_slice %arg3[%add3A_123] : memref<320000xi32, #tpu.memory_space<hbm>> -> memref<80xi32, #tpu.memory_space<hbm>>
          %dma_start3A_146 = arith.constant 0 : i32
          %dma_start3A_147 = tpu.memref_slice %arg6[%run_scoped3A_124, %dma_start3A_146] : memref<2x80xi32, #tpu.memory_space<vmem>> -> memref<1x80xi32, #tpu.memory_space<vmem>>
          %dma_start3A_148 = tpu.memref_squeeze %dma_start3A_147 : memref<1x80xi32, #tpu.memory_space<vmem>> -> memref<80xi32, #tpu.memory_space<vmem>>
          %dma_start3A_149 = tpu.memref_slice %arg3[%add3A_123] : memref<320000xi32, #tpu.memory_space<hbm>> -> memref<80xi32, #tpu.memory_space<hbm>>
          tpu.enqueue_dma source(%dma_start3A_149 : memref<80xi32, #tpu.memory_space<hbm>>) target(%dma_start3A_148 : memref<80xi32, #tpu.memory_space<vmem>>) target_semaphore(%run_scoped3A_141 : memref<!tpu.dma_semaphore, #tpu.memory_space<semaphore_mem>>)
          %dma_wait3A_150 = arith.constant 0 : i32
          %dma_wait3A_151 = tpu.memref_slice %arg6[%run_scoped3A_124, %dma_wait3A_150] : memref<2x80xi32, #tpu.memory_space<vmem>> -> memref<1x80xi32, #tpu.memory_space<vmem>>
          %dma_wait3A_152 = tpu.memref_squeeze %dma_wait3A_151 : memref<1x80xi32, #tpu.memory_space<vmem>> -> memref<80xi32, #tpu.memory_space<vmem>>
          %dma_wait3A_153 = tpu.memref_slice %arg3[%add3A_123] : memref<320000xi32, #tpu.memory_space<hbm>> -> memref<80xi32, #tpu.memory_space<hbm>>
          %dma_wait3A_154 = arith.constant 0 : i32
          %dma_wait3A_155 = tpu.memref_slice %arg6[%run_scoped3A_124, %dma_wait3A_154] : memref<2x80xi32, #tpu.memory_space<vmem>> -> memref<1x80xi32, #tpu.memory_space<vmem>>
          %dma_wait3A_156 = tpu.memref_squeeze %dma_wait3A_155 : memref<1x80xi32, #tpu.memory_space<vmem>> -> memref<80xi32, #tpu.memory_space<vmem>>
          %dma_wait3A_157 = tpu.memref_slice %arg3[%add3A_123] : memref<320000xi32, #tpu.memory_space<hbm>> -> memref<80xi32, #tpu.memory_space<hbm>>
          tpu.wait_dma2 semaphore(%run_scoped3A_141 : memref<!tpu.dma_semaphore, #tpu.memory_space<semaphore_mem>>) src(%dma_wait3A_157 : memref<80xi32, #tpu.memory_space<hbm>>) dst(%dma_wait3A_156 : memref<80xi32, #tpu.memory_space<vmem>>)
          tpu.yield
        }) : () -> ()
        %mul3A_125 = arith.constant 80 : i32
        %mul3A_126 = arith.muli %add3A_120, %mul3A_125 : i32
        %add3A_127 = arith.addi %mul3A_6, %mul3A_126 : i32
        %dma_start3A_128 = arith.constant 1 : i32
        %dma_start3A_129 = arith.constant 0 : i32
        %dma_start3A_130 = arith.constant 0 : i32
        %dma_start3A_131 = tpu.memref_slice %arg7[%dma_start3A_128, %dma_start3A_129, %dma_start3A_130] : memref<2x80x128xf32, #tpu.memory_space<vmem>> -> memref<1x80x128xf32, #tpu.memory_space<vmem>>
        %dma_start3A_132 = tpu.memref_squeeze %dma_start3A_131 : memref<1x80x128xf32, #tpu.memory_space<vmem>> -> memref<80x128xf32, #tpu.memory_space<vmem>>
        %dma_start3A_133 = arith.constant 0 : i32
        %dma_start3A_134 = tpu.memref_slice %arg2[%add3A_127, %dma_start3A_133] : memref<140800x128xf32, #tpu.memory_space<hbm>> -> memref<80x128xf32, #tpu.memory_space<hbm>>
        %dma_start3A_135 = arith.constant 0 : i32
        %dma_start3A_136 = arith.constant 0 : i32
        %dma_start3A_137 = tpu.memref_slice %arg7[%dma_start3A_128, %dma_start3A_135, %dma_start3A_136] : memref<2x80x128xf32, #tpu.memory_space<vmem>> -> memref<1x80x128xf32, #tpu.memory_space<vmem>>
        %dma_start3A_138 = tpu.memref_squeeze %dma_start3A_137 : memref<1x80x128xf32, #tpu.memory_space<vmem>> -> memref<80x128xf32, #tpu.memory_space<vmem>>
        %dma_start3A_139 = arith.constant 0 : i32
        %dma_start3A_140 = tpu.memref_slice %arg2[%add3A_127, %dma_start3A_139] : memref<140800x128xf32, #tpu.memory_space<hbm>> -> memref<80x128xf32, #tpu.memory_space<hbm>>
        tpu.enqueue_dma source(%dma_start3A_140 : memref<80x128xf32, #tpu.memory_space<hbm>>) target(%dma_start3A_138 : memref<80x128xf32, #tpu.memory_space<vmem>>) target_semaphore(%arg10 : memref<!tpu.dma_semaphore, #tpu.memory_space<semaphore_mem>>)
      } else {
      }
    }
    %scan3A_47 = arith.constant 27 : i32
    %dma_wait3A = arith.constant 0 : i32
    %dma_wait3A_48 = arith.constant 0 : i32
    %dma_wait3A_49 = arith.constant 0 : i32
    %dma_wait3A_50 = tpu.memref_slice %arg7[%dma_wait3A, %dma_wait3A_48, %dma_wait3A_49] : memref<2x80x128xf32, #tpu.memory_space<vmem>> -> memref<1x80x128xf32, #tpu.memory_space<vmem>>
    %dma_wait3A_51 = tpu.memref_squeeze %dma_wait3A_50 : memref<1x80x128xf32, #tpu.memory_space<vmem>> -> memref<80x128xf32, #tpu.memory_space<vmem>>
    %dma_wait3A_52 = arith.constant 0 : i32
    %dma_wait3A_53 = arith.constant 0 : i32
    %dma_wait3A_54 = tpu.memref_slice %arg2[%dma_wait3A_52, %dma_wait3A_53] : memref<140800x128xf32, #tpu.memory_space<hbm>> -> memref<80x128xf32, #tpu.memory_space<hbm>>
    %dma_wait3A_55 = arith.constant 0 : i32
    %dma_wait3A_56 = arith.constant 0 : i32
    %dma_wait3A_57 = tpu.memref_slice %arg7[%dma_wait3A, %dma_wait3A_55, %dma_wait3A_56] : memref<2x80x128xf32, #tpu.memory_space<vmem>> -> memref<1x80x128xf32, #tpu.memory_space<vmem>>
    %dma_wait3A_58 = tpu.memref_squeeze %dma_wait3A_57 : memref<1x80x128xf32, #tpu.memory_space<vmem>> -> memref<80x128xf32, #tpu.memory_space<vmem>>
    %dma_wait3A_59 = arith.constant 0 : i32
    %dma_wait3A_60 = arith.constant 0 : i32
    %dma_wait3A_61 = tpu.memref_slice %arg2[%dma_wait3A_59, %dma_wait3A_60] : memref<140800x128xf32, #tpu.memory_space<hbm>> -> memref<80x128xf32, #tpu.memory_space<hbm>>
    tpu.wait_dma2 semaphore(%arg9 : memref<!tpu.dma_semaphore, #tpu.memory_space<semaphore_mem>>) src(%dma_wait3A_61 : memref<80x128xf32, #tpu.memory_space<hbm>>) dst(%dma_wait3A_58 : memref<80x128xf32, #tpu.memory_space<vmem>>)
    %run_scoped3A_62 = arith.constant 0 : i32
    %run_scoped3A_63 = arith.constant 0 : i32
    "tpu.region"() ({
      %run_scoped3A_65 = tpu.sem_alloc : memref<!tpu.dma_semaphore, #tpu.memory_space<semaphore_mem>>
      %dma_start3A_66 = arith.constant 0 : i32
      %dma_start3A_67 = arith.constant 0 : i32
      %dma_start3A_68 = tpu.memref_slice %arg7[%run_scoped3A_62, %dma_start3A_66, %dma_start3A_67] : memref<2x80x128xf32, #tpu.memory_space<vmem>> -> memref<1x80x128xf32, #tpu.memory_space<vmem>>
      %dma_start3A_69 = tpu.memref_squeeze %dma_start3A_68 : memref<1x80x128xf32, #tpu.memory_space<vmem>> -> memref<80x128xf32, #tpu.memory_space<vmem>>
      %dma_start3A_70 = arith.constant 0 : i32
      %dma_start3A_71 = tpu.memref_slice %arg6[%run_scoped3A_63, %dma_start3A_70] : memref<2x80xi32, #tpu.memory_space<vmem>> -> memref<1x80xi32, #tpu.memory_space<vmem>>
      %dma_start3A_72 = tpu.memref_squeeze %dma_start3A_71 : memref<1x80xi32, #tpu.memory_space<vmem>> -> memref<80xi32, #tpu.memory_space<vmem>>
      %dma_start3A_73 = arith.constant 0 : i32
      %dma_start3A_74 = arith.constant 0 : i32
      %dma_start3A_75 = tpu.memref_slice %arg8[%dma_start3A_73, %dma_start3A_74] : memref<10240x128xf32, #tpu.memory_space<vmem_shared>> -> memref<10240x128xf32, #tpu.memory_space<vmem_shared>>
      tpu.enqueue_indirect_dma source(%dma_start3A_69 : memref<80x128xf32, #tpu.memory_space<vmem>>) target(%dma_start3A_75 : memref<10240x128xf32, #tpu.memory_space<vmem_shared>>) offsets(%dma_start3A_72 : memref<80xi32, #tpu.memory_space<vmem>>) semaphore(%run_scoped3A_65 : memref<!tpu.dma_semaphore, #tpu.memory_space<semaphore_mem>>) {add = true}
      %dma_wait3A_76 = arith.constant 0 : i32
      %dma_wait3A_77 = arith.constant 0 : i32
      %dma_wait3A_78 = tpu.memref_slice %arg7[%run_scoped3A_62, %dma_wait3A_76, %dma_wait3A_77] : memref<2x80x128xf32, #tpu.memory_space<vmem>> -> memref<1x80x128xf32, #tpu.memory_space<vmem>>
      %dma_wait3A_79 = tpu.memref_squeeze %dma_wait3A_78 : memref<1x80x128xf32, #tpu.memory_space<vmem>> -> memref<80x128xf32, #tpu.memory_space<vmem>>
      %dma_wait3A_80 = arith.constant 0 : i32
      %dma_wait3A_81 = tpu.memref_slice %arg6[%run_scoped3A_63, %dma_wait3A_80] : memref<2x80xi32, #tpu.memory_space<vmem>> -> memref<1x80xi32, #tpu.memory_space<vmem>>
      %dma_wait3A_82 = tpu.memref_squeeze %dma_wait3A_81 : memref<1x80xi32, #tpu.memory_space<vmem>> -> memref<80xi32, #tpu.memory_space<vmem>>
      %dma_wait3A_83 = arith.constant 0 : i32
      %dma_wait3A_84 = arith.constant 0 : i32
      %dma_wait3A_85 = tpu.memref_slice %arg8[%dma_wait3A_83, %dma_wait3A_84] : memref<10240x128xf32, #tpu.memory_space<vmem_shared>> -> memref<10240x128xf32, #tpu.memory_space<vmem_shared>>
      tpu.wait_indirect_dma semaphore(%run_scoped3A_65 : memref<!tpu.dma_semaphore, #tpu.memory_space<semaphore_mem>>) src(%dma_wait3A_79 : memref<80x128xf32, #tpu.memory_space<vmem>>) dst(%dma_wait3A_85 : memref<10240x128xf32, #tpu.memory_space<vmem_shared>>)
      tpu.yield
    }) : () -> ()
    %barrier3A_64 = arith.constant 0 : index
    tpu.barrier barrier_id(%barrier3A_64)
    "tpu.region"() ({
      %run_scoped3A_65 = tpu.sem_alloc : memref<!tpu.dma_semaphore, #tpu.memory_space<semaphore_mem>>
      %dma_start3A_66 = arith.constant 0 : i32
      %dma_start3A_67 = arith.constant 0 : i32
      %dma_start3A_68 = tpu.memref_slice %arg5[%arg0, %dma_start3A_66, %dma_start3A_67] : memref<2x10240x128xf32, #tpu.memory_space<hbm>> -> memref<1x10240x128xf32, #tpu.memory_space<hbm>>
      %dma_start3A_69 = tpu.memref_squeeze %dma_start3A_68 : memref<1x10240x128xf32, #tpu.memory_space<hbm>> -> memref<10240x128xf32, #tpu.memory_space<hbm>>
      %dma_start3A_70 = arith.constant 0 : i32
      %dma_start3A_71 = tpu.memref_slice %dma_start3A_69[%mul3A_8, %dma_start3A_70] : memref<10240x128xf32, #tpu.memory_space<hbm>> -> memref<640x128xf32, #tpu.memory_space<hbm>>
      %dma_start3A_72 = arith.constant 0 : i32
      %dma_start3A_73 = tpu.memref_slice %arg8[%mul3A_8, %dma_start3A_72] : memref<10240x128xf32, #tpu.memory_space<vmem_shared>> -> memref<640x128xf32, #tpu.memory_space<vmem_shared>>
      tpu.enqueue_dma source(%dma_start3A_73 : memref<640x128xf32, #tpu.memory_space<vmem_shared>>) target(%dma_start3A_71 : memref<640x128xf32, #tpu.memory_space<hbm>>) target_semaphore(%run_scoped3A_65 : memref<!tpu.dma_semaphore, #tpu.memory_space<semaphore_mem>>)
      %dma_wait3A_74 = arith.constant 0 : i32
      %dma_wait3A_75 = arith.constant 0 : i32
      %dma_wait3A_76 = tpu.memref_slice %arg5[%arg0, %dma_wait3A_74, %dma_wait3A_75] : memref<2x10240x128xf32, #tpu.memory_space<hbm>> -> memref<1x10240x128xf32, #tpu.memory_space<hbm>>
      %dma_wait3A_77 = tpu.memref_squeeze %dma_wait3A_76 : memref<1x10240x128xf32, #tpu.memory_space<hbm>> -> memref<10240x128xf32, #tpu.memory_space<hbm>>
      %dma_wait3A_78 = arith.constant 0 : i32
      %dma_wait3A_79 = tpu.memref_slice %dma_wait3A_77[%mul3A_8, %dma_wait3A_78] : memref<10240x128xf32, #tpu.memory_space<hbm>> -> memref<640x128xf32, #tpu.memory_space<hbm>>
      %dma_wait3A_80 = arith.constant 0 : i32
      %dma_wait3A_81 = tpu.memref_slice %arg8[%mul3A_8, %dma_wait3A_80] : memref<10240x128xf32, #tpu.memory_space<vmem_shared>> -> memref<640x128xf32, #tpu.memory_space<vmem_shared>>
      tpu.wait_dma2 semaphore(%run_scoped3A_65 : memref<!tpu.dma_semaphore, #tpu.memory_space<semaphore_mem>>) src(%dma_wait3A_81 : memref<640x128xf32, #tpu.memory_space<vmem_shared>>) dst(%dma_wait3A_79 : memref<640x128xf32, #tpu.memory_space<hbm>>)
      tpu.yield
    }) : () -> ()
    return
  }
}

#map = affine_map<(d0, d1) -> (0, 0)>
#map1 = affine_map<(d0, d1) -> (0)>
#map2 = affine_map<(d0, d1) -> (0, 0, 0)>
module attributes {stable_mosaic.version = 14 : i64} {
  func.func @body(%arg0: i32, %arg1: i32, %arg2: memref<140800x128xf32, #tpu.memory_space<hbm>>, %arg3: memref<320000xi32, #tpu.memory_space<hbm>>, %arg4: memref<10240x128xf32, #tpu.memory_space<hbm>>, %arg5: memref<2x10240x128xf32, #tpu.memory_space<hbm>>, %arg6: memref<2x80xi32, #tpu.memory_space<vmem>>, %arg7: memref<2x80x128xf32, #tpu.memory_space<vmem>>, %arg8: memref<10240x128xf32, #tpu.memory_space<vmem_shared>>, %arg9: memref<!tpu.dma_semaphore, #tpu.memory_space<semaphore_mem>>, %arg10: memref<!tpu.dma_semaphore, #tpu.memory_space<semaphore_mem>>) attributes {dimension_semantics = [#tpu.dimension_semantics<core_parallel>, #tpu.dimension_semantics<subcore_parallel>], iteration_bounds = array<i64: 2, 16>, scalar_prefetch = 0 : i64, scratch_operands = 5 : i64, tpu.core_type = #tpu.core_type<sc_vector_subcore>, window_params = [{transform_indices = #map}, {transform_indices = #map1}, {transform_indices = #map}, {transform_indices = #map2}]} {
    %mul3A = arith.constant 2 : i32
    %mul3A_0 = arith.muli %arg1, %mul3A : i32
    %add3A = arith.addi %mul3A_0, %arg0 : i32
    %mul3A_1 = arith.constant 4400 : i32
    %mul3A_2 = arith.muli %add3A, %mul3A_1 : i32
    %add3A_3 = arith.constant 179200 : i32
    %add3A_4 = arith.addi %add3A_3, %mul3A_2 : i32
    %mul3A_5 = arith.constant 4400 : i32
    %mul3A_6 = arith.muli %add3A, %mul3A_5 : i32
    %mul3A_7 = arith.constant 640 : i32
    %mul3A_8 = arith.muli %arg1, %mul3A_7 : i32
    "tpu.region"() ({
      %run_scoped3A_65 = tpu.sem_alloc : memref<!tpu.dma_semaphore, #tpu.memory_space<semaphore_mem>>
      %dma_start3A_66 = arith.constant 0 : i32
      %dma_start3A_67 = tpu.memref_slice %arg8[%mul3A_8, %dma_start3A_66] : memref<10240x128xf32, #tpu.memory_space<vmem_shared>> -> memref<640x128xf32, #tpu.memory_space<vmem_shared>>
      %dma_start3A_68 = arith.constant 0 : i32
      %dma_start3A_69 = tpu.memref_slice %arg4[%mul3A_8, %dma_start3A_68] : memref<10240x128xf32, #tpu.memory_space<hbm>> -> memref<640x128xf32, #tpu.memory_space<hbm>>
      tpu.enqueue_dma source(%dma_start3A_69 : memref<640x128xf32, #tpu.memory_space<hbm>>) target(%dma_start3A_67 : memref<640x128xf32, #tpu.memory_space<vmem_shared>>) target_semaphore(%run_scoped3A_65 : memref<!tpu.dma_semaphore, #tpu.memory_space<semaphore_mem>>)
      %dma_wait3A_70 = arith.constant 0 : i32
      %dma_wait3A_71 = tpu.memref_slice %arg8[%mul3A_8, %dma_wait3A_70] : memref<10240x128xf32, #tpu.memory_space<vmem_shared>> -> memref<640x128xf32, #tpu.memory_space<vmem_shared>>
      %dma_wait3A_72 = arith.constant 0 : i32
      %dma_wait3A_73 = tpu.memref_slice %arg4[%mul3A_8, %dma_wait3A_72] : memref<10240x128xf32, #tpu.memory_space<hbm>> -> memref<640x128xf32, #tpu.memory_space<hbm>>
      tpu.wait_dma2 semaphore(%run_scoped3A_65 : memref<!tpu.dma_semaphore, #tpu.memory_space<semaphore_mem>>) src(%dma_wait3A_73 : memref<640x128xf32, #tpu.memory_space<hbm>>) dst(%dma_wait3A_71 : memref<640x128xf32, #tpu.memory_space<vmem_shared>>)
      tpu.yield
    }) : () -> ()
    %barrier3A = arith.constant 0 : index
    tpu.barrier barrier_id(%barrier3A)
    %add3A_9 = arith.constant 0 : i32
    %add3A_10 = arith.addi %add3A_4, %add3A_9 : i32
    %run_scoped3A = arith.constant 0 : i32
    "tpu.region"() ({
      %run_scoped3A_65 = tpu.sem_alloc : memref<!tpu.dma_semaphore, #tpu.memory_space<semaphore_mem>>
      %dma_start3A_66 = arith.constant 0 : i32
      %dma_start3A_67 = tpu.memref_slice %arg6[%run_scoped3A, %dma_start3A_66] : memref<2x80xi32, #tpu.memory_space<vmem>> -> memref<1x80xi32, #tpu.memory_space<vmem>>
      %dma_start3A_68 = tpu.memref_squeeze %dma_start3A_67 : memref<1x80xi32, #tpu.memory_space<vmem>> -> memref<80xi32, #tpu.memory_space<vmem>>
      %dma_start3A_69 = tpu.memref_slice %arg3[%add3A_10] : memref<320000xi32, #tpu.memory_space<hbm>> -> memref<80xi32, #tpu.memory_space<hbm>>
      %dma_start3A_70 = arith.constant 0 : i32
      %dma_start3A_71 = tpu.memref_slice %arg6[%run_scoped3A, %dma_start3A_70] : memref<2x80xi32, #tpu.memory_space<vmem>> -> memref<1x80xi32, #tpu.memory_space<vmem>>
      %dma_start3A_72 = tpu.memref_squeeze %dma_start3A_71 : memref<1x80xi32, #tpu.memory_space<vmem>> -> memref<80xi32, #tpu.memory_space<vmem>>
      %dma_start3A_73 = tpu.memref_slice %arg3[%add3A_10] : memref<320000xi32, #tpu.memory_space<hbm>> -> memref<80xi32, #tpu.memory_space<hbm>>
      tpu.enqueue_dma source(%dma_start3A_73 : memref<80xi32, #tpu.memory_space<hbm>>) target(%dma_start3A_72 : memref<80xi32, #tpu.memory_space<vmem>>) target_semaphore(%run_scoped3A_65 : memref<!tpu.dma_semaphore, #tpu.memory_space<semaphore_mem>>)
      %dma_wait3A_74 = arith.constant 0 : i32
      %dma_wait3A_75 = tpu.memref_slice %arg6[%run_scoped3A, %dma_wait3A_74] : memref<2x80xi32, #tpu.memory_space<vmem>> -> memref<1x80xi32, #tpu.memory_space<vmem>>
      %dma_wait3A_76 = tpu.memref_squeeze %dma_wait3A_75 : memref<1x80xi32, #tpu.memory_space<vmem>> -> memref<80xi32, #tpu.memory_space<vmem>>
      %dma_wait3A_77 = tpu.memref_slice %arg3[%add3A_10] : memref<320000xi32, #tpu.memory_space<hbm>> -> memref<80xi32, #tpu.memory_space<hbm>>
      %dma_wait3A_78 = arith.constant 0 : i32
      %dma_wait3A_79 = tpu.memref_slice %arg6[%run_scoped3A, %dma_wait3A_78] : memref<2x80xi32, #tpu.memory_space<vmem>> -> memref<1x80xi32, #tpu.memory_space<vmem>>
      %dma_wait3A_80 = tpu.memref_squeeze %dma_wait3A_79 : memref<1x80xi32, #tpu.memory_space<vmem>> -> memref<80xi32, #tpu.memory_space<vmem>>
      %dma_wait3A_81 = tpu.memref_slice %arg3[%add3A_10] : memref<320000xi32, #tpu.memory_space<hbm>> -> memref<80xi32, #tpu.memory_space<hbm>>
      tpu.wait_dma2 semaphore(%run_scoped3A_65 : memref<!tpu.dma_semaphore, #tpu.memory_space<semaphore_mem>>) src(%dma_wait3A_81 : memref<80xi32, #tpu.memory_space<hbm>>) dst(%dma_wait3A_80 : memref<80xi32, #tpu.memory_space<vmem>>)
      tpu.yield
    }) : () -> ()
    %add3A_11 = arith.constant 0 : i32
    %add3A_12 = arith.addi %mul3A_6, %add3A_11 : i32
    %dma_start3A = arith.constant 0 : i32
    %dma_start3A_13 = arith.constant 0 : i32
    %dma_start3A_14 = arith.constant 0 : i32
    %dma_start3A_15 = tpu.memref_slice %arg7[%dma_start3A, %dma_start3A_13, %dma_start3A_14] : memref<2x80x128xf32, #tpu.memory_space<vmem>> -> memref<1x80x128xf32, #tpu.memory_space<vmem>>
    %dma_start3A_16 = tpu.memref_squeeze %dma_start3A_15 : memref<1x80x128xf32, #tpu.memory_space<vmem>> -> memref<80x128xf32, #tpu.memory_space<vmem>>
    %dma_start3A_17 = arith.constant 0 : i32
    %dma_start3A_18 = tpu.memref_slice %arg2[%add3A_12, %dma_start3A_17] : memref<140800x128xf32, #tpu.memory_space<hbm>> -> memref<80x128xf32, #tpu.memory_space<hbm>>
    %dma_start3A_19 = arith.constant 0 : i32
    %dma_start3A_20 = arith.constant 0 : i32
    %dma_start3A_21 = tpu.memref_slice %arg7[%dma_start3A, %dma_start3A_19, %dma_start3A_20] : memref<2x80x128xf32, #tpu.memory_space<vmem>> -> memref<1x80x128xf32, #tpu.memory_space<vmem>>
    %dma_start3A_22 = tpu.memref_squeeze %dma_start3A_21 : memref<1x80x128xf32, #tpu.memory_space<vmem>> -> memref<80x128xf32, #tpu.memory_space<vmem>>
    %dma_start3A_23 = arith.constant 0 : i32
    %dma_start3A_24 = tpu.memref_slice %arg2[%add3A_12, %dma_start3A_23] : memref<140800x128xf32, #tpu.memory_space<hbm>> -> memref<80x128xf32, #tpu.memory_space<hbm>>
    tpu.enqueue_dma source(%dma_start3A_24 : memref<80x128xf32, #tpu.memory_space<hbm>>) target(%dma_start3A_22 : memref<80x128xf32, #tpu.memory_space<vmem>>) target_semaphore(%arg9 : memref<!tpu.dma_semaphore, #tpu.memory_space<semaphore_mem>>)
    %add3A_25 = arith.constant 80 : i32
    %add3A_26 = arith.addi %add3A_4, %add3A_25 : i32
    %run_scoped3A_27 = arith.constant 1 : i32
    "tpu.region"() ({
      %run_scoped3A_65 = tpu.sem_alloc : memref<!tpu.dma_semaphore, #tpu.memory_space<semaphore_mem>>
      %dma_start3A_66 = arith.constant 0 : i32
      %dma_start3A_67 = tpu.memref_slice %arg6[%run_scoped3A_27, %dma_start3A_66] : memref<2x80xi32, #tpu.memory_space<vmem>> -> memref<1x80xi32, #tpu.memory_space<vmem>>
      %dma_start3A_68 = tpu.memref_squeeze %dma_start3A_67 : memref<1x80xi32, #tpu.memory_space<vmem>> -> memref<80xi32, #tpu.memory_space<vmem>>
      %dma_start3A_69 = tpu.memref_slice %arg3[%add3A_26] : memref<320000xi32, #tpu.memory_space<hbm>> -> memref<80xi32, #tpu.memory_space<hbm>>
      %dma_start3A_70 = arith.constant 0 : i32
      %dma_start3A_71 = tpu.memref_slice %arg6[%run_scoped3A_27, %dma_start3A_70] : memref<2x80xi32, #tpu.memory_space<vmem>> -> memref<1x80xi32, #tpu.memory_space<vmem>>
      %dma_start3A_72 = tpu.memref_squeeze %dma_start3A_71 : memref<1x80xi32, #tpu.memory_space<vmem>> -> memref<80xi32, #tpu.memory_space<vmem>>
      %dma_start3A_73 = tpu.memref_slice %arg3[%add3A_26] : memref<320000xi32, #tpu.memory_space<hbm>> -> memref<80xi32, #tpu.memory_space<hbm>>
      tpu.enqueue_dma source(%dma_start3A_73 : memref<80xi32, #tpu.memory_space<hbm>>) target(%dma_start3A_72 : memref<80xi32, #tpu.memory_space<vmem>>) target_semaphore(%run_scoped3A_65 : memref<!tpu.dma_semaphore, #tpu.memory_space<semaphore_mem>>)
      %dma_wait3A_74 = arith.constant 0 : i32
      %dma_wait3A_75 = tpu.memref_slice %arg6[%run_scoped3A_27, %dma_wait3A_74] : memref<2x80xi32, #tpu.memory_space<vmem>> -> memref<1x80xi32, #tpu.memory_space<vmem>>
      %dma_wait3A_76 = tpu.memref_squeeze %dma_wait3A_75 : memref<1x80xi32, #tpu.memory_space<vmem>> -> memref<80xi32, #tpu.memory_space<vmem>>
      %dma_wait3A_77 = tpu.memref_slice %arg3[%add3A_26] : memref<320000xi32, #tpu.memory_space<hbm>> -> memref<80xi32, #tpu.memory_space<hbm>>
      %dma_wait3A_78 = arith.constant 0 : i32
      %dma_wait3A_79 = tpu.memref_slice %arg6[%run_scoped3A_27, %dma_wait3A_78] : memref<2x80xi32, #tpu.memory_space<vmem>> -> memref<1x80xi32, #tpu.memory_space<vmem>>
      %dma_wait3A_80 = tpu.memref_squeeze %dma_wait3A_79 : memref<1x80xi32, #tpu.memory_space<vmem>> -> memref<80xi32, #tpu.memory_space<vmem>>
      %dma_wait3A_81 = tpu.memref_slice %arg3[%add3A_26] : memref<320000xi32, #tpu.memory_space<hbm>> -> memref<80xi32, #tpu.memory_space<hbm>>
      tpu.wait_dma2 semaphore(%run_scoped3A_65 : memref<!tpu.dma_semaphore, #tpu.memory_space<semaphore_mem>>) src(%dma_wait3A_81 : memref<80xi32, #tpu.memory_space<hbm>>) dst(%dma_wait3A_80 : memref<80xi32, #tpu.memory_space<vmem>>)
      tpu.yield
    }) : () -> ()
    %add3A_28 = arith.constant 80 : i32
    %add3A_29 = arith.addi %mul3A_6, %add3A_28 : i32
    %dma_start3A_30 = arith.constant 1 : i32
    %dma_start3A_31 = arith.constant 0 : i32
    %dma_start3A_32 = arith.constant 0 : i32
    %dma_start3A_33 = tpu.memref_slice %arg7[%dma_start3A_30, %dma_start3A_31, %dma_start3A_32] : memref<2x80x128xf32, #tpu.memory_space<vmem>> -> memref<1x80x128xf32, #tpu.memory_space<vmem>>
    %dma_start3A_34 = tpu.memref_squeeze %dma_start3A_33 : memref<1x80x128xf32, #tpu.memory_space<vmem>> -> memref<80x128xf32, #tpu.memory_space<vmem>>
    %dma_start3A_35 = arith.constant 0 : i32
    %dma_start3A_36 = tpu.memref_slice %arg2[%add3A_29, %dma_start3A_35] : memref<140800x128xf32, #tpu.memory_space<hbm>> -> memref<80x128xf32, #tpu.memory_space<hbm>>
    %dma_start3A_37 = arith.constant 0 : i32
    %dma_start3A_38 = arith.constant 0 : i32
    %dma_start3A_39 = tpu.memref_slice %arg7[%dma_start3A_30, %dma_start3A_37, %dma_start3A_38] : memref<2x80x128xf32, #tpu.memory_space<vmem>> -> memref<1x80x128xf32, #tpu.memory_space<vmem>>
    %dma_start3A_40 = tpu.memref_squeeze %dma_start3A_39 : memref<1x80x128xf32, #tpu.memory_space<vmem>> -> memref<80x128xf32, #tpu.memory_space<vmem>>
    %dma_start3A_41 = arith.constant 0 : i32
    %dma_start3A_42 = tpu.memref_slice %arg2[%add3A_29, %dma_start3A_41] : memref<140800x128xf32, #tpu.memory_space<hbm>> -> memref<80x128xf32, #tpu.memory_space<hbm>>
    tpu.enqueue_dma source(%dma_start3A_42 : memref<80x128xf32, #tpu.memory_space<hbm>>) target(%dma_start3A_40 : memref<80x128xf32, #tpu.memory_space<vmem>>) target_semaphore(%arg10 : memref<!tpu.dma_semaphore, #tpu.memory_space<semaphore_mem>>)
    %scan3A = arith.constant 0 : i32
    %scan3A_43 = arith.constant 0 : i32
    %scan3A_44 = arith.constant 27 : i32
    %scan3A_45 = arith.addi %scan3A_43, %scan3A_44 : i32
    %scan3A_46 = arith.constant 1 : i32
    scf.for %scan3A_65 = %scan3A_43 to %scan3A_45 step %scan3A_46  : i32 {
      %mul3A_66 = arith.constant 2 : i32
      %mul3A_67 = arith.muli %scan3A_65, %mul3A_66 : i32
      %add3A_68 = arith.constant 0 : i32
      %add3A_69 = arith.addi %mul3A_67, %add3A_68 : i32
      %dma_wait3A_70 = arith.constant 0 : i32
      %dma_wait3A_71 = arith.constant 0 : i32
      %dma_wait3A_72 = arith.constant 0 : i32
      %dma_wait3A_73 = tpu.memref_slice %arg7[%dma_wait3A_70, %dma_wait3A_71, %dma_wait3A_72] : memref<2x80x128xf32, #tpu.memory_space<vmem>> -> memref<1x80x128xf32, #tpu.memory_space<vmem>>
      %dma_wait3A_74 = tpu.memref_squeeze %dma_wait3A_73 : memref<1x80x128xf32, #tpu.memory_space<vmem>> -> memref<80x128xf32, #tpu.memory_space<vmem>>
      %dma_wait3A_75 = arith.constant 0 : i32
      %dma_wait3A_76 = arith.constant 0 : i32
      %dma_wait3A_77 = tpu.memref_slice %arg2[%dma_wait3A_75, %dma_wait3A_76] : memref<140800x128xf32, #tpu.memory_space<hbm>> -> memref<80x128xf32, #tpu.memory_space<hbm>>
      %dma_wait3A_78 = arith.constant 0 : i32
      %dma_wait3A_79 = arith.constant 0 : i32
      %dma_wait3A_80 = tpu.memref_slice %arg7[%dma_wait3A_70, %dma_wait3A_78, %dma_wait3A_79] : memref<2x80x128xf32, #tpu.memory_space<vmem>> -> memref<1x80x128xf32, #tpu.memory_space<vmem>>
      %dma_wait3A_81 = tpu.memref_squeeze %dma_wait3A_80 : memref<1x80x128xf32, #tpu.memory_space<vmem>> -> memref<80x128xf32, #tpu.memory_space<vmem>>
      %dma_wait3A_82 = arith.constant 0 : i32
      %dma_wait3A_83 = arith.constant 0 : i32
      %dma_wait3A_84 = tpu.memref_slice %arg2[%dma_wait3A_82, %dma_wait3A_83] : memref<140800x128xf32, #tpu.memory_space<hbm>> -> memref<80x128xf32, #tpu.memory_space<hbm>>
      tpu.wait_dma2 semaphore(%arg9 : memref<!tpu.dma_semaphore, #tpu.memory_space<semaphore_mem>>) src(%dma_wait3A_84 : memref<80x128xf32, #tpu.memory_space<hbm>>) dst(%dma_wait3A_81 : memref<80x128xf32, #tpu.memory_space<vmem>>)
      %run_scoped3A_85 = arith.constant 0 : i32
      %run_scoped3A_86 = arith.constant 0 : i32
      "tpu.region"() ({
        %run_scoped3A_119 = tpu.sem_alloc : memref<!tpu.dma_semaphore, #tpu.memory_space<semaphore_mem>>
        %dma_start3A_120 = arith.constant 0 : i32
        %dma_start3A_121 = arith.constant 0 : i32
        %dma_start3A_122 = tpu.memref_slice %arg7[%run_scoped3A_85, %dma_start3A_120, %dma_start3A_121] : memref<2x80x128xf32, #tpu.memory_space<vmem>> -> memref<1x80x128xf32, #tpu.memory_space<vmem>>
        %dma_start3A_123 = tpu.memref_squeeze %dma_start3A_122 : memref<1x80x128xf32, #tpu.memory_space<vmem>> -> memref<80x128xf32, #tpu.memory_space<vmem>>
        %dma_start3A_124 = arith.constant 0 : i32
        %dma_start3A_125 = tpu.memref_slice %arg6[%run_scoped3A_86, %dma_start3A_124] : memref<2x80xi32, #tpu.memory_space<vmem>> -> memref<1x80xi32, #tpu.memory_space<vmem>>
        %dma_start3A_126 = tpu.memref_squeeze %dma_start3A_125 : memref<1x80xi32, #tpu.memory_space<vmem>> -> memref<80xi32, #tpu.memory_space<vmem>>
        %dma_start3A_127 = arith.constant 0 : i32
        %dma_start3A_128 = arith.constant 0 : i32
        %dma_start3A_129 = tpu.memref_slice %arg8[%dma_start3A_127, %dma_start3A_128] : memref<10240x128xf32, #tpu.memory_space<vmem_shared>> -> memref<10240x128xf32, #tpu.memory_space<vmem_shared>>
        tpu.enqueue_indirect_dma source(%dma_start3A_123 : memref<80x128xf32, #tpu.memory_space<vmem>>) target(%dma_start3A_129 : memref<10240x128xf32, #tpu.memory_space<vmem_shared>>) offsets(%dma_start3A_126 : memref<80xi32, #tpu.memory_space<vmem>>) semaphore(%run_scoped3A_119 : memref<!tpu.dma_semaphore, #tpu.memory_space<semaphore_mem>>) {add = true}
        %dma_wait3A_130 = arith.constant 0 : i32
        %dma_wait3A_131 = arith.constant 0 : i32
        %dma_wait3A_132 = tpu.memref_slice %arg7[%run_scoped3A_85, %dma_wait3A_130, %dma_wait3A_131] : memref<2x80x128xf32, #tpu.memory_space<vmem>> -> memref<1x80x128xf32, #tpu.memory_space<vmem>>
        %dma_wait3A_133 = tpu.memref_squeeze %dma_wait3A_132 : memref<1x80x128xf32, #tpu.memory_space<vmem>> -> memref<80x128xf32, #tpu.memory_space<vmem>>
        %dma_wait3A_134 = arith.constant 0 : i32
        %dma_wait3A_135 = tpu.memref_slice %arg6[%run_scoped3A_86, %dma_wait3A_134] : memref<2x80xi32, #tpu.memory_space<vmem>> -> memref<1x80xi32, #tpu.memory_space<vmem>>
        %dma_wait3A_136 = tpu.memref_squeeze %dma_wait3A_135 : memref<1x80xi32, #tpu.memory_space<vmem>> -> memref<80xi32, #tpu.memory_space<vmem>>
        %dma_wait3A_137 = arith.constant 0 : i32
        %dma_wait3A_138 = arith.constant 0 : i32
        %dma_wait3A_139 = tpu.memref_slice %arg8[%dma_wait3A_137, %dma_wait3A_138] : memref<10240x128xf32, #tpu.memory_space<vmem_shared>> -> memref<10240x128xf32, #tpu.memory_space<vmem_shared>>
        tpu.wait_indirect_dma semaphore(%run_scoped3A_119 : memref<!tpu.dma_semaphore, #tpu.memory_space<semaphore_mem>>) src(%dma_wait3A_133 : memref<80x128xf32, #tpu.memory_space<vmem>>) dst(%dma_wait3A_139 : memref<10240x128xf32, #tpu.memory_space<vmem_shared>>)
        tpu.yield
      }) : () -> ()
      %add3A_87 = arith.constant 2 : i32
      %add3A_88 = arith.addi %add3A_69, %add3A_87 : i32
      %lt3A = arith.constant 55 : i32
      %lt3A_89 = arith.cmpi slt, %add3A_88, %lt3A : i32
      %convert_element_type3A = arith.extui %lt3A_89 : i1 to i32
      %cond3A = arith.constant 0 : i32
      %cond3A_90 = arith.cmpi ne, %convert_element_type3A, %cond3A : i32
      scf.if %cond3A_90 {
        %add3A_119 = arith.constant 2 : i32
        %add3A_120 = arith.addi %add3A_69, %add3A_119 : i32
        %mul3A_121 = arith.constant 80 : i32
        %mul3A_122 = arith.muli %add3A_120, %mul3A_121 : i32
        %add3A_123 = arith.addi %add3A_4, %mul3A_122 : i32
        %run_scoped3A_124 = arith.constant 0 : i32
        "tpu.region"() ({
          %run_scoped3A_141 = tpu.sem_alloc : memref<!tpu.dma_semaphore, #tpu.memory_space<semaphore_mem>>
          %dma_start3A_142 = arith.constant 0 : i32
          %dma_start3A_143 = tpu.memref_slice %arg6[%run_scoped3A_124, %dma_start3A_142] : memref<2x80xi32, #tpu.memory_space<vmem>> -> memref<1x80xi32, #tpu.memory_space<vmem>>
          %dma_start3A_144 = tpu.memref_squeeze %dma_start3A_143 : memref<1x80xi32, #tpu.memory_space<vmem>> -> memref<80xi32, #tpu.memory_space<vmem>>
          %dma_start3A_145 = tpu.memref_slice %arg3[%add3A_123] : memref<320000xi32, #tpu.memory_space<hbm>> -> memref<80xi32, #tpu.memory_space<hbm>>
          %dma_start3A_146 = arith.constant 0 : i32
          %dma_start3A_147 = tpu.memref_slice %arg6[%run_scoped3A_124, %dma_start3A_146] : memref<2x80xi32, #tpu.memory_space<vmem>> -> memref<1x80xi32, #tpu.memory_space<vmem>>
          %dma_start3A_148 = tpu.memref_squeeze %dma_start3A_147 : memref<1x80xi32, #tpu.memory_space<vmem>> -> memref<80xi32, #tpu.memory_space<vmem>>
          %dma_start3A_149 = tpu.memref_slice %arg3[%add3A_123] : memref<320000xi32, #tpu.memory_space<hbm>> -> memref<80xi32, #tpu.memory_space<hbm>>
          tpu.enqueue_dma source(%dma_start3A_149 : memref<80xi32, #tpu.memory_space<hbm>>) target(%dma_start3A_148 : memref<80xi32, #tpu.memory_space<vmem>>) target_semaphore(%run_scoped3A_141 : memref<!tpu.dma_semaphore, #tpu.memory_space<semaphore_mem>>)
          %dma_wait3A_150 = arith.constant 0 : i32
          %dma_wait3A_151 = tpu.memref_slice %arg6[%run_scoped3A_124, %dma_wait3A_150] : memref<2x80xi32, #tpu.memory_space<vmem>> -> memref<1x80xi32, #tpu.memory_space<vmem>>
          %dma_wait3A_152 = tpu.memref_squeeze %dma_wait3A_151 : memref<1x80xi32, #tpu.memory_space<vmem>> -> memref<80xi32, #tpu.memory_space<vmem>>
          %dma_wait3A_153 = tpu.memref_slice %arg3[%add3A_123] : memref<320000xi32, #tpu.memory_space<hbm>> -> memref<80xi32, #tpu.memory_space<hbm>>
          %dma_wait3A_154 = arith.constant 0 : i32
          %dma_wait3A_155 = tpu.memref_slice %arg6[%run_scoped3A_124, %dma_wait3A_154] : memref<2x80xi32, #tpu.memory_space<vmem>> -> memref<1x80xi32, #tpu.memory_space<vmem>>
          %dma_wait3A_156 = tpu.memref_squeeze %dma_wait3A_155 : memref<1x80xi32, #tpu.memory_space<vmem>> -> memref<80xi32, #tpu.memory_space<vmem>>
          %dma_wait3A_157 = tpu.memref_slice %arg3[%add3A_123] : memref<320000xi32, #tpu.memory_space<hbm>> -> memref<80xi32, #tpu.memory_space<hbm>>
          tpu.wait_dma2 semaphore(%run_scoped3A_141 : memref<!tpu.dma_semaphore, #tpu.memory_space<semaphore_mem>>) src(%dma_wait3A_157 : memref<80xi32, #tpu.memory_space<hbm>>) dst(%dma_wait3A_156 : memref<80xi32, #tpu.memory_space<vmem>>)
          tpu.yield
        }) : () -> ()
        %mul3A_125 = arith.constant 80 : i32
        %mul3A_126 = arith.muli %add3A_120, %mul3A_125 : i32
        %add3A_127 = arith.addi %mul3A_6, %mul3A_126 : i32
        %dma_start3A_128 = arith.constant 0 : i32
        %dma_start3A_129 = arith.constant 0 : i32
        %dma_start3A_130 = arith.constant 0 : i32
        %dma_start3A_131 = tpu.memref_slice %arg7[%dma_start3A_128, %dma_start3A_129, %dma_start3A_130] : memref<2x80x128xf32, #tpu.memory_space<vmem>> -> memref<1x80x128xf32, #tpu.memory_space<vmem>>
        %dma_start3A_132 = tpu.memref_squeeze %dma_start3A_131 : memref<1x80x128xf32, #tpu.memory_space<vmem>> -> memref<80x128xf32, #tpu.memory_space<vmem>>
        %dma_start3A_133 = arith.constant 0 : i32
        %dma_start3A_134 = tpu.memref_slice %arg2[%add3A_127, %dma_start3A_133] : memref<140800x128xf32, #tpu.memory_space<hbm>> -> memref<80x128xf32, #tpu.memory_space<hbm>>
        %dma_start3A_135 = arith.constant 0 : i32
        %dma_start3A_136 = arith.constant 0 : i32
        %dma_start3A_137 = tpu.memref_slice %arg7[%dma_start3A_128, %dma_start3A_135, %dma_start3A_136] : memref<2x80x128xf32, #tpu.memory_space<vmem>> -> memref<1x80x128xf32, #tpu.memory_space<vmem>>
        %dma_start3A_138 = tpu.memref_squeeze %dma_start3A_137 : memref<1x80x128xf32, #tpu.memory_space<vmem>> -> memref<80x128xf32, #tpu.memory_space<vmem>>
        %dma_start3A_139 = arith.constant 0 : i32
        %dma_start3A_140 = tpu.memref_slice %arg2[%add3A_127, %dma_start3A_139] : memref<140800x128xf32, #tpu.memory_space<hbm>> -> memref<80x128xf32, #tpu.memory_space<hbm>>
        tpu.enqueue_dma source(%dma_start3A_140 : memref<80x128xf32, #tpu.memory_space<hbm>>) target(%dma_start3A_138 : memref<80x128xf32, #tpu.memory_space<vmem>>) target_semaphore(%arg9 : memref<!tpu.dma_semaphore, #tpu.memory_space<semaphore_mem>>)
      } else {
      }
      %mul3A_91 = arith.constant 2 : i32
      %mul3A_92 = arith.muli %scan3A_65, %mul3A_91 : i32
      %add3A_93 = arith.constant 1 : i32
      %add3A_94 = arith.addi %mul3A_92, %add3A_93 : i32
      %dma_wait3A_95 = arith.constant 1 : i32
      %dma_wait3A_96 = arith.constant 0 : i32
      %dma_wait3A_97 = arith.constant 0 : i32
      %dma_wait3A_98 = tpu.memref_slice %arg7[%dma_wait3A_95, %dma_wait3A_96, %dma_wait3A_97] : memref<2x80x128xf32, #tpu.memory_space<vmem>> -> memref<1x80x128xf32, #tpu.memory_space<vmem>>
      %dma_wait3A_99 = tpu.memref_squeeze %dma_wait3A_98 : memref<1x80x128xf32, #tpu.memory_space<vmem>> -> memref<80x128xf32, #tpu.memory_space<vmem>>
      %dma_wait3A_100 = arith.constant 0 : i32
      %dma_wait3A_101 = arith.constant 0 : i32
      %dma_wait3A_102 = tpu.memref_slice %arg2[%dma_wait3A_100, %dma_wait3A_101] : memref<140800x128xf32, #tpu.memory_space<hbm>> -> memref<80x128xf32, #tpu.memory_space<hbm>>
      %dma_wait3A_103 = arith.constant 0 : i32
      %dma_wait3A_104 = arith.constant 0 : i32
      %dma_wait3A_105 = tpu.memref_slice %arg7[%dma_wait3A_95, %dma_wait3A_103, %dma_wait3A_104] : memref<2x80x128xf32, #tpu.memory_space<vmem>> -> memref<1x80x128xf32, #tpu.memory_space<vmem>>
      %dma_wait3A_106 = tpu.memref_squeeze %dma_wait3A_105 : memref<1x80x128xf32, #tpu.memory_space<vmem>> -> memref<80x128xf32, #tpu.memory_space<vmem>>
      %dma_wait3A_107 = arith.constant 0 : i32
      %dma_wait3A_108 = arith.constant 0 : i32
      %dma_wait3A_109 = tpu.memref_slice %arg2[%dma_wait3A_107, %dma_wait3A_108] : memref<140800x128xf32, #tpu.memory_space<hbm>> -> memref<80x128xf32, #tpu.memory_space<hbm>>
      tpu.wait_dma2 semaphore(%arg10 : memref<!tpu.dma_semaphore, #tpu.memory_space<semaphore_mem>>) src(%dma_wait3A_109 : memref<80x128xf32, #tpu.memory_space<hbm>>) dst(%dma_wait3A_106 : memref<80x128xf32, #tpu.memory_space<vmem>>)
      %run_scoped3A_110 = arith.constant 1 : i32
      %run_scoped3A_111 = arith.constant 1 : i32
      "tpu.region"() ({
        %run_scoped3A_119 = tpu.sem_alloc : memref<!tpu.dma_semaphore, #tpu.memory_space<semaphore_mem>>
        %dma_start3A_120 = arith.constant 0 : i32
        %dma_start3A_121 = arith.constant 0 : i32
        %dma_start3A_122 = tpu.memref_slice %arg7[%run_scoped3A_110, %dma_start3A_120, %dma_start3A_121] : memref<2x80x128xf32, #tpu.memory_space<vmem>> -> memref<1x80x128xf32, #tpu.memory_space<vmem>>
        %dma_start3A_123 = tpu.memref_squeeze %dma_start3A_122 : memref<1x80x128xf32, #tpu.memory_space<vmem>> -> memref<80x128xf32, #tpu.memory_space<vmem>>
        %dma_start3A_124 = arith.constant 0 : i32
        %dma_start3A_125 = tpu.memref_slice %arg6[%run_scoped3A_111, %dma_start3A_124] : memref<2x80xi32, #tpu.memory_space<vmem>> -> memref<1x80xi32, #tpu.memory_space<vmem>>
        %dma_start3A_126 = tpu.memref_squeeze %dma_start3A_125 : memref<1x80xi32, #tpu.memory_space<vmem>> -> memref<80xi32, #tpu.memory_space<vmem>>
        %dma_start3A_127 = arith.constant 0 : i32
        %dma_start3A_128 = arith.constant 0 : i32
        %dma_start3A_129 = tpu.memref_slice %arg8[%dma_start3A_127, %dma_start3A_128] : memref<10240x128xf32, #tpu.memory_space<vmem_shared>> -> memref<10240x128xf32, #tpu.memory_space<vmem_shared>>
        tpu.enqueue_indirect_dma source(%dma_start3A_123 : memref<80x128xf32, #tpu.memory_space<vmem>>) target(%dma_start3A_129 : memref<10240x128xf32, #tpu.memory_space<vmem_shared>>) offsets(%dma_start3A_126 : memref<80xi32, #tpu.memory_space<vmem>>) semaphore(%run_scoped3A_119 : memref<!tpu.dma_semaphore, #tpu.memory_space<semaphore_mem>>) {add = true}
        %dma_wait3A_130 = arith.constant 0 : i32
        %dma_wait3A_131 = arith.constant 0 : i32
        %dma_wait3A_132 = tpu.memref_slice %arg7[%run_scoped3A_110, %dma_wait3A_130, %dma_wait3A_131] : memref<2x80x128xf32, #tpu.memory_space<vmem>> -> memref<1x80x128xf32, #tpu.memory_space<vmem>>
        %dma_wait3A_133 = tpu.memref_squeeze %dma_wait3A_132 : memref<1x80x128xf32, #tpu.memory_space<vmem>> -> memref<80x128xf32, #tpu.memory_space<vmem>>
        %dma_wait3A_134 = arith.constant 0 : i32
        %dma_wait3A_135 = tpu.memref_slice %arg6[%run_scoped3A_111, %dma_wait3A_134] : memref<2x80xi32, #tpu.memory_space<vmem>> -> memref<1x80xi32, #tpu.memory_space<vmem>>
        %dma_wait3A_136 = tpu.memref_squeeze %dma_wait3A_135 : memref<1x80xi32, #tpu.memory_space<vmem>> -> memref<80xi32, #tpu.memory_space<vmem>>
        %dma_wait3A_137 = arith.constant 0 : i32
        %dma_wait3A_138 = arith.constant 0 : i32
        %dma_wait3A_139 = tpu.memref_slice %arg8[%dma_wait3A_137, %dma_wait3A_138] : memref<10240x128xf32, #tpu.memory_space<vmem_shared>> -> memref<10240x128xf32, #tpu.memory_space<vmem_shared>>
        tpu.wait_indirect_dma semaphore(%run_scoped3A_119 : memref<!tpu.dma_semaphore, #tpu.memory_space<semaphore_mem>>) src(%dma_wait3A_133 : memref<80x128xf32, #tpu.memory_space<vmem>>) dst(%dma_wait3A_139 : memref<10240x128xf32, #tpu.memory_space<vmem_shared>>)
        tpu.yield
      }) : () -> ()
      %add3A_112 = arith.constant 2 : i32
      %add3A_113 = arith.addi %add3A_94, %add3A_112 : i32
      %lt3A_114 = arith.constant 55 : i32
      %lt3A_115 = arith.cmpi slt, %add3A_113, %lt3A_114 : i32
      %convert_element_type3A_116 = arith.extui %lt3A_115 : i1 to i32
      %cond3A_117 = arith.constant 0 : i32
      %cond3A_118 = arith.cmpi ne, %convert_element_type3A_116, %cond3A_117 : i32
      scf.if %cond3A_118 {
        %add3A_119 = arith.constant 2 : i32
        %add3A_120 = arith.addi %add3A_94, %add3A_119 : i32
        %mul3A_121 = arith.constant 80 : i32
        %mul3A_122 = arith.muli %add3A_120, %mul3A_121 : i32
        %add3A_123 = arith.addi %add3A_4, %mul3A_122 : i32
        %run_scoped3A_124 = arith.constant 1 : i32
        "tpu.region"() ({
          %run_scoped3A_141 = tpu.sem_alloc : memref<!tpu.dma_semaphore, #tpu.memory_space<semaphore_mem>>
          %dma_start3A_142 = arith.constant 0 : i32
          %dma_start3A_143 = tpu.memref_slice %arg6[%run_scoped3A_124, %dma_start3A_142] : memref<2x80xi32, #tpu.memory_space<vmem>> -> memref<1x80xi32, #tpu.memory_space<vmem>>
          %dma_start3A_144 = tpu.memref_squeeze %dma_start3A_143 : memref<1x80xi32, #tpu.memory_space<vmem>> -> memref<80xi32, #tpu.memory_space<vmem>>
          %dma_start3A_145 = tpu.memref_slice %arg3[%add3A_123] : memref<320000xi32, #tpu.memory_space<hbm>> -> memref<80xi32, #tpu.memory_space<hbm>>
          %dma_start3A_146 = arith.constant 0 : i32
          %dma_start3A_147 = tpu.memref_slice %arg6[%run_scoped3A_124, %dma_start3A_146] : memref<2x80xi32, #tpu.memory_space<vmem>> -> memref<1x80xi32, #tpu.memory_space<vmem>>
          %dma_start3A_148 = tpu.memref_squeeze %dma_start3A_147 : memref<1x80xi32, #tpu.memory_space<vmem>> -> memref<80xi32, #tpu.memory_space<vmem>>
          %dma_start3A_149 = tpu.memref_slice %arg3[%add3A_123] : memref<320000xi32, #tpu.memory_space<hbm>> -> memref<80xi32, #tpu.memory_space<hbm>>
          tpu.enqueue_dma source(%dma_start3A_149 : memref<80xi32, #tpu.memory_space<hbm>>) target(%dma_start3A_148 : memref<80xi32, #tpu.memory_space<vmem>>) target_semaphore(%run_scoped3A_141 : memref<!tpu.dma_semaphore, #tpu.memory_space<semaphore_mem>>)
          %dma_wait3A_150 = arith.constant 0 : i32
          %dma_wait3A_151 = tpu.memref_slice %arg6[%run_scoped3A_124, %dma_wait3A_150] : memref<2x80xi32, #tpu.memory_space<vmem>> -> memref<1x80xi32, #tpu.memory_space<vmem>>
          %dma_wait3A_152 = tpu.memref_squeeze %dma_wait3A_151 : memref<1x80xi32, #tpu.memory_space<vmem>> -> memref<80xi32, #tpu.memory_space<vmem>>
          %dma_wait3A_153 = tpu.memref_slice %arg3[%add3A_123] : memref<320000xi32, #tpu.memory_space<hbm>> -> memref<80xi32, #tpu.memory_space<hbm>>
          %dma_wait3A_154 = arith.constant 0 : i32
          %dma_wait3A_155 = tpu.memref_slice %arg6[%run_scoped3A_124, %dma_wait3A_154] : memref<2x80xi32, #tpu.memory_space<vmem>> -> memref<1x80xi32, #tpu.memory_space<vmem>>
          %dma_wait3A_156 = tpu.memref_squeeze %dma_wait3A_155 : memref<1x80xi32, #tpu.memory_space<vmem>> -> memref<80xi32, #tpu.memory_space<vmem>>
          %dma_wait3A_157 = tpu.memref_slice %arg3[%add3A_123] : memref<320000xi32, #tpu.memory_space<hbm>> -> memref<80xi32, #tpu.memory_space<hbm>>
          tpu.wait_dma2 semaphore(%run_scoped3A_141 : memref<!tpu.dma_semaphore, #tpu.memory_space<semaphore_mem>>) src(%dma_wait3A_157 : memref<80xi32, #tpu.memory_space<hbm>>) dst(%dma_wait3A_156 : memref<80xi32, #tpu.memory_space<vmem>>)
          tpu.yield
        }) : () -> ()
        %mul3A_125 = arith.constant 80 : i32
        %mul3A_126 = arith.muli %add3A_120, %mul3A_125 : i32
        %add3A_127 = arith.addi %mul3A_6, %mul3A_126 : i32
        %dma_start3A_128 = arith.constant 1 : i32
        %dma_start3A_129 = arith.constant 0 : i32
        %dma_start3A_130 = arith.constant 0 : i32
        %dma_start3A_131 = tpu.memref_slice %arg7[%dma_start3A_128, %dma_start3A_129, %dma_start3A_130] : memref<2x80x128xf32, #tpu.memory_space<vmem>> -> memref<1x80x128xf32, #tpu.memory_space<vmem>>
        %dma_start3A_132 = tpu.memref_squeeze %dma_start3A_131 : memref<1x80x128xf32, #tpu.memory_space<vmem>> -> memref<80x128xf32, #tpu.memory_space<vmem>>
        %dma_start3A_133 = arith.constant 0 : i32
        %dma_start3A_134 = tpu.memref_slice %arg2[%add3A_127, %dma_start3A_133] : memref<140800x128xf32, #tpu.memory_space<hbm>> -> memref<80x128xf32, #tpu.memory_space<hbm>>
        %dma_start3A_135 = arith.constant 0 : i32
        %dma_start3A_136 = arith.constant 0 : i32
        %dma_start3A_137 = tpu.memref_slice %arg7[%dma_start3A_128, %dma_start3A_135, %dma_start3A_136] : memref<2x80x128xf32, #tpu.memory_space<vmem>> -> memref<1x80x128xf32, #tpu.memory_space<vmem>>
        %dma_start3A_138 = tpu.memref_squeeze %dma_start3A_137 : memref<1x80x128xf32, #tpu.memory_space<vmem>> -> memref<80x128xf32, #tpu.memory_space<vmem>>
        %dma_start3A_139 = arith.constant 0 : i32
        %dma_start3A_140 = tpu.memref_slice %arg2[%add3A_127, %dma_start3A_139] : memref<140800x128xf32, #tpu.memory_space<hbm>> -> memref<80x128xf32, #tpu.memory_space<hbm>>
        tpu.enqueue_dma source(%dma_start3A_140 : memref<80x128xf32, #tpu.memory_space<hbm>>) target(%dma_start3A_138 : memref<80x128xf32, #tpu.memory_space<vmem>>) target_semaphore(%arg10 : memref<!tpu.dma_semaphore, #tpu.memory_space<semaphore_mem>>)
      } else {
      }
    }
    %scan3A_47 = arith.constant 27 : i32
    %dma_wait3A = arith.constant 0 : i32
    %dma_wait3A_48 = arith.constant 0 : i32
    %dma_wait3A_49 = arith.constant 0 : i32
    %dma_wait3A_50 = tpu.memref_slice %arg7[%dma_wait3A, %dma_wait3A_48, %dma_wait3A_49] : memref<2x80x128xf32, #tpu.memory_space<vmem>> -> memref<1x80x128xf32, #tpu.memory_space<vmem>>
    %dma_wait3A_51 = tpu.memref_squeeze %dma_wait3A_50 : memref<1x80x128xf32, #tpu.memory_space<vmem>> -> memref<80x128xf32, #tpu.memory_space<vmem>>
    %dma_wait3A_52 = arith.constant 0 : i32
    %dma_wait3A_53 = arith.constant 0 : i32
    %dma_wait3A_54 = tpu.memref_slice %arg2[%dma_wait3A_52, %dma_wait3A_53] : memref<140800x128xf32, #tpu.memory_space<hbm>> -> memref<80x128xf32, #tpu.memory_space<hbm>>
    %dma_wait3A_55 = arith.constant 0 : i32
    %dma_wait3A_56 = arith.constant 0 : i32
    %dma_wait3A_57 = tpu.memref_slice %arg7[%dma_wait3A, %dma_wait3A_55, %dma_wait3A_56] : memref<2x80x128xf32, #tpu.memory_space<vmem>> -> memref<1x80x128xf32, #tpu.memory_space<vmem>>
    %dma_wait3A_58 = tpu.memref_squeeze %dma_wait3A_57 : memref<1x80x128xf32, #tpu.memory_space<vmem>> -> memref<80x128xf32, #tpu.memory_space<vmem>>
    %dma_wait3A_59 = arith.constant 0 : i32
    %dma_wait3A_60 = arith.constant 0 : i32
    %dma_wait3A_61 = tpu.memref_slice %arg2[%dma_wait3A_59, %dma_wait3A_60] : memref<140800x128xf32, #tpu.memory_space<hbm>> -> memref<80x128xf32, #tpu.memory_space<hbm>>
    tpu.wait_dma2 semaphore(%arg9 : memref<!tpu.dma_semaphore, #tpu.memory_space<semaphore_mem>>) src(%dma_wait3A_61 : memref<80x128xf32, #tpu.memory_space<hbm>>) dst(%dma_wait3A_58 : memref<80x128xf32, #tpu.memory_space<vmem>>)
    %run_scoped3A_62 = arith.constant 0 : i32
    %run_scoped3A_63 = arith.constant 0 : i32
    "tpu.region"() ({
      %run_scoped3A_65 = tpu.sem_alloc : memref<!tpu.dma_semaphore, #tpu.memory_space<semaphore_mem>>
      %dma_start3A_66 = arith.constant 0 : i32
      %dma_start3A_67 = arith.constant 0 : i32
      %dma_start3A_68 = tpu.memref_slice %arg7[%run_scoped3A_62, %dma_start3A_66, %dma_start3A_67] : memref<2x80x128xf32, #tpu.memory_space<vmem>> -> memref<1x80x128xf32, #tpu.memory_space<vmem>>
      %dma_start3A_69 = tpu.memref_squeeze %dma_start3A_68 : memref<1x80x128xf32, #tpu.memory_space<vmem>> -> memref<80x128xf32, #tpu.memory_space<vmem>>
      %dma_start3A_70 = arith.constant 0 : i32
      %dma_start3A_71 = tpu.memref_slice %arg6[%run_scoped3A_63, %dma_start3A_70] : memref<2x80xi32, #tpu.memory_space<vmem>> -> memref<1x80xi32, #tpu.memory_space<vmem>>
      %dma_start3A_72 = tpu.memref_squeeze %dma_start3A_71 : memref<1x80xi32, #tpu.memory_space<vmem>> -> memref<80xi32, #tpu.memory_space<vmem>>
      %dma_start3A_73 = arith.constant 0 : i32
      %dma_start3A_74 = arith.constant 0 : i32
      %dma_start3A_75 = tpu.memref_slice %arg8[%dma_start3A_73, %dma_start3A_74] : memref<10240x128xf32, #tpu.memory_space<vmem_shared>> -> memref<10240x128xf32, #tpu.memory_space<vmem_shared>>
      tpu.enqueue_indirect_dma source(%dma_start3A_69 : memref<80x128xf32, #tpu.memory_space<vmem>>) target(%dma_start3A_75 : memref<10240x128xf32, #tpu.memory_space<vmem_shared>>) offsets(%dma_start3A_72 : memref<80xi32, #tpu.memory_space<vmem>>) semaphore(%run_scoped3A_65 : memref<!tpu.dma_semaphore, #tpu.memory_space<semaphore_mem>>) {add = true}
      %dma_wait3A_76 = arith.constant 0 : i32
      %dma_wait3A_77 = arith.constant 0 : i32
      %dma_wait3A_78 = tpu.memref_slice %arg7[%run_scoped3A_62, %dma_wait3A_76, %dma_wait3A_77] : memref<2x80x128xf32, #tpu.memory_space<vmem>> -> memref<1x80x128xf32, #tpu.memory_space<vmem>>
      %dma_wait3A_79 = tpu.memref_squeeze %dma_wait3A_78 : memref<1x80x128xf32, #tpu.memory_space<vmem>> -> memref<80x128xf32, #tpu.memory_space<vmem>>
      %dma_wait3A_80 = arith.constant 0 : i32
      %dma_wait3A_81 = tpu.memref_slice %arg6[%run_scoped3A_63, %dma_wait3A_80] : memref<2x80xi32, #tpu.memory_space<vmem>> -> memref<1x80xi32, #tpu.memory_space<vmem>>
      %dma_wait3A_82 = tpu.memref_squeeze %dma_wait3A_81 : memref<1x80xi32, #tpu.memory_space<vmem>> -> memref<80xi32, #tpu.memory_space<vmem>>
      %dma_wait3A_83 = arith.constant 0 : i32
      %dma_wait3A_84 = arith.constant 0 : i32
      %dma_wait3A_85 = tpu.memref_slice %arg8[%dma_wait3A_83, %dma_wait3A_84] : memref<10240x128xf32, #tpu.memory_space<vmem_shared>> -> memref<10240x128xf32, #tpu.memory_space<vmem_shared>>
      tpu.wait_indirect_dma semaphore(%run_scoped3A_65 : memref<!tpu.dma_semaphore, #tpu.memory_space<semaphore_mem>>) src(%dma_wait3A_79 : memref<80x128xf32, #tpu.memory_space<vmem>>) dst(%dma_wait3A_85 : memref<10240x128xf32, #tpu.memory_space<vmem_shared>>)
      tpu.yield
    }) : () -> ()
    %barrier3A_64 = arith.constant 0 : index
    tpu.barrier barrier_id(%barrier3A_64)
    "tpu.region"() ({
      %run_scoped3A_65 = tpu.sem_alloc : memref<!tpu.dma_semaphore, #tpu.memory_space<semaphore_mem>>
      %dma_start3A_66 = arith.constant 0 : i32
      %dma_start3A_67 = arith.constant 0 : i32
      %dma_start3A_68 = tpu.memref_slice %arg5[%arg0, %dma_start3A_66, %dma_start3A_67] : memref<2x10240x128xf32, #tpu.memory_space<hbm>> -> memref<1x10240x128xf32, #tpu.memory_space<hbm>>
      %dma_start3A_69 = tpu.memref_squeeze %dma_start3A_68 : memref<1x10240x128xf32, #tpu.memory_space<hbm>> -> memref<10240x128xf32, #tpu.memory_space<hbm>>
      %dma_start3A_70 = arith.constant 0 : i32
      %dma_start3A_71 = tpu.memref_slice %dma_start3A_69[%mul3A_8, %dma_start3A_70] : memref<10240x128xf32, #tpu.memory_space<hbm>> -> memref<640x128xf32, #tpu.memory_space<hbm>>
      %dma_start3A_72 = arith.constant 0 : i32
      %dma_start3A_73 = tpu.memref_slice %arg8[%mul3A_8, %dma_start3A_72] : memref<10240x128xf32, #tpu.memory_space<vmem_shared>> -> memref<640x128xf32, #tpu.memory_space<vmem_shared>>
      tpu.enqueue_dma source(%dma_start3A_73 : memref<640x128xf32, #tpu.memory_space<vmem_shared>>) target(%dma_start3A_71 : memref<640x128xf32, #tpu.memory_space<hbm>>) target_semaphore(%run_scoped3A_65 : memref<!tpu.dma_semaphore, #tpu.memory_space<semaphore_mem>>)
      %dma_wait3A_74 = arith.constant 0 : i32
      %dma_wait3A_75 = arith.constant 0 : i32
      %dma_wait3A_76 = tpu.memref_slice %arg5[%arg0, %dma_wait3A_74, %dma_wait3A_75] : memref<2x10240x128xf32, #tpu.memory_space<hbm>> -> memref<1x10240x128xf32, #tpu.memory_space<hbm>>
      %dma_wait3A_77 = tpu.memref_squeeze %dma_wait3A_76 : memref<1x10240x128xf32, #tpu.memory_space<hbm>> -> memref<10240x128xf32, #tpu.memory_space<hbm>>
      %dma_wait3A_78 = arith.constant 0 : i32
      %dma_wait3A_79 = tpu.memref_slice %dma_wait3A_77[%mul3A_8, %dma_wait3A_78] : memref<10240x128xf32, #tpu.memory_space<hbm>> -> memref<640x128xf32, #tpu.memory_space<hbm>>
      %dma_wait3A_80 = arith.constant 0 : i32
      %dma_wait3A_81 = tpu.memref_slice %arg8[%mul3A_8, %dma_wait3A_80] : memref<10240x128xf32, #tpu.memory_space<vmem_shared>> -> memref<640x128xf32, #tpu.memory_space<vmem_shared>>
      tpu.wait_dma2 semaphore(%run_scoped3A_65 : memref<!tpu.dma_semaphore, #tpu.memory_space<semaphore_mem>>) src(%dma_wait3A_81 : memref<640x128xf32, #tpu.memory_space<vmem_shared>>) dst(%dma_wait3A_79 : memref<640x128xf32, #tpu.memory_space<hbm>>)
      tpu.yield
    }) : () -> ()
    return
  }
}

#map = affine_map<(d0, d1) -> (0, 0)>
#map1 = affine_map<(d0, d1) -> (0)>
module attributes {stable_mosaic.version = 14 : i64} {
  func.func @body(%arg0: i32, %arg1: i32, %arg2: memref<10000x128xf32, #tpu.memory_space<hbm>>, %arg3: memref<10000x128xf32, #tpu.memory_space<hbm>>, %arg4: memref<320000xi32, #tpu.memory_space<hbm>>, %arg5: memref<320000xi32, #tpu.memory_space<hbm>>, %arg6: memref<320000x128xf32, #tpu.memory_space<hbm>>, %arg7: memref<10000xi32, #tpu.memory_space<vmem>>, %arg8: memref<10000xi32, #tpu.memory_space<vmem>>, %arg9: memref<2x80x128xf32, #tpu.memory_space<vmem>>, %arg10: memref<2x80x128xf32, #tpu.memory_space<vmem>>, %arg11: memref<!tpu.dma_semaphore, #tpu.memory_space<semaphore_mem>>, %arg12: memref<!tpu.dma_semaphore, #tpu.memory_space<semaphore_mem>>, %arg13: memref<!tpu.dma_semaphore, #tpu.memory_space<semaphore_mem>>, %arg14: memref<!tpu.dma_semaphore, #tpu.memory_space<semaphore_mem>>) attributes {dimension_semantics = [#tpu.dimension_semantics<core_parallel>, #tpu.dimension_semantics<subcore_parallel>], iteration_bounds = array<i64: 2, 16>, scalar_prefetch = 0 : i64, scratch_operands = 8 : i64, tpu.core_type = #tpu.core_type<sc_vector_subcore>, window_params = [{transform_indices = #map}, {transform_indices = #map}, {transform_indices = #map1}, {transform_indices = #map1}, {transform_indices = #map}]} {
    %mul3A = arith.constant 2 : i32
    %mul3A_0 = arith.muli %arg1, %mul3A : i32
    %add3A = arith.addi %mul3A_0, %arg0 : i32
    %mul3A_1 = arith.constant 10000 : i32
    %mul3A_2 = arith.muli %add3A, %mul3A_1 : i32
    %add3A_3 = arith.constant 0 : i32
    %add3A_4 = arith.addi %add3A_3, %mul3A_2 : i32
    %mul3A_5 = arith.constant 10000 : i32
    %mul3A_6 = arith.muli %add3A, %mul3A_5 : i32
    "tpu.region"() ({
      %run_scoped3A_78 = tpu.sem_alloc : memref<!tpu.dma_semaphore, #tpu.memory_space<semaphore_mem>>
      %dma_start3A_79 = tpu.memref_slice %arg4[%add3A_4] : memref<320000xi32, #tpu.memory_space<hbm>> -> memref<10000xi32, #tpu.memory_space<hbm>>
      %dma_start3A_80 = tpu.memref_slice %arg4[%add3A_4] : memref<320000xi32, #tpu.memory_space<hbm>> -> memref<10000xi32, #tpu.memory_space<hbm>>
      tpu.enqueue_dma source(%dma_start3A_80 : memref<10000xi32, #tpu.memory_space<hbm>>) target(%arg7 : memref<10000xi32, #tpu.memory_space<vmem>>) target_semaphore(%run_scoped3A_78 : memref<!tpu.dma_semaphore, #tpu.memory_space<semaphore_mem>>)
      %dma_wait3A_81 = tpu.memref_slice %arg4[%add3A_4] : memref<320000xi32, #tpu.memory_space<hbm>> -> memref<10000xi32, #tpu.memory_space<hbm>>
      %dma_wait3A_82 = tpu.memref_slice %arg4[%add3A_4] : memref<320000xi32, #tpu.memory_space<hbm>> -> memref<10000xi32, #tpu.memory_space<hbm>>
      tpu.wait_dma2 semaphore(%run_scoped3A_78 : memref<!tpu.dma_semaphore, #tpu.memory_space<semaphore_mem>>) src(%dma_wait3A_82 : memref<10000xi32, #tpu.memory_space<hbm>>) dst(%arg7 : memref<10000xi32, #tpu.memory_space<vmem>>)
      tpu.yield
    }) : () -> ()
    "tpu.region"() ({
      %run_scoped3A_78 = tpu.sem_alloc : memref<!tpu.dma_semaphore, #tpu.memory_space<semaphore_mem>>
      %dma_start3A_79 = tpu.memref_slice %arg5[%add3A_4] : memref<320000xi32, #tpu.memory_space<hbm>> -> memref<10000xi32, #tpu.memory_space<hbm>>
      %dma_start3A_80 = tpu.memref_slice %arg5[%add3A_4] : memref<320000xi32, #tpu.memory_space<hbm>> -> memref<10000xi32, #tpu.memory_space<hbm>>
      tpu.enqueue_dma source(%dma_start3A_80 : memref<10000xi32, #tpu.memory_space<hbm>>) target(%arg8 : memref<10000xi32, #tpu.memory_space<vmem>>) target_semaphore(%run_scoped3A_78 : memref<!tpu.dma_semaphore, #tpu.memory_space<semaphore_mem>>)
      %dma_wait3A_81 = tpu.memref_slice %arg5[%add3A_4] : memref<320000xi32, #tpu.memory_space<hbm>> -> memref<10000xi32, #tpu.memory_space<hbm>>
      %dma_wait3A_82 = tpu.memref_slice %arg5[%add3A_4] : memref<320000xi32, #tpu.memory_space<hbm>> -> memref<10000xi32, #tpu.memory_space<hbm>>
      tpu.wait_dma2 semaphore(%run_scoped3A_78 : memref<!tpu.dma_semaphore, #tpu.memory_space<semaphore_mem>>) src(%dma_wait3A_82 : memref<10000xi32, #tpu.memory_space<hbm>>) dst(%arg8 : memref<10000xi32, #tpu.memory_space<vmem>>)
      tpu.yield
    }) : () -> ()
    %dma_start3A = arith.constant 0 : i32
    %dma_start3A_7 = arith.constant 0 : i32
    %dma_start3A_8 = arith.constant 0 : i32
    %dma_start3A_9 = tpu.memref_slice %arg9[%dma_start3A, %dma_start3A_7, %dma_start3A_8] : memref<2x80x128xf32, #tpu.memory_space<vmem>> -> memref<1x80x128xf32, #tpu.memory_space<vmem>>
    %dma_start3A_10 = tpu.memref_squeeze %dma_start3A_9 : memref<1x80x128xf32, #tpu.memory_space<vmem>> -> memref<80x128xf32, #tpu.memory_space<vmem>>
    %dma_start3A_11 = arith.constant 0 : i32
    %dma_start3A_12 = tpu.memref_slice %arg7[%dma_start3A_11] : memref<10000xi32, #tpu.memory_space<vmem>> -> memref<80xi32, #tpu.memory_space<vmem>>
    %dma_start3A_13 = arith.constant 0 : i32
    %dma_start3A_14 = arith.constant 0 : i32
    %dma_start3A_15 = tpu.memref_slice %arg2[%dma_start3A_13, %dma_start3A_14] : memref<10000x128xf32, #tpu.memory_space<hbm>> -> memref<10000x128xf32, #tpu.memory_space<hbm>>
    tpu.enqueue_indirect_dma source(%dma_start3A_15 : memref<10000x128xf32, #tpu.memory_space<hbm>>) target(%dma_start3A_10 : memref<80x128xf32, #tpu.memory_space<vmem>>) offsets(%dma_start3A_12 : memref<80xi32, #tpu.memory_space<vmem>>) semaphore(%arg11 : memref<!tpu.dma_semaphore, #tpu.memory_space<semaphore_mem>>)
    %dma_start3A_16 = arith.constant 0 : i32
    %dma_start3A_17 = arith.constant 0 : i32
    %dma_start3A_18 = arith.constant 0 : i32
    %dma_start3A_19 = tpu.memref_slice %arg10[%dma_start3A_16, %dma_start3A_17, %dma_start3A_18] : memref<2x80x128xf32, #tpu.memory_space<vmem>> -> memref<1x80x128xf32, #tpu.memory_space<vmem>>
    %dma_start3A_20 = tpu.memref_squeeze %dma_start3A_19 : memref<1x80x128xf32, #tpu.memory_space<vmem>> -> memref<80x128xf32, #tpu.memory_space<vmem>>
    %dma_start3A_21 = arith.constant 0 : i32
    %dma_start3A_22 = tpu.memref_slice %arg8[%dma_start3A_21] : memref<10000xi32, #tpu.memory_space<vmem>> -> memref<80xi32, #tpu.memory_space<vmem>>
    %dma_start3A_23 = arith.constant 0 : i32
    %dma_start3A_24 = arith.constant 0 : i32
    %dma_start3A_25 = tpu.memref_slice %arg3[%dma_start3A_23, %dma_start3A_24] : memref<10000x128xf32, #tpu.memory_space<hbm>> -> memref<10000x128xf32, #tpu.memory_space<hbm>>
    tpu.enqueue_indirect_dma source(%dma_start3A_25 : memref<10000x128xf32, #tpu.memory_space<hbm>>) target(%dma_start3A_20 : memref<80x128xf32, #tpu.memory_space<vmem>>) offsets(%dma_start3A_22 : memref<80xi32, #tpu.memory_space<vmem>>) semaphore(%arg13 : memref<!tpu.dma_semaphore, #tpu.memory_space<semaphore_mem>>)
    %dma_start3A_26 = arith.constant 1 : i32
    %dma_start3A_27 = arith.constant 0 : i32
    %dma_start3A_28 = arith.constant 0 : i32
    %dma_start3A_29 = tpu.memref_slice %arg9[%dma_start3A_26, %dma_start3A_27, %dma_start3A_28] : memref<2x80x128xf32, #tpu.memory_space<vmem>> -> memref<1x80x128xf32, #tpu.memory_space<vmem>>
    %dma_start3A_30 = tpu.memref_squeeze %dma_start3A_29 : memref<1x80x128xf32, #tpu.memory_space<vmem>> -> memref<80x128xf32, #tpu.memory_space<vmem>>
    %dma_start3A_31 = arith.constant 80 : i32
    %dma_start3A_32 = tpu.memref_slice %arg7[%dma_start3A_31] : memref<10000xi32, #tpu.memory_space<vmem>> -> memref<80xi32, #tpu.memory_space<vmem>>
    %dma_start3A_33 = arith.constant 0 : i32
    %dma_start3A_34 = arith.constant 0 : i32
    %dma_start3A_35 = tpu.memref_slice %arg2[%dma_start3A_33, %dma_start3A_34] : memref<10000x128xf32, #tpu.memory_space<hbm>> -> memref<10000x128xf32, #tpu.memory_space<hbm>>
    tpu.enqueue_indirect_dma source(%dma_start3A_35 : memref<10000x128xf32, #tpu.memory_space<hbm>>) target(%dma_start3A_30 : memref<80x128xf32, #tpu.memory_space<vmem>>) offsets(%dma_start3A_32 : memref<80xi32, #tpu.memory_space<vmem>>) semaphore(%arg12 : memref<!tpu.dma_semaphore, #tpu.memory_space<semaphore_mem>>)
    %dma_start3A_36 = arith.constant 1 : i32
    %dma_start3A_37 = arith.constant 0 : i32
    %dma_start3A_38 = arith.constant 0 : i32
    %dma_start3A_39 = tpu.memref_slice %arg10[%dma_start3A_36, %dma_start3A_37, %dma_start3A_38] : memref<2x80x128xf32, #tpu.memory_space<vmem>> -> memref<1x80x128xf32, #tpu.memory_space<vmem>>
    %dma_start3A_40 = tpu.memref_squeeze %dma_start3A_39 : memref<1x80x128xf32, #tpu.memory_space<vmem>> -> memref<80x128xf32, #tpu.memory_space<vmem>>
    %dma_start3A_41 = arith.constant 80 : i32
    %dma_start3A_42 = tpu.memref_slice %arg8[%dma_start3A_41] : memref<10000xi32, #tpu.memory_space<vmem>> -> memref<80xi32, #tpu.memory_space<vmem>>
    %dma_start3A_43 = arith.constant 0 : i32
    %dma_start3A_44 = arith.constant 0 : i32
    %dma_start3A_45 = tpu.memref_slice %arg3[%dma_start3A_43, %dma_start3A_44] : memref<10000x128xf32, #tpu.memory_space<hbm>> -> memref<10000x128xf32, #tpu.memory_space<hbm>>
    tpu.enqueue_indirect_dma source(%dma_start3A_45 : memref<10000x128xf32, #tpu.memory_space<hbm>>) target(%dma_start3A_40 : memref<80x128xf32, #tpu.memory_space<vmem>>) offsets(%dma_start3A_42 : memref<80xi32, #tpu.memory_space<vmem>>) semaphore(%arg14 : memref<!tpu.dma_semaphore, #tpu.memory_space<semaphore_mem>>)
    %scan3A = arith.constant 0 : i32
    %scan3A_46 = arith.constant 0 : i32
    %scan3A_47 = arith.constant 62 : i32
    %scan3A_48 = arith.addi %scan3A_46, %scan3A_47 : i32
    %scan3A_49 = arith.constant 1 : i32
    scf.for %scan3A_78 = %scan3A_46 to %scan3A_48 step %scan3A_49  : i32 {
      %mul3A_79 = arith.constant 2 : i32
      %mul3A_80 = arith.muli %scan3A_78, %mul3A_79 : i32
      %add3A_81 = arith.constant 0 : i32
      %add3A_82 = arith.addi %mul3A_80, %add3A_81 : i32
      %dma_wait3A_83 = arith.constant 0 : i32
      %dma_wait3A_84 = arith.constant 0 : i32
      %dma_wait3A_85 = arith.constant 0 : i32
      %dma_wait3A_86 = tpu.memref_slice %arg9[%dma_wait3A_83, %dma_wait3A_84, %dma_wait3A_85] : memref<2x80x128xf32, #tpu.memory_space<vmem>> -> memref<1x80x128xf32, #tpu.memory_space<vmem>>
      %dma_wait3A_87 = tpu.memref_squeeze %dma_wait3A_86 : memref<1x80x128xf32, #tpu.memory_space<vmem>> -> memref<80x128xf32, #tpu.memory_space<vmem>>
      %dma_wait3A_88 = arith.constant 0 : i32
      %dma_wait3A_89 = tpu.memref_slice %arg7[%dma_wait3A_88] : memref<10000xi32, #tpu.memory_space<vmem>> -> memref<80xi32, #tpu.memory_space<vmem>>
      %dma_wait3A_90 = arith.constant 0 : i32
      %dma_wait3A_91 = arith.constant 0 : i32
      %dma_wait3A_92 = tpu.memref_slice %arg2[%dma_wait3A_90, %dma_wait3A_91] : memref<10000x128xf32, #tpu.memory_space<hbm>> -> memref<10000x128xf32, #tpu.memory_space<hbm>>
      tpu.wait_indirect_dma semaphore(%arg11 : memref<!tpu.dma_semaphore, #tpu.memory_space<semaphore_mem>>) src(%dma_wait3A_92 : memref<10000x128xf32, #tpu.memory_space<hbm>>) dst(%dma_wait3A_87 : memref<80x128xf32, #tpu.memory_space<vmem>>)
      %dma_wait3A_93 = arith.constant 0 : i32
      %dma_wait3A_94 = arith.constant 0 : i32
      %dma_wait3A_95 = arith.constant 0 : i32
      %dma_wait3A_96 = tpu.memref_slice %arg10[%dma_wait3A_93, %dma_wait3A_94, %dma_wait3A_95] : memref<2x80x128xf32, #tpu.memory_space<vmem>> -> memref<1x80x128xf32, #tpu.memory_space<vmem>>
      %dma_wait3A_97 = tpu.memref_squeeze %dma_wait3A_96 : memref<1x80x128xf32, #tpu.memory_space<vmem>> -> memref<80x128xf32, #tpu.memory_space<vmem>>
      %dma_wait3A_98 = arith.constant 0 : i32
      %dma_wait3A_99 = tpu.memref_slice %arg8[%dma_wait3A_98] : memref<10000xi32, #tpu.memory_space<vmem>> -> memref<80xi32, #tpu.memory_space<vmem>>
      %dma_wait3A_100 = arith.constant 0 : i32
      %dma_wait3A_101 = arith.constant 0 : i32
      %dma_wait3A_102 = tpu.memref_slice %arg3[%dma_wait3A_100, %dma_wait3A_101] : memref<10000x128xf32, #tpu.memory_space<hbm>> -> memref<10000x128xf32, #tpu.memory_space<hbm>>
      tpu.wait_indirect_dma semaphore(%arg13 : memref<!tpu.dma_semaphore, #tpu.memory_space<semaphore_mem>>) src(%dma_wait3A_102 : memref<10000x128xf32, #tpu.memory_space<hbm>>) dst(%dma_wait3A_97 : memref<80x128xf32, #tpu.memory_space<vmem>>)
      %scan3A_103 = arith.constant 0 : i32
      %scan3A_104 = arith.constant 0 : i32
      %scan3A_105 = arith.constant 80 : i32
      %scan3A_106 = arith.addi %scan3A_104, %scan3A_105 : i32
      %scan3A_107 = arith.constant 1 : i32
      scf.for %scan3A_158 = %scan3A_104 to %scan3A_106 step %scan3A_107  : i32 {
        %get3A = arith.constant 0 : i32
        %get3A_159 = arith.index_cast %get3A : i32 to index
        %get3A_160 = arith.index_cast %scan3A_158 : i32 to index
        %get3A_161 = arith.constant 0 : index
        %get3A_162 = tpu.vector_load %arg9[%get3A_159, %get3A_160, %get3A_161] {strides = array<i32>} : memref<2x80x128xf32, #tpu.memory_space<vmem>>, vector<1x1x16xf32>,
        %get3A_163 = vector.shape_cast %get3A_162 : vector<1x1x16xf32> to vector<16xf32>
        %get3A_164 = arith.constant 0 : i32
        %get3A_165 = arith.index_cast %get3A_164 : i32 to index
        %get3A_166 = arith.index_cast %scan3A_158 : i32 to index
        %get3A_167 = arith.constant 0 : index
        %get3A_168 = tpu.vector_load %arg10[%get3A_165, %get3A_166, %get3A_167] {strides = array<i32>} : memref<2x80x128xf32, #tpu.memory_space<vmem>>, vector<1x1x16xf32>,
        %get3A_169 = vector.shape_cast %get3A_168 : vector<1x1x16xf32> to vector<16xf32>
        %add3A_170 = arith.addf %get3A_163, %get3A_169 : vector<16xf32>
        %swap3A = arith.constant 0 : i32
        %swap3A_171 = arith.index_cast %swap3A : i32 to index
        %swap3A_172 = arith.index_cast %scan3A_158 : i32 to index
        %swap3A_173 = arith.constant 0 : index
        %swap3A_174 = tpu.vector_load %arg9[%swap3A_171, %swap3A_172, %swap3A_173] {strides = array<i32>} : memref<2x80x128xf32, #tpu.memory_space<vmem>>, vector<1x1x16xf32>,
        %swap3A_175 = vector.shape_cast %swap3A_174 : vector<1x1x16xf32> to vector<16xf32>
        %swap3A_176 = vector.shape_cast %add3A_170 : vector<16xf32> to vector<1x1x16xf32>
        tpu.vector_store %arg9[%swap3A_171, %swap3A_172, %swap3A_173], %swap3A_176 {strides = array<i32>} : memref<2x80x128xf32, #tpu.memory_space<vmem>>, vector<1x1x16xf32>,
        %get3A_177 = arith.constant 0 : i32
        %get3A_178 = arith.index_cast %get3A_177 : i32 to index
        %get3A_179 = arith.index_cast %scan3A_158 : i32 to index
        %get3A_180 = arith.constant 16 : index
        %get3A_181 = tpu.vector_load %arg9[%get3A_178, %get3A_179, %get3A_180] {strides = array<i32>} : memref<2x80x128xf32, #tpu.memory_space<vmem>>, vector<1x1x16xf32>,
        %get3A_182 = vector.shape_cast %get3A_181 : vector<1x1x16xf32> to vector<16xf32>
        %get3A_183 = arith.constant 0 : i32
        %get3A_184 = arith.index_cast %get3A_183 : i32 to index
        %get3A_185 = arith.index_cast %scan3A_158 : i32 to index
        %get3A_186 = arith.constant 16 : index
        %get3A_187 = tpu.vector_load %arg10[%get3A_184, %get3A_185, %get3A_186] {strides = array<i32>} : memref<2x80x128xf32, #tpu.memory_space<vmem>>, vector<1x1x16xf32>,
        %get3A_188 = vector.shape_cast %get3A_187 : vector<1x1x16xf32> to vector<16xf32>
        %add3A_189 = arith.addf %get3A_182, %get3A_188 : vector<16xf32>
        %swap3A_190 = arith.constant 0 : i32
        %swap3A_191 = arith.index_cast %swap3A_190 : i32 to index
        %swap3A_192 = arith.index_cast %scan3A_158 : i32 to index
        %swap3A_193 = arith.constant 16 : index
        %swap3A_194 = tpu.vector_load %arg9[%swap3A_191, %swap3A_192, %swap3A_193] {strides = array<i32>} : memref<2x80x128xf32, #tpu.memory_space<vmem>>, vector<1x1x16xf32>,
        %swap3A_195 = vector.shape_cast %swap3A_194 : vector<1x1x16xf32> to vector<16xf32>
        %swap3A_196 = vector.shape_cast %add3A_189 : vector<16xf32> to vector<1x1x16xf32>
        tpu.vector_store %arg9[%swap3A_191, %swap3A_192, %swap3A_193], %swap3A_196 {strides = array<i32>} : memref<2x80x128xf32, #tpu.memory_space<vmem>>, vector<1x1x16xf32>,
        %get3A_197 = arith.constant 0 : i32
        %get3A_198 = arith.index_cast %get3A_197 : i32 to index
        %get3A_199 = arith.index_cast %scan3A_158 : i32 to index
        %get3A_200 = arith.constant 32 : index
        %get3A_201 = tpu.vector_load %arg9[%get3A_198, %get3A_199, %get3A_200] {strides = array<i32>} : memref<2x80x128xf32, #tpu.memory_space<vmem>>, vector<1x1x16xf32>,
        %get3A_202 = vector.shape_cast %get3A_201 : vector<1x1x16xf32> to vector<16xf32>
        %get3A_203 = arith.constant 0 : i32
        %get3A_204 = arith.index_cast %get3A_203 : i32 to index
        %get3A_205 = arith.index_cast %scan3A_158 : i32 to index
        %get3A_206 = arith.constant 32 : index
        %get3A_207 = tpu.vector_load %arg10[%get3A_204, %get3A_205, %get3A_206] {strides = array<i32>} : memref<2x80x128xf32, #tpu.memory_space<vmem>>, vector<1x1x16xf32>,
        %get3A_208 = vector.shape_cast %get3A_207 : vector<1x1x16xf32> to vector<16xf32>
        %add3A_209 = arith.addf %get3A_202, %get3A_208 : vector<16xf32>
        %swap3A_210 = arith.constant 0 : i32
        %swap3A_211 = arith.index_cast %swap3A_210 : i32 to index
        %swap3A_212 = arith.index_cast %scan3A_158 : i32 to index
        %swap3A_213 = arith.constant 32 : index
        %swap3A_214 = tpu.vector_load %arg9[%swap3A_211, %swap3A_212, %swap3A_213] {strides = array<i32>} : memref<2x80x128xf32, #tpu.memory_space<vmem>>, vector<1x1x16xf32>,
        %swap3A_215 = vector.shape_cast %swap3A_214 : vector<1x1x16xf32> to vector<16xf32>
        %swap3A_216 = vector.shape_cast %add3A_209 : vector<16xf32> to vector<1x1x16xf32>
        tpu.vector_store %arg9[%swap3A_211, %swap3A_212, %swap3A_213], %swap3A_216 {strides = array<i32>} : memref<2x80x128xf32, #tpu.memory_space<vmem>>, vector<1x1x16xf32>,
        %get3A_217 = arith.constant 0 : i32
        %get3A_218 = arith.index_cast %get3A_217 : i32 to index
        %get3A_219 = arith.index_cast %scan3A_158 : i32 to index
        %get3A_220 = arith.constant 48 : index
        %get3A_221 = tpu.vector_load %arg9[%get3A_218, %get3A_219, %get3A_220] {strides = array<i32>} : memref<2x80x128xf32, #tpu.memory_space<vmem>>, vector<1x1x16xf32>,
        %get3A_222 = vector.shape_cast %get3A_221 : vector<1x1x16xf32> to vector<16xf32>
        %get3A_223 = arith.constant 0 : i32
        %get3A_224 = arith.index_cast %get3A_223 : i32 to index
        %get3A_225 = arith.index_cast %scan3A_158 : i32 to index
        %get3A_226 = arith.constant 48 : index
        %get3A_227 = tpu.vector_load %arg10[%get3A_224, %get3A_225, %get3A_226] {strides = array<i32>} : memref<2x80x128xf32, #tpu.memory_space<vmem>>, vector<1x1x16xf32>,
        %get3A_228 = vector.shape_cast %get3A_227 : vector<1x1x16xf32> to vector<16xf32>
        %add3A_229 = arith.addf %get3A_222, %get3A_228 : vector<16xf32>
        %swap3A_230 = arith.constant 0 : i32
        %swap3A_231 = arith.index_cast %swap3A_230 : i32 to index
        %swap3A_232 = arith.index_cast %scan3A_158 : i32 to index
        %swap3A_233 = arith.constant 48 : index
        %swap3A_234 = tpu.vector_load %arg9[%swap3A_231, %swap3A_232, %swap3A_233] {strides = array<i32>} : memref<2x80x128xf32, #tpu.memory_space<vmem>>, vector<1x1x16xf32>,
        %swap3A_235 = vector.shape_cast %swap3A_234 : vector<1x1x16xf32> to vector<16xf32>
        %swap3A_236 = vector.shape_cast %add3A_229 : vector<16xf32> to vector<1x1x16xf32>
        tpu.vector_store %arg9[%swap3A_231, %swap3A_232, %swap3A_233], %swap3A_236 {strides = array<i32>} : memref<2x80x128xf32, #tpu.memory_space<vmem>>, vector<1x1x16xf32>,
        %get3A_237 = arith.constant 0 : i32
        %get3A_238 = arith.index_cast %get3A_237 : i32 to index
        %get3A_239 = arith.index_cast %scan3A_158 : i32 to index
        %get3A_240 = arith.constant 64 : index
        %get3A_241 = tpu.vector_load %arg9[%get3A_238, %get3A_239, %get3A_240] {strides = array<i32>} : memref<2x80x128xf32, #tpu.memory_space<vmem>>, vector<1x1x16xf32>,
        %get3A_242 = vector.shape_cast %get3A_241 : vector<1x1x16xf32> to vector<16xf32>
        %get3A_243 = arith.constant 0 : i32
        %get3A_244 = arith.index_cast %get3A_243 : i32 to index
        %get3A_245 = arith.index_cast %scan3A_158 : i32 to index
        %get3A_246 = arith.constant 64 : index
        %get3A_247 = tpu.vector_load %arg10[%get3A_244, %get3A_245, %get3A_246] {strides = array<i32>} : memref<2x80x128xf32, #tpu.memory_space<vmem>>, vector<1x1x16xf32>,
        %get3A_248 = vector.shape_cast %get3A_247 : vector<1x1x16xf32> to vector<16xf32>
        %add3A_249 = arith.addf %get3A_242, %get3A_248 : vector<16xf32>
        %swap3A_250 = arith.constant 0 : i32
        %swap3A_251 = arith.index_cast %swap3A_250 : i32 to index
        %swap3A_252 = arith.index_cast %scan3A_158 : i32 to index
        %swap3A_253 = arith.constant 64 : index
        %swap3A_254 = tpu.vector_load %arg9[%swap3A_251, %swap3A_252, %swap3A_253] {strides = array<i32>} : memref<2x80x128xf32, #tpu.memory_space<vmem>>, vector<1x1x16xf32>,
        %swap3A_255 = vector.shape_cast %swap3A_254 : vector<1x1x16xf32> to vector<16xf32>
        %swap3A_256 = vector.shape_cast %add3A_249 : vector<16xf32> to vector<1x1x16xf32>
        tpu.vector_store %arg9[%swap3A_251, %swap3A_252, %swap3A_253], %swap3A_256 {strides = array<i32>} : memref<2x80x128xf32, #tpu.memory_space<vmem>>, vector<1x1x16xf32>,
        %get3A_257 = arith.constant 0 : i32
        %get3A_258 = arith.index_cast %get3A_257 : i32 to index
        %get3A_259 = arith.index_cast %scan3A_158 : i32 to index
        %get3A_260 = arith.constant 80 : index
        %get3A_261 = tpu.vector_load %arg9[%get3A_258, %get3A_259, %get3A_260] {strides = array<i32>} : memref<2x80x128xf32, #tpu.memory_space<vmem>>, vector<1x1x16xf32>,
        %get3A_262 = vector.shape_cast %get3A_261 : vector<1x1x16xf32> to vector<16xf32>
        %get3A_263 = arith.constant 0 : i32
        %get3A_264 = arith.index_cast %get3A_263 : i32 to index
        %get3A_265 = arith.index_cast %scan3A_158 : i32 to index
        %get3A_266 = arith.constant 80 : index
        %get3A_267 = tpu.vector_load %arg10[%get3A_264, %get3A_265, %get3A_266] {strides = array<i32>} : memref<2x80x128xf32, #tpu.memory_space<vmem>>, vector<1x1x16xf32>,
        %get3A_268 = vector.shape_cast %get3A_267 : vector<1x1x16xf32> to vector<16xf32>
        %add3A_269 = arith.addf %get3A_262, %get3A_268 : vector<16xf32>
        %swap3A_270 = arith.constant 0 : i32
        %swap3A_271 = arith.index_cast %swap3A_270 : i32 to index
        %swap3A_272 = arith.index_cast %scan3A_158 : i32 to index
        %swap3A_273 = arith.constant 80 : index
        %swap3A_274 = tpu.vector_load %arg9[%swap3A_271, %swap3A_272, %swap3A_273] {strides = array<i32>} : memref<2x80x128xf32, #tpu.memory_space<vmem>>, vector<1x1x16xf32>,
        %swap3A_275 = vector.shape_cast %swap3A_274 : vector<1x1x16xf32> to vector<16xf32>
        %swap3A_276 = vector.shape_cast %add3A_269 : vector<16xf32> to vector<1x1x16xf32>
        tpu.vector_store %arg9[%swap3A_271, %swap3A_272, %swap3A_273], %swap3A_276 {strides = array<i32>} : memref<2x80x128xf32, #tpu.memory_space<vmem>>, vector<1x1x16xf32>,
        %get3A_277 = arith.constant 0 : i32
        %get3A_278 = arith.index_cast %get3A_277 : i32 to index
        %get3A_279 = arith.index_cast %scan3A_158 : i32 to index
        %get3A_280 = arith.constant 96 : index
        %get3A_281 = tpu.vector_load %arg9[%get3A_278, %get3A_279, %get3A_280] {strides = array<i32>} : memref<2x80x128xf32, #tpu.memory_space<vmem>>, vector<1x1x16xf32>,
        %get3A_282 = vector.shape_cast %get3A_281 : vector<1x1x16xf32> to vector<16xf32>
        %get3A_283 = arith.constant 0 : i32
        %get3A_284 = arith.index_cast %get3A_283 : i32 to index
        %get3A_285 = arith.index_cast %scan3A_158 : i32 to index
        %get3A_286 = arith.constant 96 : index
        %get3A_287 = tpu.vector_load %arg10[%get3A_284, %get3A_285, %get3A_286] {strides = array<i32>} : memref<2x80x128xf32, #tpu.memory_space<vmem>>, vector<1x1x16xf32>,
        %get3A_288 = vector.shape_cast %get3A_287 : vector<1x1x16xf32> to vector<16xf32>
        %add3A_289 = arith.addf %get3A_282, %get3A_288 : vector<16xf32>
        %swap3A_290 = arith.constant 0 : i32
        %swap3A_291 = arith.index_cast %swap3A_290 : i32 to index
        %swap3A_292 = arith.index_cast %scan3A_158 : i32 to index
        %swap3A_293 = arith.constant 96 : index
        %swap3A_294 = tpu.vector_load %arg9[%swap3A_291, %swap3A_292, %swap3A_293] {strides = array<i32>} : memref<2x80x128xf32, #tpu.memory_space<vmem>>, vector<1x1x16xf32>,
        %swap3A_295 = vector.shape_cast %swap3A_294 : vector<1x1x16xf32> to vector<16xf32>
        %swap3A_296 = vector.shape_cast %add3A_289 : vector<16xf32> to vector<1x1x16xf32>
        tpu.vector_store %arg9[%swap3A_291, %swap3A_292, %swap3A_293], %swap3A_296 {strides = array<i32>} : memref<2x80x128xf32, #tpu.memory_space<vmem>>, vector<1x1x16xf32>,
        %get3A_297 = arith.constant 0 : i32
        %get3A_298 = arith.index_cast %get3A_297 : i32 to index
        %get3A_299 = arith.index_cast %scan3A_158 : i32 to index
        %get3A_300 = arith.constant 112 : index
        %get3A_301 = tpu.vector_load %arg9[%get3A_298, %get3A_299, %get3A_300] {strides = array<i32>} : memref<2x80x128xf32, #tpu.memory_space<vmem>>, vector<1x1x16xf32>,
        %get3A_302 = vector.shape_cast %get3A_301 : vector<1x1x16xf32> to vector<16xf32>
        %get3A_303 = arith.constant 0 : i32
        %get3A_304 = arith.index_cast %get3A_303 : i32 to index
        %get3A_305 = arith.index_cast %scan3A_158 : i32 to index
        %get3A_306 = arith.constant 112 : index
        %get3A_307 = tpu.vector_load %arg10[%get3A_304, %get3A_305, %get3A_306] {strides = array<i32>} : memref<2x80x128xf32, #tpu.memory_space<vmem>>, vector<1x1x16xf32>,
        %get3A_308 = vector.shape_cast %get3A_307 : vector<1x1x16xf32> to vector<16xf32>
        %add3A_309 = arith.addf %get3A_302, %get3A_308 : vector<16xf32>
        %swap3A_310 = arith.constant 0 : i32
        %swap3A_311 = arith.index_cast %swap3A_310 : i32 to index
        %swap3A_312 = arith.index_cast %scan3A_158 : i32 to index
        %swap3A_313 = arith.constant 112 : index
        %swap3A_314 = tpu.vector_load %arg9[%swap3A_311, %swap3A_312, %swap3A_313] {strides = array<i32>} : memref<2x80x128xf32, #tpu.memory_space<vmem>>, vector<1x1x16xf32>,
        %swap3A_315 = vector.shape_cast %swap3A_314 : vector<1x1x16xf32> to vector<16xf32>
        %swap3A_316 = vector.shape_cast %add3A_309 : vector<16xf32> to vector<1x1x16xf32>
        tpu.vector_store %arg9[%swap3A_311, %swap3A_312, %swap3A_313], %swap3A_316 {strides = array<i32>} : memref<2x80x128xf32, #tpu.memory_space<vmem>>, vector<1x1x16xf32>,
      }
      %scan3A_108 = arith.constant 80 : i32
      %mul3A_109 = arith.constant 80 : i32
      %mul3A_110 = arith.muli %add3A_82, %mul3A_109 : i32
      %add3A_111 = arith.addi %mul3A_6, %mul3A_110 : i32
      %run_scoped3A_112 = arith.constant 0 : i32
      "tpu.region"() ({
        %run_scoped3A_158 = tpu.sem_alloc : memref<!tpu.dma_semaphore, #tpu.memory_space<semaphore_mem>>
        %dma_start3A_159 = arith.constant 0 : i32
        %dma_start3A_160 = arith.constant 0 : i32
        %dma_start3A_161 = tpu.memref_slice %arg9[%run_scoped3A_112, %dma_start3A_159, %dma_start3A_160] : memref<2x80x128xf32, #tpu.memory_space<vmem>> -> memref<1x80x128xf32, #tpu.memory_space<vmem>>
        %dma_start3A_162 = tpu.memref_squeeze %dma_start3A_161 : memref<1x80x128xf32, #tpu.memory_space<vmem>> -> memref<80x128xf32, #tpu.memory_space<vmem>>
        %dma_start3A_163 = arith.constant 0 : i32
        %dma_start3A_164 = tpu.memref_slice %arg6[%add3A_111, %dma_start3A_163] : memref<320000x128xf32, #tpu.memory_space<hbm>> -> memref<80x128xf32, #tpu.memory_space<hbm>>
        %dma_start3A_165 = arith.constant 0 : i32
        %dma_start3A_166 = tpu.memref_slice %arg6[%add3A_111, %dma_start3A_165] : memref<320000x128xf32, #tpu.memory_space<hbm>> -> memref<80x128xf32, #tpu.memory_space<hbm>>
        %dma_start3A_167 = arith.constant 0 : i32
        %dma_start3A_168 = arith.constant 0 : i32
        %dma_start3A_169 = tpu.memref_slice %arg9[%run_scoped3A_112, %dma_start3A_167, %dma_start3A_168] : memref<2x80x128xf32, #tpu.memory_space<vmem>> -> memref<1x80x128xf32, #tpu.memory_space<vmem>>
        %dma_start3A_170 = tpu.memref_squeeze %dma_start3A_169 : memref<1x80x128xf32, #tpu.memory_space<vmem>> -> memref<80x128xf32, #tpu.memory_space<vmem>>
        tpu.enqueue_dma source(%dma_start3A_170 : memref<80x128xf32, #tpu.memory_space<vmem>>) target(%dma_start3A_166 : memref<80x128xf32, #tpu.memory_space<hbm>>) target_semaphore(%run_scoped3A_158 : memref<!tpu.dma_semaphore, #tpu.memory_space<semaphore_mem>>)
        %dma_wait3A_171 = arith.constant 0 : i32
        %dma_wait3A_172 = arith.constant 0 : i32
        %dma_wait3A_173 = tpu.memref_slice %arg9[%run_scoped3A_112, %dma_wait3A_171, %dma_wait3A_172] : memref<2x80x128xf32, #tpu.memory_space<vmem>> -> memref<1x80x128xf32, #tpu.memory_space<vmem>>
        %dma_wait3A_174 = tpu.memref_squeeze %dma_wait3A_173 : memref<1x80x128xf32, #tpu.memory_space<vmem>> -> memref<80x128xf32, #tpu.memory_space<vmem>>
        %dma_wait3A_175 = arith.constant 0 : i32
        %dma_wait3A_176 = tpu.memref_slice %arg6[%add3A_111, %dma_wait3A_175] : memref<320000x128xf32, #tpu.memory_space<hbm>> -> memref<80x128xf32, #tpu.memory_space<hbm>>
        %dma_wait3A_177 = arith.constant 0 : i32
        %dma_wait3A_178 = tpu.memref_slice %arg6[%add3A_111, %dma_wait3A_177] : memref<320000x128xf32, #tpu.memory_space<hbm>> -> memref<80x128xf32, #tpu.memory_space<hbm>>
        %dma_wait3A_179 = arith.constant 0 : i32
        %dma_wait3A_180 = arith.constant 0 : i32
        %dma_wait3A_181 = tpu.memref_slice %arg9[%run_scoped3A_112, %dma_wait3A_179, %dma_wait3A_180] : memref<2x80x128xf32, #tpu.memory_space<vmem>> -> memref<1x80x128xf32, #tpu.memory_space<vmem>>
        %dma_wait3A_182 = tpu.memref_squeeze %dma_wait3A_181 : memref<1x80x128xf32, #tpu.memory_space<vmem>> -> memref<80x128xf32, #tpu.memory_space<vmem>>
        tpu.wait_dma2 semaphore(%run_scoped3A_158 : memref<!tpu.dma_semaphore, #tpu.memory_space<semaphore_mem>>) src(%dma_wait3A_182 : memref<80x128xf32, #tpu.memory_space<vmem>>) dst(%dma_wait3A_178 : memref<80x128xf32, #tpu.memory_space<hbm>>)
        tpu.yield
      }) : () -> ()
      %add3A_113 = arith.constant 2 : i32
      %add3A_114 = arith.addi %add3A_82, %add3A_113 : i32
      %lt3A = arith.constant 125 : i32
      %lt3A_115 = arith.cmpi slt, %add3A_114, %lt3A : i32
      %convert_element_type3A = arith.extui %lt3A_115 : i1 to i32
      %cond3A = arith.constant 0 : i32
      %cond3A_116 = arith.cmpi ne, %convert_element_type3A, %cond3A : i32
      scf.if %cond3A_116 {
        %add3A_158 = arith.constant 2 : i32
        %add3A_159 = arith.addi %add3A_82, %add3A_158 : i32
        %mul3A_160 = arith.constant 80 : i32
        %mul3A_161 = arith.muli %add3A_159, %mul3A_160 : i32
        %dma_start3A_162 = arith.constant 0 : i32
        %dma_start3A_163 = arith.constant 0 : i32
        %dma_start3A_164 = arith.constant 0 : i32
        %dma_start3A_165 = tpu.memref_slice %arg9[%dma_start3A_162, %dma_start3A_163, %dma_start3A_164] : memref<2x80x128xf32, #tpu.memory_space<vmem>> -> memref<1x80x128xf32, #tpu.memory_space<vmem>>
        %dma_start3A_166 = tpu.memref_squeeze %dma_start3A_165 : memref<1x80x128xf32, #tpu.memory_space<vmem>> -> memref<80x128xf32, #tpu.memory_space<vmem>>
        %dma_start3A_167 = tpu.memref_slice %arg7[%mul3A_161] : memref<10000xi32, #tpu.memory_space<vmem>> -> memref<80xi32, #tpu.memory_space<vmem>>
        %dma_start3A_168 = arith.constant 0 : i32
        %dma_start3A_169 = arith.constant 0 : i32
        %dma_start3A_170 = tpu.memref_slice %arg2[%dma_start3A_168, %dma_start3A_169] : memref<10000x128xf32, #tpu.memory_space<hbm>> -> memref<10000x128xf32, #tpu.memory_space<hbm>>
        tpu.enqueue_indirect_dma source(%dma_start3A_170 : memref<10000x128xf32, #tpu.memory_space<hbm>>) target(%dma_start3A_166 : memref<80x128xf32, #tpu.memory_space<vmem>>) offsets(%dma_start3A_167 : memref<80xi32, #tpu.memory_space<vmem>>) semaphore(%arg11 : memref<!tpu.dma_semaphore, #tpu.memory_space<semaphore_mem>>)
        %mul3A_171 = arith.constant 80 : i32
        %mul3A_172 = arith.muli %add3A_159, %mul3A_171 : i32
        %dma_start3A_173 = arith.constant 0 : i32
        %dma_start3A_174 = arith.constant 0 : i32
        %dma_start3A_175 = arith.constant 0 : i32
        %dma_start3A_176 = tpu.memref_slice %arg10[%dma_start3A_173, %dma_start3A_174, %dma_start3A_175] : memref<2x80x128xf32, #tpu.memory_space<vmem>> -> memref<1x80x128xf32, #tpu.memory_space<vmem>>
        %dma_start3A_177 = tpu.memref_squeeze %dma_start3A_176 : memref<1x80x128xf32, #tpu.memory_space<vmem>> -> memref<80x128xf32, #tpu.memory_space<vmem>>
        %dma_start3A_178 = tpu.memref_slice %arg8[%mul3A_172] : memref<10000xi32, #tpu.memory_space<vmem>> -> memref<80xi32, #tpu.memory_space<vmem>>
        %dma_start3A_179 = arith.constant 0 : i32
        %dma_start3A_180 = arith.constant 0 : i32
        %dma_start3A_181 = tpu.memref_slice %arg3[%dma_start3A_179, %dma_start3A_180] : memref<10000x128xf32, #tpu.memory_space<hbm>> -> memref<10000x128xf32, #tpu.memory_space<hbm>>
        tpu.enqueue_indirect_dma source(%dma_start3A_181 : memref<10000x128xf32, #tpu.memory_space<hbm>>) target(%dma_start3A_177 : memref<80x128xf32, #tpu.memory_space<vmem>>) offsets(%dma_start3A_178 : memref<80xi32, #tpu.memory_space<vmem>>) semaphore(%arg13 : memref<!tpu.dma_semaphore, #tpu.memory_space<semaphore_mem>>)
      } else {
      }
      %mul3A_117 = arith.constant 2 : i32
      %mul3A_118 = arith.muli %scan3A_78, %mul3A_117 : i32
      %add3A_119 = arith.constant 1 : i32
      %add3A_120 = arith.addi %mul3A_118, %add3A_119 : i32
      %dma_wait3A_121 = arith.constant 1 : i32
      %dma_wait3A_122 = arith.constant 0 : i32
      %dma_wait3A_123 = arith.constant 0 : i32
      %dma_wait3A_124 = tpu.memref_slice %arg9[%dma_wait3A_121, %dma_wait3A_122, %dma_wait3A_123] : memref<2x80x128xf32, #tpu.memory_space<vmem>> -> memref<1x80x128xf32, #tpu.memory_space<vmem>>
      %dma_wait3A_125 = tpu.memref_squeeze %dma_wait3A_124 : memref<1x80x128xf32, #tpu.memory_space<vmem>> -> memref<80x128xf32, #tpu.memory_space<vmem>>
      %dma_wait3A_126 = arith.constant 0 : i32
      %dma_wait3A_127 = tpu.memref_slice %arg7[%dma_wait3A_126] : memref<10000xi32, #tpu.memory_space<vmem>> -> memref<80xi32, #tpu.memory_space<vmem>>
      %dma_wait3A_128 = arith.constant 0 : i32
      %dma_wait3A_129 = arith.constant 0 : i32
      %dma_wait3A_130 = tpu.memref_slice %arg2[%dma_wait3A_128, %dma_wait3A_129] : memref<10000x128xf32, #tpu.memory_space<hbm>> -> memref<10000x128xf32, #tpu.memory_space<hbm>>
      tpu.wait_indirect_dma semaphore(%arg12 : memref<!tpu.dma_semaphore, #tpu.memory_space<semaphore_mem>>) src(%dma_wait3A_130 : memref<10000x128xf32, #tpu.memory_space<hbm>>) dst(%dma_wait3A_125 : memref<80x128xf32, #tpu.memory_space<vmem>>)
      %dma_wait3A_131 = arith.constant 1 : i32
      %dma_wait3A_132 = arith.constant 0 : i32
      %dma_wait3A_133 = arith.constant 0 : i32
      %dma_wait3A_134 = tpu.memref_slice %arg10[%dma_wait3A_131, %dma_wait3A_132, %dma_wait3A_133] : memref<2x80x128xf32, #tpu.memory_space<vmem>> -> memref<1x80x128xf32, #tpu.memory_space<vmem>>
      %dma_wait3A_135 = tpu.memref_squeeze %dma_wait3A_134 : memref<1x80x128xf32, #tpu.memory_space<vmem>> -> memref<80x128xf32, #tpu.memory_space<vmem>>
      %dma_wait3A_136 = arith.constant 0 : i32
      %dma_wait3A_137 = tpu.memref_slice %arg8[%dma_wait3A_136] : memref<10000xi32, #tpu.memory_space<vmem>> -> memref<80xi32, #tpu.memory_space<vmem>>
      %dma_wait3A_138 = arith.constant 0 : i32
      %dma_wait3A_139 = arith.constant 0 : i32
      %dma_wait3A_140 = tpu.memref_slice %arg3[%dma_wait3A_138, %dma_wait3A_139] : memref<10000x128xf32, #tpu.memory_space<hbm>> -> memref<10000x128xf32, #tpu.memory_space<hbm>>
      tpu.wait_indirect_dma semaphore(%arg14 : memref<!tpu.dma_semaphore, #tpu.memory_space<semaphore_mem>>) src(%dma_wait3A_140 : memref<10000x128xf32, #tpu.memory_space<hbm>>) dst(%dma_wait3A_135 : memref<80x128xf32, #tpu.memory_space<vmem>>)
      %scan3A_141 = arith.constant 0 : i32
      %scan3A_142 = arith.constant 0 : i32
      %scan3A_143 = arith.constant 80 : i32
      %scan3A_144 = arith.addi %scan3A_142, %scan3A_143 : i32
      %scan3A_145 = arith.constant 1 : i32
      scf.for %scan3A_158 = %scan3A_142 to %scan3A_144 step %scan3A_145  : i32 {
        %get3A = arith.constant 1 : i32
        %get3A_159 = arith.index_cast %get3A : i32 to index
        %get3A_160 = arith.index_cast %scan3A_158 : i32 to index
        %get3A_161 = arith.constant 0 : index
        %get3A_162 = tpu.vector_load %arg9[%get3A_159, %get3A_160, %get3A_161] {strides = array<i32>} : memref<2x80x128xf32, #tpu.memory_space<vmem>>, vector<1x1x16xf32>,
        %get3A_163 = vector.shape_cast %get3A_162 : vector<1x1x16xf32> to vector<16xf32>
        %get3A_164 = arith.constant 1 : i32
        %get3A_165 = arith.index_cast %get3A_164 : i32 to index
        %get3A_166 = arith.index_cast %scan3A_158 : i32 to index
        %get3A_167 = arith.constant 0 : index
        %get3A_168 = tpu.vector_load %arg10[%get3A_165, %get3A_166, %get3A_167] {strides = array<i32>} : memref<2x80x128xf32, #tpu.memory_space<vmem>>, vector<1x1x16xf32>,
        %get3A_169 = vector.shape_cast %get3A_168 : vector<1x1x16xf32> to vector<16xf32>
        %add3A_170 = arith.addf %get3A_163, %get3A_169 : vector<16xf32>
        %swap3A = arith.constant 1 : i32
        %swap3A_171 = arith.index_cast %swap3A : i32 to index
        %swap3A_172 = arith.index_cast %scan3A_158 : i32 to index
        %swap3A_173 = arith.constant 0 : index
        %swap3A_174 = tpu.vector_load %arg9[%swap3A_171, %swap3A_172, %swap3A_173] {strides = array<i32>} : memref<2x80x128xf32, #tpu.memory_space<vmem>>, vector<1x1x16xf32>,
        %swap3A_175 = vector.shape_cast %swap3A_174 : vector<1x1x16xf32> to vector<16xf32>
        %swap3A_176 = vector.shape_cast %add3A_170 : vector<16xf32> to vector<1x1x16xf32>
        tpu.vector_store %arg9[%swap3A_171, %swap3A_172, %swap3A_173], %swap3A_176 {strides = array<i32>} : memref<2x80x128xf32, #tpu.memory_space<vmem>>, vector<1x1x16xf32>,
        %get3A_177 = arith.constant 1 : i32
        %get3A_178 = arith.index_cast %get3A_177 : i32 to index
        %get3A_179 = arith.index_cast %scan3A_158 : i32 to index
        %get3A_180 = arith.constant 16 : index
        %get3A_181 = tpu.vector_load %arg9[%get3A_178, %get3A_179, %get3A_180] {strides = array<i32>} : memref<2x80x128xf32, #tpu.memory_space<vmem>>, vector<1x1x16xf32>,
        %get3A_182 = vector.shape_cast %get3A_181 : vector<1x1x16xf32> to vector<16xf32>
        %get3A_183 = arith.constant 1 : i32
        %get3A_184 = arith.index_cast %get3A_183 : i32 to index
        %get3A_185 = arith.index_cast %scan3A_158 : i32 to index
        %get3A_186 = arith.constant 16 : index
        %get3A_187 = tpu.vector_load %arg10[%get3A_184, %get3A_185, %get3A_186] {strides = array<i32>} : memref<2x80x128xf32, #tpu.memory_space<vmem>>, vector<1x1x16xf32>,
        %get3A_188 = vector.shape_cast %get3A_187 : vector<1x1x16xf32> to vector<16xf32>
        %add3A_189 = arith.addf %get3A_182, %get3A_188 : vector<16xf32>
        %swap3A_190 = arith.constant 1 : i32
        %swap3A_191 = arith.index_cast %swap3A_190 : i32 to index
        %swap3A_192 = arith.index_cast %scan3A_158 : i32 to index
        %swap3A_193 = arith.constant 16 : index
        %swap3A_194 = tpu.vector_load %arg9[%swap3A_191, %swap3A_192, %swap3A_193] {strides = array<i32>} : memref<2x80x128xf32, #tpu.memory_space<vmem>>, vector<1x1x16xf32>,
        %swap3A_195 = vector.shape_cast %swap3A_194 : vector<1x1x16xf32> to vector<16xf32>
        %swap3A_196 = vector.shape_cast %add3A_189 : vector<16xf32> to vector<1x1x16xf32>
        tpu.vector_store %arg9[%swap3A_191, %swap3A_192, %swap3A_193], %swap3A_196 {strides = array<i32>} : memref<2x80x128xf32, #tpu.memory_space<vmem>>, vector<1x1x16xf32>,
        %get3A_197 = arith.constant 1 : i32
        %get3A_198 = arith.index_cast %get3A_197 : i32 to index
        %get3A_199 = arith.index_cast %scan3A_158 : i32 to index
        %get3A_200 = arith.constant 32 : index
        %get3A_201 = tpu.vector_load %arg9[%get3A_198, %get3A_199, %get3A_200] {strides = array<i32>} : memref<2x80x128xf32, #tpu.memory_space<vmem>>, vector<1x1x16xf32>,
        %get3A_202 = vector.shape_cast %get3A_201 : vector<1x1x16xf32> to vector<16xf32>
        %get3A_203 = arith.constant 1 : i32
        %get3A_204 = arith.index_cast %get3A_203 : i32 to index
        %get3A_205 = arith.index_cast %scan3A_158 : i32 to index
        %get3A_206 = arith.constant 32 : index
        %get3A_207 = tpu.vector_load %arg10[%get3A_204, %get3A_205, %get3A_206] {strides = array<i32>} : memref<2x80x128xf32, #tpu.memory_space<vmem>>, vector<1x1x16xf32>,
        %get3A_208 = vector.shape_cast %get3A_207 : vector<1x1x16xf32> to vector<16xf32>
        %add3A_209 = arith.addf %get3A_202, %get3A_208 : vector<16xf32>
        %swap3A_210 = arith.constant 1 : i32
        %swap3A_211 = arith.index_cast %swap3A_210 : i32 to index
        %swap3A_212 = arith.index_cast %scan3A_158 : i32 to index
        %swap3A_213 = arith.constant 32 : index
        %swap3A_214 = tpu.vector_load %arg9[%swap3A_211, %swap3A_212, %swap3A_213] {strides = array<i32>} : memref<2x80x128xf32, #tpu.memory_space<vmem>>, vector<1x1x16xf32>,
        %swap3A_215 = vector.shape_cast %swap3A_214 : vector<1x1x16xf32> to vector<16xf32>
        %swap3A_216 = vector.shape_cast %add3A_209 : vector<16xf32> to vector<1x1x16xf32>
        tpu.vector_store %arg9[%swap3A_211, %swap3A_212, %swap3A_213], %swap3A_216 {strides = array<i32>} : memref<2x80x128xf32, #tpu.memory_space<vmem>>, vector<1x1x16xf32>,
        %get3A_217 = arith.constant 1 : i32
        %get3A_218 = arith.index_cast %get3A_217 : i32 to index
        %get3A_219 = arith.index_cast %scan3A_158 : i32 to index
        %get3A_220 = arith.constant 48 : index
        %get3A_221 = tpu.vector_load %arg9[%get3A_218, %get3A_219, %get3A_220] {strides = array<i32>} : memref<2x80x128xf32, #tpu.memory_space<vmem>>, vector<1x1x16xf32>,
        %get3A_222 = vector.shape_cast %get3A_221 : vector<1x1x16xf32> to vector<16xf32>
        %get3A_223 = arith.constant 1 : i32
        %get3A_224 = arith.index_cast %get3A_223 : i32 to index
        %get3A_225 = arith.index_cast %scan3A_158 : i32 to index
        %get3A_226 = arith.constant 48 : index
        %get3A_227 = tpu.vector_load %arg10[%get3A_224, %get3A_225, %get3A_226] {strides = array<i32>} : memref<2x80x128xf32, #tpu.memory_space<vmem>>, vector<1x1x16xf32>,
        %get3A_228 = vector.shape_cast %get3A_227 : vector<1x1x16xf32> to vector<16xf32>
        %add3A_229 = arith.addf %get3A_222, %get3A_228 : vector<16xf32>
        %swap3A_230 = arith.constant 1 : i32
        %swap3A_231 = arith.index_cast %swap3A_230 : i32 to index
        %swap3A_232 = arith.index_cast %scan3A_158 : i32 to index
        %swap3A_233 = arith.constant 48 : index
        %swap3A_234 = tpu.vector_load %arg9[%swap3A_231, %swap3A_232, %swap3A_233] {strides = array<i32>} : memref<2x80x128xf32, #tpu.memory_space<vmem>>, vector<1x1x16xf32>,
        %swap3A_235 = vector.shape_cast %swap3A_234 : vector<1x1x16xf32> to vector<16xf32>
        %swap3A_236 = vector.shape_cast %add3A_229 : vector<16xf32> to vector<1x1x16xf32>
        tpu.vector_store %arg9[%swap3A_231, %swap3A_232, %swap3A_233], %swap3A_236 {strides = array<i32>} : memref<2x80x128xf32, #tpu.memory_space<vmem>>, vector<1x1x16xf32>,
        %get3A_237 = arith.constant 1 : i32
        %get3A_238 = arith.index_cast %get3A_237 : i32 to index
        %get3A_239 = arith.index_cast %scan3A_158 : i32 to index
        %get3A_240 = arith.constant 64 : index
        %get3A_241 = tpu.vector_load %arg9[%get3A_238, %get3A_239, %get3A_240] {strides = array<i32>} : memref<2x80x128xf32, #tpu.memory_space<vmem>>, vector<1x1x16xf32>,
        %get3A_242 = vector.shape_cast %get3A_241 : vector<1x1x16xf32> to vector<16xf32>
        %get3A_243 = arith.constant 1 : i32
        %get3A_244 = arith.index_cast %get3A_243 : i32 to index
        %get3A_245 = arith.index_cast %scan3A_158 : i32 to index
        %get3A_246 = arith.constant 64 : index
        %get3A_247 = tpu.vector_load %arg10[%get3A_244, %get3A_245, %get3A_246] {strides = array<i32>} : memref<2x80x128xf32, #tpu.memory_space<vmem>>, vector<1x1x16xf32>,
        %get3A_248 = vector.shape_cast %get3A_247 : vector<1x1x16xf32> to vector<16xf32>
        %add3A_249 = arith.addf %get3A_242, %get3A_248 : vector<16xf32>
        %swap3A_250 = arith.constant 1 : i32
        %swap3A_251 = arith.index_cast %swap3A_250 : i32 to index
        %swap3A_252 = arith.index_cast %scan3A_158 : i32 to index
        %swap3A_253 = arith.constant 64 : index
        %swap3A_254 = tpu.vector_load %arg9[%swap3A_251, %swap3A_252, %swap3A_253] {strides = array<i32>} : memref<2x80x128xf32, #tpu.memory_space<vmem>>, vector<1x1x16xf32>,
        %swap3A_255 = vector.shape_cast %swap3A_254 : vector<1x1x16xf32> to vector<16xf32>
        %swap3A_256 = vector.shape_cast %add3A_249 : vector<16xf32> to vector<1x1x16xf32>
        tpu.vector_store %arg9[%swap3A_251, %swap3A_252, %swap3A_253], %swap3A_256 {strides = array<i32>} : memref<2x80x128xf32, #tpu.memory_space<vmem>>, vector<1x1x16xf32>,
        %get3A_257 = arith.constant 1 : i32
        %get3A_258 = arith.index_cast %get3A_257 : i32 to index
        %get3A_259 = arith.index_cast %scan3A_158 : i32 to index
        %get3A_260 = arith.constant 80 : index
        %get3A_261 = tpu.vector_load %arg9[%get3A_258, %get3A_259, %get3A_260] {strides = array<i32>} : memref<2x80x128xf32, #tpu.memory_space<vmem>>, vector<1x1x16xf32>,
        %get3A_262 = vector.shape_cast %get3A_261 : vector<1x1x16xf32> to vector<16xf32>
        %get3A_263 = arith.constant 1 : i32
        %get3A_264 = arith.index_cast %get3A_263 : i32 to index
        %get3A_265 = arith.index_cast %scan3A_158 : i32 to index
        %get3A_266 = arith.constant 80 : index
        %get3A_267 = tpu.vector_load %arg10[%get3A_264, %get3A_265, %get3A_266] {strides = array<i32>} : memref<2x80x128xf32, #tpu.memory_space<vmem>>, vector<1x1x16xf32>,
        %get3A_268 = vector.shape_cast %get3A_267 : vector<1x1x16xf32> to vector<16xf32>
        %add3A_269 = arith.addf %get3A_262, %get3A_268 : vector<16xf32>
        %swap3A_270 = arith.constant 1 : i32
        %swap3A_271 = arith.index_cast %swap3A_270 : i32 to index
        %swap3A_272 = arith.index_cast %scan3A_158 : i32 to index
        %swap3A_273 = arith.constant 80 : index
        %swap3A_274 = tpu.vector_load %arg9[%swap3A_271, %swap3A_272, %swap3A_273] {strides = array<i32>} : memref<2x80x128xf32, #tpu.memory_space<vmem>>, vector<1x1x16xf32>,
        %swap3A_275 = vector.shape_cast %swap3A_274 : vector<1x1x16xf32> to vector<16xf32>
        %swap3A_276 = vector.shape_cast %add3A_269 : vector<16xf32> to vector<1x1x16xf32>
        tpu.vector_store %arg9[%swap3A_271, %swap3A_272, %swap3A_273], %swap3A_276 {strides = array<i32>} : memref<2x80x128xf32, #tpu.memory_space<vmem>>, vector<1x1x16xf32>,
        %get3A_277 = arith.constant 1 : i32
        %get3A_278 = arith.index_cast %get3A_277 : i32 to index
        %get3A_279 = arith.index_cast %scan3A_158 : i32 to index
        %get3A_280 = arith.constant 96 : index
        %get3A_281 = tpu.vector_load %arg9[%get3A_278, %get3A_279, %get3A_280] {strides = array<i32>} : memref<2x80x128xf32, #tpu.memory_space<vmem>>, vector<1x1x16xf32>,
        %get3A_282 = vector.shape_cast %get3A_281 : vector<1x1x16xf32> to vector<16xf32>
        %get3A_283 = arith.constant 1 : i32
        %get3A_284 = arith.index_cast %get3A_283 : i32 to index
        %get3A_285 = arith.index_cast %scan3A_158 : i32 to index
        %get3A_286 = arith.constant 96 : index
        %get3A_287 = tpu.vector_load %arg10[%get3A_284, %get3A_285, %get3A_286] {strides = array<i32>} : memref<2x80x128xf32, #tpu.memory_space<vmem>>, vector<1x1x16xf32>,
        %get3A_288 = vector.shape_cast %get3A_287 : vector<1x1x16xf32> to vector<16xf32>
        %add3A_289 = arith.addf %get3A_282, %get3A_288 : vector<16xf32>
        %swap3A_290 = arith.constant 1 : i32
        %swap3A_291 = arith.index_cast %swap3A_290 : i32 to index
        %swap3A_292 = arith.index_cast %scan3A_158 : i32 to index
        %swap3A_293 = arith.constant 96 : index
        %swap3A_294 = tpu.vector_load %arg9[%swap3A_291, %swap3A_292, %swap3A_293] {strides = array<i32>} : memref<2x80x128xf32, #tpu.memory_space<vmem>>, vector<1x1x16xf32>,
        %swap3A_295 = vector.shape_cast %swap3A_294 : vector<1x1x16xf32> to vector<16xf32>
        %swap3A_296 = vector.shape_cast %add3A_289 : vector<16xf32> to vector<1x1x16xf32>
        tpu.vector_store %arg9[%swap3A_291, %swap3A_292, %swap3A_293], %swap3A_296 {strides = array<i32>} : memref<2x80x128xf32, #tpu.memory_space<vmem>>, vector<1x1x16xf32>,
        %get3A_297 = arith.constant 1 : i32
        %get3A_298 = arith.index_cast %get3A_297 : i32 to index
        %get3A_299 = arith.index_cast %scan3A_158 : i32 to index
        %get3A_300 = arith.constant 112 : index
        %get3A_301 = tpu.vector_load %arg9[%get3A_298, %get3A_299, %get3A_300] {strides = array<i32>} : memref<2x80x128xf32, #tpu.memory_space<vmem>>, vector<1x1x16xf32>,
        %get3A_302 = vector.shape_cast %get3A_301 : vector<1x1x16xf32> to vector<16xf32>
        %get3A_303 = arith.constant 1 : i32
        %get3A_304 = arith.index_cast %get3A_303 : i32 to index
        %get3A_305 = arith.index_cast %scan3A_158 : i32 to index
        %get3A_306 = arith.constant 112 : index
        %get3A_307 = tpu.vector_load %arg10[%get3A_304, %get3A_305, %get3A_306] {strides = array<i32>} : memref<2x80x128xf32, #tpu.memory_space<vmem>>, vector<1x1x16xf32>,
        %get3A_308 = vector.shape_cast %get3A_307 : vector<1x1x16xf32> to vector<16xf32>
        %add3A_309 = arith.addf %get3A_302, %get3A_308 : vector<16xf32>
        %swap3A_310 = arith.constant 1 : i32
        %swap3A_311 = arith.index_cast %swap3A_310 : i32 to index
        %swap3A_312 = arith.index_cast %scan3A_158 : i32 to index
        %swap3A_313 = arith.constant 112 : index
        %swap3A_314 = tpu.vector_load %arg9[%swap3A_311, %swap3A_312, %swap3A_313] {strides = array<i32>} : memref<2x80x128xf32, #tpu.memory_space<vmem>>, vector<1x1x16xf32>,
        %swap3A_315 = vector.shape_cast %swap3A_314 : vector<1x1x16xf32> to vector<16xf32>
        %swap3A_316 = vector.shape_cast %add3A_309 : vector<16xf32> to vector<1x1x16xf32>
        tpu.vector_store %arg9[%swap3A_311, %swap3A_312, %swap3A_313], %swap3A_316 {strides = array<i32>} : memref<2x80x128xf32, #tpu.memory_space<vmem>>, vector<1x1x16xf32>,
      }
      %scan3A_146 = arith.constant 80 : i32
      %mul3A_147 = arith.constant 80 : i32
      %mul3A_148 = arith.muli %add3A_120, %mul3A_147 : i32
      %add3A_149 = arith.addi %mul3A_6, %mul3A_148 : i32
      %run_scoped3A_150 = arith.constant 1 : i32
      "tpu.region"() ({
        %run_scoped3A_158 = tpu.sem_alloc : memref<!tpu.dma_semaphore, #tpu.memory_space<semaphore_mem>>
        %dma_start3A_159 = arith.constant 0 : i32
        %dma_start3A_160 = arith.constant 0 : i32
        %dma_start3A_161 = tpu.memref_slice %arg9[%run_scoped3A_150, %dma_start3A_159, %dma_start3A_160] : memref<2x80x128xf32, #tpu.memory_space<vmem>> -> memref<1x80x128xf32, #tpu.memory_space<vmem>>
        %dma_start3A_162 = tpu.memref_squeeze %dma_start3A_161 : memref<1x80x128xf32, #tpu.memory_space<vmem>> -> memref<80x128xf32, #tpu.memory_space<vmem>>
        %dma_start3A_163 = arith.constant 0 : i32
        %dma_start3A_164 = tpu.memref_slice %arg6[%add3A_149, %dma_start3A_163] : memref<320000x128xf32, #tpu.memory_space<hbm>> -> memref<80x128xf32, #tpu.memory_space<hbm>>
        %dma_start3A_165 = arith.constant 0 : i32
        %dma_start3A_166 = tpu.memref_slice %arg6[%add3A_149, %dma_start3A_165] : memref<320000x128xf32, #tpu.memory_space<hbm>> -> memref<80x128xf32, #tpu.memory_space<hbm>>
        %dma_start3A_167 = arith.constant 0 : i32
        %dma_start3A_168 = arith.constant 0 : i32
        %dma_start3A_169 = tpu.memref_slice %arg9[%run_scoped3A_150, %dma_start3A_167, %dma_start3A_168] : memref<2x80x128xf32, #tpu.memory_space<vmem>> -> memref<1x80x128xf32, #tpu.memory_space<vmem>>
        %dma_start3A_170 = tpu.memref_squeeze %dma_start3A_169 : memref<1x80x128xf32, #tpu.memory_space<vmem>> -> memref<80x128xf32, #tpu.memory_space<vmem>>
        tpu.enqueue_dma source(%dma_start3A_170 : memref<80x128xf32, #tpu.memory_space<vmem>>) target(%dma_start3A_166 : memref<80x128xf32, #tpu.memory_space<hbm>>) target_semaphore(%run_scoped3A_158 : memref<!tpu.dma_semaphore, #tpu.memory_space<semaphore_mem>>)
        %dma_wait3A_171 = arith.constant 0 : i32
        %dma_wait3A_172 = arith.constant 0 : i32
        %dma_wait3A_173 = tpu.memref_slice %arg9[%run_scoped3A_150, %dma_wait3A_171, %dma_wait3A_172] : memref<2x80x128xf32, #tpu.memory_space<vmem>> -> memref<1x80x128xf32, #tpu.memory_space<vmem>>
        %dma_wait3A_174 = tpu.memref_squeeze %dma_wait3A_173 : memref<1x80x128xf32, #tpu.memory_space<vmem>> -> memref<80x128xf32, #tpu.memory_space<vmem>>
        %dma_wait3A_175 = arith.constant 0 : i32
        %dma_wait3A_176 = tpu.memref_slice %arg6[%add3A_149, %dma_wait3A_175] : memref<320000x128xf32, #tpu.memory_space<hbm>> -> memref<80x128xf32, #tpu.memory_space<hbm>>
        %dma_wait3A_177 = arith.constant 0 : i32
        %dma_wait3A_178 = tpu.memref_slice %arg6[%add3A_149, %dma_wait3A_177] : memref<320000x128xf32, #tpu.memory_space<hbm>> -> memref<80x128xf32, #tpu.memory_space<hbm>>
        %dma_wait3A_179 = arith.constant 0 : i32
        %dma_wait3A_180 = arith.constant 0 : i32
        %dma_wait3A_181 = tpu.memref_slice %arg9[%run_scoped3A_150, %dma_wait3A_179, %dma_wait3A_180] : memref<2x80x128xf32, #tpu.memory_space<vmem>> -> memref<1x80x128xf32, #tpu.memory_space<vmem>>
        %dma_wait3A_182 = tpu.memref_squeeze %dma_wait3A_181 : memref<1x80x128xf32, #tpu.memory_space<vmem>> -> memref<80x128xf32, #tpu.memory_space<vmem>>
        tpu.wait_dma2 semaphore(%run_scoped3A_158 : memref<!tpu.dma_semaphore, #tpu.memory_space<semaphore_mem>>) src(%dma_wait3A_182 : memref<80x128xf32, #tpu.memory_space<vmem>>) dst(%dma_wait3A_178 : memref<80x128xf32, #tpu.memory_space<hbm>>)
        tpu.yield
      }) : () -> ()
      %add3A_151 = arith.constant 2 : i32
      %add3A_152 = arith.addi %add3A_120, %add3A_151 : i32
      %lt3A_153 = arith.constant 125 : i32
      %lt3A_154 = arith.cmpi slt, %add3A_152, %lt3A_153 : i32
      %convert_element_type3A_155 = arith.extui %lt3A_154 : i1 to i32
      %cond3A_156 = arith.constant 0 : i32
      %cond3A_157 = arith.cmpi ne, %convert_element_type3A_155, %cond3A_156 : i32
      scf.if %cond3A_157 {
        %add3A_158 = arith.constant 2 : i32
        %add3A_159 = arith.addi %add3A_120, %add3A_158 : i32
        %mul3A_160 = arith.constant 80 : i32
        %mul3A_161 = arith.muli %add3A_159, %mul3A_160 : i32
        %dma_start3A_162 = arith.constant 1 : i32
        %dma_start3A_163 = arith.constant 0 : i32
        %dma_start3A_164 = arith.constant 0 : i32
        %dma_start3A_165 = tpu.memref_slice %arg9[%dma_start3A_162, %dma_start3A_163, %dma_start3A_164] : memref<2x80x128xf32, #tpu.memory_space<vmem>> -> memref<1x80x128xf32, #tpu.memory_space<vmem>>
        %dma_start3A_166 = tpu.memref_squeeze %dma_start3A_165 : memref<1x80x128xf32, #tpu.memory_space<vmem>> -> memref<80x128xf32, #tpu.memory_space<vmem>>
        %dma_start3A_167 = tpu.memref_slice %arg7[%mul3A_161] : memref<10000xi32, #tpu.memory_space<vmem>> -> memref<80xi32, #tpu.memory_space<vmem>>
        %dma_start3A_168 = arith.constant 0 : i32
        %dma_start3A_169 = arith.constant 0 : i32
        %dma_start3A_170 = tpu.memref_slice %arg2[%dma_start3A_168, %dma_start3A_169] : memref<10000x128xf32, #tpu.memory_space<hbm>> -> memref<10000x128xf32, #tpu.memory_space<hbm>>
        tpu.enqueue_indirect_dma source(%dma_start3A_170 : memref<10000x128xf32, #tpu.memory_space<hbm>>) target(%dma_start3A_166 : memref<80x128xf32, #tpu.memory_space<vmem>>) offsets(%dma_start3A_167 : memref<80xi32, #tpu.memory_space<vmem>>) semaphore(%arg12 : memref<!tpu.dma_semaphore, #tpu.memory_space<semaphore_mem>>)
        %mul3A_171 = arith.constant 80 : i32
        %mul3A_172 = arith.muli %add3A_159, %mul3A_171 : i32
        %dma_start3A_173 = arith.constant 1 : i32
        %dma_start3A_174 = arith.constant 0 : i32
        %dma_start3A_175 = arith.constant 0 : i32
        %dma_start3A_176 = tpu.memref_slice %arg10[%dma_start3A_173, %dma_start3A_174, %dma_start3A_175] : memref<2x80x128xf32, #tpu.memory_space<vmem>> -> memref<1x80x128xf32, #tpu.memory_space<vmem>>
        %dma_start3A_177 = tpu.memref_squeeze %dma_start3A_176 : memref<1x80x128xf32, #tpu.memory_space<vmem>> -> memref<80x128xf32, #tpu.memory_space<vmem>>
        %dma_start3A_178 = tpu.memref_slice %arg8[%mul3A_172] : memref<10000xi32, #tpu.memory_space<vmem>> -> memref<80xi32, #tpu.memory_space<vmem>>
        %dma_start3A_179 = arith.constant 0 : i32
        %dma_start3A_180 = arith.constant 0 : i32
        %dma_start3A_181 = tpu.memref_slice %arg3[%dma_start3A_179, %dma_start3A_180] : memref<10000x128xf32, #tpu.memory_space<hbm>> -> memref<10000x128xf32, #tpu.memory_space<hbm>>
        tpu.enqueue_indirect_dma source(%dma_start3A_181 : memref<10000x128xf32, #tpu.memory_space<hbm>>) target(%dma_start3A_177 : memref<80x128xf32, #tpu.memory_space<vmem>>) offsets(%dma_start3A_178 : memref<80xi32, #tpu.memory_space<vmem>>) semaphore(%arg14 : memref<!tpu.dma_semaphore, #tpu.memory_space<semaphore_mem>>)
      } else {
      }
    }
    %scan3A_50 = arith.constant 62 : i32
    %dma_wait3A = arith.constant 0 : i32
    %dma_wait3A_51 = arith.constant 0 : i32
    %dma_wait3A_52 = arith.constant 0 : i32
    %dma_wait3A_53 = tpu.memref_slice %arg9[%dma_wait3A, %dma_wait3A_51, %dma_wait3A_52] : memref<2x80x128xf32, #tpu.memory_space<vmem>> -> memref<1x80x128xf32, #tpu.memory_space<vmem>>
    %dma_wait3A_54 = tpu.memref_squeeze %dma_wait3A_53 : memref<1x80x128xf32, #tpu.memory_space<vmem>> -> memref<80x128xf32, #tpu.memory_space<vmem>>
    %dma_wait3A_55 = arith.constant 0 : i32
    %dma_wait3A_56 = tpu.memref_slice %arg7[%dma_wait3A_55] : memref<10000xi32, #tpu.memory_space<vmem>> -> memref<80xi32, #tpu.memory_space<vmem>>
    %dma_wait3A_57 = arith.constant 0 : i32
    %dma_wait3A_58 = arith.constant 0 : i32
    %dma_wait3A_59 = tpu.memref_slice %arg2[%dma_wait3A_57, %dma_wait3A_58] : memref<10000x128xf32, #tpu.memory_space<hbm>> -> memref<10000x128xf32, #tpu.memory_space<hbm>>
    tpu.wait_indirect_dma semaphore(%arg11 : memref<!tpu.dma_semaphore, #tpu.memory_space<semaphore_mem>>) src(%dma_wait3A_59 : memref<10000x128xf32, #tpu.memory_space<hbm>>) dst(%dma_wait3A_54 : memref<80x128xf32, #tpu.memory_space<vmem>>)
    %dma_wait3A_60 = arith.constant 0 : i32
    %dma_wait3A_61 = arith.constant 0 : i32
    %dma_wait3A_62 = arith.constant 0 : i32
    %dma_wait3A_63 = tpu.memref_slice %arg10[%dma_wait3A_60, %dma_wait3A_61, %dma_wait3A_62] : memref<2x80x128xf32, #tpu.memory_space<vmem>> -> memref<1x80x128xf32, #tpu.memory_space<vmem>>
    %dma_wait3A_64 = tpu.memref_squeeze %dma_wait3A_63 : memref<1x80x128xf32, #tpu.memory_space<vmem>> -> memref<80x128xf32, #tpu.memory_space<vmem>>
    %dma_wait3A_65 = arith.constant 0 : i32
    %dma_wait3A_66 = tpu.memref_slice %arg8[%dma_wait3A_65] : memref<10000xi32, #tpu.memory_space<vmem>> -> memref<80xi32, #tpu.memory_space<vmem>>
    %dma_wait3A_67 = arith.constant 0 : i32
    %dma_wait3A_68 = arith.constant 0 : i32
    %dma_wait3A_69 = tpu.memref_slice %arg3[%dma_wait3A_67, %dma_wait3A_68] : memref<10000x128xf32, #tpu.memory_space<hbm>> -> memref<10000x128xf32, #tpu.memory_space<hbm>>
    tpu.wait_indirect_dma semaphore(%arg13 : memref<!tpu.dma_semaphore, #tpu.memory_space<semaphore_mem>>) src(%dma_wait3A_69 : memref<10000x128xf32, #tpu.memory_space<hbm>>) dst(%dma_wait3A_64 : memref<80x128xf32, #tpu.memory_space<vmem>>)
    %scan3A_70 = arith.constant 0 : i32
    %scan3A_71 = arith.constant 0 : i32
    %scan3A_72 = arith.constant 80 : i32
    %scan3A_73 = arith.addi %scan3A_71, %scan3A_72 : i32
    %scan3A_74 = arith.constant 1 : i32
    scf.for %scan3A_78 = %scan3A_71 to %scan3A_73 step %scan3A_74  : i32 {
      %get3A = arith.constant 0 : i32
      %get3A_79 = arith.index_cast %get3A : i32 to index
      %get3A_80 = arith.index_cast %scan3A_78 : i32 to index
      %get3A_81 = arith.constant 0 : index
      %get3A_82 = tpu.vector_load %arg9[%get3A_79, %get3A_80, %get3A_81] {strides = array<i32>} : memref<2x80x128xf32, #tpu.memory_space<vmem>>, vector<1x1x16xf32>,
      %get3A_83 = vector.shape_cast %get3A_82 : vector<1x1x16xf32> to vector<16xf32>
      %get3A_84 = arith.constant 0 : i32
      %get3A_85 = arith.index_cast %get3A_84 : i32 to index
      %get3A_86 = arith.index_cast %scan3A_78 : i32 to index
      %get3A_87 = arith.constant 0 : index
      %get3A_88 = tpu.vector_load %arg10[%get3A_85, %get3A_86, %get3A_87] {strides = array<i32>} : memref<2x80x128xf32, #tpu.memory_space<vmem>>, vector<1x1x16xf32>,
      %get3A_89 = vector.shape_cast %get3A_88 : vector<1x1x16xf32> to vector<16xf32>
      %add3A_90 = arith.addf %get3A_83, %get3A_89 : vector<16xf32>
      %swap3A = arith.constant 0 : i32
      %swap3A_91 = arith.index_cast %swap3A : i32 to index
      %swap3A_92 = arith.index_cast %scan3A_78 : i32 to index
      %swap3A_93 = arith.constant 0 : index
      %swap3A_94 = tpu.vector_load %arg9[%swap3A_91, %swap3A_92, %swap3A_93] {strides = array<i32>} : memref<2x80x128xf32, #tpu.memory_space<vmem>>, vector<1x1x16xf32>,
      %swap3A_95 = vector.shape_cast %swap3A_94 : vector<1x1x16xf32> to vector<16xf32>
      %swap3A_96 = vector.shape_cast %add3A_90 : vector<16xf32> to vector<1x1x16xf32>
      tpu.vector_store %arg9[%swap3A_91, %swap3A_92, %swap3A_93], %swap3A_96 {strides = array<i32>} : memref<2x80x128xf32, #tpu.memory_space<vmem>>, vector<1x1x16xf32>,
      %get3A_97 = arith.constant 0 : i32
      %get3A_98 = arith.index_cast %get3A_97 : i32 to index
      %get3A_99 = arith.index_cast %scan3A_78 : i32 to index
      %get3A_100 = arith.constant 16 : index
      %get3A_101 = tpu.vector_load %arg9[%get3A_98, %get3A_99, %get3A_100] {strides = array<i32>} : memref<2x80x128xf32, #tpu.memory_space<vmem>>, vector<1x1x16xf32>,
      %get3A_102 = vector.shape_cast %get3A_101 : vector<1x1x16xf32> to vector<16xf32>
      %get3A_103 = arith.constant 0 : i32
      %get3A_104 = arith.index_cast %get3A_103 : i32 to index
      %get3A_105 = arith.index_cast %scan3A_78 : i32 to index
      %get3A_106 = arith.constant 16 : index
      %get3A_107 = tpu.vector_load %arg10[%get3A_104, %get3A_105, %get3A_106] {strides = array<i32>} : memref<2x80x128xf32, #tpu.memory_space<vmem>>, vector<1x1x16xf32>,
      %get3A_108 = vector.shape_cast %get3A_107 : vector<1x1x16xf32> to vector<16xf32>
      %add3A_109 = arith.addf %get3A_102, %get3A_108 : vector<16xf32>
      %swap3A_110 = arith.constant 0 : i32
      %swap3A_111 = arith.index_cast %swap3A_110 : i32 to index
      %swap3A_112 = arith.index_cast %scan3A_78 : i32 to index
      %swap3A_113 = arith.constant 16 : index
      %swap3A_114 = tpu.vector_load %arg9[%swap3A_111, %swap3A_112, %swap3A_113] {strides = array<i32>} : memref<2x80x128xf32, #tpu.memory_space<vmem>>, vector<1x1x16xf32>,
      %swap3A_115 = vector.shape_cast %swap3A_114 : vector<1x1x16xf32> to vector<16xf32>
      %swap3A_116 = vector.shape_cast %add3A_109 : vector<16xf32> to vector<1x1x16xf32>
      tpu.vector_store %arg9[%swap3A_111, %swap3A_112, %swap3A_113], %swap3A_116 {strides = array<i32>} : memref<2x80x128xf32, #tpu.memory_space<vmem>>, vector<1x1x16xf32>,
      %get3A_117 = arith.constant 0 : i32
      %get3A_118 = arith.index_cast %get3A_117 : i32 to index
      %get3A_119 = arith.index_cast %scan3A_78 : i32 to index
      %get3A_120 = arith.constant 32 : index
      %get3A_121 = tpu.vector_load %arg9[%get3A_118, %get3A_119, %get3A_120] {strides = array<i32>} : memref<2x80x128xf32, #tpu.memory_space<vmem>>, vector<1x1x16xf32>,
      %get3A_122 = vector.shape_cast %get3A_121 : vector<1x1x16xf32> to vector<16xf32>
      %get3A_123 = arith.constant 0 : i32
      %get3A_124 = arith.index_cast %get3A_123 : i32 to index
      %get3A_125 = arith.index_cast %scan3A_78 : i32 to index
      %get3A_126 = arith.constant 32 : index
      %get3A_127 = tpu.vector_load %arg10[%get3A_124, %get3A_125, %get3A_126] {strides = array<i32>} : memref<2x80x128xf32, #tpu.memory_space<vmem>>, vector<1x1x16xf32>,
      %get3A_128 = vector.shape_cast %get3A_127 : vector<1x1x16xf32> to vector<16xf32>
      %add3A_129 = arith.addf %get3A_122, %get3A_128 : vector<16xf32>
      %swap3A_130 = arith.constant 0 : i32
      %swap3A_131 = arith.index_cast %swap3A_130 : i32 to index
      %swap3A_132 = arith.index_cast %scan3A_78 : i32 to index
      %swap3A_133 = arith.constant 32 : index
      %swap3A_134 = tpu.vector_load %arg9[%swap3A_131, %swap3A_132, %swap3A_133] {strides = array<i32>} : memref<2x80x128xf32, #tpu.memory_space<vmem>>, vector<1x1x16xf32>,
      %swap3A_135 = vector.shape_cast %swap3A_134 : vector<1x1x16xf32> to vector<16xf32>
      %swap3A_136 = vector.shape_cast %add3A_129 : vector<16xf32> to vector<1x1x16xf32>
      tpu.vector_store %arg9[%swap3A_131, %swap3A_132, %swap3A_133], %swap3A_136 {strides = array<i32>} : memref<2x80x128xf32, #tpu.memory_space<vmem>>, vector<1x1x16xf32>,
      %get3A_137 = arith.constant 0 : i32
      %get3A_138 = arith.index_cast %get3A_137 : i32 to index
      %get3A_139 = arith.index_cast %scan3A_78 : i32 to index
      %get3A_140 = arith.constant 48 : index
      %get3A_141 = tpu.vector_load %arg9[%get3A_138, %get3A_139, %get3A_140] {strides = array<i32>} : memref<2x80x128xf32, #tpu.memory_space<vmem>>, vector<1x1x16xf32>,
      %get3A_142 = vector.shape_cast %get3A_141 : vector<1x1x16xf32> to vector<16xf32>
      %get3A_143 = arith.constant 0 : i32
      %get3A_144 = arith.index_cast %get3A_143 : i32 to index
      %get3A_145 = arith.index_cast %scan3A_78 : i32 to index
      %get3A_146 = arith.constant 48 : index
      %get3A_147 = tpu.vector_load %arg10[%get3A_144, %get3A_145, %get3A_146] {strides = array<i32>} : memref<2x80x128xf32, #tpu.memory_space<vmem>>, vector<1x1x16xf32>,
      %get3A_148 = vector.shape_cast %get3A_147 : vector<1x1x16xf32> to vector<16xf32>
      %add3A_149 = arith.addf %get3A_142, %get3A_148 : vector<16xf32>
      %swap3A_150 = arith.constant 0 : i32
      %swap3A_151 = arith.index_cast %swap3A_150 : i32 to index
      %swap3A_152 = arith.index_cast %scan3A_78 : i32 to index
      %swap3A_153 = arith.constant 48 : index
      %swap3A_154 = tpu.vector_load %arg9[%swap3A_151, %swap3A_152, %swap3A_153] {strides = array<i32>} : memref<2x80x128xf32, #tpu.memory_space<vmem>>, vector<1x1x16xf32>,
      %swap3A_155 = vector.shape_cast %swap3A_154 : vector<1x1x16xf32> to vector<16xf32>
      %swap3A_156 = vector.shape_cast %add3A_149 : vector<16xf32> to vector<1x1x16xf32>
      tpu.vector_store %arg9[%swap3A_151, %swap3A_152, %swap3A_153], %swap3A_156 {strides = array<i32>} : memref<2x80x128xf32, #tpu.memory_space<vmem>>, vector<1x1x16xf32>,
      %get3A_157 = arith.constant 0 : i32
      %get3A_158 = arith.index_cast %get3A_157 : i32 to index
      %get3A_159 = arith.index_cast %scan3A_78 : i32 to index
      %get3A_160 = arith.constant 64 : index
      %get3A_161 = tpu.vector_load %arg9[%get3A_158, %get3A_159, %get3A_160] {strides = array<i32>} : memref<2x80x128xf32, #tpu.memory_space<vmem>>, vector<1x1x16xf32>,
      %get3A_162 = vector.shape_cast %get3A_161 : vector<1x1x16xf32> to vector<16xf32>
      %get3A_163 = arith.constant 0 : i32
      %get3A_164 = arith.index_cast %get3A_163 : i32 to index
      %get3A_165 = arith.index_cast %scan3A_78 : i32 to index
      %get3A_166 = arith.constant 64 : index
      %get3A_167 = tpu.vector_load %arg10[%get3A_164, %get3A_165, %get3A_166] {strides = array<i32>} : memref<2x80x128xf32, #tpu.memory_space<vmem>>, vector<1x1x16xf32>,
      %get3A_168 = vector.shape_cast %get3A_167 : vector<1x1x16xf32> to vector<16xf32>
      %add3A_169 = arith.addf %get3A_162, %get3A_168 : vector<16xf32>
      %swap3A_170 = arith.constant 0 : i32
      %swap3A_171 = arith.index_cast %swap3A_170 : i32 to index
      %swap3A_172 = arith.index_cast %scan3A_78 : i32 to index
      %swap3A_173 = arith.constant 64 : index
      %swap3A_174 = tpu.vector_load %arg9[%swap3A_171, %swap3A_172, %swap3A_173] {strides = array<i32>} : memref<2x80x128xf32, #tpu.memory_space<vmem>>, vector<1x1x16xf32>,
      %swap3A_175 = vector.shape_cast %swap3A_174 : vector<1x1x16xf32> to vector<16xf32>
      %swap3A_176 = vector.shape_cast %add3A_169 : vector<16xf32> to vector<1x1x16xf32>
      tpu.vector_store %arg9[%swap3A_171, %swap3A_172, %swap3A_173], %swap3A_176 {strides = array<i32>} : memref<2x80x128xf32, #tpu.memory_space<vmem>>, vector<1x1x16xf32>,
      %get3A_177 = arith.constant 0 : i32
      %get3A_178 = arith.index_cast %get3A_177 : i32 to index
      %get3A_179 = arith.index_cast %scan3A_78 : i32 to index
      %get3A_180 = arith.constant 80 : index
      %get3A_181 = tpu.vector_load %arg9[%get3A_178, %get3A_179, %get3A_180] {strides = array<i32>} : memref<2x80x128xf32, #tpu.memory_space<vmem>>, vector<1x1x16xf32>,
      %get3A_182 = vector.shape_cast %get3A_181 : vector<1x1x16xf32> to vector<16xf32>
      %get3A_183 = arith.constant 0 : i32
      %get3A_184 = arith.index_cast %get3A_183 : i32 to index
      %get3A_185 = arith.index_cast %scan3A_78 : i32 to index
      %get3A_186 = arith.constant 80 : index
      %get3A_187 = tpu.vector_load %arg10[%get3A_184, %get3A_185, %get3A_186] {strides = array<i32>} : memref<2x80x128xf32, #tpu.memory_space<vmem>>, vector<1x1x16xf32>,
      %get3A_188 = vector.shape_cast %get3A_187 : vector<1x1x16xf32> to vector<16xf32>
      %add3A_189 = arith.addf %get3A_182, %get3A_188 : vector<16xf32>
      %swap3A_190 = arith.constant 0 : i32
      %swap3A_191 = arith.index_cast %swap3A_190 : i32 to index
      %swap3A_192 = arith.index_cast %scan3A_78 : i32 to index
      %swap3A_193 = arith.constant 80 : index
      %swap3A_194 = tpu.vector_load %arg9[%swap3A_191, %swap3A_192, %swap3A_193] {strides = array<i32>} : memref<2x80x128xf32, #tpu.memory_space<vmem>>, vector<1x1x16xf32>,
      %swap3A_195 = vector.shape_cast %swap3A_194 : vector<1x1x16xf32> to vector<16xf32>
      %swap3A_196 = vector.shape_cast %add3A_189 : vector<16xf32> to vector<1x1x16xf32>
      tpu.vector_store %arg9[%swap3A_191, %swap3A_192, %swap3A_193], %swap3A_196 {strides = array<i32>} : memref<2x80x128xf32, #tpu.memory_space<vmem>>, vector<1x1x16xf32>,
      %get3A_197 = arith.constant 0 : i32
      %get3A_198 = arith.index_cast %get3A_197 : i32 to index
      %get3A_199 = arith.index_cast %scan3A_78 : i32 to index
      %get3A_200 = arith.constant 96 : index
      %get3A_201 = tpu.vector_load %arg9[%get3A_198, %get3A_199, %get3A_200] {strides = array<i32>} : memref<2x80x128xf32, #tpu.memory_space<vmem>>, vector<1x1x16xf32>,
      %get3A_202 = vector.shape_cast %get3A_201 : vector<1x1x16xf32> to vector<16xf32>
      %get3A_203 = arith.constant 0 : i32
      %get3A_204 = arith.index_cast %get3A_203 : i32 to index
      %get3A_205 = arith.index_cast %scan3A_78 : i32 to index
      %get3A_206 = arith.constant 96 : index
      %get3A_207 = tpu.vector_load %arg10[%get3A_204, %get3A_205, %get3A_206] {strides = array<i32>} : memref<2x80x128xf32, #tpu.memory_space<vmem>>, vector<1x1x16xf32>,
      %get3A_208 = vector.shape_cast %get3A_207 : vector<1x1x16xf32> to vector<16xf32>
      %add3A_209 = arith.addf %get3A_202, %get3A_208 : vector<16xf32>
      %swap3A_210 = arith.constant 0 : i32
      %swap3A_211 = arith.index_cast %swap3A_210 : i32 to index
      %swap3A_212 = arith.index_cast %scan3A_78 : i32 to index
      %swap3A_213 = arith.constant 96 : index
      %swap3A_214 = tpu.vector_load %arg9[%swap3A_211, %swap3A_212, %swap3A_213] {strides = array<i32>} : memref<2x80x128xf32, #tpu.memory_space<vmem>>, vector<1x1x16xf32>,
      %swap3A_215 = vector.shape_cast %swap3A_214 : vector<1x1x16xf32> to vector<16xf32>
      %swap3A_216 = vector.shape_cast %add3A_209 : vector<16xf32> to vector<1x1x16xf32>
      tpu.vector_store %arg9[%swap3A_211, %swap3A_212, %swap3A_213], %swap3A_216 {strides = array<i32>} : memref<2x80x128xf32, #tpu.memory_space<vmem>>, vector<1x1x16xf32>,
      %get3A_217 = arith.constant 0 : i32
      %get3A_218 = arith.index_cast %get3A_217 : i32 to index
      %get3A_219 = arith.index_cast %scan3A_78 : i32 to index
      %get3A_220 = arith.constant 112 : index
      %get3A_221 = tpu.vector_load %arg9[%get3A_218, %get3A_219, %get3A_220] {strides = array<i32>} : memref<2x80x128xf32, #tpu.memory_space<vmem>>, vector<1x1x16xf32>,
      %get3A_222 = vector.shape_cast %get3A_221 : vector<1x1x16xf32> to vector<16xf32>
      %get3A_223 = arith.constant 0 : i32
      %get3A_224 = arith.index_cast %get3A_223 : i32 to index
      %get3A_225 = arith.index_cast %scan3A_78 : i32 to index
      %get3A_226 = arith.constant 112 : index
      %get3A_227 = tpu.vector_load %arg10[%get3A_224, %get3A_225, %get3A_226] {strides = array<i32>} : memref<2x80x128xf32, #tpu.memory_space<vmem>>, vector<1x1x16xf32>,
      %get3A_228 = vector.shape_cast %get3A_227 : vector<1x1x16xf32> to vector<16xf32>
      %add3A_229 = arith.addf %get3A_222, %get3A_228 : vector<16xf32>
      %swap3A_230 = arith.constant 0 : i32
      %swap3A_231 = arith.index_cast %swap3A_230 : i32 to index
      %swap3A_232 = arith.index_cast %scan3A_78 : i32 to index
      %swap3A_233 = arith.constant 112 : index
      %swap3A_234 = tpu.vector_load %arg9[%swap3A_231, %swap3A_232, %swap3A_233] {strides = array<i32>} : memref<2x80x128xf32, #tpu.memory_space<vmem>>, vector<1x1x16xf32>,
      %swap3A_235 = vector.shape_cast %swap3A_234 : vector<1x1x16xf32> to vector<16xf32>
      %swap3A_236 = vector.shape_cast %add3A_229 : vector<16xf32> to vector<1x1x16xf32>
      tpu.vector_store %arg9[%swap3A_231, %swap3A_232, %swap3A_233], %swap3A_236 {strides = array<i32>} : memref<2x80x128xf32, #tpu.memory_space<vmem>>, vector<1x1x16xf32>,
    }
    %scan3A_75 = arith.constant 80 : i32
    %add3A_76 = arith.constant 9920 : i32
    %add3A_77 = arith.addi %mul3A_6, %add3A_76 : i32
    %run_scoped3A = arith.constant 0 : i32
    "tpu.region"() ({
      %run_scoped3A_78 = tpu.sem_alloc : memref<!tpu.dma_semaphore, #tpu.memory_space<semaphore_mem>>
      %dma_start3A_79 = arith.constant 0 : i32
      %dma_start3A_80 = arith.constant 0 : i32
      %dma_start3A_81 = tpu.memref_slice %arg9[%run_scoped3A, %dma_start3A_79, %dma_start3A_80] : memref<2x80x128xf32, #tpu.memory_space<vmem>> -> memref<1x80x128xf32, #tpu.memory_space<vmem>>
      %dma_start3A_82 = tpu.memref_squeeze %dma_start3A_81 : memref<1x80x128xf32, #tpu.memory_space<vmem>> -> memref<80x128xf32, #tpu.memory_space<vmem>>
      %dma_start3A_83 = arith.constant 0 : i32
      %dma_start3A_84 = tpu.memref_slice %arg6[%add3A_77, %dma_start3A_83] : memref<320000x128xf32, #tpu.memory_space<hbm>> -> memref<80x128xf32, #tpu.memory_space<hbm>>
      %dma_start3A_85 = arith.constant 0 : i32
      %dma_start3A_86 = tpu.memref_slice %arg6[%add3A_77, %dma_start3A_85] : memref<320000x128xf32, #tpu.memory_space<hbm>> -> memref<80x128xf32, #tpu.memory_space<hbm>>
      %dma_start3A_87 = arith.constant 0 : i32
      %dma_start3A_88 = arith.constant 0 : i32
      %dma_start3A_89 = tpu.memref_slice %arg9[%run_scoped3A, %dma_start3A_87, %dma_start3A_88] : memref<2x80x128xf32, #tpu.memory_space<vmem>> -> memref<1x80x128xf32, #tpu.memory_space<vmem>>
      %dma_start3A_90 = tpu.memref_squeeze %dma_start3A_89 : memref<1x80x128xf32, #tpu.memory_space<vmem>> -> memref<80x128xf32, #tpu.memory_space<vmem>>
      tpu.enqueue_dma source(%dma_start3A_90 : memref<80x128xf32, #tpu.memory_space<vmem>>) target(%dma_start3A_86 : memref<80x128xf32, #tpu.memory_space<hbm>>) target_semaphore(%run_scoped3A_78 : memref<!tpu.dma_semaphore, #tpu.memory_space<semaphore_mem>>)
      %dma_wait3A_91 = arith.constant 0 : i32
      %dma_wait3A_92 = arith.constant 0 : i32
      %dma_wait3A_93 = tpu.memref_slice %arg9[%run_scoped3A, %dma_wait3A_91, %dma_wait3A_92] : memref<2x80x128xf32, #tpu.memory_space<vmem>> -> memref<1x80x128xf32, #tpu.memory_space<vmem>>
      %dma_wait3A_94 = tpu.memref_squeeze %dma_wait3A_93 : memref<1x80x128xf32, #tpu.memory_space<vmem>> -> memref<80x128xf32, #tpu.memory_space<vmem>>
      %dma_wait3A_95 = arith.constant 0 : i32
      %dma_wait3A_96 = tpu.memref_slice %arg6[%add3A_77, %dma_wait3A_95] : memref<320000x128xf32, #tpu.memory_space<hbm>> -> memref<80x128xf32, #tpu.memory_space<hbm>>
      %dma_wait3A_97 = arith.constant 0 : i32
      %dma_wait3A_98 = tpu.memref_slice %arg6[%add3A_77, %dma_wait3A_97] : memref<320000x128xf32, #tpu.memory_space<hbm>> -> memref<80x128xf32, #tpu.memory_space<hbm>>
      %dma_wait3A_99 = arith.constant 0 : i32
      %dma_wait3A_100 = arith.constant 0 : i32
      %dma_wait3A_101 = tpu.memref_slice %arg9[%run_scoped3A, %dma_wait3A_99, %dma_wait3A_100] : memref<2x80x128xf32, #tpu.memory_space<vmem>> -> memref<1x80x128xf32, #tpu.memory_space<vmem>>
      %dma_wait3A_102 = tpu.memref_squeeze %dma_wait3A_101 : memref<1x80x128xf32, #tpu.memory_space<vmem>> -> memref<80x128xf32, #tpu.memory_space<vmem>>
      tpu.wait_dma2 semaphore(%run_scoped3A_78 : memref<!tpu.dma_semaphore, #tpu.memory_space<semaphore_mem>>) src(%dma_wait3A_102 : memref<80x128xf32, #tpu.memory_space<vmem>>) dst(%dma_wait3A_98 : memref<80x128xf32, #tpu.memory_space<hbm>>)
      tpu.yield
    }) : () -> ()
    return
  }
}

#map = affine_map<(d0, d1) -> (0, 0)>
#map1 = affine_map<(d0, d1) -> (0)>
#map2 = affine_map<(d0, d1) -> (0, 0, 0)>
module attributes {stable_mosaic.version = 14 : i64} {
  func.func @body(%arg0: i32, %arg1: i32, %arg2: memref<179200x128xf32, #tpu.memory_space<hbm>>, %arg3: memref<320000xi32, #tpu.memory_space<hbm>>, %arg4: memref<10240x128xf32, #tpu.memory_space<hbm>>, %arg5: memref<2x10240x128xf32, #tpu.memory_space<hbm>>, %arg6: memref<2x80xi32, #tpu.memory_space<vmem>>, %arg7: memref<2x80x128xf32, #tpu.memory_space<vmem>>, %arg8: memref<10240x128xf32, #tpu.memory_space<vmem_shared>>, %arg9: memref<!tpu.dma_semaphore, #tpu.memory_space<semaphore_mem>>, %arg10: memref<!tpu.dma_semaphore, #tpu.memory_space<semaphore_mem>>) attributes {dimension_semantics = [#tpu.dimension_semantics<core_parallel>, #tpu.dimension_semantics<subcore_parallel>], iteration_bounds = array<i64: 2, 16>, scalar_prefetch = 0 : i64, scratch_operands = 5 : i64, tpu.core_type = #tpu.core_type<sc_vector_subcore>, window_params = [{transform_indices = #map}, {transform_indices = #map1}, {transform_indices = #map}, {transform_indices = #map2}]} {
    %mul3A = arith.constant 2 : i32
    %mul3A_0 = arith.muli %arg1, %mul3A : i32
    %add3A = arith.addi %mul3A_0, %arg0 : i32
    %mul3A_1 = arith.constant 5600 : i32
    %mul3A_2 = arith.muli %add3A, %mul3A_1 : i32
    %add3A_3 = arith.constant 0 : i32
    %add3A_4 = arith.addi %add3A_3, %mul3A_2 : i32
    %mul3A_5 = arith.constant 5600 : i32
    %mul3A_6 = arith.muli %add3A, %mul3A_5 : i32
    %mul3A_7 = arith.constant 640 : i32
    %mul3A_8 = arith.muli %arg1, %mul3A_7 : i32
    "tpu.region"() ({
      %run_scoped3A_49 = tpu.sem_alloc : memref<!tpu.dma_semaphore, #tpu.memory_space<semaphore_mem>>
      %dma_start3A_50 = arith.constant 0 : i32
      %dma_start3A_51 = tpu.memref_slice %arg8[%mul3A_8, %dma_start3A_50] : memref<10240x128xf32, #tpu.memory_space<vmem_shared>> -> memref<640x128xf32, #tpu.memory_space<vmem_shared>>
      %dma_start3A_52 = arith.constant 0 : i32
      %dma_start3A_53 = tpu.memref_slice %arg4[%mul3A_8, %dma_start3A_52] : memref<10240x128xf32, #tpu.memory_space<hbm>> -> memref<640x128xf32, #tpu.memory_space<hbm>>
      tpu.enqueue_dma source(%dma_start3A_53 : memref<640x128xf32, #tpu.memory_space<hbm>>) target(%dma_start3A_51 : memref<640x128xf32, #tpu.memory_space<vmem_shared>>) target_semaphore(%run_scoped3A_49 : memref<!tpu.dma_semaphore, #tpu.memory_space<semaphore_mem>>)
      %dma_wait3A = arith.constant 0 : i32
      %dma_wait3A_54 = tpu.memref_slice %arg8[%mul3A_8, %dma_wait3A] : memref<10240x128xf32, #tpu.memory_space<vmem_shared>> -> memref<640x128xf32, #tpu.memory_space<vmem_shared>>
      %dma_wait3A_55 = arith.constant 0 : i32
      %dma_wait3A_56 = tpu.memref_slice %arg4[%mul3A_8, %dma_wait3A_55] : memref<10240x128xf32, #tpu.memory_space<hbm>> -> memref<640x128xf32, #tpu.memory_space<hbm>>
      tpu.wait_dma2 semaphore(%run_scoped3A_49 : memref<!tpu.dma_semaphore, #tpu.memory_space<semaphore_mem>>) src(%dma_wait3A_56 : memref<640x128xf32, #tpu.memory_space<hbm>>) dst(%dma_wait3A_54 : memref<640x128xf32, #tpu.memory_space<vmem_shared>>)
      tpu.yield
    }) : () -> ()
    %barrier3A = arith.constant 0 : index
    tpu.barrier barrier_id(%barrier3A)
    %add3A_9 = arith.constant 0 : i32
    %add3A_10 = arith.addi %add3A_4, %add3A_9 : i32
    %run_scoped3A = arith.constant 0 : i32
    "tpu.region"() ({
      %run_scoped3A_49 = tpu.sem_alloc : memref<!tpu.dma_semaphore, #tpu.memory_space<semaphore_mem>>
      %dma_start3A_50 = arith.constant 0 : i32
      %dma_start3A_51 = tpu.memref_slice %arg6[%run_scoped3A, %dma_start3A_50] : memref<2x80xi32, #tpu.memory_space<vmem>> -> memref<1x80xi32, #tpu.memory_space<vmem>>
      %dma_start3A_52 = tpu.memref_squeeze %dma_start3A_51 : memref<1x80xi32, #tpu.memory_space<vmem>> -> memref<80xi32, #tpu.memory_space<vmem>>
      %dma_start3A_53 = tpu.memref_slice %arg3[%add3A_10] : memref<320000xi32, #tpu.memory_space<hbm>> -> memref<80xi32, #tpu.memory_space<hbm>>
      %dma_start3A_54 = arith.constant 0 : i32
      %dma_start3A_55 = tpu.memref_slice %arg6[%run_scoped3A, %dma_start3A_54] : memref<2x80xi32, #tpu.memory_space<vmem>> -> memref<1x80xi32, #tpu.memory_space<vmem>>
      %dma_start3A_56 = tpu.memref_squeeze %dma_start3A_55 : memref<1x80xi32, #tpu.memory_space<vmem>> -> memref<80xi32, #tpu.memory_space<vmem>>
      %dma_start3A_57 = tpu.memref_slice %arg3[%add3A_10] : memref<320000xi32, #tpu.memory_space<hbm>> -> memref<80xi32, #tpu.memory_space<hbm>>
      tpu.enqueue_dma source(%dma_start3A_57 : memref<80xi32, #tpu.memory_space<hbm>>) target(%dma_start3A_56 : memref<80xi32, #tpu.memory_space<vmem>>) target_semaphore(%run_scoped3A_49 : memref<!tpu.dma_semaphore, #tpu.memory_space<semaphore_mem>>)
      %dma_wait3A = arith.constant 0 : i32
      %dma_wait3A_58 = tpu.memref_slice %arg6[%run_scoped3A, %dma_wait3A] : memref<2x80xi32, #tpu.memory_space<vmem>> -> memref<1x80xi32, #tpu.memory_space<vmem>>
      %dma_wait3A_59 = tpu.memref_squeeze %dma_wait3A_58 : memref<1x80xi32, #tpu.memory_space<vmem>> -> memref<80xi32, #tpu.memory_space<vmem>>
      %dma_wait3A_60 = tpu.memref_slice %arg3[%add3A_10] : memref<320000xi32, #tpu.memory_space<hbm>> -> memref<80xi32, #tpu.memory_space<hbm>>
      %dma_wait3A_61 = arith.constant 0 : i32
      %dma_wait3A_62 = tpu.memref_slice %arg6[%run_scoped3A, %dma_wait3A_61] : memref<2x80xi32, #tpu.memory_space<vmem>> -> memref<1x80xi32, #tpu.memory_space<vmem>>
      %dma_wait3A_63 = tpu.memref_squeeze %dma_wait3A_62 : memref<1x80xi32, #tpu.memory_space<vmem>> -> memref<80xi32, #tpu.memory_space<vmem>>
      %dma_wait3A_64 = tpu.memref_slice %arg3[%add3A_10] : memref<320000xi32, #tpu.memory_space<hbm>> -> memref<80xi32, #tpu.memory_space<hbm>>
      tpu.wait_dma2 semaphore(%run_scoped3A_49 : memref<!tpu.dma_semaphore, #tpu.memory_space<semaphore_mem>>) src(%dma_wait3A_64 : memref<80xi32, #tpu.memory_space<hbm>>) dst(%dma_wait3A_63 : memref<80xi32, #tpu.memory_space<vmem>>)
      tpu.yield
    }) : () -> ()
    %add3A_11 = arith.constant 0 : i32
    %add3A_12 = arith.addi %mul3A_6, %add3A_11 : i32
    %dma_start3A = arith.constant 0 : i32
    %dma_start3A_13 = arith.constant 0 : i32
    %dma_start3A_14 = arith.constant 0 : i32
    %dma_start3A_15 = tpu.memref_slice %arg7[%dma_start3A, %dma_start3A_13, %dma_start3A_14] : memref<2x80x128xf32, #tpu.memory_space<vmem>> -> memref<1x80x128xf32, #tpu.memory_space<vmem>>
    %dma_start3A_16 = tpu.memref_squeeze %dma_start3A_15 : memref<1x80x128xf32, #tpu.memory_space<vmem>> -> memref<80x128xf32, #tpu.memory_space<vmem>>
    %dma_start3A_17 = arith.constant 0 : i32
    %dma_start3A_18 = tpu.memref_slice %arg2[%add3A_12, %dma_start3A_17] : memref<179200x128xf32, #tpu.memory_space<hbm>> -> memref<80x128xf32, #tpu.memory_space<hbm>>
    %dma_start3A_19 = arith.constant 0 : i32
    %dma_start3A_20 = arith.constant 0 : i32
    %dma_start3A_21 = tpu.memref_slice %arg7[%dma_start3A, %dma_start3A_19, %dma_start3A_20] : memref<2x80x128xf32, #tpu.memory_space<vmem>> -> memref<1x80x128xf32, #tpu.memory_space<vmem>>
    %dma_start3A_22 = tpu.memref_squeeze %dma_start3A_21 : memref<1x80x128xf32, #tpu.memory_space<vmem>> -> memref<80x128xf32, #tpu.memory_space<vmem>>
    %dma_start3A_23 = arith.constant 0 : i32
    %dma_start3A_24 = tpu.memref_slice %arg2[%add3A_12, %dma_start3A_23] : memref<179200x128xf32, #tpu.memory_space<hbm>> -> memref<80x128xf32, #tpu.memory_space<hbm>>
    tpu.enqueue_dma source(%dma_start3A_24 : memref<80x128xf32, #tpu.memory_space<hbm>>) target(%dma_start3A_22 : memref<80x128xf32, #tpu.memory_space<vmem>>) target_semaphore(%arg9 : memref<!tpu.dma_semaphore, #tpu.memory_space<semaphore_mem>>)
    %add3A_25 = arith.constant 80 : i32
    %add3A_26 = arith.addi %add3A_4, %add3A_25 : i32
    %run_scoped3A_27 = arith.constant 1 : i32
    "tpu.region"() ({
      %run_scoped3A_49 = tpu.sem_alloc : memref<!tpu.dma_semaphore, #tpu.memory_space<semaphore_mem>>
      %dma_start3A_50 = arith.constant 0 : i32
      %dma_start3A_51 = tpu.memref_slice %arg6[%run_scoped3A_27, %dma_start3A_50] : memref<2x80xi32, #tpu.memory_space<vmem>> -> memref<1x80xi32, #tpu.memory_space<vmem>>
      %dma_start3A_52 = tpu.memref_squeeze %dma_start3A_51 : memref<1x80xi32, #tpu.memory_space<vmem>> -> memref<80xi32, #tpu.memory_space<vmem>>
      %dma_start3A_53 = tpu.memref_slice %arg3[%add3A_26] : memref<320000xi32, #tpu.memory_space<hbm>> -> memref<80xi32, #tpu.memory_space<hbm>>
      %dma_start3A_54 = arith.constant 0 : i32
      %dma_start3A_55 = tpu.memref_slice %arg6[%run_scoped3A_27, %dma_start3A_54] : memref<2x80xi32, #tpu.memory_space<vmem>> -> memref<1x80xi32, #tpu.memory_space<vmem>>
      %dma_start3A_56 = tpu.memref_squeeze %dma_start3A_55 : memref<1x80xi32, #tpu.memory_space<vmem>> -> memref<80xi32, #tpu.memory_space<vmem>>
      %dma_start3A_57 = tpu.memref_slice %arg3[%add3A_26] : memref<320000xi32, #tpu.memory_space<hbm>> -> memref<80xi32, #tpu.memory_space<hbm>>
      tpu.enqueue_dma source(%dma_start3A_57 : memref<80xi32, #tpu.memory_space<hbm>>) target(%dma_start3A_56 : memref<80xi32, #tpu.memory_space<vmem>>) target_semaphore(%run_scoped3A_49 : memref<!tpu.dma_semaphore, #tpu.memory_space<semaphore_mem>>)
      %dma_wait3A = arith.constant 0 : i32
      %dma_wait3A_58 = tpu.memref_slice %arg6[%run_scoped3A_27, %dma_wait3A] : memref<2x80xi32, #tpu.memory_space<vmem>> -> memref<1x80xi32, #tpu.memory_space<vmem>>
      %dma_wait3A_59 = tpu.memref_squeeze %dma_wait3A_58 : memref<1x80xi32, #tpu.memory_space<vmem>> -> memref<80xi32, #tpu.memory_space<vmem>>
      %dma_wait3A_60 = tpu.memref_slice %arg3[%add3A_26] : memref<320000xi32, #tpu.memory_space<hbm>> -> memref<80xi32, #tpu.memory_space<hbm>>
      %dma_wait3A_61 = arith.constant 0 : i32
      %dma_wait3A_62 = tpu.memref_slice %arg6[%run_scoped3A_27, %dma_wait3A_61] : memref<2x80xi32, #tpu.memory_space<vmem>> -> memref<1x80xi32, #tpu.memory_space<vmem>>
      %dma_wait3A_63 = tpu.memref_squeeze %dma_wait3A_62 : memref<1x80xi32, #tpu.memory_space<vmem>> -> memref<80xi32, #tpu.memory_space<vmem>>
      %dma_wait3A_64 = tpu.memref_slice %arg3[%add3A_26] : memref<320000xi32, #tpu.memory_space<hbm>> -> memref<80xi32, #tpu.memory_space<hbm>>
      tpu.wait_dma2 semaphore(%run_scoped3A_49 : memref<!tpu.dma_semaphore, #tpu.memory_space<semaphore_mem>>) src(%dma_wait3A_64 : memref<80xi32, #tpu.memory_space<hbm>>) dst(%dma_wait3A_63 : memref<80xi32, #tpu.memory_space<vmem>>)
      tpu.yield
    }) : () -> ()
    %add3A_28 = arith.constant 80 : i32
    %add3A_29 = arith.addi %mul3A_6, %add3A_28 : i32
    %dma_start3A_30 = arith.constant 1 : i32
    %dma_start3A_31 = arith.constant 0 : i32
    %dma_start3A_32 = arith.constant 0 : i32
    %dma_start3A_33 = tpu.memref_slice %arg7[%dma_start3A_30, %dma_start3A_31, %dma_start3A_32] : memref<2x80x128xf32, #tpu.memory_space<vmem>> -> memref<1x80x128xf32, #tpu.memory_space<vmem>>
    %dma_start3A_34 = tpu.memref_squeeze %dma_start3A_33 : memref<1x80x128xf32, #tpu.memory_space<vmem>> -> memref<80x128xf32, #tpu.memory_space<vmem>>
    %dma_start3A_35 = arith.constant 0 : i32
    %dma_start3A_36 = tpu.memref_slice %arg2[%add3A_29, %dma_start3A_35] : memref<179200x128xf32, #tpu.memory_space<hbm>> -> memref<80x128xf32, #tpu.memory_space<hbm>>
    %dma_start3A_37 = arith.constant 0 : i32
    %dma_start3A_38 = arith.constant 0 : i32
    %dma_start3A_39 = tpu.memref_slice %arg7[%dma_start3A_30, %dma_start3A_37, %dma_start3A_38] : memref<2x80x128xf32, #tpu.memory_space<vmem>> -> memref<1x80x128xf32, #tpu.memory_space<vmem>>
    %dma_start3A_40 = tpu.memref_squeeze %dma_start3A_39 : memref<1x80x128xf32, #tpu.memory_space<vmem>> -> memref<80x128xf32, #tpu.memory_space<vmem>>
    %dma_start3A_41 = arith.constant 0 : i32
    %dma_start3A_42 = tpu.memref_slice %arg2[%add3A_29, %dma_start3A_41] : memref<179200x128xf32, #tpu.memory_space<hbm>> -> memref<80x128xf32, #tpu.memory_space<hbm>>
    tpu.enqueue_dma source(%dma_start3A_42 : memref<80x128xf32, #tpu.memory_space<hbm>>) target(%dma_start3A_40 : memref<80x128xf32, #tpu.memory_space<vmem>>) target_semaphore(%arg10 : memref<!tpu.dma_semaphore, #tpu.memory_space<semaphore_mem>>)
    %scan3A = arith.constant 0 : i32
    %scan3A_43 = arith.constant 0 : i32
    %scan3A_44 = arith.constant 35 : i32
    %scan3A_45 = arith.addi %scan3A_43, %scan3A_44 : i32
    %scan3A_46 = arith.constant 1 : i32
    scf.for %scan3A_49 = %scan3A_43 to %scan3A_45 step %scan3A_46  : i32 {
      %mul3A_50 = arith.constant 2 : i32
      %mul3A_51 = arith.muli %scan3A_49, %mul3A_50 : i32
      %add3A_52 = arith.constant 0 : i32
      %add3A_53 = arith.addi %mul3A_51, %add3A_52 : i32
      %dma_wait3A = arith.constant 0 : i32
      %dma_wait3A_54 = arith.constant 0 : i32
      %dma_wait3A_55 = arith.constant 0 : i32
      %dma_wait3A_56 = tpu.memref_slice %arg7[%dma_wait3A, %dma_wait3A_54, %dma_wait3A_55] : memref<2x80x128xf32, #tpu.memory_space<vmem>> -> memref<1x80x128xf32, #tpu.memory_space<vmem>>
      %dma_wait3A_57 = tpu.memref_squeeze %dma_wait3A_56 : memref<1x80x128xf32, #tpu.memory_space<vmem>> -> memref<80x128xf32, #tpu.memory_space<vmem>>
      %dma_wait3A_58 = arith.constant 0 : i32
      %dma_wait3A_59 = arith.constant 0 : i32
      %dma_wait3A_60 = tpu.memref_slice %arg2[%dma_wait3A_58, %dma_wait3A_59] : memref<179200x128xf32, #tpu.memory_space<hbm>> -> memref<80x128xf32, #tpu.memory_space<hbm>>
      %dma_wait3A_61 = arith.constant 0 : i32
      %dma_wait3A_62 = arith.constant 0 : i32
      %dma_wait3A_63 = tpu.memref_slice %arg7[%dma_wait3A, %dma_wait3A_61, %dma_wait3A_62] : memref<2x80x128xf32, #tpu.memory_space<vmem>> -> memref<1x80x128xf32, #tpu.memory_space<vmem>>
      %dma_wait3A_64 = tpu.memref_squeeze %dma_wait3A_63 : memref<1x80x128xf32, #tpu.memory_space<vmem>> -> memref<80x128xf32, #tpu.memory_space<vmem>>
      %dma_wait3A_65 = arith.constant 0 : i32
      %dma_wait3A_66 = arith.constant 0 : i32
      %dma_wait3A_67 = tpu.memref_slice %arg2[%dma_wait3A_65, %dma_wait3A_66] : memref<179200x128xf32, #tpu.memory_space<hbm>> -> memref<80x128xf32, #tpu.memory_space<hbm>>
      tpu.wait_dma2 semaphore(%arg9 : memref<!tpu.dma_semaphore, #tpu.memory_space<semaphore_mem>>) src(%dma_wait3A_67 : memref<80x128xf32, #tpu.memory_space<hbm>>) dst(%dma_wait3A_64 : memref<80x128xf32, #tpu.memory_space<vmem>>)
      %run_scoped3A_68 = arith.constant 0 : i32
      %run_scoped3A_69 = arith.constant 0 : i32
      "tpu.region"() ({
        %run_scoped3A_102 = tpu.sem_alloc : memref<!tpu.dma_semaphore, #tpu.memory_space<semaphore_mem>>
        %dma_start3A_103 = arith.constant 0 : i32
        %dma_start3A_104 = arith.constant 0 : i32
        %dma_start3A_105 = tpu.memref_slice %arg7[%run_scoped3A_68, %dma_start3A_103, %dma_start3A_104] : memref<2x80x128xf32, #tpu.memory_space<vmem>> -> memref<1x80x128xf32, #tpu.memory_space<vmem>>
        %dma_start3A_106 = tpu.memref_squeeze %dma_start3A_105 : memref<1x80x128xf32, #tpu.memory_space<vmem>> -> memref<80x128xf32, #tpu.memory_space<vmem>>
        %dma_start3A_107 = arith.constant 0 : i32
        %dma_start3A_108 = tpu.memref_slice %arg6[%run_scoped3A_69, %dma_start3A_107] : memref<2x80xi32, #tpu.memory_space<vmem>> -> memref<1x80xi32, #tpu.memory_space<vmem>>
        %dma_start3A_109 = tpu.memref_squeeze %dma_start3A_108 : memref<1x80xi32, #tpu.memory_space<vmem>> -> memref<80xi32, #tpu.memory_space<vmem>>
        %dma_start3A_110 = arith.constant 0 : i32
        %dma_start3A_111 = arith.constant 0 : i32
        %dma_start3A_112 = tpu.memref_slice %arg8[%dma_start3A_110, %dma_start3A_111] : memref<10240x128xf32, #tpu.memory_space<vmem_shared>> -> memref<10240x128xf32, #tpu.memory_space<vmem_shared>>
        tpu.enqueue_indirect_dma source(%dma_start3A_106 : memref<80x128xf32, #tpu.memory_space<vmem>>) target(%dma_start3A_112 : memref<10240x128xf32, #tpu.memory_space<vmem_shared>>) offsets(%dma_start3A_109 : memref<80xi32, #tpu.memory_space<vmem>>) semaphore(%run_scoped3A_102 : memref<!tpu.dma_semaphore, #tpu.memory_space<semaphore_mem>>) {add = true}
        %dma_wait3A_113 = arith.constant 0 : i32
        %dma_wait3A_114 = arith.constant 0 : i32
        %dma_wait3A_115 = tpu.memref_slice %arg7[%run_scoped3A_68, %dma_wait3A_113, %dma_wait3A_114] : memref<2x80x128xf32, #tpu.memory_space<vmem>> -> memref<1x80x128xf32, #tpu.memory_space<vmem>>
        %dma_wait3A_116 = tpu.memref_squeeze %dma_wait3A_115 : memref<1x80x128xf32, #tpu.memory_space<vmem>> -> memref<80x128xf32, #tpu.memory_space<vmem>>
        %dma_wait3A_117 = arith.constant 0 : i32
        %dma_wait3A_118 = tpu.memref_slice %arg6[%run_scoped3A_69, %dma_wait3A_117] : memref<2x80xi32, #tpu.memory_space<vmem>> -> memref<1x80xi32, #tpu.memory_space<vmem>>
        %dma_wait3A_119 = tpu.memref_squeeze %dma_wait3A_118 : memref<1x80xi32, #tpu.memory_space<vmem>> -> memref<80xi32, #tpu.memory_space<vmem>>
        %dma_wait3A_120 = arith.constant 0 : i32
        %dma_wait3A_121 = arith.constant 0 : i32
        %dma_wait3A_122 = tpu.memref_slice %arg8[%dma_wait3A_120, %dma_wait3A_121] : memref<10240x128xf32, #tpu.memory_space<vmem_shared>> -> memref<10240x128xf32, #tpu.memory_space<vmem_shared>>
        tpu.wait_indirect_dma semaphore(%run_scoped3A_102 : memref<!tpu.dma_semaphore, #tpu.memory_space<semaphore_mem>>) src(%dma_wait3A_116 : memref<80x128xf32, #tpu.memory_space<vmem>>) dst(%dma_wait3A_122 : memref<10240x128xf32, #tpu.memory_space<vmem_shared>>)
        tpu.yield
      }) : () -> ()
      %add3A_70 = arith.constant 2 : i32
      %add3A_71 = arith.addi %add3A_53, %add3A_70 : i32
      %lt3A = arith.constant 70 : i32
      %lt3A_72 = arith.cmpi slt, %add3A_71, %lt3A : i32
      %convert_element_type3A = arith.extui %lt3A_72 : i1 to i32
      %cond3A = arith.constant 0 : i32
      %cond3A_73 = arith.cmpi ne, %convert_element_type3A, %cond3A : i32
      scf.if %cond3A_73 {
        %add3A_102 = arith.constant 2 : i32
        %add3A_103 = arith.addi %add3A_53, %add3A_102 : i32
        %mul3A_104 = arith.constant 80 : i32
        %mul3A_105 = arith.muli %add3A_103, %mul3A_104 : i32
        %add3A_106 = arith.addi %add3A_4, %mul3A_105 : i32
        %run_scoped3A_107 = arith.constant 0 : i32
        "tpu.region"() ({
          %run_scoped3A_124 = tpu.sem_alloc : memref<!tpu.dma_semaphore, #tpu.memory_space<semaphore_mem>>
          %dma_start3A_125 = arith.constant 0 : i32
          %dma_start3A_126 = tpu.memref_slice %arg6[%run_scoped3A_107, %dma_start3A_125] : memref<2x80xi32, #tpu.memory_space<vmem>> -> memref<1x80xi32, #tpu.memory_space<vmem>>
          %dma_start3A_127 = tpu.memref_squeeze %dma_start3A_126 : memref<1x80xi32, #tpu.memory_space<vmem>> -> memref<80xi32, #tpu.memory_space<vmem>>
          %dma_start3A_128 = tpu.memref_slice %arg3[%add3A_106] : memref<320000xi32, #tpu.memory_space<hbm>> -> memref<80xi32, #tpu.memory_space<hbm>>
          %dma_start3A_129 = arith.constant 0 : i32
          %dma_start3A_130 = tpu.memref_slice %arg6[%run_scoped3A_107, %dma_start3A_129] : memref<2x80xi32, #tpu.memory_space<vmem>> -> memref<1x80xi32, #tpu.memory_space<vmem>>
          %dma_start3A_131 = tpu.memref_squeeze %dma_start3A_130 : memref<1x80xi32, #tpu.memory_space<vmem>> -> memref<80xi32, #tpu.memory_space<vmem>>
          %dma_start3A_132 = tpu.memref_slice %arg3[%add3A_106] : memref<320000xi32, #tpu.memory_space<hbm>> -> memref<80xi32, #tpu.memory_space<hbm>>
          tpu.enqueue_dma source(%dma_start3A_132 : memref<80xi32, #tpu.memory_space<hbm>>) target(%dma_start3A_131 : memref<80xi32, #tpu.memory_space<vmem>>) target_semaphore(%run_scoped3A_124 : memref<!tpu.dma_semaphore, #tpu.memory_space<semaphore_mem>>)
          %dma_wait3A_133 = arith.constant 0 : i32
          %dma_wait3A_134 = tpu.memref_slice %arg6[%run_scoped3A_107, %dma_wait3A_133] : memref<2x80xi32, #tpu.memory_space<vmem>> -> memref<1x80xi32, #tpu.memory_space<vmem>>
          %dma_wait3A_135 = tpu.memref_squeeze %dma_wait3A_134 : memref<1x80xi32, #tpu.memory_space<vmem>> -> memref<80xi32, #tpu.memory_space<vmem>>
          %dma_wait3A_136 = tpu.memref_slice %arg3[%add3A_106] : memref<320000xi32, #tpu.memory_space<hbm>> -> memref<80xi32, #tpu.memory_space<hbm>>
          %dma_wait3A_137 = arith.constant 0 : i32
          %dma_wait3A_138 = tpu.memref_slice %arg6[%run_scoped3A_107, %dma_wait3A_137] : memref<2x80xi32, #tpu.memory_space<vmem>> -> memref<1x80xi32, #tpu.memory_space<vmem>>
          %dma_wait3A_139 = tpu.memref_squeeze %dma_wait3A_138 : memref<1x80xi32, #tpu.memory_space<vmem>> -> memref<80xi32, #tpu.memory_space<vmem>>
          %dma_wait3A_140 = tpu.memref_slice %arg3[%add3A_106] : memref<320000xi32, #tpu.memory_space<hbm>> -> memref<80xi32, #tpu.memory_space<hbm>>
          tpu.wait_dma2 semaphore(%run_scoped3A_124 : memref<!tpu.dma_semaphore, #tpu.memory_space<semaphore_mem>>) src(%dma_wait3A_140 : memref<80xi32, #tpu.memory_space<hbm>>) dst(%dma_wait3A_139 : memref<80xi32, #tpu.memory_space<vmem>>)
          tpu.yield
        }) : () -> ()
        %mul3A_108 = arith.constant 80 : i32
        %mul3A_109 = arith.muli %add3A_103, %mul3A_108 : i32
        %add3A_110 = arith.addi %mul3A_6, %mul3A_109 : i32
        %dma_start3A_111 = arith.constant 0 : i32
        %dma_start3A_112 = arith.constant 0 : i32
        %dma_start3A_113 = arith.constant 0 : i32
        %dma_start3A_114 = tpu.memref_slice %arg7[%dma_start3A_111, %dma_start3A_112, %dma_start3A_113] : memref<2x80x128xf32, #tpu.memory_space<vmem>> -> memref<1x80x128xf32, #tpu.memory_space<vmem>>
        %dma_start3A_115 = tpu.memref_squeeze %dma_start3A_114 : memref<1x80x128xf32, #tpu.memory_space<vmem>> -> memref<80x128xf32, #tpu.memory_space<vmem>>
        %dma_start3A_116 = arith.constant 0 : i32
        %dma_start3A_117 = tpu.memref_slice %arg2[%add3A_110, %dma_start3A_116] : memref<179200x128xf32, #tpu.memory_space<hbm>> -> memref<80x128xf32, #tpu.memory_space<hbm>>
        %dma_start3A_118 = arith.constant 0 : i32
        %dma_start3A_119 = arith.constant 0 : i32
        %dma_start3A_120 = tpu.memref_slice %arg7[%dma_start3A_111, %dma_start3A_118, %dma_start3A_119] : memref<2x80x128xf32, #tpu.memory_space<vmem>> -> memref<1x80x128xf32, #tpu.memory_space<vmem>>
        %dma_start3A_121 = tpu.memref_squeeze %dma_start3A_120 : memref<1x80x128xf32, #tpu.memory_space<vmem>> -> memref<80x128xf32, #tpu.memory_space<vmem>>
        %dma_start3A_122 = arith.constant 0 : i32
        %dma_start3A_123 = tpu.memref_slice %arg2[%add3A_110, %dma_start3A_122] : memref<179200x128xf32, #tpu.memory_space<hbm>> -> memref<80x128xf32, #tpu.memory_space<hbm>>
        tpu.enqueue_dma source(%dma_start3A_123 : memref<80x128xf32, #tpu.memory_space<hbm>>) target(%dma_start3A_121 : memref<80x128xf32, #tpu.memory_space<vmem>>) target_semaphore(%arg9 : memref<!tpu.dma_semaphore, #tpu.memory_space<semaphore_mem>>)
      } else {
      }
      %mul3A_74 = arith.constant 2 : i32
      %mul3A_75 = arith.muli %scan3A_49, %mul3A_74 : i32
      %add3A_76 = arith.constant 1 : i32
      %add3A_77 = arith.addi %mul3A_75, %add3A_76 : i32
      %dma_wait3A_78 = arith.constant 1 : i32
      %dma_wait3A_79 = arith.constant 0 : i32
      %dma_wait3A_80 = arith.constant 0 : i32
      %dma_wait3A_81 = tpu.memref_slice %arg7[%dma_wait3A_78, %dma_wait3A_79, %dma_wait3A_80] : memref<2x80x128xf32, #tpu.memory_space<vmem>> -> memref<1x80x128xf32, #tpu.memory_space<vmem>>
      %dma_wait3A_82 = tpu.memref_squeeze %dma_wait3A_81 : memref<1x80x128xf32, #tpu.memory_space<vmem>> -> memref<80x128xf32, #tpu.memory_space<vmem>>
      %dma_wait3A_83 = arith.constant 0 : i32
      %dma_wait3A_84 = arith.constant 0 : i32
      %dma_wait3A_85 = tpu.memref_slice %arg2[%dma_wait3A_83, %dma_wait3A_84] : memref<179200x128xf32, #tpu.memory_space<hbm>> -> memref<80x128xf32, #tpu.memory_space<hbm>>
      %dma_wait3A_86 = arith.constant 0 : i32
      %dma_wait3A_87 = arith.constant 0 : i32
      %dma_wait3A_88 = tpu.memref_slice %arg7[%dma_wait3A_78, %dma_wait3A_86, %dma_wait3A_87] : memref<2x80x128xf32, #tpu.memory_space<vmem>> -> memref<1x80x128xf32, #tpu.memory_space<vmem>>
      %dma_wait3A_89 = tpu.memref_squeeze %dma_wait3A_88 : memref<1x80x128xf32, #tpu.memory_space<vmem>> -> memref<80x128xf32, #tpu.memory_space<vmem>>
      %dma_wait3A_90 = arith.constant 0 : i32
      %dma_wait3A_91 = arith.constant 0 : i32
      %dma_wait3A_92 = tpu.memref_slice %arg2[%dma_wait3A_90, %dma_wait3A_91] : memref<179200x128xf32, #tpu.memory_space<hbm>> -> memref<80x128xf32, #tpu.memory_space<hbm>>
      tpu.wait_dma2 semaphore(%arg10 : memref<!tpu.dma_semaphore, #tpu.memory_space<semaphore_mem>>) src(%dma_wait3A_92 : memref<80x128xf32, #tpu.memory_space<hbm>>) dst(%dma_wait3A_89 : memref<80x128xf32, #tpu.memory_space<vmem>>)
      %run_scoped3A_93 = arith.constant 1 : i32
      %run_scoped3A_94 = arith.constant 1 : i32
      "tpu.region"() ({
        %run_scoped3A_102 = tpu.sem_alloc : memref<!tpu.dma_semaphore, #tpu.memory_space<semaphore_mem>>
        %dma_start3A_103 = arith.constant 0 : i32
        %dma_start3A_104 = arith.constant 0 : i32
        %dma_start3A_105 = tpu.memref_slice %arg7[%run_scoped3A_93, %dma_start3A_103, %dma_start3A_104] : memref<2x80x128xf32, #tpu.memory_space<vmem>> -> memref<1x80x128xf32, #tpu.memory_space<vmem>>
        %dma_start3A_106 = tpu.memref_squeeze %dma_start3A_105 : memref<1x80x128xf32, #tpu.memory_space<vmem>> -> memref<80x128xf32, #tpu.memory_space<vmem>>
        %dma_start3A_107 = arith.constant 0 : i32
        %dma_start3A_108 = tpu.memref_slice %arg6[%run_scoped3A_94, %dma_start3A_107] : memref<2x80xi32, #tpu.memory_space<vmem>> -> memref<1x80xi32, #tpu.memory_space<vmem>>
        %dma_start3A_109 = tpu.memref_squeeze %dma_start3A_108 : memref<1x80xi32, #tpu.memory_space<vmem>> -> memref<80xi32, #tpu.memory_space<vmem>>
        %dma_start3A_110 = arith.constant 0 : i32
        %dma_start3A_111 = arith.constant 0 : i32
        %dma_start3A_112 = tpu.memref_slice %arg8[%dma_start3A_110, %dma_start3A_111] : memref<10240x128xf32, #tpu.memory_space<vmem_shared>> -> memref<10240x128xf32, #tpu.memory_space<vmem_shared>>
        tpu.enqueue_indirect_dma source(%dma_start3A_106 : memref<80x128xf32, #tpu.memory_space<vmem>>) target(%dma_start3A_112 : memref<10240x128xf32, #tpu.memory_space<vmem_shared>>) offsets(%dma_start3A_109 : memref<80xi32, #tpu.memory_space<vmem>>) semaphore(%run_scoped3A_102 : memref<!tpu.dma_semaphore, #tpu.memory_space<semaphore_mem>>) {add = true}
        %dma_wait3A_113 = arith.constant 0 : i32
        %dma_wait3A_114 = arith.constant 0 : i32
        %dma_wait3A_115 = tpu.memref_slice %arg7[%run_scoped3A_93, %dma_wait3A_113, %dma_wait3A_114] : memref<2x80x128xf32, #tpu.memory_space<vmem>> -> memref<1x80x128xf32, #tpu.memory_space<vmem>>
        %dma_wait3A_116 = tpu.memref_squeeze %dma_wait3A_115 : memref<1x80x128xf32, #tpu.memory_space<vmem>> -> memref<80x128xf32, #tpu.memory_space<vmem>>
        %dma_wait3A_117 = arith.constant 0 : i32
        %dma_wait3A_118 = tpu.memref_slice %arg6[%run_scoped3A_94, %dma_wait3A_117] : memref<2x80xi32, #tpu.memory_space<vmem>> -> memref<1x80xi32, #tpu.memory_space<vmem>>
        %dma_wait3A_119 = tpu.memref_squeeze %dma_wait3A_118 : memref<1x80xi32, #tpu.memory_space<vmem>> -> memref<80xi32, #tpu.memory_space<vmem>>
        %dma_wait3A_120 = arith.constant 0 : i32
        %dma_wait3A_121 = arith.constant 0 : i32
        %dma_wait3A_122 = tpu.memref_slice %arg8[%dma_wait3A_120, %dma_wait3A_121] : memref<10240x128xf32, #tpu.memory_space<vmem_shared>> -> memref<10240x128xf32, #tpu.memory_space<vmem_shared>>
        tpu.wait_indirect_dma semaphore(%run_scoped3A_102 : memref<!tpu.dma_semaphore, #tpu.memory_space<semaphore_mem>>) src(%dma_wait3A_116 : memref<80x128xf32, #tpu.memory_space<vmem>>) dst(%dma_wait3A_122 : memref<10240x128xf32, #tpu.memory_space<vmem_shared>>)
        tpu.yield
      }) : () -> ()
      %add3A_95 = arith.constant 2 : i32
      %add3A_96 = arith.addi %add3A_77, %add3A_95 : i32
      %lt3A_97 = arith.constant 70 : i32
      %lt3A_98 = arith.cmpi slt, %add3A_96, %lt3A_97 : i32
      %convert_element_type3A_99 = arith.extui %lt3A_98 : i1 to i32
      %cond3A_100 = arith.constant 0 : i32
      %cond3A_101 = arith.cmpi ne, %convert_element_type3A_99, %cond3A_100 : i32
      scf.if %cond3A_101 {
        %add3A_102 = arith.constant 2 : i32
        %add3A_103 = arith.addi %add3A_77, %add3A_102 : i32
        %mul3A_104 = arith.constant 80 : i32
        %mul3A_105 = arith.muli %add3A_103, %mul3A_104 : i32
        %add3A_106 = arith.addi %add3A_4, %mul3A_105 : i32
        %run_scoped3A_107 = arith.constant 1 : i32
        "tpu.region"() ({
          %run_scoped3A_124 = tpu.sem_alloc : memref<!tpu.dma_semaphore, #tpu.memory_space<semaphore_mem>>
          %dma_start3A_125 = arith.constant 0 : i32
          %dma_start3A_126 = tpu.memref_slice %arg6[%run_scoped3A_107, %dma_start3A_125] : memref<2x80xi32, #tpu.memory_space<vmem>> -> memref<1x80xi32, #tpu.memory_space<vmem>>
          %dma_start3A_127 = tpu.memref_squeeze %dma_start3A_126 : memref<1x80xi32, #tpu.memory_space<vmem>> -> memref<80xi32, #tpu.memory_space<vmem>>
          %dma_start3A_128 = tpu.memref_slice %arg3[%add3A_106] : memref<320000xi32, #tpu.memory_space<hbm>> -> memref<80xi32, #tpu.memory_space<hbm>>
          %dma_start3A_129 = arith.constant 0 : i32
          %dma_start3A_130 = tpu.memref_slice %arg6[%run_scoped3A_107, %dma_start3A_129] : memref<2x80xi32, #tpu.memory_space<vmem>> -> memref<1x80xi32, #tpu.memory_space<vmem>>
          %dma_start3A_131 = tpu.memref_squeeze %dma_start3A_130 : memref<1x80xi32, #tpu.memory_space<vmem>> -> memref<80xi32, #tpu.memory_space<vmem>>
          %dma_start3A_132 = tpu.memref_slice %arg3[%add3A_106] : memref<320000xi32, #tpu.memory_space<hbm>> -> memref<80xi32, #tpu.memory_space<hbm>>
          tpu.enqueue_dma source(%dma_start3A_132 : memref<80xi32, #tpu.memory_space<hbm>>) target(%dma_start3A_131 : memref<80xi32, #tpu.memory_space<vmem>>) target_semaphore(%run_scoped3A_124 : memref<!tpu.dma_semaphore, #tpu.memory_space<semaphore_mem>>)
          %dma_wait3A_133 = arith.constant 0 : i32
          %dma_wait3A_134 = tpu.memref_slice %arg6[%run_scoped3A_107, %dma_wait3A_133] : memref<2x80xi32, #tpu.memory_space<vmem>> -> memref<1x80xi32, #tpu.memory_space<vmem>>
          %dma_wait3A_135 = tpu.memref_squeeze %dma_wait3A_134 : memref<1x80xi32, #tpu.memory_space<vmem>> -> memref<80xi32, #tpu.memory_space<vmem>>
          %dma_wait3A_136 = tpu.memref_slice %arg3[%add3A_106] : memref<320000xi32, #tpu.memory_space<hbm>> -> memref<80xi32, #tpu.memory_space<hbm>>
          %dma_wait3A_137 = arith.constant 0 : i32
          %dma_wait3A_138 = tpu.memref_slice %arg6[%run_scoped3A_107, %dma_wait3A_137] : memref<2x80xi32, #tpu.memory_space<vmem>> -> memref<1x80xi32, #tpu.memory_space<vmem>>
          %dma_wait3A_139 = tpu.memref_squeeze %dma_wait3A_138 : memref<1x80xi32, #tpu.memory_space<vmem>> -> memref<80xi32, #tpu.memory_space<vmem>>
          %dma_wait3A_140 = tpu.memref_slice %arg3[%add3A_106] : memref<320000xi32, #tpu.memory_space<hbm>> -> memref<80xi32, #tpu.memory_space<hbm>>
          tpu.wait_dma2 semaphore(%run_scoped3A_124 : memref<!tpu.dma_semaphore, #tpu.memory_space<semaphore_mem>>) src(%dma_wait3A_140 : memref<80xi32, #tpu.memory_space<hbm>>) dst(%dma_wait3A_139 : memref<80xi32, #tpu.memory_space<vmem>>)
          tpu.yield
        }) : () -> ()
        %mul3A_108 = arith.constant 80 : i32
        %mul3A_109 = arith.muli %add3A_103, %mul3A_108 : i32
        %add3A_110 = arith.addi %mul3A_6, %mul3A_109 : i32
        %dma_start3A_111 = arith.constant 1 : i32
        %dma_start3A_112 = arith.constant 0 : i32
        %dma_start3A_113 = arith.constant 0 : i32
        %dma_start3A_114 = tpu.memref_slice %arg7[%dma_start3A_111, %dma_start3A_112, %dma_start3A_113] : memref<2x80x128xf32, #tpu.memory_space<vmem>> -> memref<1x80x128xf32, #tpu.memory_space<vmem>>
        %dma_start3A_115 = tpu.memref_squeeze %dma_start3A_114 : memref<1x80x128xf32, #tpu.memory_space<vmem>> -> memref<80x128xf32, #tpu.memory_space<vmem>>
        %dma_start3A_116 = arith.constant 0 : i32
        %dma_start3A_117 = tpu.memref_slice %arg2[%add3A_110, %dma_start3A_116] : memref<179200x128xf32, #tpu.memory_space<hbm>> -> memref<80x128xf32, #tpu.memory_space<hbm>>
        %dma_start3A_118 = arith.constant 0 : i32
        %dma_start3A_119 = arith.constant 0 : i32
        %dma_start3A_120 = tpu.memref_slice %arg7[%dma_start3A_111, %dma_start3A_118, %dma_start3A_119] : memref<2x80x128xf32, #tpu.memory_space<vmem>> -> memref<1x80x128xf32, #tpu.memory_space<vmem>>
        %dma_start3A_121 = tpu.memref_squeeze %dma_start3A_120 : memref<1x80x128xf32, #tpu.memory_space<vmem>> -> memref<80x128xf32, #tpu.memory_space<vmem>>
        %dma_start3A_122 = arith.constant 0 : i32
        %dma_start3A_123 = tpu.memref_slice %arg2[%add3A_110, %dma_start3A_122] : memref<179200x128xf32, #tpu.memory_space<hbm>> -> memref<80x128xf32, #tpu.memory_space<hbm>>
        tpu.enqueue_dma source(%dma_start3A_123 : memref<80x128xf32, #tpu.memory_space<hbm>>) target(%dma_start3A_121 : memref<80x128xf32, #tpu.memory_space<vmem>>) target_semaphore(%arg10 : memref<!tpu.dma_semaphore, #tpu.memory_space<semaphore_mem>>)
      } else {
      }
    }
    %scan3A_47 = arith.constant 35 : i32
    %barrier3A_48 = arith.constant 0 : index
    tpu.barrier barrier_id(%barrier3A_48)
    "tpu.region"() ({
      %run_scoped3A_49 = tpu.sem_alloc : memref<!tpu.dma_semaphore, #tpu.memory_space<semaphore_mem>>
      %dma_start3A_50 = arith.constant 0 : i32
      %dma_start3A_51 = arith.constant 0 : i32
      %dma_start3A_52 = tpu.memref_slice %arg5[%arg0, %dma_start3A_50, %dma_start3A_51] : memref<2x10240x128xf32, #tpu.memory_space<hbm>> -> memref<1x10240x128xf32, #tpu.memory_space<hbm>>
      %dma_start3A_53 = tpu.memref_squeeze %dma_start3A_52 : memref<1x10240x128xf32, #tpu.memory_space<hbm>> -> memref<10240x128xf32, #tpu.memory_space<hbm>>
      %dma_start3A_54 = arith.constant 0 : i32
      %dma_start3A_55 = tpu.memref_slice %dma_start3A_53[%mul3A_8, %dma_start3A_54] : memref<10240x128xf32, #tpu.memory_space<hbm>> -> memref<640x128xf32, #tpu.memory_space<hbm>>
      %dma_start3A_56 = arith.constant 0 : i32
      %dma_start3A_57 = tpu.memref_slice %arg8[%mul3A_8, %dma_start3A_56] : memref<10240x128xf32, #tpu.memory_space<vmem_shared>> -> memref<640x128xf32, #tpu.memory_space<vmem_shared>>
      tpu.enqueue_dma source(%dma_start3A_57 : memref<640x128xf32, #tpu.memory_space<vmem_shared>>) target(%dma_start3A_55 : memref<640x128xf32, #tpu.memory_space<hbm>>) target_semaphore(%run_scoped3A_49 : memref<!tpu.dma_semaphore, #tpu.memory_space<semaphore_mem>>)
      %dma_wait3A = arith.constant 0 : i32
      %dma_wait3A_58 = arith.constant 0 : i32
      %dma_wait3A_59 = tpu.memref_slice %arg5[%arg0, %dma_wait3A, %dma_wait3A_58] : memref<2x10240x128xf32, #tpu.memory_space<hbm>> -> memref<1x10240x128xf32, #tpu.memory_space<hbm>>
      %dma_wait3A_60 = tpu.memref_squeeze %dma_wait3A_59 : memref<1x10240x128xf32, #tpu.memory_space<hbm>> -> memref<10240x128xf32, #tpu.memory_space<hbm>>
      %dma_wait3A_61 = arith.constant 0 : i32
      %dma_wait3A_62 = tpu.memref_slice %dma_wait3A_60[%mul3A_8, %dma_wait3A_61] : memref<10240x128xf32, #tpu.memory_space<hbm>> -> memref<640x128xf32, #tpu.memory_space<hbm>>
      %dma_wait3A_63 = arith.constant 0 : i32
      %dma_wait3A_64 = tpu.memref_slice %arg8[%mul3A_8, %dma_wait3A_63] : memref<10240x128xf32, #tpu.memory_space<vmem_shared>> -> memref<640x128xf32, #tpu.memory_space<vmem_shared>>
      tpu.wait_dma2 semaphore(%run_scoped3A_49 : memref<!tpu.dma_semaphore, #tpu.memory_space<semaphore_mem>>) src(%dma_wait3A_64 : memref<640x128xf32, #tpu.memory_space<vmem_shared>>) dst(%dma_wait3A_62 : memref<640x128xf32, #tpu.memory_space<hbm>>)
      tpu.yield
    }) : () -> ()
    return
  }
}

#map = affine_map<(d0, d1) -> (0, 0)>
#map1 = affine_map<(d0, d1) -> (0)>
#map2 = affine_map<(d0, d1) -> (0, 0, 0)>
module attributes {stable_mosaic.version = 14 : i64} {
  func.func @body(%arg0: i32, %arg1: i32, %arg2: memref<179200x128xf32, #tpu.memory_space<hbm>>, %arg3: memref<320000xi32, #tpu.memory_space<hbm>>, %arg4: memref<10240x128xf32, #tpu.memory_space<hbm>>, %arg5: memref<2x10240x128xf32, #tpu.memory_space<hbm>>, %arg6: memref<2x80xi32, #tpu.memory_space<vmem>>, %arg7: memref<2x80x128xf32, #tpu.memory_space<vmem>>, %arg8: memref<10240x128xf32, #tpu.memory_space<vmem_shared>>, %arg9: memref<!tpu.dma_semaphore, #tpu.memory_space<semaphore_mem>>, %arg10: memref<!tpu.dma_semaphore, #tpu.memory_space<semaphore_mem>>) attributes {dimension_semantics = [#tpu.dimension_semantics<core_parallel>, #tpu.dimension_semantics<subcore_parallel>], iteration_bounds = array<i64: 2, 16>, scalar_prefetch = 0 : i64, scratch_operands = 5 : i64, tpu.core_type = #tpu.core_type<sc_vector_subcore>, window_params = [{transform_indices = #map}, {transform_indices = #map1}, {transform_indices = #map}, {transform_indices = #map2}]} {
    %mul3A = arith.constant 2 : i32
    %mul3A_0 = arith.muli %arg1, %mul3A : i32
    %add3A = arith.addi %mul3A_0, %arg0 : i32
    %mul3A_1 = arith.constant 5600 : i32
    %mul3A_2 = arith.muli %add3A, %mul3A_1 : i32
    %add3A_3 = arith.constant 0 : i32
    %add3A_4 = arith.addi %add3A_3, %mul3A_2 : i32
    %mul3A_5 = arith.constant 5600 : i32
    %mul3A_6 = arith.muli %add3A, %mul3A_5 : i32
    %mul3A_7 = arith.constant 640 : i32
    %mul3A_8 = arith.muli %arg1, %mul3A_7 : i32
    "tpu.region"() ({
      %run_scoped3A_49 = tpu.sem_alloc : memref<!tpu.dma_semaphore, #tpu.memory_space<semaphore_mem>>
      %dma_start3A_50 = arith.constant 0 : i32
      %dma_start3A_51 = tpu.memref_slice %arg8[%mul3A_8, %dma_start3A_50] : memref<10240x128xf32, #tpu.memory_space<vmem_shared>> -> memref<640x128xf32, #tpu.memory_space<vmem_shared>>
      %dma_start3A_52 = arith.constant 0 : i32
      %dma_start3A_53 = tpu.memref_slice %arg4[%mul3A_8, %dma_start3A_52] : memref<10240x128xf32, #tpu.memory_space<hbm>> -> memref<640x128xf32, #tpu.memory_space<hbm>>
      tpu.enqueue_dma source(%dma_start3A_53 : memref<640x128xf32, #tpu.memory_space<hbm>>) target(%dma_start3A_51 : memref<640x128xf32, #tpu.memory_space<vmem_shared>>) target_semaphore(%run_scoped3A_49 : memref<!tpu.dma_semaphore, #tpu.memory_space<semaphore_mem>>)
      %dma_wait3A = arith.constant 0 : i32
      %dma_wait3A_54 = tpu.memref_slice %arg8[%mul3A_8, %dma_wait3A] : memref<10240x128xf32, #tpu.memory_space<vmem_shared>> -> memref<640x128xf32, #tpu.memory_space<vmem_shared>>
      %dma_wait3A_55 = arith.constant 0 : i32
      %dma_wait3A_56 = tpu.memref_slice %arg4[%mul3A_8, %dma_wait3A_55] : memref<10240x128xf32, #tpu.memory_space<hbm>> -> memref<640x128xf32, #tpu.memory_space<hbm>>
      tpu.wait_dma2 semaphore(%run_scoped3A_49 : memref<!tpu.dma_semaphore, #tpu.memory_space<semaphore_mem>>) src(%dma_wait3A_56 : memref<640x128xf32, #tpu.memory_space<hbm>>) dst(%dma_wait3A_54 : memref<640x128xf32, #tpu.memory_space<vmem_shared>>)
      tpu.yield
    }) : () -> ()
    %barrier3A = arith.constant 0 : index
    tpu.barrier barrier_id(%barrier3A)
    %add3A_9 = arith.constant 0 : i32
    %add3A_10 = arith.addi %add3A_4, %add3A_9 : i32
    %run_scoped3A = arith.constant 0 : i32
    "tpu.region"() ({
      %run_scoped3A_49 = tpu.sem_alloc : memref<!tpu.dma_semaphore, #tpu.memory_space<semaphore_mem>>
      %dma_start3A_50 = arith.constant 0 : i32
      %dma_start3A_51 = tpu.memref_slice %arg6[%run_scoped3A, %dma_start3A_50] : memref<2x80xi32, #tpu.memory_space<vmem>> -> memref<1x80xi32, #tpu.memory_space<vmem>>
      %dma_start3A_52 = tpu.memref_squeeze %dma_start3A_51 : memref<1x80xi32, #tpu.memory_space<vmem>> -> memref<80xi32, #tpu.memory_space<vmem>>
      %dma_start3A_53 = tpu.memref_slice %arg3[%add3A_10] : memref<320000xi32, #tpu.memory_space<hbm>> -> memref<80xi32, #tpu.memory_space<hbm>>
      %dma_start3A_54 = arith.constant 0 : i32
      %dma_start3A_55 = tpu.memref_slice %arg6[%run_scoped3A, %dma_start3A_54] : memref<2x80xi32, #tpu.memory_space<vmem>> -> memref<1x80xi32, #tpu.memory_space<vmem>>
      %dma_start3A_56 = tpu.memref_squeeze %dma_start3A_55 : memref<1x80xi32, #tpu.memory_space<vmem>> -> memref<80xi32, #tpu.memory_space<vmem>>
      %dma_start3A_57 = tpu.memref_slice %arg3[%add3A_10] : memref<320000xi32, #tpu.memory_space<hbm>> -> memref<80xi32, #tpu.memory_space<hbm>>
      tpu.enqueue_dma source(%dma_start3A_57 : memref<80xi32, #tpu.memory_space<hbm>>) target(%dma_start3A_56 : memref<80xi32, #tpu.memory_space<vmem>>) target_semaphore(%run_scoped3A_49 : memref<!tpu.dma_semaphore, #tpu.memory_space<semaphore_mem>>)
      %dma_wait3A = arith.constant 0 : i32
      %dma_wait3A_58 = tpu.memref_slice %arg6[%run_scoped3A, %dma_wait3A] : memref<2x80xi32, #tpu.memory_space<vmem>> -> memref<1x80xi32, #tpu.memory_space<vmem>>
      %dma_wait3A_59 = tpu.memref_squeeze %dma_wait3A_58 : memref<1x80xi32, #tpu.memory_space<vmem>> -> memref<80xi32, #tpu.memory_space<vmem>>
      %dma_wait3A_60 = tpu.memref_slice %arg3[%add3A_10] : memref<320000xi32, #tpu.memory_space<hbm>> -> memref<80xi32, #tpu.memory_space<hbm>>
      %dma_wait3A_61 = arith.constant 0 : i32
      %dma_wait3A_62 = tpu.memref_slice %arg6[%run_scoped3A, %dma_wait3A_61] : memref<2x80xi32, #tpu.memory_space<vmem>> -> memref<1x80xi32, #tpu.memory_space<vmem>>
      %dma_wait3A_63 = tpu.memref_squeeze %dma_wait3A_62 : memref<1x80xi32, #tpu.memory_space<vmem>> -> memref<80xi32, #tpu.memory_space<vmem>>
      %dma_wait3A_64 = tpu.memref_slice %arg3[%add3A_10] : memref<320000xi32, #tpu.memory_space<hbm>> -> memref<80xi32, #tpu.memory_space<hbm>>
      tpu.wait_dma2 semaphore(%run_scoped3A_49 : memref<!tpu.dma_semaphore, #tpu.memory_space<semaphore_mem>>) src(%dma_wait3A_64 : memref<80xi32, #tpu.memory_space<hbm>>) dst(%dma_wait3A_63 : memref<80xi32, #tpu.memory_space<vmem>>)
      tpu.yield
    }) : () -> ()
    %add3A_11 = arith.constant 0 : i32
    %add3A_12 = arith.addi %mul3A_6, %add3A_11 : i32
    %dma_start3A = arith.constant 0 : i32
    %dma_start3A_13 = arith.constant 0 : i32
    %dma_start3A_14 = arith.constant 0 : i32
    %dma_start3A_15 = tpu.memref_slice %arg7[%dma_start3A, %dma_start3A_13, %dma_start3A_14] : memref<2x80x128xf32, #tpu.memory_space<vmem>> -> memref<1x80x128xf32, #tpu.memory_space<vmem>>
    %dma_start3A_16 = tpu.memref_squeeze %dma_start3A_15 : memref<1x80x128xf32, #tpu.memory_space<vmem>> -> memref<80x128xf32, #tpu.memory_space<vmem>>
    %dma_start3A_17 = arith.constant 0 : i32
    %dma_start3A_18 = tpu.memref_slice %arg2[%add3A_12, %dma_start3A_17] : memref<179200x128xf32, #tpu.memory_space<hbm>> -> memref<80x128xf32, #tpu.memory_space<hbm>>
    %dma_start3A_19 = arith.constant 0 : i32
    %dma_start3A_20 = arith.constant 0 : i32
    %dma_start3A_21 = tpu.memref_slice %arg7[%dma_start3A, %dma_start3A_19, %dma_start3A_20] : memref<2x80x128xf32, #tpu.memory_space<vmem>> -> memref<1x80x128xf32, #tpu.memory_space<vmem>>
    %dma_start3A_22 = tpu.memref_squeeze %dma_start3A_21 : memref<1x80x128xf32, #tpu.memory_space<vmem>> -> memref<80x128xf32, #tpu.memory_space<vmem>>
    %dma_start3A_23 = arith.constant 0 : i32
    %dma_start3A_24 = tpu.memref_slice %arg2[%add3A_12, %dma_start3A_23] : memref<179200x128xf32, #tpu.memory_space<hbm>> -> memref<80x128xf32, #tpu.memory_space<hbm>>
    tpu.enqueue_dma source(%dma_start3A_24 : memref<80x128xf32, #tpu.memory_space<hbm>>) target(%dma_start3A_22 : memref<80x128xf32, #tpu.memory_space<vmem>>) target_semaphore(%arg9 : memref<!tpu.dma_semaphore, #tpu.memory_space<semaphore_mem>>)
    %add3A_25 = arith.constant 80 : i32
    %add3A_26 = arith.addi %add3A_4, %add3A_25 : i32
    %run_scoped3A_27 = arith.constant 1 : i32
    "tpu.region"() ({
      %run_scoped3A_49 = tpu.sem_alloc : memref<!tpu.dma_semaphore, #tpu.memory_space<semaphore_mem>>
      %dma_start3A_50 = arith.constant 0 : i32
      %dma_start3A_51 = tpu.memref_slice %arg6[%run_scoped3A_27, %dma_start3A_50] : memref<2x80xi32, #tpu.memory_space<vmem>> -> memref<1x80xi32, #tpu.memory_space<vmem>>
      %dma_start3A_52 = tpu.memref_squeeze %dma_start3A_51 : memref<1x80xi32, #tpu.memory_space<vmem>> -> memref<80xi32, #tpu.memory_space<vmem>>
      %dma_start3A_53 = tpu.memref_slice %arg3[%add3A_26] : memref<320000xi32, #tpu.memory_space<hbm>> -> memref<80xi32, #tpu.memory_space<hbm>>
      %dma_start3A_54 = arith.constant 0 : i32
      %dma_start3A_55 = tpu.memref_slice %arg6[%run_scoped3A_27, %dma_start3A_54] : memref<2x80xi32, #tpu.memory_space<vmem>> -> memref<1x80xi32, #tpu.memory_space<vmem>>
      %dma_start3A_56 = tpu.memref_squeeze %dma_start3A_55 : memref<1x80xi32, #tpu.memory_space<vmem>> -> memref<80xi32, #tpu.memory_space<vmem>>
      %dma_start3A_57 = tpu.memref_slice %arg3[%add3A_26] : memref<320000xi32, #tpu.memory_space<hbm>> -> memref<80xi32, #tpu.memory_space<hbm>>
      tpu.enqueue_dma source(%dma_start3A_57 : memref<80xi32, #tpu.memory_space<hbm>>) target(%dma_start3A_56 : memref<80xi32, #tpu.memory_space<vmem>>) target_semaphore(%run_scoped3A_49 : memref<!tpu.dma_semaphore, #tpu.memory_space<semaphore_mem>>)
      %dma_wait3A = arith.constant 0 : i32
      %dma_wait3A_58 = tpu.memref_slice %arg6[%run_scoped3A_27, %dma_wait3A] : memref<2x80xi32, #tpu.memory_space<vmem>> -> memref<1x80xi32, #tpu.memory_space<vmem>>
      %dma_wait3A_59 = tpu.memref_squeeze %dma_wait3A_58 : memref<1x80xi32, #tpu.memory_space<vmem>> -> memref<80xi32, #tpu.memory_space<vmem>>
      %dma_wait3A_60 = tpu.memref_slice %arg3[%add3A_26] : memref<320000xi32, #tpu.memory_space<hbm>> -> memref<80xi32, #tpu.memory_space<hbm>>
      %dma_wait3A_61 = arith.constant 0 : i32
      %dma_wait3A_62 = tpu.memref_slice %arg6[%run_scoped3A_27, %dma_wait3A_61] : memref<2x80xi32, #tpu.memory_space<vmem>> -> memref<1x80xi32, #tpu.memory_space<vmem>>
      %dma_wait3A_63 = tpu.memref_squeeze %dma_wait3A_62 : memref<1x80xi32, #tpu.memory_space<vmem>> -> memref<80xi32, #tpu.memory_space<vmem>>
      %dma_wait3A_64 = tpu.memref_slice %arg3[%add3A_26] : memref<320000xi32, #tpu.memory_space<hbm>> -> memref<80xi32, #tpu.memory_space<hbm>>
      tpu.wait_dma2 semaphore(%run_scoped3A_49 : memref<!tpu.dma_semaphore, #tpu.memory_space<semaphore_mem>>) src(%dma_wait3A_64 : memref<80xi32, #tpu.memory_space<hbm>>) dst(%dma_wait3A_63 : memref<80xi32, #tpu.memory_space<vmem>>)
      tpu.yield
    }) : () -> ()
    %add3A_28 = arith.constant 80 : i32
    %add3A_29 = arith.addi %mul3A_6, %add3A_28 : i32
    %dma_start3A_30 = arith.constant 1 : i32
    %dma_start3A_31 = arith.constant 0 : i32
    %dma_start3A_32 = arith.constant 0 : i32
    %dma_start3A_33 = tpu.memref_slice %arg7[%dma_start3A_30, %dma_start3A_31, %dma_start3A_32] : memref<2x80x128xf32, #tpu.memory_space<vmem>> -> memref<1x80x128xf32, #tpu.memory_space<vmem>>
    %dma_start3A_34 = tpu.memref_squeeze %dma_start3A_33 : memref<1x80x128xf32, #tpu.memory_space<vmem>> -> memref<80x128xf32, #tpu.memory_space<vmem>>
    %dma_start3A_35 = arith.constant 0 : i32
    %dma_start3A_36 = tpu.memref_slice %arg2[%add3A_29, %dma_start3A_35] : memref<179200x128xf32, #tpu.memory_space<hbm>> -> memref<80x128xf32, #tpu.memory_space<hbm>>
    %dma_start3A_37 = arith.constant 0 : i32
    %dma_start3A_38 = arith.constant 0 : i32
    %dma_start3A_39 = tpu.memref_slice %arg7[%dma_start3A_30, %dma_start3A_37, %dma_start3A_38] : memref<2x80x128xf32, #tpu.memory_space<vmem>> -> memref<1x80x128xf32, #tpu.memory_space<vmem>>
    %dma_start3A_40 = tpu.memref_squeeze %dma_start3A_39 : memref<1x80x128xf32, #tpu.memory_space<vmem>> -> memref<80x128xf32, #tpu.memory_space<vmem>>
    %dma_start3A_41 = arith.constant 0 : i32
    %dma_start3A_42 = tpu.memref_slice %arg2[%add3A_29, %dma_start3A_41] : memref<179200x128xf32, #tpu.memory_space<hbm>> -> memref<80x128xf32, #tpu.memory_space<hbm>>
    tpu.enqueue_dma source(%dma_start3A_42 : memref<80x128xf32, #tpu.memory_space<hbm>>) target(%dma_start3A_40 : memref<80x128xf32, #tpu.memory_space<vmem>>) target_semaphore(%arg10 : memref<!tpu.dma_semaphore, #tpu.memory_space<semaphore_mem>>)
    %scan3A = arith.constant 0 : i32
    %scan3A_43 = arith.constant 0 : i32
    %scan3A_44 = arith.constant 35 : i32
    %scan3A_45 = arith.addi %scan3A_43, %scan3A_44 : i32
    %scan3A_46 = arith.constant 1 : i32
    scf.for %scan3A_49 = %scan3A_43 to %scan3A_45 step %scan3A_46  : i32 {
      %mul3A_50 = arith.constant 2 : i32
      %mul3A_51 = arith.muli %scan3A_49, %mul3A_50 : i32
      %add3A_52 = arith.constant 0 : i32
      %add3A_53 = arith.addi %mul3A_51, %add3A_52 : i32
      %dma_wait3A = arith.constant 0 : i32
      %dma_wait3A_54 = arith.constant 0 : i32
      %dma_wait3A_55 = arith.constant 0 : i32
      %dma_wait3A_56 = tpu.memref_slice %arg7[%dma_wait3A, %dma_wait3A_54, %dma_wait3A_55] : memref<2x80x128xf32, #tpu.memory_space<vmem>> -> memref<1x80x128xf32, #tpu.memory_space<vmem>>
      %dma_wait3A_57 = tpu.memref_squeeze %dma_wait3A_56 : memref<1x80x128xf32, #tpu.memory_space<vmem>> -> memref<80x128xf32, #tpu.memory_space<vmem>>
      %dma_wait3A_58 = arith.constant 0 : i32
      %dma_wait3A_59 = arith.constant 0 : i32
      %dma_wait3A_60 = tpu.memref_slice %arg2[%dma_wait3A_58, %dma_wait3A_59] : memref<179200x128xf32, #tpu.memory_space<hbm>> -> memref<80x128xf32, #tpu.memory_space<hbm>>
      %dma_wait3A_61 = arith.constant 0 : i32
      %dma_wait3A_62 = arith.constant 0 : i32
      %dma_wait3A_63 = tpu.memref_slice %arg7[%dma_wait3A, %dma_wait3A_61, %dma_wait3A_62] : memref<2x80x128xf32, #tpu.memory_space<vmem>> -> memref<1x80x128xf32, #tpu.memory_space<vmem>>
      %dma_wait3A_64 = tpu.memref_squeeze %dma_wait3A_63 : memref<1x80x128xf32, #tpu.memory_space<vmem>> -> memref<80x128xf32, #tpu.memory_space<vmem>>
      %dma_wait3A_65 = arith.constant 0 : i32
      %dma_wait3A_66 = arith.constant 0 : i32
      %dma_wait3A_67 = tpu.memref_slice %arg2[%dma_wait3A_65, %dma_wait3A_66] : memref<179200x128xf32, #tpu.memory_space<hbm>> -> memref<80x128xf32, #tpu.memory_space<hbm>>
      tpu.wait_dma2 semaphore(%arg9 : memref<!tpu.dma_semaphore, #tpu.memory_space<semaphore_mem>>) src(%dma_wait3A_67 : memref<80x128xf32, #tpu.memory_space<hbm>>) dst(%dma_wait3A_64 : memref<80x128xf32, #tpu.memory_space<vmem>>)
      %run_scoped3A_68 = arith.constant 0 : i32
      %run_scoped3A_69 = arith.constant 0 : i32
      "tpu.region"() ({
        %run_scoped3A_102 = tpu.sem_alloc : memref<!tpu.dma_semaphore, #tpu.memory_space<semaphore_mem>>
        %dma_start3A_103 = arith.constant 0 : i32
        %dma_start3A_104 = arith.constant 0 : i32
        %dma_start3A_105 = tpu.memref_slice %arg7[%run_scoped3A_68, %dma_start3A_103, %dma_start3A_104] : memref<2x80x128xf32, #tpu.memory_space<vmem>> -> memref<1x80x128xf32, #tpu.memory_space<vmem>>
        %dma_start3A_106 = tpu.memref_squeeze %dma_start3A_105 : memref<1x80x128xf32, #tpu.memory_space<vmem>> -> memref<80x128xf32, #tpu.memory_space<vmem>>
        %dma_start3A_107 = arith.constant 0 : i32
        %dma_start3A_108 = tpu.memref_slice %arg6[%run_scoped3A_69, %dma_start3A_107] : memref<2x80xi32, #tpu.memory_space<vmem>> -> memref<1x80xi32, #tpu.memory_space<vmem>>
        %dma_start3A_109 = tpu.memref_squeeze %dma_start3A_108 : memref<1x80xi32, #tpu.memory_space<vmem>> -> memref<80xi32, #tpu.memory_space<vmem>>
        %dma_start3A_110 = arith.constant 0 : i32
        %dma_start3A_111 = arith.constant 0 : i32
        %dma_start3A_112 = tpu.memref_slice %arg8[%dma_start3A_110, %dma_start3A_111] : memref<10240x128xf32, #tpu.memory_space<vmem_shared>> -> memref<10240x128xf32, #tpu.memory_space<vmem_shared>>
        tpu.enqueue_indirect_dma source(%dma_start3A_106 : memref<80x128xf32, #tpu.memory_space<vmem>>) target(%dma_start3A_112 : memref<10240x128xf32, #tpu.memory_space<vmem_shared>>) offsets(%dma_start3A_109 : memref<80xi32, #tpu.memory_space<vmem>>) semaphore(%run_scoped3A_102 : memref<!tpu.dma_semaphore, #tpu.memory_space<semaphore_mem>>) {add = true}
        %dma_wait3A_113 = arith.constant 0 : i32
        %dma_wait3A_114 = arith.constant 0 : i32
        %dma_wait3A_115 = tpu.memref_slice %arg7[%run_scoped3A_68, %dma_wait3A_113, %dma_wait3A_114] : memref<2x80x128xf32, #tpu.memory_space<vmem>> -> memref<1x80x128xf32, #tpu.memory_space<vmem>>
        %dma_wait3A_116 = tpu.memref_squeeze %dma_wait3A_115 : memref<1x80x128xf32, #tpu.memory_space<vmem>> -> memref<80x128xf32, #tpu.memory_space<vmem>>
        %dma_wait3A_117 = arith.constant 0 : i32
        %dma_wait3A_118 = tpu.memref_slice %arg6[%run_scoped3A_69, %dma_wait3A_117] : memref<2x80xi32, #tpu.memory_space<vmem>> -> memref<1x80xi32, #tpu.memory_space<vmem>>
        %dma_wait3A_119 = tpu.memref_squeeze %dma_wait3A_118 : memref<1x80xi32, #tpu.memory_space<vmem>> -> memref<80xi32, #tpu.memory_space<vmem>>
        %dma_wait3A_120 = arith.constant 0 : i32
        %dma_wait3A_121 = arith.constant 0 : i32
        %dma_wait3A_122 = tpu.memref_slice %arg8[%dma_wait3A_120, %dma_wait3A_121] : memref<10240x128xf32, #tpu.memory_space<vmem_shared>> -> memref<10240x128xf32, #tpu.memory_space<vmem_shared>>
        tpu.wait_indirect_dma semaphore(%run_scoped3A_102 : memref<!tpu.dma_semaphore, #tpu.memory_space<semaphore_mem>>) src(%dma_wait3A_116 : memref<80x128xf32, #tpu.memory_space<vmem>>) dst(%dma_wait3A_122 : memref<10240x128xf32, #tpu.memory_space<vmem_shared>>)
        tpu.yield
      }) : () -> ()
      %add3A_70 = arith.constant 2 : i32
      %add3A_71 = arith.addi %add3A_53, %add3A_70 : i32
      %lt3A = arith.constant 70 : i32
      %lt3A_72 = arith.cmpi slt, %add3A_71, %lt3A : i32
      %convert_element_type3A = arith.extui %lt3A_72 : i1 to i32
      %cond3A = arith.constant 0 : i32
      %cond3A_73 = arith.cmpi ne, %convert_element_type3A, %cond3A : i32
      scf.if %cond3A_73 {
        %add3A_102 = arith.constant 2 : i32
        %add3A_103 = arith.addi %add3A_53, %add3A_102 : i32
        %mul3A_104 = arith.constant 80 : i32
        %mul3A_105 = arith.muli %add3A_103, %mul3A_104 : i32
        %add3A_106 = arith.addi %add3A_4, %mul3A_105 : i32
        %run_scoped3A_107 = arith.constant 0 : i32
        "tpu.region"() ({
          %run_scoped3A_124 = tpu.sem_alloc : memref<!tpu.dma_semaphore, #tpu.memory_space<semaphore_mem>>
          %dma_start3A_125 = arith.constant 0 : i32
          %dma_start3A_126 = tpu.memref_slice %arg6[%run_scoped3A_107, %dma_start3A_125] : memref<2x80xi32, #tpu.memory_space<vmem>> -> memref<1x80xi32, #tpu.memory_space<vmem>>
          %dma_start3A_127 = tpu.memref_squeeze %dma_start3A_126 : memref<1x80xi32, #tpu.memory_space<vmem>> -> memref<80xi32, #tpu.memory_space<vmem>>
          %dma_start3A_128 = tpu.memref_slice %arg3[%add3A_106] : memref<320000xi32, #tpu.memory_space<hbm>> -> memref<80xi32, #tpu.memory_space<hbm>>
          %dma_start3A_129 = arith.constant 0 : i32
          %dma_start3A_130 = tpu.memref_slice %arg6[%run_scoped3A_107, %dma_start3A_129] : memref<2x80xi32, #tpu.memory_space<vmem>> -> memref<1x80xi32, #tpu.memory_space<vmem>>
          %dma_start3A_131 = tpu.memref_squeeze %dma_start3A_130 : memref<1x80xi32, #tpu.memory_space<vmem>> -> memref<80xi32, #tpu.memory_space<vmem>>
          %dma_start3A_132 = tpu.memref_slice %arg3[%add3A_106] : memref<320000xi32, #tpu.memory_space<hbm>> -> memref<80xi32, #tpu.memory_space<hbm>>
          tpu.enqueue_dma source(%dma_start3A_132 : memref<80xi32, #tpu.memory_space<hbm>>) target(%dma_start3A_131 : memref<80xi32, #tpu.memory_space<vmem>>) target_semaphore(%run_scoped3A_124 : memref<!tpu.dma_semaphore, #tpu.memory_space<semaphore_mem>>)
          %dma_wait3A_133 = arith.constant 0 : i32
          %dma_wait3A_134 = tpu.memref_slice %arg6[%run_scoped3A_107, %dma_wait3A_133] : memref<2x80xi32, #tpu.memory_space<vmem>> -> memref<1x80xi32, #tpu.memory_space<vmem>>
          %dma_wait3A_135 = tpu.memref_squeeze %dma_wait3A_134 : memref<1x80xi32, #tpu.memory_space<vmem>> -> memref<80xi32, #tpu.memory_space<vmem>>
          %dma_wait3A_136 = tpu.memref_slice %arg3[%add3A_106] : memref<320000xi32, #tpu.memory_space<hbm>> -> memref<80xi32, #tpu.memory_space<hbm>>
          %dma_wait3A_137 = arith.constant 0 : i32
          %dma_wait3A_138 = tpu.memref_slice %arg6[%run_scoped3A_107, %dma_wait3A_137] : memref<2x80xi32, #tpu.memory_space<vmem>> -> memref<1x80xi32, #tpu.memory_space<vmem>>
          %dma_wait3A_139 = tpu.memref_squeeze %dma_wait3A_138 : memref<1x80xi32, #tpu.memory_space<vmem>> -> memref<80xi32, #tpu.memory_space<vmem>>
          %dma_wait3A_140 = tpu.memref_slice %arg3[%add3A_106] : memref<320000xi32, #tpu.memory_space<hbm>> -> memref<80xi32, #tpu.memory_space<hbm>>
          tpu.wait_dma2 semaphore(%run_scoped3A_124 : memref<!tpu.dma_semaphore, #tpu.memory_space<semaphore_mem>>) src(%dma_wait3A_140 : memref<80xi32, #tpu.memory_space<hbm>>) dst(%dma_wait3A_139 : memref<80xi32, #tpu.memory_space<vmem>>)
          tpu.yield
        }) : () -> ()
        %mul3A_108 = arith.constant 80 : i32
        %mul3A_109 = arith.muli %add3A_103, %mul3A_108 : i32
        %add3A_110 = arith.addi %mul3A_6, %mul3A_109 : i32
        %dma_start3A_111 = arith.constant 0 : i32
        %dma_start3A_112 = arith.constant 0 : i32
        %dma_start3A_113 = arith.constant 0 : i32
        %dma_start3A_114 = tpu.memref_slice %arg7[%dma_start3A_111, %dma_start3A_112, %dma_start3A_113] : memref<2x80x128xf32, #tpu.memory_space<vmem>> -> memref<1x80x128xf32, #tpu.memory_space<vmem>>
        %dma_start3A_115 = tpu.memref_squeeze %dma_start3A_114 : memref<1x80x128xf32, #tpu.memory_space<vmem>> -> memref<80x128xf32, #tpu.memory_space<vmem>>
        %dma_start3A_116 = arith.constant 0 : i32
        %dma_start3A_117 = tpu.memref_slice %arg2[%add3A_110, %dma_start3A_116] : memref<179200x128xf32, #tpu.memory_space<hbm>> -> memref<80x128xf32, #tpu.memory_space<hbm>>
        %dma_start3A_118 = arith.constant 0 : i32
        %dma_start3A_119 = arith.constant 0 : i32
        %dma_start3A_120 = tpu.memref_slice %arg7[%dma_start3A_111, %dma_start3A_118, %dma_start3A_119] : memref<2x80x128xf32, #tpu.memory_space<vmem>> -> memref<1x80x128xf32, #tpu.memory_space<vmem>>
        %dma_start3A_121 = tpu.memref_squeeze %dma_start3A_120 : memref<1x80x128xf32, #tpu.memory_space<vmem>> -> memref<80x128xf32, #tpu.memory_space<vmem>>
        %dma_start3A_122 = arith.constant 0 : i32
        %dma_start3A_123 = tpu.memref_slice %arg2[%add3A_110, %dma_start3A_122] : memref<179200x128xf32, #tpu.memory_space<hbm>> -> memref<80x128xf32, #tpu.memory_space<hbm>>
        tpu.enqueue_dma source(%dma_start3A_123 : memref<80x128xf32, #tpu.memory_space<hbm>>) target(%dma_start3A_121 : memref<80x128xf32, #tpu.memory_space<vmem>>) target_semaphore(%arg9 : memref<!tpu.dma_semaphore, #tpu.memory_space<semaphore_mem>>)
      } else {
      }
      %mul3A_74 = arith.constant 2 : i32
      %mul3A_75 = arith.muli %scan3A_49, %mul3A_74 : i32
      %add3A_76 = arith.constant 1 : i32
      %add3A_77 = arith.addi %mul3A_75, %add3A_76 : i32
      %dma_wait3A_78 = arith.constant 1 : i32
      %dma_wait3A_79 = arith.constant 0 : i32
      %dma_wait3A_80 = arith.constant 0 : i32
      %dma_wait3A_81 = tpu.memref_slice %arg7[%dma_wait3A_78, %dma_wait3A_79, %dma_wait3A_80] : memref<2x80x128xf32, #tpu.memory_space<vmem>> -> memref<1x80x128xf32, #tpu.memory_space<vmem>>
      %dma_wait3A_82 = tpu.memref_squeeze %dma_wait3A_81 : memref<1x80x128xf32, #tpu.memory_space<vmem>> -> memref<80x128xf32, #tpu.memory_space<vmem>>
      %dma_wait3A_83 = arith.constant 0 : i32
      %dma_wait3A_84 = arith.constant 0 : i32
      %dma_wait3A_85 = tpu.memref_slice %arg2[%dma_wait3A_83, %dma_wait3A_84] : memref<179200x128xf32, #tpu.memory_space<hbm>> -> memref<80x128xf32, #tpu.memory_space<hbm>>
      %dma_wait3A_86 = arith.constant 0 : i32
      %dma_wait3A_87 = arith.constant 0 : i32
      %dma_wait3A_88 = tpu.memref_slice %arg7[%dma_wait3A_78, %dma_wait3A_86, %dma_wait3A_87] : memref<2x80x128xf32, #tpu.memory_space<vmem>> -> memref<1x80x128xf32, #tpu.memory_space<vmem>>
      %dma_wait3A_89 = tpu.memref_squeeze %dma_wait3A_88 : memref<1x80x128xf32, #tpu.memory_space<vmem>> -> memref<80x128xf32, #tpu.memory_space<vmem>>
      %dma_wait3A_90 = arith.constant 0 : i32
      %dma_wait3A_91 = arith.constant 0 : i32
      %dma_wait3A_92 = tpu.memref_slice %arg2[%dma_wait3A_90, %dma_wait3A_91] : memref<179200x128xf32, #tpu.memory_space<hbm>> -> memref<80x128xf32, #tpu.memory_space<hbm>>
      tpu.wait_dma2 semaphore(%arg10 : memref<!tpu.dma_semaphore, #tpu.memory_space<semaphore_mem>>) src(%dma_wait3A_92 : memref<80x128xf32, #tpu.memory_space<hbm>>) dst(%dma_wait3A_89 : memref<80x128xf32, #tpu.memory_space<vmem>>)
      %run_scoped3A_93 = arith.constant 1 : i32
      %run_scoped3A_94 = arith.constant 1 : i32
      "tpu.region"() ({
        %run_scoped3A_102 = tpu.sem_alloc : memref<!tpu.dma_semaphore, #tpu.memory_space<semaphore_mem>>
        %dma_start3A_103 = arith.constant 0 : i32
        %dma_start3A_104 = arith.constant 0 : i32
        %dma_start3A_105 = tpu.memref_slice %arg7[%run_scoped3A_93, %dma_start3A_103, %dma_start3A_104] : memref<2x80x128xf32, #tpu.memory_space<vmem>> -> memref<1x80x128xf32, #tpu.memory_space<vmem>>
        %dma_start3A_106 = tpu.memref_squeeze %dma_start3A_105 : memref<1x80x128xf32, #tpu.memory_space<vmem>> -> memref<80x128xf32, #tpu.memory_space<vmem>>
        %dma_start3A_107 = arith.constant 0 : i32
        %dma_start3A_108 = tpu.memref_slice %arg6[%run_scoped3A_94, %dma_start3A_107] : memref<2x80xi32, #tpu.memory_space<vmem>> -> memref<1x80xi32, #tpu.memory_space<vmem>>
        %dma_start3A_109 = tpu.memref_squeeze %dma_start3A_108 : memref<1x80xi32, #tpu.memory_space<vmem>> -> memref<80xi32, #tpu.memory_space<vmem>>
        %dma_start3A_110 = arith.constant 0 : i32
        %dma_start3A_111 = arith.constant 0 : i32
        %dma_start3A_112 = tpu.memref_slice %arg8[%dma_start3A_110, %dma_start3A_111] : memref<10240x128xf32, #tpu.memory_space<vmem_shared>> -> memref<10240x128xf32, #tpu.memory_space<vmem_shared>>
        tpu.enqueue_indirect_dma source(%dma_start3A_106 : memref<80x128xf32, #tpu.memory_space<vmem>>) target(%dma_start3A_112 : memref<10240x128xf32, #tpu.memory_space<vmem_shared>>) offsets(%dma_start3A_109 : memref<80xi32, #tpu.memory_space<vmem>>) semaphore(%run_scoped3A_102 : memref<!tpu.dma_semaphore, #tpu.memory_space<semaphore_mem>>) {add = true}
        %dma_wait3A_113 = arith.constant 0 : i32
        %dma_wait3A_114 = arith.constant 0 : i32
        %dma_wait3A_115 = tpu.memref_slice %arg7[%run_scoped3A_93, %dma_wait3A_113, %dma_wait3A_114] : memref<2x80x128xf32, #tpu.memory_space<vmem>> -> memref<1x80x128xf32, #tpu.memory_space<vmem>>
        %dma_wait3A_116 = tpu.memref_squeeze %dma_wait3A_115 : memref<1x80x128xf32, #tpu.memory_space<vmem>> -> memref<80x128xf32, #tpu.memory_space<vmem>>
        %dma_wait3A_117 = arith.constant 0 : i32
        %dma_wait3A_118 = tpu.memref_slice %arg6[%run_scoped3A_94, %dma_wait3A_117] : memref<2x80xi32, #tpu.memory_space<vmem>> -> memref<1x80xi32, #tpu.memory_space<vmem>>
        %dma_wait3A_119 = tpu.memref_squeeze %dma_wait3A_118 : memref<1x80xi32, #tpu.memory_space<vmem>> -> memref<80xi32, #tpu.memory_space<vmem>>
        %dma_wait3A_120 = arith.constant 0 : i32
        %dma_wait3A_121 = arith.constant 0 : i32
        %dma_wait3A_122 = tpu.memref_slice %arg8[%dma_wait3A_120, %dma_wait3A_121] : memref<10240x128xf32, #tpu.memory_space<vmem_shared>> -> memref<10240x128xf32, #tpu.memory_space<vmem_shared>>
        tpu.wait_indirect_dma semaphore(%run_scoped3A_102 : memref<!tpu.dma_semaphore, #tpu.memory_space<semaphore_mem>>) src(%dma_wait3A_116 : memref<80x128xf32, #tpu.memory_space<vmem>>) dst(%dma_wait3A_122 : memref<10240x128xf32, #tpu.memory_space<vmem_shared>>)
        tpu.yield
      }) : () -> ()
      %add3A_95 = arith.constant 2 : i32
      %add3A_96 = arith.addi %add3A_77, %add3A_95 : i32
      %lt3A_97 = arith.constant 70 : i32
      %lt3A_98 = arith.cmpi slt, %add3A_96, %lt3A_97 : i32
      %convert_element_type3A_99 = arith.extui %lt3A_98 : i1 to i32
      %cond3A_100 = arith.constant 0 : i32
      %cond3A_101 = arith.cmpi ne, %convert_element_type3A_99, %cond3A_100 : i32
      scf.if %cond3A_101 {
        %add3A_102 = arith.constant 2 : i32
        %add3A_103 = arith.addi %add3A_77, %add3A_102 : i32
        %mul3A_104 = arith.constant 80 : i32
        %mul3A_105 = arith.muli %add3A_103, %mul3A_104 : i32
        %add3A_106 = arith.addi %add3A_4, %mul3A_105 : i32
        %run_scoped3A_107 = arith.constant 1 : i32
        "tpu.region"() ({
          %run_scoped3A_124 = tpu.sem_alloc : memref<!tpu.dma_semaphore, #tpu.memory_space<semaphore_mem>>
          %dma_start3A_125 = arith.constant 0 : i32
          %dma_start3A_126 = tpu.memref_slice %arg6[%run_scoped3A_107, %dma_start3A_125] : memref<2x80xi32, #tpu.memory_space<vmem>> -> memref<1x80xi32, #tpu.memory_space<vmem>>
          %dma_start3A_127 = tpu.memref_squeeze %dma_start3A_126 : memref<1x80xi32, #tpu.memory_space<vmem>> -> memref<80xi32, #tpu.memory_space<vmem>>
          %dma_start3A_128 = tpu.memref_slice %arg3[%add3A_106] : memref<320000xi32, #tpu.memory_space<hbm>> -> memref<80xi32, #tpu.memory_space<hbm>>
          %dma_start3A_129 = arith.constant 0 : i32
          %dma_start3A_130 = tpu.memref_slice %arg6[%run_scoped3A_107, %dma_start3A_129] : memref<2x80xi32, #tpu.memory_space<vmem>> -> memref<1x80xi32, #tpu.memory_space<vmem>>
          %dma_start3A_131 = tpu.memref_squeeze %dma_start3A_130 : memref<1x80xi32, #tpu.memory_space<vmem>> -> memref<80xi32, #tpu.memory_space<vmem>>
          %dma_start3A_132 = tpu.memref_slice %arg3[%add3A_106] : memref<320000xi32, #tpu.memory_space<hbm>> -> memref<80xi32, #tpu.memory_space<hbm>>
          tpu.enqueue_dma source(%dma_start3A_132 : memref<80xi32, #tpu.memory_space<hbm>>) target(%dma_start3A_131 : memref<80xi32, #tpu.memory_space<vmem>>) target_semaphore(%run_scoped3A_124 : memref<!tpu.dma_semaphore, #tpu.memory_space<semaphore_mem>>)
          %dma_wait3A_133 = arith.constant 0 : i32
          %dma_wait3A_134 = tpu.memref_slice %arg6[%run_scoped3A_107, %dma_wait3A_133] : memref<2x80xi32, #tpu.memory_space<vmem>> -> memref<1x80xi32, #tpu.memory_space<vmem>>
          %dma_wait3A_135 = tpu.memref_squeeze %dma_wait3A_134 : memref<1x80xi32, #tpu.memory_space<vmem>> -> memref<80xi32, #tpu.memory_space<vmem>>
          %dma_wait3A_136 = tpu.memref_slice %arg3[%add3A_106] : memref<320000xi32, #tpu.memory_space<hbm>> -> memref<80xi32, #tpu.memory_space<hbm>>
          %dma_wait3A_137 = arith.constant 0 : i32
          %dma_wait3A_138 = tpu.memref_slice %arg6[%run_scoped3A_107, %dma_wait3A_137] : memref<2x80xi32, #tpu.memory_space<vmem>> -> memref<1x80xi32, #tpu.memory_space<vmem>>
          %dma_wait3A_139 = tpu.memref_squeeze %dma_wait3A_138 : memref<1x80xi32, #tpu.memory_space<vmem>> -> memref<80xi32, #tpu.memory_space<vmem>>
          %dma_wait3A_140 = tpu.memref_slice %arg3[%add3A_106] : memref<320000xi32, #tpu.memory_space<hbm>> -> memref<80xi32, #tpu.memory_space<hbm>>
          tpu.wait_dma2 semaphore(%run_scoped3A_124 : memref<!tpu.dma_semaphore, #tpu.memory_space<semaphore_mem>>) src(%dma_wait3A_140 : memref<80xi32, #tpu.memory_space<hbm>>) dst(%dma_wait3A_139 : memref<80xi32, #tpu.memory_space<vmem>>)
          tpu.yield
        }) : () -> ()
        %mul3A_108 = arith.constant 80 : i32
        %mul3A_109 = arith.muli %add3A_103, %mul3A_108 : i32
        %add3A_110 = arith.addi %mul3A_6, %mul3A_109 : i32
        %dma_start3A_111 = arith.constant 1 : i32
        %dma_start3A_112 = arith.constant 0 : i32
        %dma_start3A_113 = arith.constant 0 : i32
        %dma_start3A_114 = tpu.memref_slice %arg7[%dma_start3A_111, %dma_start3A_112, %dma_start3A_113] : memref<2x80x128xf32, #tpu.memory_space<vmem>> -> memref<1x80x128xf32, #tpu.memory_space<vmem>>
        %dma_start3A_115 = tpu.memref_squeeze %dma_start3A_114 : memref<1x80x128xf32, #tpu.memory_space<vmem>> -> memref<80x128xf32, #tpu.memory_space<vmem>>
        %dma_start3A_116 = arith.constant 0 : i32
        %dma_start3A_117 = tpu.memref_slice %arg2[%add3A_110, %dma_start3A_116] : memref<179200x128xf32, #tpu.memory_space<hbm>> -> memref<80x128xf32, #tpu.memory_space<hbm>>
        %dma_start3A_118 = arith.constant 0 : i32
        %dma_start3A_119 = arith.constant 0 : i32
        %dma_start3A_120 = tpu.memref_slice %arg7[%dma_start3A_111, %dma_start3A_118, %dma_start3A_119] : memref<2x80x128xf32, #tpu.memory_space<vmem>> -> memref<1x80x128xf32, #tpu.memory_space<vmem>>
        %dma_start3A_121 = tpu.memref_squeeze %dma_start3A_120 : memref<1x80x128xf32, #tpu.memory_space<vmem>> -> memref<80x128xf32, #tpu.memory_space<vmem>>
        %dma_start3A_122 = arith.constant 0 : i32
        %dma_start3A_123 = tpu.memref_slice %arg2[%add3A_110, %dma_start3A_122] : memref<179200x128xf32, #tpu.memory_space<hbm>> -> memref<80x128xf32, #tpu.memory_space<hbm>>
        tpu.enqueue_dma source(%dma_start3A_123 : memref<80x128xf32, #tpu.memory_space<hbm>>) target(%dma_start3A_121 : memref<80x128xf32, #tpu.memory_space<vmem>>) target_semaphore(%arg10 : memref<!tpu.dma_semaphore, #tpu.memory_space<semaphore_mem>>)
      } else {
      }
    }
    %scan3A_47 = arith.constant 35 : i32
    %barrier3A_48 = arith.constant 0 : index
    tpu.barrier barrier_id(%barrier3A_48)
    "tpu.region"() ({
      %run_scoped3A_49 = tpu.sem_alloc : memref<!tpu.dma_semaphore, #tpu.memory_space<semaphore_mem>>
      %dma_start3A_50 = arith.constant 0 : i32
      %dma_start3A_51 = arith.constant 0 : i32
      %dma_start3A_52 = tpu.memref_slice %arg5[%arg0, %dma_start3A_50, %dma_start3A_51] : memref<2x10240x128xf32, #tpu.memory_space<hbm>> -> memref<1x10240x128xf32, #tpu.memory_space<hbm>>
      %dma_start3A_53 = tpu.memref_squeeze %dma_start3A_52 : memref<1x10240x128xf32, #tpu.memory_space<hbm>> -> memref<10240x128xf32, #tpu.memory_space<hbm>>
      %dma_start3A_54 = arith.constant 0 : i32
      %dma_start3A_55 = tpu.memref_slice %dma_start3A_53[%mul3A_8, %dma_start3A_54] : memref<10240x128xf32, #tpu.memory_space<hbm>> -> memref<640x128xf32, #tpu.memory_space<hbm>>
      %dma_start3A_56 = arith.constant 0 : i32
      %dma_start3A_57 = tpu.memref_slice %arg8[%mul3A_8, %dma_start3A_56] : memref<10240x128xf32, #tpu.memory_space<vmem_shared>> -> memref<640x128xf32, #tpu.memory_space<vmem_shared>>
      tpu.enqueue_dma source(%dma_start3A_57 : memref<640x128xf32, #tpu.memory_space<vmem_shared>>) target(%dma_start3A_55 : memref<640x128xf32, #tpu.memory_space<hbm>>) target_semaphore(%run_scoped3A_49 : memref<!tpu.dma_semaphore, #tpu.memory_space<semaphore_mem>>)
      %dma_wait3A = arith.constant 0 : i32
      %dma_wait3A_58 = arith.constant 0 : i32
      %dma_wait3A_59 = tpu.memref_slice %arg5[%arg0, %dma_wait3A, %dma_wait3A_58] : memref<2x10240x128xf32, #tpu.memory_space<hbm>> -> memref<1x10240x128xf32, #tpu.memory_space<hbm>>
      %dma_wait3A_60 = tpu.memref_squeeze %dma_wait3A_59 : memref<1x10240x128xf32, #tpu.memory_space<hbm>> -> memref<10240x128xf32, #tpu.memory_space<hbm>>
      %dma_wait3A_61 = arith.constant 0 : i32
      %dma_wait3A_62 = tpu.memref_slice %dma_wait3A_60[%mul3A_8, %dma_wait3A_61] : memref<10240x128xf32, #tpu.memory_space<hbm>> -> memref<640x128xf32, #tpu.memory_space<hbm>>
      %dma_wait3A_63 = arith.constant 0 : i32
      %dma_wait3A_64 = tpu.memref_slice %arg8[%mul3A_8, %dma_wait3A_63] : memref<10240x128xf32, #tpu.memory_space<vmem_shared>> -> memref<640x128xf32, #tpu.memory_space<vmem_shared>>
      tpu.wait_dma2 semaphore(%run_scoped3A_49 : memref<!tpu.dma_semaphore, #tpu.memory_space<semaphore_mem>>) src(%dma_wait3A_64 : memref<640x128xf32, #tpu.memory_space<vmem_shared>>) dst(%dma_wait3A_62 : memref<640x128xf32, #tpu.memory_space<hbm>>)
      tpu.yield
    }) : () -> ()
    return
  }
}

module attributes {stable_mosaic.version = 14 : i64} {
  func.func @_prep_body(%arg0: i32, %arg1: memref<1000x128xf32, #tpu.memory_space<vmem>>, %arg2: memref<128x128xf32, #tpu.memory_space<vmem>>, %arg3: memref<128x128xf32, #tpu.memory_space<vmem>>, %arg4: memref<1000x128xf32, #tpu.memory_space<vmem>>, %arg5: memref<1000x128xf32, #tpu.memory_space<vmem>>) attributes {dimension_semantics = [#tpu.dimension_semantics<arbitrary>], iteration_bounds = array<i64: 10>, scalar_prefetch = 0 : i64, scratch_operands = 0 : i64, tpu.core_type = #tpu.core_type<tc>, window_params = [{transform_indices = @transform_0, window_bounds = array<i64: 1000, 128>}, {pipeline_mode = #tpu.pipeline_mode<synchronous>, transform_indices = @transform_1, window_bounds = array<i64: 128, 128>}, {pipeline_mode = #tpu.pipeline_mode<synchronous>, transform_indices = @transform_2, window_bounds = array<i64: 128, 128>}, {transform_indices = @transform_3, window_bounds = array<i64: 1000, 128>}, {transform_indices = @transform_4, window_bounds = array<i64: 1000, 128>}]} {
    %get3A = arith.constant 0 : index
    %get3A_0 = arith.constant 0 : index
    %get3A_1 = vector.load %arg1[%get3A, %get3A_0] : memref<1000x128xf32, #tpu.memory_space<vmem>>, vector<1000x128xf32>
    %get3A_2 = arith.constant 0 : index
    %get3A_3 = arith.constant 0 : index
    %get3A_4 = vector.load %arg2[%get3A_2, %get3A_3] : memref<128x128xf32, #tpu.memory_space<vmem>>, vector<128x128xf32>
    %dot_general3A = arith.constant dense<0.000000e+00> : vector<1000x128xf32>
    %dot_general3A_5 = tpu.matmul %get3A_1, %get3A_4, %dot_general3A {dimension_numbers = #tpu.dot_dimension_numbers<[1], [0], [0], [1], [0, 0, 1, 1], [], []>, transpose_lhs_hint = false} : vector<1000x128xf32>, vector<128x128xf32>, vector<1000x128xf32> -> vector<1000x128xf32>
    %swap3A = arith.constant 0 : index
    %swap3A_6 = arith.constant 0 : index
    %swap3A_7 = vector.load %arg4[%swap3A, %swap3A_6] : memref<1000x128xf32, #tpu.memory_space<vmem>>, vector<1000x128xf32>
    tpu.vector_store %arg4[%swap3A, %swap3A_6], %dot_general3A_5 {strides = array<i32>} : memref<1000x128xf32, #tpu.memory_space<vmem>>, vector<1000x128xf32>,
    %get3A_8 = arith.constant 0 : index
    %get3A_9 = arith.constant 0 : index
    %get3A_10 = vector.load %arg3[%get3A_8, %get3A_9] : memref<128x128xf32, #tpu.memory_space<vmem>>, vector<128x128xf32>
    %dot_general3A_11 = arith.constant dense<0.000000e+00> : vector<1000x128xf32>
    %dot_general3A_12 = tpu.matmul %get3A_1, %get3A_10, %dot_general3A_11 {dimension_numbers = #tpu.dot_dimension_numbers<[1], [0], [0], [1], [0, 0, 1, 1], [], []>, transpose_lhs_hint = false} : vector<1000x128xf32>, vector<128x128xf32>, vector<1000x128xf32> -> vector<1000x128xf32>
    %swap3A_13 = arith.constant 0 : index
    %swap3A_14 = arith.constant 0 : index
    %swap3A_15 = vector.load %arg5[%swap3A_13, %swap3A_14] : memref<1000x128xf32, #tpu.memory_space<vmem>>, vector<1000x128xf32>
    tpu.vector_store %arg5[%swap3A_13, %swap3A_14], %dot_general3A_12 {strides = array<i32>} : memref<1000x128xf32, #tpu.memory_space<vmem>>, vector<1000x128xf32>,
    return
  }
  func.func @transform_0(%arg0: i32) -> (i32, i32) {
    %c0_i32 = arith.constant 0 : i32
    %c0_i32_0 = arith.constant 0 : i32
    return %arg0, %c0_i32 : i32, i32
  }
  func.func @transform_1(%arg0: i32) -> (i32, i32) {
    %c0_i32 = arith.constant 0 : i32
    %c0_i32_0 = arith.constant 0 : i32
    %c0_i32_1 = arith.constant 0 : i32
    return %c0_i32, %c0_i32_0 : i32, i32
  }
  func.func @transform_2(%arg0: i32) -> (i32, i32) {
    %c0_i32 = arith.constant 0 : i32
    %c0_i32_0 = arith.constant 0 : i32
    %c0_i32_1 = arith.constant 0 : i32
    return %c0_i32, %c0_i32_0 : i32, i32
  }
  func.func @transform_3(%arg0: i32) -> (i32, i32) {
    %c0_i32 = arith.constant 0 : i32
    %c0_i32_0 = arith.constant 0 : i32
    return %arg0, %c0_i32 : i32, i32
  }
  func.func @transform_4(%arg0: i32) -> (i32, i32) {
    %c0_i32 = arith.constant 0 : i32
    %c0_i32_0 = arith.constant 0 : i32
    return %arg0, %c0_i32 : i32, i32
  }
}

module attributes {stable_mosaic.version = 14 : i64} {
  func.func @_edge_body(%arg0: i32, %arg1: memref<1600x128xf32, #tpu.memory_space<vmem>>, %arg2: memref<1600x16xf32, #tpu.memory_space<vmem>>, %arg3: memref<1600x4xf32, #tpu.memory_space<vmem>>, %arg4: memref<1x128xf32, #tpu.memory_space<vmem>>, %arg5: memref<4x128xf32, #tpu.memory_space<vmem>>, %arg6: memref<1x128xf32, #tpu.memory_space<vmem>>, %arg7: memref<128x128xf32, #tpu.memory_space<vmem>>, %arg8: memref<1x128xf32, #tpu.memory_space<vmem>>, %arg9: memref<128x128xf32, #tpu.memory_space<vmem>>, %arg10: memref<1x128xf32, #tpu.memory_space<vmem>>, %arg11: memref<128x1xf32, #tpu.memory_space<vmem>>, %arg12: memref<1x1xf32, #tpu.memory_space<vmem>>, %arg13: memref<1600x128xf32, #tpu.memory_space<vmem>>, %arg14: memref<1600x128xf32, #tpu.memory_space<vmem>>) attributes {dimension_semantics = [#tpu.dimension_semantics<arbitrary>], iteration_bounds = array<i64: 88>, scalar_prefetch = 0 : i64, scratch_operands = 0 : i64, tpu.core_type = #tpu.core_type<tc>, window_params = [{transform_indices = @transform_0, window_bounds = array<i64: 1600, 128>}, {transform_indices = @transform_1, window_bounds = array<i64: 1600, 16>}, {transform_indices = @transform_2, window_bounds = array<i64: 1600, 4>}, {pipeline_mode = #tpu.pipeline_mode<synchronous>, transform_indices = @transform_3, window_bounds = array<i64: 1, 128>}, {pipeline_mode = #tpu.pipeline_mode<synchronous>, transform_indices = @transform_4, window_bounds = array<i64: 4, 128>}, {pipeline_mode = #tpu.pipeline_mode<synchronous>, transform_indices = @transform_5, window_bounds = array<i64: 1, 128>}, {pipeline_mode = #tpu.pipeline_mode<synchronous>, transform_indices = @transform_6, window_bounds = array<i64: 128, 128>}, {pipeline_mode = #tpu.pipeline_mode<synchronous>, transform_indices = @transform_7, window_bounds = array<i64: 1, 128>}, {pipeline_mode = #tpu.pipeline_mode<synchronous>, transform_indices = @transform_8, window_bounds = array<i64: 128, 128>}, {pipeline_mode = #tpu.pipeline_mode<synchronous>, transform_indices = @transform_9, window_bounds = array<i64: 1, 128>}, {pipeline_mode = #tpu.pipeline_mode<synchronous>, transform_indices = @transform_10, window_bounds = array<i64: 128, 1>}, {pipeline_mode = #tpu.pipeline_mode<synchronous>, transform_indices = @transform_11, window_bounds = array<i64: 1, 1>}, {transform_indices = @transform_12, window_bounds = array<i64: 1600, 128>}, {transform_indices = @transform_13, window_bounds = array<i64: 1600, 128>}]} {
    %get3A = arith.constant 0 : index
    %get3A_0 = arith.constant 0 : index
    %get3A_1 = vector.load %arg2[%get3A, %get3A_0] : memref<1600x16xf32, #tpu.memory_space<vmem>>, vector<1600x16xf32>
    %mul3A = arith.mulf %get3A_1, %get3A_1 : vector<1600x16xf32>
    %reduce_sum3A = arith.constant dense<0.000000e+00> : vector<1600xf32>
    %reduce_sum3A_2 = vector.multi_reduction <add>, %mul3A, %reduce_sum3A [1] : vector<1600x16xf32> to vector<1600xf32>
    %broadcast_in_dim3A = vector.shape_cast %reduce_sum3A_2 : vector<1600xf32> to vector<1600x1xf32>
    %get3A_3 = arith.constant 0 : index
    %get3A_4 = arith.constant 0 : index
    %get3A_5 = vector.load %arg1[%get3A_3, %get3A_4] : memref<1600x128xf32, #tpu.memory_space<vmem>>, vector<1600x128xf32>
    %get3A_6 = arith.constant 0 : index
    %get3A_7 = arith.constant 0 : index
    %get3A_8 = vector.load %arg4[%get3A_6, %get3A_7] : memref<1x128xf32, #tpu.memory_space<vmem>>, vector<1x128xf32>
    %mul3A_9 = vector.broadcast %broadcast_in_dim3A : vector<1600x1xf32> to vector<1600x128xf32>
    %mul3A_10 = vector.broadcast %get3A_8 : vector<1x128xf32> to vector<1600x128xf32>
    %mul3A_11 = arith.mulf %mul3A_9, %mul3A_10 : vector<1600x128xf32>
    %add3A = arith.addf %get3A_5, %mul3A_11 : vector<1600x128xf32>
    %get3A_12 = arith.constant 0 : index
    %get3A_13 = arith.constant 0 : index
    %get3A_14 = vector.load %arg3[%get3A_12, %get3A_13] : memref<1600x4xf32, #tpu.memory_space<vmem>>, vector<1600x4xf32>
    %get3A_15 = arith.constant 0 : index
    %get3A_16 = arith.constant 0 : index
    %get3A_17 = vector.load %arg5[%get3A_15, %get3A_16] : memref<4x128xf32, #tpu.memory_space<vmem>>, vector<4x128xf32>
    %dot_general3A = arith.constant dense<0.000000e+00> : vector<1600x128xf32>
    %dot_general3A_18 = tpu.matmul %get3A_14, %get3A_17, %dot_general3A {dimension_numbers = #tpu.dot_dimension_numbers<[1], [0], [0], [1], [0, 0, 1, 1], [], []>, transpose_lhs_hint = false} : vector<1600x4xf32>, vector<4x128xf32>, vector<1600x128xf32> -> vector<1600x128xf32>
    %add3A_19 = arith.addf %add3A, %dot_general3A_18 : vector<1600x128xf32>
    %get3A_20 = arith.constant 0 : index
    %get3A_21 = arith.constant 0 : index
    %get3A_22 = vector.load %arg6[%get3A_20, %get3A_21] : memref<1x128xf32, #tpu.memory_space<vmem>>, vector<1x128xf32>
    %add3A_23 = vector.broadcast %get3A_22 : vector<1x128xf32> to vector<1600x128xf32>
    %add3A_24 = arith.addf %add3A_19, %add3A_23 : vector<1600x128xf32>
    %max3A = arith.constant 0.000000e+00 : f32
    %max3A_25 = vector.broadcast %max3A : f32 to vector<1600x128xf32>
    %max3A_26 = arith.maximumf %add3A_24, %max3A_25 : vector<1600x128xf32>
    %get3A_27 = arith.constant 0 : index
    %get3A_28 = arith.constant 0 : index
    %get3A_29 = vector.load %arg7[%get3A_27, %get3A_28] : memref<128x128xf32, #tpu.memory_space<vmem>>, vector<128x128xf32>
    %dot_general3A_30 = arith.constant dense<0.000000e+00> : vector<1600x128xf32>
    %dot_general3A_31 = tpu.matmul %max3A_26, %get3A_29, %dot_general3A_30 {dimension_numbers = #tpu.dot_dimension_numbers<[1], [0], [0], [1], [0, 0, 1, 1], [], []>, transpose_lhs_hint = false} : vector<1600x128xf32>, vector<128x128xf32>, vector<1600x128xf32> -> vector<1600x128xf32>
    %get3A_32 = arith.constant 0 : index
    %get3A_33 = arith.constant 0 : index
    %get3A_34 = vector.load %arg8[%get3A_32, %get3A_33] : memref<1x128xf32, #tpu.memory_space<vmem>>, vector<1x128xf32>
    %add3A_35 = vector.broadcast %get3A_34 : vector<1x128xf32> to vector<1600x128xf32>
    %add3A_36 = arith.addf %dot_general3A_31, %add3A_35 : vector<1600x128xf32>
    %max3A_37 = arith.constant 0.000000e+00 : f32
    %max3A_38 = vector.broadcast %max3A_37 : f32 to vector<1600x128xf32>
    %max3A_39 = arith.maximumf %add3A_36, %max3A_38 : vector<1600x128xf32>
    %swap3A = arith.constant 0 : index
    %swap3A_40 = arith.constant 0 : index
    %swap3A_41 = vector.load %arg13[%swap3A, %swap3A_40] : memref<1600x128xf32, #tpu.memory_space<vmem>>, vector<1600x128xf32>
    tpu.vector_store %arg13[%swap3A, %swap3A_40], %max3A_39 {strides = array<i32>} : memref<1600x128xf32, #tpu.memory_space<vmem>>, vector<1600x128xf32>,
    %get3A_42 = arith.constant 0 : index
    %get3A_43 = arith.constant 0 : index
    %get3A_44 = vector.load %arg9[%get3A_42, %get3A_43] : memref<128x128xf32, #tpu.memory_space<vmem>>, vector<128x128xf32>
    %dot_general3A_45 = arith.constant dense<0.000000e+00> : vector<1600x128xf32>
    %dot_general3A_46 = tpu.matmul %max3A_39, %get3A_44, %dot_general3A_45 {dimension_numbers = #tpu.dot_dimension_numbers<[1], [0], [0], [1], [0, 0, 1, 1], [], []>, transpose_lhs_hint = false} : vector<1600x128xf32>, vector<128x128xf32>, vector<1600x128xf32> -> vector<1600x128xf32>
    %get3A_47 = arith.constant 0 : index
    %get3A_48 = arith.constant 0 : index
    %get3A_49 = vector.load %arg10[%get3A_47, %get3A_48] : memref<1x128xf32, #tpu.memory_space<vmem>>, vector<1x128xf32>
    %add3A_50 = vector.broadcast %get3A_49 : vector<1x128xf32> to vector<1600x128xf32>
    %add3A_51 = arith.addf %dot_general3A_46, %add3A_50 : vector<1600x128xf32>
    %max3A_52 = arith.constant 0.000000e+00 : f32
    %max3A_53 = vector.broadcast %max3A_52 : f32 to vector<1600x128xf32>
    %max3A_54 = arith.maximumf %add3A_51, %max3A_53 : vector<1600x128xf32>
    %get3A_55 = arith.constant 0 : index
    %get3A_56 = arith.constant 0 : index
    %get3A_57 = vector.load %arg11[%get3A_55, %get3A_56] : memref<128x1xf32, #tpu.memory_space<vmem>>, vector<128x1xf32>
    %dot_general3A_58 = arith.constant dense<0.000000e+00> : vector<1600x1xf32>
    %dot_general3A_59 = tpu.matmul %max3A_54, %get3A_57, %dot_general3A_58 {dimension_numbers = #tpu.dot_dimension_numbers<[1], [0], [0], [1], [0, 0, 1, 1], [], []>, transpose_lhs_hint = false} : vector<1600x128xf32>, vector<128x1xf32>, vector<1600x1xf32> -> vector<1600x1xf32>
    %get3A_60 = arith.constant 0 : index
    %get3A_61 = arith.constant 0 : index
    %get3A_62 = vector.load %arg12[%get3A_60, %get3A_61] : memref<1x1xf32, #tpu.memory_space<vmem>>, vector<1x1xf32>
    %add3A_63 = vector.broadcast %get3A_62 : vector<1x1xf32> to vector<1600x1xf32>
    %add3A_64 = arith.addf %dot_general3A_59, %add3A_63 : vector<1600x1xf32>
    %mul3A_65 = vector.broadcast %add3A_64 : vector<1600x1xf32> to vector<1600x16xf32>
    %mul3A_66 = arith.mulf %get3A_1, %mul3A_65 : vector<1600x16xf32>
    %iota3A = tpu.iota {dimensions = array<i32: 1>} : vector<1600x16xi32>
    %eq3A = arith.constant 3 : i32
    %eq3A_67 = vector.broadcast %eq3A : i32 to vector<1600x16xi32>
    %eq3A_68 = arith.cmpi eq, %iota3A, %eq3A_67 : vector<1600x16xi32>
    %jit3A = arith.constant 1.000000e+00 : f32
    %broadcast_in_dim3A_69 = vector.broadcast %jit3A : f32 to vector<1600x16xf32>
    %select_n3A = arith.select %eq3A_68, %broadcast_in_dim3A_69, %mul3A_66 : vector<1600x16xi1>, vector<1600x16xf32>
    %broadcast_in_dim3A_70 = arith.constant 0.000000e+00 : f32
    %broadcast_in_dim3A_71 = vector.broadcast %broadcast_in_dim3A_70 : f32 to vector<1600x112xf32>
    %concatenate3A = tpu.concatenate %select_n3A, %broadcast_in_dim3A_71 in 1 : vector<1600x16xf32>, vector<1600x112xf32> -> vector<1600x128xf32>
    %swap3A_72 = arith.constant 0 : index
    %swap3A_73 = arith.constant 0 : index
    %swap3A_74 = vector.load %arg14[%swap3A_72, %swap3A_73] : memref<1600x128xf32, #tpu.memory_space<vmem>>, vector<1600x128xf32>
    tpu.vector_store %arg14[%swap3A_72, %swap3A_73], %concatenate3A {strides = array<i32>} : memref<1600x128xf32, #tpu.memory_space<vmem>>, vector<1600x128xf32>,
    return
  }
  func.func @transform_0(%arg0: i32) -> (i32, i32) {
    %add3A = arith.constant 112 : i32
    %add3A_0 = arith.addi %arg0, %add3A : i32
    %c0_i32 = arith.constant 0 : i32
    %c0_i32_1 = arith.constant 0 : i32
    return %add3A_0, %c0_i32 : i32, i32
  }
  func.func @transform_1(%arg0: i32) -> (i32, i32) {
    %add3A = arith.constant 112 : i32
    %add3A_0 = arith.addi %arg0, %add3A : i32
    %c0_i32 = arith.constant 0 : i32
    %c0_i32_1 = arith.constant 0 : i32
    return %add3A_0, %c0_i32 : i32, i32
  }
  func.func @transform_2(%arg0: i32) -> (i32, i32) {
    %add3A = arith.constant 112 : i32
    %add3A_0 = arith.addi %arg0, %add3A : i32
    %c0_i32 = arith.constant 0 : i32
    %c0_i32_1 = arith.constant 0 : i32
    return %add3A_0, %c0_i32 : i32, i32
  }
  func.func @transform_3(%arg0: i32) -> (i32, i32) {
    %c0_i32 = arith.constant 0 : i32
    %c0_i32_0 = arith.constant 0 : i32
    %c0_i32_1 = arith.constant 0 : i32
    return %c0_i32, %c0_i32_0 : i32, i32
  }
  func.func @transform_4(%arg0: i32) -> (i32, i32) {
    %c0_i32 = arith.constant 0 : i32
    %c0_i32_0 = arith.constant 0 : i32
    %c0_i32_1 = arith.constant 0 : i32
    return %c0_i32, %c0_i32_0 : i32, i32
  }
  func.func @transform_5(%arg0: i32) -> (i32, i32) {
    %c0_i32 = arith.constant 0 : i32
    %c0_i32_0 = arith.constant 0 : i32
    %c0_i32_1 = arith.constant 0 : i32
    return %c0_i32, %c0_i32_0 : i32, i32
  }
  func.func @transform_6(%arg0: i32) -> (i32, i32) {
    %c0_i32 = arith.constant 0 : i32
    %c0_i32_0 = arith.constant 0 : i32
    %c0_i32_1 = arith.constant 0 : i32
    return %c0_i32, %c0_i32_0 : i32, i32
  }
  func.func @transform_7(%arg0: i32) -> (i32, i32) {
    %c0_i32 = arith.constant 0 : i32
    %c0_i32_0 = arith.constant 0 : i32
    %c0_i32_1 = arith.constant 0 : i32
    return %c0_i32, %c0_i32_0 : i32, i32
  }
  func.func @transform_8(%arg0: i32) -> (i32, i32) {
    %c0_i32 = arith.constant 0 : i32
    %c0_i32_0 = arith.constant 0 : i32
    %c0_i32_1 = arith.constant 0 : i32
    return %c0_i32, %c0_i32_0 : i32, i32
  }
  func.func @transform_9(%arg0: i32) -> (i32, i32) {
    %c0_i32 = arith.constant 0 : i32
    %c0_i32_0 = arith.constant 0 : i32
    %c0_i32_1 = arith.constant 0 : i32
    return %c0_i32, %c0_i32_0 : i32, i32
  }
  func.func @transform_10(%arg0: i32) -> (i32, i32) {
    %c0_i32 = arith.constant 0 : i32
    %c0_i32_0 = arith.constant 0 : i32
    %c0_i32_1 = arith.constant 0 : i32
    return %c0_i32, %c0_i32_0 : i32, i32
  }
  func.func @transform_11(%arg0: i32) -> (i32, i32) {
    %c0_i32 = arith.constant 0 : i32
    %c0_i32_0 = arith.constant 0 : i32
    %c0_i32_1 = arith.constant 0 : i32
    return %c0_i32, %c0_i32_0 : i32, i32
  }
  func.func @transform_12(%arg0: i32) -> (i32, i32) {
    %c0_i32 = arith.constant 0 : i32
    %c0_i32_0 = arith.constant 0 : i32
    return %arg0, %c0_i32 : i32, i32
  }
  func.func @transform_13(%arg0: i32) -> (i32, i32) {
    %c0_i32 = arith.constant 0 : i32
    %c0_i32_0 = arith.constant 0 : i32
    return %arg0, %c0_i32 : i32, i32
  }
}

module attributes {stable_mosaic.version = 14 : i64} {
  func.func @_edge_body(%arg0: i32, %arg1: memref<1600x128xf32, #tpu.memory_space<vmem>>, %arg2: memref<1600x16xf32, #tpu.memory_space<vmem>>, %arg3: memref<1600x4xf32, #tpu.memory_space<vmem>>, %arg4: memref<1x128xf32, #tpu.memory_space<vmem>>, %arg5: memref<4x128xf32, #tpu.memory_space<vmem>>, %arg6: memref<1x128xf32, #tpu.memory_space<vmem>>, %arg7: memref<128x128xf32, #tpu.memory_space<vmem>>, %arg8: memref<1x128xf32, #tpu.memory_space<vmem>>, %arg9: memref<128x128xf32, #tpu.memory_space<vmem>>, %arg10: memref<1x128xf32, #tpu.memory_space<vmem>>, %arg11: memref<128x1xf32, #tpu.memory_space<vmem>>, %arg12: memref<1x1xf32, #tpu.memory_space<vmem>>, %arg13: memref<1600x128xf32, #tpu.memory_space<vmem>>, %arg14: memref<1600x128xf32, #tpu.memory_space<vmem>>) attributes {dimension_semantics = [#tpu.dimension_semantics<arbitrary>], iteration_bounds = array<i64: 112>, scalar_prefetch = 0 : i64, scratch_operands = 0 : i64, tpu.core_type = #tpu.core_type<tc>, window_params = [{transform_indices = @transform_0, window_bounds = array<i64: 1600, 128>}, {transform_indices = @transform_1, window_bounds = array<i64: 1600, 16>}, {transform_indices = @transform_2, window_bounds = array<i64: 1600, 4>}, {pipeline_mode = #tpu.pipeline_mode<synchronous>, transform_indices = @transform_3, window_bounds = array<i64: 1, 128>}, {pipeline_mode = #tpu.pipeline_mode<synchronous>, transform_indices = @transform_4, window_bounds = array<i64: 4, 128>}, {pipeline_mode = #tpu.pipeline_mode<synchronous>, transform_indices = @transform_5, window_bounds = array<i64: 1, 128>}, {pipeline_mode = #tpu.pipeline_mode<synchronous>, transform_indices = @transform_6, window_bounds = array<i64: 128, 128>}, {pipeline_mode = #tpu.pipeline_mode<synchronous>, transform_indices = @transform_7, window_bounds = array<i64: 1, 128>}, {pipeline_mode = #tpu.pipeline_mode<synchronous>, transform_indices = @transform_8, window_bounds = array<i64: 128, 128>}, {pipeline_mode = #tpu.pipeline_mode<synchronous>, transform_indices = @transform_9, window_bounds = array<i64: 1, 128>}, {pipeline_mode = #tpu.pipeline_mode<synchronous>, transform_indices = @transform_10, window_bounds = array<i64: 128, 1>}, {pipeline_mode = #tpu.pipeline_mode<synchronous>, transform_indices = @transform_11, window_bounds = array<i64: 1, 1>}, {transform_indices = @transform_12, window_bounds = array<i64: 1600, 128>}, {transform_indices = @transform_13, window_bounds = array<i64: 1600, 128>}]} {
    %get3A = arith.constant 0 : index
    %get3A_0 = arith.constant 0 : index
    %get3A_1 = vector.load %arg2[%get3A, %get3A_0] : memref<1600x16xf32, #tpu.memory_space<vmem>>, vector<1600x16xf32>
    %mul3A = arith.mulf %get3A_1, %get3A_1 : vector<1600x16xf32>
    %reduce_sum3A = arith.constant dense<0.000000e+00> : vector<1600xf32>
    %reduce_sum3A_2 = vector.multi_reduction <add>, %mul3A, %reduce_sum3A [1] : vector<1600x16xf32> to vector<1600xf32>
    %broadcast_in_dim3A = vector.shape_cast %reduce_sum3A_2 : vector<1600xf32> to vector<1600x1xf32>
    %get3A_3 = arith.constant 0 : index
    %get3A_4 = arith.constant 0 : index
    %get3A_5 = vector.load %arg1[%get3A_3, %get3A_4] : memref<1600x128xf32, #tpu.memory_space<vmem>>, vector<1600x128xf32>
    %get3A_6 = arith.constant 0 : index
    %get3A_7 = arith.constant 0 : index
    %get3A_8 = vector.load %arg4[%get3A_6, %get3A_7] : memref<1x128xf32, #tpu.memory_space<vmem>>, vector<1x128xf32>
    %mul3A_9 = vector.broadcast %broadcast_in_dim3A : vector<1600x1xf32> to vector<1600x128xf32>
    %mul3A_10 = vector.broadcast %get3A_8 : vector<1x128xf32> to vector<1600x128xf32>
    %mul3A_11 = arith.mulf %mul3A_9, %mul3A_10 : vector<1600x128xf32>
    %add3A = arith.addf %get3A_5, %mul3A_11 : vector<1600x128xf32>
    %get3A_12 = arith.constant 0 : index
    %get3A_13 = arith.constant 0 : index
    %get3A_14 = vector.load %arg3[%get3A_12, %get3A_13] : memref<1600x4xf32, #tpu.memory_space<vmem>>, vector<1600x4xf32>
    %get3A_15 = arith.constant 0 : index
    %get3A_16 = arith.constant 0 : index
    %get3A_17 = vector.load %arg5[%get3A_15, %get3A_16] : memref<4x128xf32, #tpu.memory_space<vmem>>, vector<4x128xf32>
    %dot_general3A = arith.constant dense<0.000000e+00> : vector<1600x128xf32>
    %dot_general3A_18 = tpu.matmul %get3A_14, %get3A_17, %dot_general3A {dimension_numbers = #tpu.dot_dimension_numbers<[1], [0], [0], [1], [0, 0, 1, 1], [], []>, transpose_lhs_hint = false} : vector<1600x4xf32>, vector<4x128xf32>, vector<1600x128xf32> -> vector<1600x128xf32>
    %add3A_19 = arith.addf %add3A, %dot_general3A_18 : vector<1600x128xf32>
    %get3A_20 = arith.constant 0 : index
    %get3A_21 = arith.constant 0 : index
    %get3A_22 = vector.load %arg6[%get3A_20, %get3A_21] : memref<1x128xf32, #tpu.memory_space<vmem>>, vector<1x128xf32>
    %add3A_23 = vector.broadcast %get3A_22 : vector<1x128xf32> to vector<1600x128xf32>
    %add3A_24 = arith.addf %add3A_19, %add3A_23 : vector<1600x128xf32>
    %max3A = arith.constant 0.000000e+00 : f32
    %max3A_25 = vector.broadcast %max3A : f32 to vector<1600x128xf32>
    %max3A_26 = arith.maximumf %add3A_24, %max3A_25 : vector<1600x128xf32>
    %get3A_27 = arith.constant 0 : index
    %get3A_28 = arith.constant 0 : index
    %get3A_29 = vector.load %arg7[%get3A_27, %get3A_28] : memref<128x128xf32, #tpu.memory_space<vmem>>, vector<128x128xf32>
    %dot_general3A_30 = arith.constant dense<0.000000e+00> : vector<1600x128xf32>
    %dot_general3A_31 = tpu.matmul %max3A_26, %get3A_29, %dot_general3A_30 {dimension_numbers = #tpu.dot_dimension_numbers<[1], [0], [0], [1], [0, 0, 1, 1], [], []>, transpose_lhs_hint = false} : vector<1600x128xf32>, vector<128x128xf32>, vector<1600x128xf32> -> vector<1600x128xf32>
    %get3A_32 = arith.constant 0 : index
    %get3A_33 = arith.constant 0 : index
    %get3A_34 = vector.load %arg8[%get3A_32, %get3A_33] : memref<1x128xf32, #tpu.memory_space<vmem>>, vector<1x128xf32>
    %add3A_35 = vector.broadcast %get3A_34 : vector<1x128xf32> to vector<1600x128xf32>
    %add3A_36 = arith.addf %dot_general3A_31, %add3A_35 : vector<1600x128xf32>
    %max3A_37 = arith.constant 0.000000e+00 : f32
    %max3A_38 = vector.broadcast %max3A_37 : f32 to vector<1600x128xf32>
    %max3A_39 = arith.maximumf %add3A_36, %max3A_38 : vector<1600x128xf32>
    %swap3A = arith.constant 0 : index
    %swap3A_40 = arith.constant 0 : index
    %swap3A_41 = vector.load %arg13[%swap3A, %swap3A_40] : memref<1600x128xf32, #tpu.memory_space<vmem>>, vector<1600x128xf32>
    tpu.vector_store %arg13[%swap3A, %swap3A_40], %max3A_39 {strides = array<i32>} : memref<1600x128xf32, #tpu.memory_space<vmem>>, vector<1600x128xf32>,
    %get3A_42 = arith.constant 0 : index
    %get3A_43 = arith.constant 0 : index
    %get3A_44 = vector.load %arg9[%get3A_42, %get3A_43] : memref<128x128xf32, #tpu.memory_space<vmem>>, vector<128x128xf32>
    %dot_general3A_45 = arith.constant dense<0.000000e+00> : vector<1600x128xf32>
    %dot_general3A_46 = tpu.matmul %max3A_39, %get3A_44, %dot_general3A_45 {dimension_numbers = #tpu.dot_dimension_numbers<[1], [0], [0], [1], [0, 0, 1, 1], [], []>, transpose_lhs_hint = false} : vector<1600x128xf32>, vector<128x128xf32>, vector<1600x128xf32> -> vector<1600x128xf32>
    %get3A_47 = arith.constant 0 : index
    %get3A_48 = arith.constant 0 : index
    %get3A_49 = vector.load %arg10[%get3A_47, %get3A_48] : memref<1x128xf32, #tpu.memory_space<vmem>>, vector<1x128xf32>
    %add3A_50 = vector.broadcast %get3A_49 : vector<1x128xf32> to vector<1600x128xf32>
    %add3A_51 = arith.addf %dot_general3A_46, %add3A_50 : vector<1600x128xf32>
    %max3A_52 = arith.constant 0.000000e+00 : f32
    %max3A_53 = vector.broadcast %max3A_52 : f32 to vector<1600x128xf32>
    %max3A_54 = arith.maximumf %add3A_51, %max3A_53 : vector<1600x128xf32>
    %get3A_55 = arith.constant 0 : index
    %get3A_56 = arith.constant 0 : index
    %get3A_57 = vector.load %arg11[%get3A_55, %get3A_56] : memref<128x1xf32, #tpu.memory_space<vmem>>, vector<128x1xf32>
    %dot_general3A_58 = arith.constant dense<0.000000e+00> : vector<1600x1xf32>
    %dot_general3A_59 = tpu.matmul %max3A_54, %get3A_57, %dot_general3A_58 {dimension_numbers = #tpu.dot_dimension_numbers<[1], [0], [0], [1], [0, 0, 1, 1], [], []>, transpose_lhs_hint = false} : vector<1600x128xf32>, vector<128x1xf32>, vector<1600x1xf32> -> vector<1600x1xf32>
    %get3A_60 = arith.constant 0 : index
    %get3A_61 = arith.constant 0 : index
    %get3A_62 = vector.load %arg12[%get3A_60, %get3A_61] : memref<1x1xf32, #tpu.memory_space<vmem>>, vector<1x1xf32>
    %add3A_63 = vector.broadcast %get3A_62 : vector<1x1xf32> to vector<1600x1xf32>
    %add3A_64 = arith.addf %dot_general3A_59, %add3A_63 : vector<1600x1xf32>
    %mul3A_65 = vector.broadcast %add3A_64 : vector<1600x1xf32> to vector<1600x16xf32>
    %mul3A_66 = arith.mulf %get3A_1, %mul3A_65 : vector<1600x16xf32>
    %iota3A = tpu.iota {dimensions = array<i32: 1>} : vector<1600x16xi32>
    %eq3A = arith.constant 3 : i32
    %eq3A_67 = vector.broadcast %eq3A : i32 to vector<1600x16xi32>
    %eq3A_68 = arith.cmpi eq, %iota3A, %eq3A_67 : vector<1600x16xi32>
    %jit3A = arith.constant 1.000000e+00 : f32
    %broadcast_in_dim3A_69 = vector.broadcast %jit3A : f32 to vector<1600x16xf32>
    %select_n3A = arith.select %eq3A_68, %broadcast_in_dim3A_69, %mul3A_66 : vector<1600x16xi1>, vector<1600x16xf32>
    %broadcast_in_dim3A_70 = arith.constant 0.000000e+00 : f32
    %broadcast_in_dim3A_71 = vector.broadcast %broadcast_in_dim3A_70 : f32 to vector<1600x112xf32>
    %concatenate3A = tpu.concatenate %select_n3A, %broadcast_in_dim3A_71 in 1 : vector<1600x16xf32>, vector<1600x112xf32> -> vector<1600x128xf32>
    %swap3A_72 = arith.constant 0 : index
    %swap3A_73 = arith.constant 0 : index
    %swap3A_74 = vector.load %arg14[%swap3A_72, %swap3A_73] : memref<1600x128xf32, #tpu.memory_space<vmem>>, vector<1600x128xf32>
    tpu.vector_store %arg14[%swap3A_72, %swap3A_73], %concatenate3A {strides = array<i32>} : memref<1600x128xf32, #tpu.memory_space<vmem>>, vector<1600x128xf32>,
    return
  }
  func.func @transform_0(%arg0: i32) -> (i32, i32) {
    %add3A = arith.constant 0 : i32
    %add3A_0 = arith.addi %arg0, %add3A : i32
    %c0_i32 = arith.constant 0 : i32
    %c0_i32_1 = arith.constant 0 : i32
    return %add3A_0, %c0_i32 : i32, i32
  }
  func.func @transform_1(%arg0: i32) -> (i32, i32) {
    %add3A = arith.constant 0 : i32
    %add3A_0 = arith.addi %arg0, %add3A : i32
    %c0_i32 = arith.constant 0 : i32
    %c0_i32_1 = arith.constant 0 : i32
    return %add3A_0, %c0_i32 : i32, i32
  }
  func.func @transform_2(%arg0: i32) -> (i32, i32) {
    %add3A = arith.constant 0 : i32
    %add3A_0 = arith.addi %arg0, %add3A : i32
    %c0_i32 = arith.constant 0 : i32
    %c0_i32_1 = arith.constant 0 : i32
    return %add3A_0, %c0_i32 : i32, i32
  }
  func.func @transform_3(%arg0: i32) -> (i32, i32) {
    %c0_i32 = arith.constant 0 : i32
    %c0_i32_0 = arith.constant 0 : i32
    %c0_i32_1 = arith.constant 0 : i32
    return %c0_i32, %c0_i32_0 : i32, i32
  }
  func.func @transform_4(%arg0: i32) -> (i32, i32) {
    %c0_i32 = arith.constant 0 : i32
    %c0_i32_0 = arith.constant 0 : i32
    %c0_i32_1 = arith.constant 0 : i32
    return %c0_i32, %c0_i32_0 : i32, i32
  }
  func.func @transform_5(%arg0: i32) -> (i32, i32) {
    %c0_i32 = arith.constant 0 : i32
    %c0_i32_0 = arith.constant 0 : i32
    %c0_i32_1 = arith.constant 0 : i32
    return %c0_i32, %c0_i32_0 : i32, i32
  }
  func.func @transform_6(%arg0: i32) -> (i32, i32) {
    %c0_i32 = arith.constant 0 : i32
    %c0_i32_0 = arith.constant 0 : i32
    %c0_i32_1 = arith.constant 0 : i32
    return %c0_i32, %c0_i32_0 : i32, i32
  }
  func.func @transform_7(%arg0: i32) -> (i32, i32) {
    %c0_i32 = arith.constant 0 : i32
    %c0_i32_0 = arith.constant 0 : i32
    %c0_i32_1 = arith.constant 0 : i32
    return %c0_i32, %c0_i32_0 : i32, i32
  }
  func.func @transform_8(%arg0: i32) -> (i32, i32) {
    %c0_i32 = arith.constant 0 : i32
    %c0_i32_0 = arith.constant 0 : i32
    %c0_i32_1 = arith.constant 0 : i32
    return %c0_i32, %c0_i32_0 : i32, i32
  }
  func.func @transform_9(%arg0: i32) -> (i32, i32) {
    %c0_i32 = arith.constant 0 : i32
    %c0_i32_0 = arith.constant 0 : i32
    %c0_i32_1 = arith.constant 0 : i32
    return %c0_i32, %c0_i32_0 : i32, i32
  }
  func.func @transform_10(%arg0: i32) -> (i32, i32) {
    %c0_i32 = arith.constant 0 : i32
    %c0_i32_0 = arith.constant 0 : i32
    %c0_i32_1 = arith.constant 0 : i32
    return %c0_i32, %c0_i32_0 : i32, i32
  }
  func.func @transform_11(%arg0: i32) -> (i32, i32) {
    %c0_i32 = arith.constant 0 : i32
    %c0_i32_0 = arith.constant 0 : i32
    %c0_i32_1 = arith.constant 0 : i32
    return %c0_i32, %c0_i32_0 : i32, i32
  }
  func.func @transform_12(%arg0: i32) -> (i32, i32) {
    %c0_i32 = arith.constant 0 : i32
    %c0_i32_0 = arith.constant 0 : i32
    return %arg0, %c0_i32 : i32, i32
  }
  func.func @transform_13(%arg0: i32) -> (i32, i32) {
    %c0_i32 = arith.constant 0 : i32
    %c0_i32_0 = arith.constant 0 : i32
    return %arg0, %c0_i32 : i32, i32
  }
}

module attributes {stable_mosaic.version = 14 : i64} {
  func.func @_node_body(%arg0: i32, %arg1: memref<1000x128xf32, #tpu.memory_space<vmem>>, %arg2: memref<1x1000x128xf32, #tpu.memory_space<vmem>>, %arg3: memref<1x1000x128xf32, #tpu.memory_space<vmem>>, %arg4: memref<1x1000x128xf32, #tpu.memory_space<vmem>>, %arg5: memref<1x1000x128xf32, #tpu.memory_space<vmem>>, %arg6: memref<1x1000x128xf32, #tpu.memory_space<vmem>>, %arg7: memref<1x1000x128xf32, #tpu.memory_space<vmem>>, %arg8: memref<1x1000x128xf32, #tpu.memory_space<vmem>>, %arg9: memref<1x1000x128xf32, #tpu.memory_space<vmem>>, %arg10: memref<1000x3xf32, #tpu.memory_space<vmem>>, %arg11: memref<128x128xf32, #tpu.memory_space<vmem>>, %arg12: memref<128x128xf32, #tpu.memory_space<vmem>>, %arg13: memref<1x128xf32, #tpu.memory_space<vmem>>, %arg14: memref<128x128xf32, #tpu.memory_space<vmem>>, %arg15: memref<1x128xf32, #tpu.memory_space<vmem>>, %arg16: memref<1000x128xf32, #tpu.memory_space<vmem>>, %arg17: memref<1000x3xf32, #tpu.memory_space<vmem>>) attributes {dimension_semantics = [#tpu.dimension_semantics<arbitrary>], iteration_bounds = array<i64: 10>, scalar_prefetch = 0 : i64, scratch_operands = 0 : i64, tpu.core_type = #tpu.core_type<tc>, window_params = [{transform_indices = @transform_0, window_bounds = array<i64: 1000, 128>}, {transform_indices = @transform_1, window_bounds = array<i64: 1, 1000, 128>}, {transform_indices = @transform_2, window_bounds = array<i64: 1, 1000, 128>}, {transform_indices = @transform_3, window_bounds = array<i64: 1, 1000, 128>}, {transform_indices = @transform_4, window_bounds = array<i64: 1, 1000, 128>}, {transform_indices = @transform_5, window_bounds = array<i64: 1, 1000, 128>}, {transform_indices = @transform_6, window_bounds = array<i64: 1, 1000, 128>}, {transform_indices = @transform_7, window_bounds = array<i64: 1, 1000, 128>}, {transform_indices = @transform_8, window_bounds = array<i64: 1, 1000, 128>}, {transform_indices = @transform_9, window_bounds = array<i64: 1000, 3>}, {pipeline_mode = #tpu.pipeline_mode<synchronous>, transform_indices = @transform_10, window_bounds = array<i64: 128, 128>}, {pipeline_mode = #tpu.pipeline_mode<synchronous>, transform_indices = @transform_11, window_bounds = array<i64: 128, 128>}, {pipeline_mode = #tpu.pipeline_mode<synchronous>, transform_indices = @transform_12, window_bounds = array<i64: 1, 128>}, {pipeline_mode = #tpu.pipeline_mode<synchronous>, transform_indices = @transform_13, window_bounds = array<i64: 128, 128>}, {pipeline_mode = #tpu.pipeline_mode<synchronous>, transform_indices = @transform_14, window_bounds = array<i64: 1, 128>}, {transform_indices = @transform_15, window_bounds = array<i64: 1000, 128>}, {transform_indices = @transform_16, window_bounds = array<i64: 1000, 3>}]} {
    %get3A = arith.constant 0 : index
    %get3A_0 = arith.constant 0 : index
    %get3A_1 = arith.constant 0 : index
    %get3A_2 = vector.load %arg2[%get3A, %get3A_0, %get3A_1] : memref<1x1000x128xf32, #tpu.memory_space<vmem>>, vector<1x1000x128xf32>
    %get3A_3 = vector.shape_cast %get3A_2 : vector<1x1000x128xf32> to vector<1000x128xf32>
    %get3A_4 = arith.constant 0 : index
    %get3A_5 = arith.constant 0 : index
    %get3A_6 = arith.constant 0 : index
    %get3A_7 = vector.load %arg3[%get3A_4, %get3A_5, %get3A_6] : memref<1x1000x128xf32, #tpu.memory_space<vmem>>, vector<1x1000x128xf32>
    %get3A_8 = vector.shape_cast %get3A_7 : vector<1x1000x128xf32> to vector<1000x128xf32>
    %add3A = arith.addf %get3A_3, %get3A_8 : vector<1000x128xf32>
    %get3A_9 = arith.constant 0 : index
    %get3A_10 = arith.constant 0 : index
    %get3A_11 = arith.constant 0 : index
    %get3A_12 = vector.load %arg4[%get3A_9, %get3A_10, %get3A_11] : memref<1x1000x128xf32, #tpu.memory_space<vmem>>, vector<1x1000x128xf32>
    %get3A_13 = vector.shape_cast %get3A_12 : vector<1x1000x128xf32> to vector<1000x128xf32>
    %add3A_14 = arith.addf %add3A, %get3A_13 : vector<1000x128xf32>
    %get3A_15 = arith.constant 0 : index
    %get3A_16 = arith.constant 0 : index
    %get3A_17 = arith.constant 0 : index
    %get3A_18 = vector.load %arg5[%get3A_15, %get3A_16, %get3A_17] : memref<1x1000x128xf32, #tpu.memory_space<vmem>>, vector<1x1000x128xf32>
    %get3A_19 = vector.shape_cast %get3A_18 : vector<1x1000x128xf32> to vector<1000x128xf32>
    %add3A_20 = arith.addf %add3A_14, %get3A_19 : vector<1000x128xf32>
    %get3A_21 = arith.constant 0 : index
    %get3A_22 = arith.constant 0 : index
    %get3A_23 = vector.load %arg1[%get3A_21, %get3A_22] : memref<1000x128xf32, #tpu.memory_space<vmem>>, vector<1000x128xf32>
    %get3A_24 = arith.constant 0 : index
    %get3A_25 = arith.constant 0 : index
    %get3A_26 = vector.load %arg11[%get3A_24, %get3A_25] : memref<128x128xf32, #tpu.memory_space<vmem>>, vector<128x128xf32>
    %dot_general3A = arith.constant dense<0.000000e+00> : vector<1000x128xf32>
    %dot_general3A_27 = tpu.matmul %get3A_23, %get3A_26, %dot_general3A {dimension_numbers = #tpu.dot_dimension_numbers<[1], [0], [0], [1], [0, 0, 1, 1], [], []>, transpose_lhs_hint = false} : vector<1000x128xf32>, vector<128x128xf32>, vector<1000x128xf32> -> vector<1000x128xf32>
    %get3A_28 = arith.constant 0 : index
    %get3A_29 = arith.constant 0 : index
    %get3A_30 = vector.load %arg12[%get3A_28, %get3A_29] : memref<128x128xf32, #tpu.memory_space<vmem>>, vector<128x128xf32>
    %dot_general3A_31 = arith.constant dense<0.000000e+00> : vector<1000x128xf32>
    %dot_general3A_32 = tpu.matmul %add3A_20, %get3A_30, %dot_general3A_31 {dimension_numbers = #tpu.dot_dimension_numbers<[1], [0], [0], [1], [0, 0, 1, 1], [], []>, transpose_lhs_hint = false} : vector<1000x128xf32>, vector<128x128xf32>, vector<1000x128xf32> -> vector<1000x128xf32>
    %add3A_33 = arith.addf %dot_general3A_27, %dot_general3A_32 : vector<1000x128xf32>
    %get3A_34 = arith.constant 0 : index
    %get3A_35 = arith.constant 0 : index
    %get3A_36 = vector.load %arg13[%get3A_34, %get3A_35] : memref<1x128xf32, #tpu.memory_space<vmem>>, vector<1x128xf32>
    %add3A_37 = vector.broadcast %get3A_36 : vector<1x128xf32> to vector<1000x128xf32>
    %add3A_38 = arith.addf %add3A_33, %add3A_37 : vector<1000x128xf32>
    %max3A = arith.constant 0.000000e+00 : f32
    %max3A_39 = vector.broadcast %max3A : f32 to vector<1000x128xf32>
    %max3A_40 = arith.maximumf %add3A_38, %max3A_39 : vector<1000x128xf32>
    %get3A_41 = arith.constant 0 : index
    %get3A_42 = arith.constant 0 : index
    %get3A_43 = vector.load %arg14[%get3A_41, %get3A_42] : memref<128x128xf32, #tpu.memory_space<vmem>>, vector<128x128xf32>
    %dot_general3A_44 = arith.constant dense<0.000000e+00> : vector<1000x128xf32>
    %dot_general3A_45 = tpu.matmul %max3A_40, %get3A_43, %dot_general3A_44 {dimension_numbers = #tpu.dot_dimension_numbers<[1], [0], [0], [1], [0, 0, 1, 1], [], []>, transpose_lhs_hint = false} : vector<1000x128xf32>, vector<128x128xf32>, vector<1000x128xf32> -> vector<1000x128xf32>
    %get3A_46 = arith.constant 0 : index
    %get3A_47 = arith.constant 0 : index
    %get3A_48 = vector.load %arg15[%get3A_46, %get3A_47] : memref<1x128xf32, #tpu.memory_space<vmem>>, vector<1x128xf32>
    %add3A_49 = vector.broadcast %get3A_48 : vector<1x128xf32> to vector<1000x128xf32>
    %add3A_50 = arith.addf %dot_general3A_45, %add3A_49 : vector<1000x128xf32>
    %swap3A = arith.constant 0 : index
    %swap3A_51 = arith.constant 0 : index
    %swap3A_52 = vector.load %arg16[%swap3A, %swap3A_51] : memref<1000x128xf32, #tpu.memory_space<vmem>>, vector<1000x128xf32>
    tpu.vector_store %arg16[%swap3A, %swap3A_51], %add3A_50 {strides = array<i32>} : memref<1000x128xf32, #tpu.memory_space<vmem>>, vector<1000x128xf32>,
    %get3A_53 = arith.constant 0 : index
    %get3A_54 = arith.constant 0 : index
    %get3A_55 = arith.constant 0 : index
    %get3A_56 = vector.load %arg6[%get3A_53, %get3A_54, %get3A_55] : memref<1x1000x128xf32, #tpu.memory_space<vmem>>, vector<1x1000x128xf32>
    %get3A_57 = vector.shape_cast %get3A_56 : vector<1x1000x128xf32> to vector<1000x128xf32>
    %get3A_58 = arith.constant 0 : index
    %get3A_59 = arith.constant 0 : index
    %get3A_60 = arith.constant 0 : index
    %get3A_61 = vector.load %arg7[%get3A_58, %get3A_59, %get3A_60] : memref<1x1000x128xf32, #tpu.memory_space<vmem>>, vector<1x1000x128xf32>
    %get3A_62 = vector.shape_cast %get3A_61 : vector<1x1000x128xf32> to vector<1000x128xf32>
    %add3A_63 = arith.addf %get3A_57, %get3A_62 : vector<1000x128xf32>
    %get3A_64 = arith.constant 0 : index
    %get3A_65 = arith.constant 0 : index
    %get3A_66 = arith.constant 0 : index
    %get3A_67 = vector.load %arg8[%get3A_64, %get3A_65, %get3A_66] : memref<1x1000x128xf32, #tpu.memory_space<vmem>>, vector<1x1000x128xf32>
    %get3A_68 = vector.shape_cast %get3A_67 : vector<1x1000x128xf32> to vector<1000x128xf32>
    %add3A_69 = arith.addf %add3A_63, %get3A_68 : vector<1000x128xf32>
    %get3A_70 = arith.constant 0 : index
    %get3A_71 = arith.constant 0 : index
    %get3A_72 = arith.constant 0 : index
    %get3A_73 = vector.load %arg9[%get3A_70, %get3A_71, %get3A_72] : memref<1x1000x128xf32, #tpu.memory_space<vmem>>, vector<1x1000x128xf32>
    %get3A_74 = vector.shape_cast %get3A_73 : vector<1x1000x128xf32> to vector<1000x128xf32>
    %add3A_75 = arith.addf %add3A_69, %get3A_74 : vector<1000x128xf32>
    %slice3A = vector.extract_strided_slice %add3A_75 {offsets = [0, 0], sizes = [1000, 3], strides = [1, 1]} : vector<1000x128xf32> to vector<1000x3xf32>
    %slice3A_76 = vector.extract_strided_slice %add3A_75 {offsets = [0, 3], sizes = [1000, 1], strides = [1, 1]} : vector<1000x128xf32> to vector<1000x1xf32>
    %get3A_77 = arith.constant 0 : index
    %get3A_78 = arith.constant 0 : index
    %get3A_79 = vector.load %arg10[%get3A_77, %get3A_78] : memref<1000x3xf32, #tpu.memory_space<vmem>>, vector<1000x3xf32>
    %max3A_80 = arith.constant 1.000000e+00 : f32
    %max3A_81 = vector.broadcast %max3A_80 : f32 to vector<1000x1xf32>
    %max3A_82 = arith.maximumf %slice3A_76, %max3A_81 : vector<1000x1xf32>
    %div3A = vector.broadcast %max3A_82 : vector<1000x1xf32> to vector<1000x3xf32>
    %div3A_83 = arith.divf %slice3A, %div3A : vector<1000x3xf32>
    %add3A_84 = arith.addf %get3A_79, %div3A_83 : vector<1000x3xf32>
    %swap3A_85 = arith.constant 0 : index
    %swap3A_86 = arith.constant 0 : index
    %swap3A_87 = vector.load %arg17[%swap3A_85, %swap3A_86] : memref<1000x3xf32, #tpu.memory_space<vmem>>, vector<1000x3xf32>
    tpu.vector_store %arg17[%swap3A_85, %swap3A_86], %add3A_84 {strides = array<i32>} : memref<1000x3xf32, #tpu.memory_space<vmem>>, vector<1000x3xf32>,
    return
  }
  func.func @transform_0(%arg0: i32) -> (i32, i32) {
    %c0_i32 = arith.constant 0 : i32
    %c0_i32_0 = arith.constant 0 : i32
    return %arg0, %c0_i32 : i32, i32
  }
  func.func @transform_1(%arg0: i32) -> (i32, i32, i32) {
    %c0_i32 = arith.constant 0 : i32
    %c0_i32_0 = arith.constant 0 : i32
    %c0_i32_1 = arith.constant 0 : i32
    return %c0_i32, %arg0, %c0_i32_0 : i32, i32, i32
  }
  func.func @transform_2(%arg0: i32) -> (i32, i32, i32) {
    %c1_i32 = arith.constant 1 : i32
    %c0_i32 = arith.constant 0 : i32
    %c0_i32_0 = arith.constant 0 : i32
    return %c1_i32, %arg0, %c0_i32 : i32, i32, i32
  }
  func.func @transform_3(%arg0: i32) -> (i32, i32, i32) {
    %c0_i32 = arith.constant 0 : i32
    %c0_i32_0 = arith.constant 0 : i32
    %c0_i32_1 = arith.constant 0 : i32
    return %c0_i32, %arg0, %c0_i32_0 : i32, i32, i32
  }
  func.func @transform_4(%arg0: i32) -> (i32, i32, i32) {
    %c1_i32 = arith.constant 1 : i32
    %c0_i32 = arith.constant 0 : i32
    %c0_i32_0 = arith.constant 0 : i32
    return %c1_i32, %arg0, %c0_i32 : i32, i32, i32
  }
  func.func @transform_5(%arg0: i32) -> (i32, i32, i32) {
    %c0_i32 = arith.constant 0 : i32
    %c0_i32_0 = arith.constant 0 : i32
    %c0_i32_1 = arith.constant 0 : i32
    return %c0_i32, %arg0, %c0_i32_0 : i32, i32, i32
  }
  func.func @transform_6(%arg0: i32) -> (i32, i32, i32) {
    %c1_i32 = arith.constant 1 : i32
    %c0_i32 = arith.constant 0 : i32
    %c0_i32_0 = arith.constant 0 : i32
    return %c1_i32, %arg0, %c0_i32 : i32, i32, i32
  }
  func.func @transform_7(%arg0: i32) -> (i32, i32, i32) {
    %c0_i32 = arith.constant 0 : i32
    %c0_i32_0 = arith.constant 0 : i32
    %c0_i32_1 = arith.constant 0 : i32
    return %c0_i32, %arg0, %c0_i32_0 : i32, i32, i32
  }
  func.func @transform_8(%arg0: i32) -> (i32, i32, i32) {
    %c1_i32 = arith.constant 1 : i32
    %c0_i32 = arith.constant 0 : i32
    %c0_i32_0 = arith.constant 0 : i32
    return %c1_i32, %arg0, %c0_i32 : i32, i32, i32
  }
  func.func @transform_9(%arg0: i32) -> (i32, i32) {
    %c0_i32 = arith.constant 0 : i32
    %c0_i32_0 = arith.constant 0 : i32
    return %arg0, %c0_i32 : i32, i32
  }
  func.func @transform_10(%arg0: i32) -> (i32, i32) {
    %c0_i32 = arith.constant 0 : i32
    %c0_i32_0 = arith.constant 0 : i32
    %c0_i32_1 = arith.constant 0 : i32
    return %c0_i32, %c0_i32_0 : i32, i32
  }
  func.func @transform_11(%arg0: i32) -> (i32, i32) {
    %c0_i32 = arith.constant 0 : i32
    %c0_i32_0 = arith.constant 0 : i32
    %c0_i32_1 = arith.constant 0 : i32
    return %c0_i32, %c0_i32_0 : i32, i32
  }
  func.func @transform_12(%arg0: i32) -> (i32, i32) {
    %c0_i32 = arith.constant 0 : i32
    %c0_i32_0 = arith.constant 0 : i32
    %c0_i32_1 = arith.constant 0 : i32
    return %c0_i32, %c0_i32_0 : i32, i32
  }
  func.func @transform_13(%arg0: i32) -> (i32, i32) {
    %c0_i32 = arith.constant 0 : i32
    %c0_i32_0 = arith.constant 0 : i32
    %c0_i32_1 = arith.constant 0 : i32
    return %c0_i32, %c0_i32_0 : i32, i32
  }
  func.func @transform_14(%arg0: i32) -> (i32, i32) {
    %c0_i32 = arith.constant 0 : i32
    %c0_i32_0 = arith.constant 0 : i32
    %c0_i32_1 = arith.constant 0 : i32
    return %c0_i32, %c0_i32_0 : i32, i32
  }
  func.func @transform_15(%arg0: i32) -> (i32, i32) {
    %c0_i32 = arith.constant 0 : i32
    %c0_i32_0 = arith.constant 0 : i32
    return %arg0, %c0_i32 : i32, i32
  }
  func.func @transform_16(%arg0: i32) -> (i32, i32) {
    %c0_i32 = arith.constant 0 : i32
    %c0_i32_0 = arith.constant 0 : i32
    return %arg0, %c0_i32 : i32, i32
  }
}

</mosaic_0001>

<sc_bundles>
// kernel: kernel.12.cloned.1.call-start
scs
__scs_entry_jumppad:
0x0: {  	(pc) =	sbr.rel $0x88, $3  }
0x1: {  	(tag) =	ssettag $0x0;
	lr =	simm.s32 $0x1  }
0x2: {  	[smem:$0x3F91] =	sst lr;
	_ =	strace $0xD0000000  }
0x3: {  	_ = 	snop  }
0x4: {  	_ = 	snop  }
0x5: {  	_ = 	snop  }
0x6: {  	_ = 	snop  }
0x7: {  	_ = 	snop  }
__scs_overlays_trampoline_lowered:
0x8: {  	[smem:$0x3FA0] =	sst s0  }
0x9: {  	[smem:$0x3FA1] =	sst s1  }
0xa: {  	[smem:$0x3FA2] =	sst s2  }
0xb: {  	[smem:$0x3FA3] =	sst s3  }
0xc: {  	[smem:$0x3FA4] =	sst s4  }
0xd: {  	[smem:$0x3FA5] =	sst s5  }
0xe: {  	[smem:$0x3FA6] =	sst s6  }
0xf: {  	[smem:$0x3FA7] =	sst s7  }
0x10: {  	[smem:$0x3FA8] =	sst s8  }
0x11: {  	[smem:$0x3FA9] =	sst s9;
	s0 =	simm.s32 @!p0 $0x0  }
0x12: {  	s1 =	sld [smem:$0x3F8F];
	s0 =	simm.s32 @p0 $0x1  }
0x13: {  	[smem:$0x3FAA] =	sst s0;
	s0 =	simm.s32 @!p1 $0x0  }
0x14: {  	s2 =	sld [smem:$0x3F8E];
	s0 =	simm.s32 @p1 $0x1  }
0x15: {  	[smem:$0x3FAB] =	sst s0;
	s0 =	simm.s32 @!p2 $0x0  }
0x16: {  	s3 =	sld [smem:$0x3FDB];
	s0 =	simm.s32 @p2 $0x1  }
0x17: {  	s4 =	simm.s32 $0x1BF5;
	[smem:$0x3FAD] =	sst s0  }
0x18: {  	s0 =	sld [smem:$0x3F90];
	_ =	swait.ge [sflag:s4], $0x0  }
0x19: {  	s7 =	sld [smem:$0x3F91]  }
0x1a: {  	s8 =	sadd.s32 $0xFFFFE003, lr  }
0x1b: {  	s9 =	sadd.s32 $0xFFFFFEF7, lr;
	s5 =	simm.s32 $0xFFFFFFFF;
	p2 =	slt.u32 s8, $0xFFFFF086  }
0x1c: {  	p1 =	slt.u32 s9, $0xF7A;
	s5 =	simm.s32 @!p2 $0x0  }
0x1d: {  	s5 =	simm.s32 @p1 $0x1;
	p0 =	seq.s32 s7, s2  }
0x1e: {  	s7 =	smul.u32 @!p0 $0xF7A, s2;
	p2 =	seq.s32 @!p0 s5, $0x0  }
0x1f: {  	s9 =	smul.u32 $0xF7A, s1;
	s8 =	simm.s32 @!p0 $0x1BF5;
	p2 =	por !p2, p0  }
0x20: {  	[sflag:s8] =	ssyncset.s32 @!p0 $0xFFFFF086;
	s6 =	sadd.s32 @!p0 s3, s7;
	s7 =	simm.s32 @!p0 $0x108  }
0x21: {  	s3 =	sadd.s32 s3, s9;
	s6 =	sadd.s32 @!p0 $0x88, s6;
	s7 =	simm.s32 @p2 $0x1082  }
0x22: {  	[simem:s7], [sflag:s8] =	dma.local @!p0 [hbm:s6], $0xF7A  }
0x23: {  	s9 =	sor.u32 $0xD0000000, s2;
	s6 =	simm.s32 $0x108;
	_ =	swait.ge @!p0 [sflag:s8], $0x0  }
0x24: {  	s3 =	sadd.s32 $0x88, s3;
	s6 =	simm.s32 @!p1 $0x1082;
	[sflag:s4] =	ssyncset.s32 $0xFFFFF086  }
0x25: {  	[simem:s6], [sflag:s4] =	dma.local [hbm:s3], $0xF7A  }
0x26: {  	[smem:$0x3F91] =	sst s1;
	(tag) =	ssettag s2;
	_ =	strace s9  }
0x27: {  	s1 =	sld [smem:$0x3FA1]  }
0x28: {  	s2 =	sld [smem:$0x3FA2]  }
0x29: {  	s4 =	sld [smem:$0x3FA4]  }
0x2a: {  	p0 =	seq.s32 s5, $0x0;
	s5 =	sld [smem:$0x3FA5]  }
0x2b: {  	s6 =	sld [smem:$0x3FA6]  }
0x2c: {  	s7 =	sld [smem:$0x3FA7]  }
0x2d: {  	s3 =	simm.s32 $0x108;
	s8 =	sld [smem:$0x3FA8]  }
0x2e: {  	s3 =	simm.s32 @!p0 $0x1082;
	s9 =	sld [smem:$0x3FA9]  }
0x2f: {  	lr =	sadd.s32 s0, s3;
	s0 =	sld [smem:$0x3FA0]  }
0x30: {  	s3 =	sld [smem:$0x3FA3]  }
0x31: {  	[smem:$0x3FAC] =	sst s10  }
0x32: {  	s10 =	sld [smem:$0x3FAA];
	_ =	sdelay $0x3  }
0x33: {  	p0 =	seq.s32 s10, $0x1;
	s10 =	sld [smem:$0x3FAC];
	_ =	sdelay $0x3  }
0x34: {  	[smem:$0x3FAC] =	sst s10  }
0x35: {  	s10 =	sld [smem:$0x3FAB];
	_ =	sdelay $0x3  }
0x36: {  	p1 =	seq.s32 s10, $0x1;
	s10 =	sld [smem:$0x3FAC];
	_ =	sdelay $0x3  }
0x37: {  	[smem:$0x3FAC] =	sst s10  }
0x38: {  	s10 =	sld [smem:$0x3FAD]  }
0x39: {  	_ = 	snop;
	(pc) =	sbr.ind lr, $3  }
0x3a: {  	_ = 	snop  }
0x3b: {  	_ = 	snop  }
0x3c: {  	p2 =	seq.s32 s10, $0x1;
	s10 =	sld [smem:$0x3FAC]  }
0x3d: {  	_ =	shalt  }
0x3e: {  	_ =	shalt  }
0x3f: {  	_ =	shalt  }
0x40: {  	_ =	shalt  }
0x41: {  	_ =	shalt  }
0x42: {  	_ =	shalt  }
0x43: {  	_ =	shalt  }
0x44: {  	_ =	shalt  }
0x45: {  	_ =	shalt  }
0x46: {  	_ =	shalt  }
0x47: {  	_ =	shalt  }
0x48: {  	_ =	shalt  }
0x49: {  	_ =	shalt  }
0x4a: {  	_ =	shalt  }
0x4b: {  	_ =	shalt  }
0x4c: {  	_ =	shalt  }
0x4d: {  	_ =	shalt  }
0x4e: {  	_ =	shalt  }
0x4f: {  	_ =	shalt  }
0x50: {  	_ =	shalt  }
0x51: {  	_ =	shalt  }
0x52: {  	_ =	shalt  }
0x53: {  	_ =	shalt  }
0x54: {  	_ =	shalt  }
0x55: {  	_ =	shalt  }
0x56: {  	_ =	shalt  }
0x57: {  	_ =	shalt  }
0x58: {  	_ =	shalt  }
0x59: {  	_ =	shalt  }
0x5a: {  	_ =	shalt  }
0x5b: {  	_ =	shalt  }
0x5c: {  	_ =	shalt  }
0x5d: {  	_ =	shalt  }
0x5e: {  	_ =	shalt  }
0x5f: {  	_ =	shalt  }
0x60: {  	_ =	shalt  }
0x61: {  	_ =	shalt  }
0x62: {  	_ =	shalt  }
0x63: {  	_ =	shalt  }
0x64: {  	_ =	shalt  }
0x65: {  	_ =	shalt  }
0x66: {  	_ =	shalt  }
0x67: {  	_ =	shalt  }
0x68: {  	_ =	shalt  }
0x69: {  	_ =	shalt  }
0x6a: {  	_ =	shalt  }
0x6b: {  	_ =	shalt  }
0x6c: {  	_ =	shalt  }
0x6d: {  	_ =	shalt  }
0x6e: {  	_ =	shalt  }
0x6f: {  	_ =	shalt  }
0x70: {  	_ =	shalt  }
0x71: {  	_ =	shalt  }
0x72: {  	_ =	shalt  }
0x73: {  	_ =	shalt  }
0x74: {  	_ =	shalt  }
0x75: {  	_ =	shalt  }
0x76: {  	_ =	shalt  }
0x77: {  	_ =	shalt  }
0x78: {  	_ =	shalt  }
0x79: {  	_ =	shalt  }
0x7a: {  	_ =	shalt  }
0x7b: {  	_ =	shalt  }
0x7c: {  	_ =	shalt  }
0x7d: {  	_ =	shalt  }
0x7e: {  	_ =	shalt  }
0x7f: {  	_ =	shalt  }
0x80: {  	_ =	shalt  }
0x81: {  	_ =	shalt  }
0x82: {  	_ =	shalt  }
0x83: {  	_ =	shalt  }
0x84: {  	_ =	shalt  }
0x85: {  	_ =	shalt  }
0x86: {  	_ =	shalt  }
0x87: {  	_ =	shalt  }
.Lfunc_end0:
.L_simem_size_0:
called_computation_lowered:
.L_overlay_start_0:
0x88: {  	s2 =	sld [smem:$0x3FD9]  }
0x89: {  	s3 =	sld [smem:$0x3FFE];
	_ =	sdelay $0x1  }
0x8a: {  	s1 =	srdreg.scid  }
0x8b: {  	s0 =	sand.u32 $0x1, s1  }
0x8c: {  	s14 =	sshll.u32 s0, $0xA;
	s2 =	sadd.s32 s3, s2  }
0x8d: {  	s2 =	sadd.s32 s2, s14  }
0x8e: {  	[smem:$0x3FB8] =	sst s2  }
0x8f: {  	_ = 	snop  }
0x90: {  	s2 =	sld [smem:$0x3FD0];
	_ =	sdelay $0x2  }
0x91: {  	s15 =	simm.s32 $0xD;
	s4 =	simm.s32 $0x10  }
0x92: {  	[smem:s4], [sflag:s15] =	dma.local [hbm:s2], $0x1  }
0x93: {  	_ =	swait.eq [sflag:s15], $0x1  }
0x94: {  	[sflag:s15] =	ssyncset.done $0x0  }
0x95: {  	[sflag:s15] =	ssyncadd.s32 $0xFFFFFFFF  }
0x96: {  	s16 =	sld [smem:$0x12];
	(tm) =	ssettm $0x1  }
0x97: {  	s17 =	sld [smem:$0x3FFB];
	_ =	sdelay $0x3  }
0x98: {  	_ =	strace s17  }
0x99: {  	s3 =	sld [smem:$0x3FFC];
	_ =	sdelay $0x3  }
0x9a: {  	_ =	strace s3  }
0x9b: {  	s3 =	sld [smem:$0x3FFD];
	_ =	sdelay $0x3  }
0x9c: {  	_ =	strace s3  }
0x9d: {  	_ =	strace $0x8FFFFFFF  }
0x9e: {  	s18 =	sld [smem:$0x3FDB];
	_ =	sdelay $0x1  }
0x9f: {  	s19 =	simm.s32 $_scs_section_size  }
0xa0: {  	s5 =	simm.s32 $_size__tile_overlayer_lowered;
	s6 =	simm.s32 $_tile_overlayer_lowered  }
0xa1: {  	s22 =	simm.s32 $0x1BFF;
	s21 =	sshll.u32 s6, $0x1;
	s3 =	sadd.s32 s19, s18  }
0xa2: {  	s7 =	simm.s32 $0x0;
	s20 =	sshll.u32 s5, $0x1;
	s5 =	sadd.s32 s21, s3  }
0xa3: {  	[timem:s7], [sflag:s22] =	dma.local [hbm:s5], s20  }
0xa4: {  	_ =	swait.ge [sflag:s22], s20  }
0xa5: {  	s4 =	ssub.s32 $0x0, s20;
	[sflag:s22] =	ssyncset.done $0x0  }
0xa6: {  	[sflag:s22] =	ssyncadd.s32 s4;
	_ =	sdelay $0x1  }
0xa7: {  	s23 =	simm.s32 $0x1B8B  }
0xa8: {  	_ =	swait.ge [sflag:s23], $0x1  }
0xa9: {  	[sflag:s23] =	ssyncset.done $0x0  }
0xaa: {  	s25 =	simm.s32 $0x1B8E;
	s24 =	sld [smem:$0x3FFE];
	[sflag:s23] =	ssyncadd.s32 $0xFFFFFFFF  }
0xab: {  	s26 =	simm.s32 $execute0_lowered;
	[smem:$0x3FD2] =	sst s25  }
0xac: {  	s5 =	sshll.u32 s26, $0x1;
	_ =	strace $0x80000046;
	[dreg:$0x1] =	wrdreg $0xFFFFFFFF  }
0xad: {  	s28 =	simm.s32 $_size_execute0_lowered;
	s3 =	sadd.s32 s3, s5;
	[dreg:$0x0] =	wrdreg $0x0  }
0xae: {  	s5 =	sshll.u32 s28, $0x1;
	[dreg:$0x2] =	wrdreg s3  }
0xaf: {  	[dreg:$0x3] =	wrdreg s5  }
0xb0: {  	[dreg:$0x4] =	wrdreg $0xC0  }
0xb1: {  	_ =	task [dreg:s7], $0x5FFFF  }
0xb2: {  	[dreg:$0x1] =	wrdreg $0xFFFFFFFF  }
0xb3: {  	[dreg:$0x0] =	wrdreg $0x60  }
0xb4: {  	[dreg:$0x2] =	wrdreg s16  }
0xb5: {  	[dreg:$0x3] =	wrdreg s24  }
0xb6: {  	[dreg:$0x4] =	wrdreg $0x9  }
0xb7: {  	_ =	task.clear_ibuf [dreg:s7], $0x5FFFF;
	_ =	strace $0x90000046  }
0xb8: {  	s29 =	simm.s32 $0x9;
	_ =	strace $0x80000048  }
0xb9: {  	_ =	swait.ge [sflag:s29], $0x1  }
0xba: {  	[sflag:s29] =	ssyncadd.s32 $0xFFFFFFFF  }
0xbb: {  	_ =	strace $0x90000048  }
0xbc: {  	_ =	sfence  }
0xbd: {  	s30 =	sld [smem:$0x0];
	_ =	sdelay $0x2  }
0xbe: {  	s31 =	sshll.u32 s1, $0xD;
	s1 =	sshrl.u32 s1, $0x2  }
0xbf: {  	s3 =	sand.u32 $0x4000, s31;
	s1 =	sadd.s32 s1, s30  }
0xc0: {  	s0 =	sor.u32 s3, s0;
	s1 =	sshll.u32 s1, $0x11  }
0xc1: {  	s0 =	sor.u32 s1, s0  }
0xc2: {  	s0 =	sadd.s32 $0x8F2B, s0  }
0xc3: {  	[sflag:s0] =	ssyncadd.remote.s32 $0x1  }
0xc4: {  	_ =	sfence.sel $0xFFFF  }
0xc5: {  	[dreg:$0x0] =	wrdreg $0xFFFFFFFF;
	(pc) =	sbr.abs _section_cstart, $3  }
0xc6: {  	[dreg:$0x1] =	wrdreg $0xFFFFFFFF  }
0xc7: {  	_ =	task.clear_ibuf [dreg:s7], $0x2FFFF;
	_ =	strace $0x9FFFFFFF  }
0xc8: {  	(tm) =	ssettm $0x7FFFFFFF  }
0xc9: {  	_ =	shalt  }
tec
execute0_lowered:
.L_overlay_start_1:
0x0: {  	(tag) =	ssettag $0x1  }
0x1: {  	s2 =	rddreg [dreg:$0x0]  }
0x2: {  	s1 =	srdreg.scid;
	s0 =	stileid.u32  }
0x3: {  	s5 =	rddreg [dreg:$0x1];
	s3 =	simm.s32 $0x0;
	s11 =	simm.s32 $0x5  }
0x4: {  	s12 =	simm.s32 $0x2710;
	s13 =	simm.s32 $0x50;
	s14 =	simm.s32 $0x4E20  }
0x5: {  	s15 =	simm.s32 $0x5820;
	s16 =	simm.s32 $0x5320;
	s17 =	simm.s32 $0x2760  }
0x6: {  	s18 =	simm.s32 $0x5D20;
	s19 =	simm.s32 $0x1;
	s20 =	simm.s32 $0x3  }
0x7: {  	s21 =	simm.s32 $0x2;
	s6 =	sand.u32 $0x1, s1;
	s4 =	sshll.u32 s0, $0x1  }
0x8: {  	s22 =	simm.s32 $0x4;
	s23 =	simm.s32 $0x0;
	s7 =	sor.u32 s6, s4  }
0x9: {  	s1 =	rddreg [dreg:$0x2];
	s6 =	ssub.s32 $0x2, s6;
	s4 =	smul.u32 $0x2710, s7  }
0xa: {  	[smem:$0x7FF] =	sst s3;
	s7 =	smul.u32 $0x27100, s7;
	s9 =	sshrl.u32 s6, $0x1  }
0xb: {  	_ =	strace $0x80000047;
	s10 =	ssub.s32 s6, s9;
	s8 =	sshrl.u32 s4, $0x3  }
0xc: {  	s31 =	sshrl.u32 s7, $0x3;
	s8 =	sadd.s32 s8, s5;
	s5 =	sadd.s32 $0x40A00, s5  }
0xd: {  	s10 =	smax.u32 s10, $0x1;
	s6 =	sadd.s32 $0xFA00, s8;
	s9 =	sadd.s32 s5, s31  }
0xe: {  	s7 =	sadd.s32 $0x5C00, s8;
	s8 =	sadd.s32 $0x50, s4;
	s9 =	sadd.s32 $0x4D80, s9  }
.LBB2_1:
0xf: {  	[tilespmem:s3], [sflag:$0x5] =	stream.linear.gather [hbm4b:s6+s3], $0x2710, $0x38;
	[tilespmem:$0x6220] =	vst v63  }
0x10: {  	_ =	swait.ge [sflag:s11], $0x2710  }
0x11: {  	[sflag:s11] =	ssyncset.done $0x0  }
0x12: {  	[sflag:s11] =	ssyncadd.s32 $0xFFFFD8F0  }
0x13: {  	[tilespmem:s12], [sflag:$0x5] =	stream.linear.gather [hbm4b:s7+s3], $0x2710, $0x38;
	[tilespmem:$0x6220] =	vst v63  }
0x14: {  	_ =	swait.ge [sflag:s11], $0x2710  }
0x15: {  	[sflag:s11] =	ssyncset.done $0x0  }
0x16: {  	[sflag:s11] =	ssyncadd.s32 $0xFFFFD8F0  }
0x17: {  	[tilespmem:s14], [sflag:$0x1] =	stream.indirect.gather [hbm4b:s2+s13], $0x10, s3, s13, $0xb8;
	[tilespmem:$0x6220] =	vst v63  }
0x18: {  	_ = 	snop  }
0x19: {  	[tilespmem:s15], [sflag:$0x3] =	stream.indirect.gather [hbm4b:s2+s13], $0x10, s12, s13, $0xb8;
	[tilespmem:$0x6220] =	vst v63  }
0x1a: {  	_ = 	snop  }
0x1b: {  	[tilespmem:s16], [sflag:$0x2] =	stream.indirect.gather [hbm4b:s2+s13], $0x10, s13, s13, $0xb8;
	[tilespmem:$0x6220] =	vst v63  }
0x1c: {  	s24 =	simm.s32 $0x0  }
0x1d: {  	[tilespmem:s18], [sflag:$0x4] =	stream.indirect.gather [hbm4b:s2+s13], $0x10, s17, s13, $0xb8;
	[tilespmem:$0x6220] =	vst v63  }
.LBB2_2:
0x1e: {  	_ =	swait.ge [sflag:s19], $0x500  }
0x1f: {  	[sflag:s19] =	ssyncset.done $0x0  }
0x20: {  	[sflag:s19] =	ssyncadd.s32 $0xFFFFFB00  }
0x21: {  	_ =	swait.ge [sflag:s20], $0x500  }
0x22: {  	[sflag:s20] =	ssyncset.done $0x0  }
0x23: {  	s26 =	simm.s32 $0x0;
	[sflag:s20] =	ssyncadd.s32 $0xFFFFFB00  }
0x24: {  	s25 =	simm.s32 $0x40;
	v0 =	vld [tilespmem:s26+$0x5820]  }
.LBB2_3:
0x25: {  	p0 =	sne.s32 s25, $0x13C0;
	v1 =	vld [tilespmem:s26+$0x4E20];
	_ =	sdelay $0x2  }
.Ltmp0:
0x26: {  	(pc) =	sbr.rel @p0 .LBB2_3-.Ltmp0, $4  }
0x27: {  	_ = 	snop  }
0x28: {  	v1 =	vsub.f32 v1, v0  }
0x29: {  	s28 =	sshra.s32 s25, $0x2  }
0x2a: {  	s25 =	sadd.s32 $0x40, s25;
	v0 =	vld [tilespmem:s28+$0x5820];
	[tilespmem:s26+$0x4E20] =	vst v1;
	s26 =	smov.u32 s28  }
0x2b: {  	v1 =	vld [tilespmem:s26+$0x4E20];
	_ =	sdelay $0x2  }
0x2c: {  	s25 =	smul.u32 $0xA0, s24;
	_ =	sdelay $0x1  }
0x2d: {  	s28 =	sadd.s32 s4, s25;
	v0 =	vsub.f32 v1, v0  }
0x2e: {  	s28 =	sshll.u32 s28, $0x1  }
0x2f: {  	s29 =	sadd.s32 s5, s28;
	s28 =	simm.s32 $0x0;
	[tilespmem:s26+$0x4E20] =	vst v0  }
0x30: {  	[hbm4b:s29+s28] =	stream.linear.scatter [tilespmem:s14], [sflag:$0x5], $0x500, $0x38;
	[tilespmem:$0x6220] =	vst v63  }
0x31: {  	_ =	swait.ge [sflag:s11], $0x500  }
0x32: {  	[sflag:s11] =	ssyncset.done $0x0  }
0x33: {  	s30 =	sadd.s32 $0xA0, s25;
	[sflag:s11] =	ssyncadd.s32 $0xFFFFFB00  }
0x34: {  	[tilespmem:s14], [sflag:$0x1] =	stream.indirect.gather [hbm4b:s2+s13], $0x10, s30, s13, $0xb8;
	[tilespmem:$0x6220] =	vst v63  }
0x35: {  	s31 =	sadd.s32 $0x27B0, s25  }
0x36: {  	[tilespmem:s15], [sflag:$0x3] =	stream.indirect.gather [hbm4b:s2+s13], $0x10, s31, s13, $0xb8;
	[tilespmem:$0x6220] =	vst v63  }
0x37: {  	_ =	swait.ge [sflag:s21], $0x500  }
0x38: {  	[sflag:s21] =	ssyncset.done $0x0  }
0x39: {  	[sflag:s21] =	ssyncadd.s32 $0xFFFFFB00  }
0x3a: {  	_ =	swait.ge [sflag:s22], $0x500  }
0x3b: {  	[sflag:s22] =	ssyncset.done $0x0  }
0x3c: {  	s26 =	simm.s32 $0x0;
	[sflag:s22] =	ssyncadd.s32 $0xFFFFFB00  }
0x3d: {  	s28 =	simm.s32 $0x40;
	v0 =	vld [tilespmem:s26+$0x5D20]  }
.LBB2_5:
0x3e: {  	p0 =	sne.s32 s28, $0x13C0;
	v1 =	vld [tilespmem:s26+$0x5320];
	_ =	sdelay $0x2  }
.Ltmp1:
0x3f: {  	(pc) =	sbr.rel @p0 .LBB2_5-.Ltmp1, $4  }
0x40: {  	_ = 	snop  }
0x41: {  	v1 =	vsub.f32 v1, v0  }
0x42: {  	s29 =	sshra.s32 s28, $0x2  }
0x43: {  	s28 =	sadd.s32 $0x40, s28;
	v0 =	vld [tilespmem:s29+$0x5D20];
	[tilespmem:s26+$0x5320] =	vst v1;
	s26 =	smov.u32 s29  }
0x44: {  	v1 =	vld [tilespmem:s26+$0x5320];
	_ =	sdelay $0x3  }
0x45: {  	s28 =	sadd.s32 s25, s8  }
0x46: {  	s28 =	sshll.u32 s28, $0x1;
	v0 =	vsub.f32 v1, v0  }
0x47: {  	p0 =	seq.s32 s24, $0x3D;
	s28 =	sand.u32 $0x1FFFFFE0, s28  }
.Ltmp2:
0x48: {  	s31 =	sadd.s32 s5, s28;
	[tilespmem:s26+$0x5320] =	vst v0;
	(pc) =	sbr.rel @p0 .LBB2_8-.Ltmp2, $4  }
0x49: {  	[hbm4b:s31+s3] =	stream.linear.scatter [tilespmem:s16], [sflag:$0x5], $0x500, $0x38;
	[tilespmem:$0x6220] =	vst v63  }
0x4a: {  	_ =	swait.ge [sflag:s11], $0x500  }
0x4b: {  	[sflag:s11] =	ssyncset.done $0x0  }
0x4c: {  	[sflag:s11] =	ssyncadd.s32 $0xFFFFFB00  }
.Ltmp3:
0x4d: {  	(pc) =	sbr.rel .LBB2_2-.Ltmp3, $4  }
0x4e: {  	s26 =	sadd.s32 $0xF0, s25  }
0x4f: {  	[tilespmem:s16], [sflag:$0x2] =	stream.indirect.gather [hbm4b:s2+s13], $0x10, s26, s13, $0xb8;
	[tilespmem:$0x6220] =	vst v63  }
0x50: {  	s31 =	sadd.s32 $0x2800, s25;
	s24 =	sadd.s32 $0x1, s24  }
0x51: {  	[tilespmem:s18], [sflag:$0x4] =	stream.indirect.gather [hbm4b:s2+s13], $0x10, s31, s13, $0xb8;
	[tilespmem:$0x6220] =	vst v63  }
.LBB2_8:
0x52: {  	_ =	swait.ge [sflag:s19], $0x500  }
0x53: {  	[sflag:s19] =	ssyncset.done $0x0  }
0x54: {  	[sflag:s19] =	ssyncadd.s32 $0xFFFFFB00  }
0x55: {  	_ =	swait.ge [sflag:s20], $0x500  }
0x56: {  	[sflag:s20] =	ssyncset.done $0x0  }
0x57: {  	s24 =	simm.s32 $0x0;
	[sflag:s20] =	ssyncadd.s32 $0xFFFFFB00  }
0x58: {  	s25 =	simm.s32 $0x40;
	v0 =	vld [tilespmem:s24+$0x5820]  }
.LBB2_9:
0x59: {  	p0 =	sne.s32 s25, $0x13C0;
	v1 =	vld [tilespmem:s24+$0x4E20];
	_ =	sdelay $0x2  }
.Ltmp4:
0x5a: {  	(pc) =	sbr.rel @p0 .LBB2_9-.Ltmp4, $4  }
0x5b: {  	_ = 	snop  }
0x5c: {  	v1 =	vsub.f32 v1, v0  }
0x5d: {  	s26 =	sshra.s32 s25, $0x2  }
0x5e: {  	s25 =	sadd.s32 $0x40, s25;
	v0 =	vld [tilespmem:s26+$0x5820];
	[tilespmem:s24+$0x4E20] =	vst v1;
	s24 =	smov.u32 s26  }
0x5f: {  	v1 =	vld [tilespmem:s24+$0x4E20];
	_ =	sdelay $0x4  }
0x60: {  	s23 =	sadd.s32 $0x1, s23;
	v0 =	vsub.f32 v1, v0  }
0x61: {  	p0 =	sne.s32 s23, s10  }
.Ltmp5:
0x62: {  	[tilespmem:s24+$0x4E20] =	vst v0;
	(pc) =	sbr.rel @p0 .LBB2_1-.Ltmp5, $4  }
0x63: {  	[hbm4b:s9+s3] =	stream.linear.scatter [tilespmem:s14], [sflag:$0x5], $0x500, $0x38;
	[tilespmem:$0x6220] =	vst v63  }
0x64: {  	_ =	swait.ge [sflag:s11], $0x500  }
0x65: {  	[sflag:s11] =	ssyncset.done $0x0  }
0x66: {  	[sflag:s11] =	ssyncadd.s32 $0xFFFFFB00  }
0x67: {  	_ =	sfence.sel $0x180000  }
0x68: {  	[bflag:$0x0] =	sbarrier.arrive $0xFFFF  }
0x69: {  	p0 =	sne.s32 s0, $0x0;
	_ =	strace $0x90000047  }
0x6a: {  	s0 =	sadd.s32 @!p0 $0x100000, s1;
	[bflag:$0x2] =	sbarrier.arrive $0xFFFF  }
0x6b: {  	[sflag:s0] =	ssyncadd.tile.s32 @!p0 $0x1;
	_ =	shalt  }
.Lfunc_end2:
_tile_overlayer_lowered:
.L_overlay_start_2:
0x6c: {  	(tag) =	ssettag $0x2  }
0x6d: {  	s0 =	rddreg [dreg:$0x0];
	s2 =	stileid.u32  }
0x6e: {  	s1 =	rddreg [dreg:$0x1];
	p0 =	sne.s32 s2, $0x0  }
0x6f: {  	s3 =	rddreg [dreg:$0x2];
	[bflag:$0x3] =	sbarrier.arrive $0xFFFF;
	s2 =	simm.s32 @!p0 $0x1C05  }
0x70: {  	[timem:s3], [sflag:s2] =	dma.local @!p0 [hbm:s0], s1  }
0x71: {  	s0 =	simm.s32 @!p0 $0x5  }
0x72: {  	_ =	swait.ge @!p0 [sflag:s0], s1  }
0x73: {  	s1 =	ssub.s32 @!p0 $0x0, s1;
	[sflag:s0] =	ssyncset.done @!p0 $0x0  }
0x74: {  	[sflag:s0] =	ssyncadd.s32 @!p0 s1  }
0x75: {  	[bflag:$0x3] =	sbarrier.arrive $0xFFFF  }
0x76: {  	_ =	shalt  }

// kernel: kernel.15.cloned.1.call-start
scs
__scs_entry_jumppad:
0x0: {  	(pc) =	sbr.rel $0x88, $3  }
0x1: {  	(tag) =	ssettag $0x0;
	lr =	simm.s32 $0x1  }
0x2: {  	[smem:$0x3F91] =	sst lr;
	_ =	strace $0xD0000000  }
0x3: {  	_ = 	snop  }
0x4: {  	_ = 	snop  }
0x5: {  	_ = 	snop  }
0x6: {  	_ = 	snop  }
0x7: {  	_ = 	snop  }
__scs_overlays_trampoline_lowered:
0x8: {  	[smem:$0x3FA0] =	sst s0  }
0x9: {  	[smem:$0x3FA1] =	sst s1  }
0xa: {  	[smem:$0x3FA2] =	sst s2  }
0xb: {  	[smem:$0x3FA3] =	sst s3  }
0xc: {  	[smem:$0x3FA4] =	sst s4  }
0xd: {  	[smem:$0x3FA5] =	sst s5  }
0xe: {  	[smem:$0x3FA6] =	sst s6  }
0xf: {  	[smem:$0x3FA7] =	sst s7  }
0x10: {  	[smem:$0x3FA8] =	sst s8  }
0x11: {  	[smem:$0x3FA9] =	sst s9;
	s0 =	simm.s32 @!p0 $0x0  }
0x12: {  	s1 =	sld [smem:$0x3F8F];
	s0 =	simm.s32 @p0 $0x1  }
0x13: {  	[smem:$0x3FAA] =	sst s0;
	s0 =	simm.s32 @!p1 $0x0  }
0x14: {  	s2 =	sld [smem:$0x3F8E];
	s0 =	simm.s32 @p1 $0x1  }
0x15: {  	[smem:$0x3FAB] =	sst s0;
	s0 =	simm.s32 @!p2 $0x0  }
0x16: {  	s3 =	sld [smem:$0x3FDB];
	s0 =	simm.s32 @p2 $0x1  }
0x17: {  	s4 =	simm.s32 $0x1BF5;
	[smem:$0x3FAD] =	sst s0  }
0x18: {  	s0 =	sld [smem:$0x3F90];
	_ =	swait.ge [sflag:s4], $0x0  }
0x19: {  	s7 =	sld [smem:$0x3F91]  }
0x1a: {  	s8 =	sadd.s32 $0xFFFFE003, lr  }
0x1b: {  	s9 =	sadd.s32 $0xFFFFFEF7, lr;
	s5 =	simm.s32 $0xFFFFFFFF;
	p2 =	slt.u32 s8, $0xFFFFF086  }
0x1c: {  	p1 =	slt.u32 s9, $0xF7A;
	s5 =	simm.s32 @!p2 $0x0  }
0x1d: {  	s5 =	simm.s32 @p1 $0x1;
	p0 =	seq.s32 s7, s2  }
0x1e: {  	s7 =	smul.u32 @!p0 $0xF7A, s2;
	p2 =	seq.s32 @!p0 s5, $0x0  }
0x1f: {  	s9 =	smul.u32 $0xF7A, s1;
	s8 =	simm.s32 @!p0 $0x1BF5;
	p2 =	por !p2, p0  }
0x20: {  	[sflag:s8] =	ssyncset.s32 @!p0 $0xFFFFF086;
	s6 =	sadd.s32 @!p0 s3, s7;
	s7 =	simm.s32 @!p0 $0x108  }
0x21: {  	s3 =	sadd.s32 s3, s9;
	s6 =	sadd.s32 @!p0 $0x88, s6;
	s7 =	simm.s32 @p2 $0x1082  }
0x22: {  	[simem:s7], [sflag:s8] =	dma.local @!p0 [hbm:s6], $0xF7A  }
0x23: {  	s9 =	sor.u32 $0xD0000000, s2;
	s6 =	simm.s32 $0x108;
	_ =	swait.ge @!p0 [sflag:s8], $0x0  }
0x24: {  	s3 =	sadd.s32 $0x88, s3;
	s6 =	simm.s32 @!p1 $0x1082;
	[sflag:s4] =	ssyncset.s32 $0xFFFFF086  }
0x25: {  	[simem:s6], [sflag:s4] =	dma.local [hbm:s3], $0xF7A  }
0x26: {  	[smem:$0x3F91] =	sst s1;
	(tag) =	ssettag s2;
	_ =	strace s9  }
0x27: {  	s1 =	sld [smem:$0x3FA1]  }
0x28: {  	s2 =	sld [smem:$0x3FA2]  }
0x29: {  	s4 =	sld [smem:$0x3FA4]  }
0x2a: {  	p0 =	seq.s32 s5, $0x0;
	s5 =	sld [smem:$0x3FA5]  }
0x2b: {  	s6 =	sld [smem:$0x3FA6]  }
0x2c: {  	s7 =	sld [smem:$0x3FA7]  }
0x2d: {  	s3 =	simm.s32 $0x108;
	s8 =	sld [smem:$0x3FA8]  }
0x2e: {  	s3 =	simm.s32 @!p0 $0x1082;
	s9 =	sld [smem:$0x3FA9]  }
0x2f: {  	lr =	sadd.s32 s0, s3;
	s0 =	sld [smem:$0x3FA0]  }
0x30: {  	s3 =	sld [smem:$0x3FA3]  }
0x31: {  	[smem:$0x3FAC] =	sst s10  }
0x32: {  	s10 =	sld [smem:$0x3FAA];
	_ =	sdelay $0x3  }
0x33: {  	p0 =	seq.s32 s10, $0x1;
	s10 =	sld [smem:$0x3FAC];
	_ =	sdelay $0x3  }
0x34: {  	[smem:$0x3FAC] =	sst s10  }
0x35: {  	s10 =	sld [smem:$0x3FAB];
	_ =	sdelay $0x3  }
0x36: {  	p1 =	seq.s32 s10, $0x1;
	s10 =	sld [smem:$0x3FAC];
	_ =	sdelay $0x3  }
0x37: {  	[smem:$0x3FAC] =	sst s10  }
0x38: {  	s10 =	sld [smem:$0x3FAD]  }
0x39: {  	_ = 	snop;
	(pc) =	sbr.ind lr, $3  }
0x3a: {  	_ = 	snop  }
0x3b: {  	_ = 	snop  }
0x3c: {  	p2 =	seq.s32 s10, $0x1;
	s10 =	sld [smem:$0x3FAC]  }
0x3d: {  	_ =	shalt  }
0x3e: {  	_ =	shalt  }
0x3f: {  	_ =	shalt  }
0x40: {  	_ =	shalt  }
0x41: {  	_ =	shalt  }
0x42: {  	_ =	shalt  }
0x43: {  	_ =	shalt  }
0x44: {  	_ =	shalt  }
0x45: {  	_ =	shalt  }
0x46: {  	_ =	shalt  }
0x47: {  	_ =	shalt  }
0x48: {  	_ =	shalt  }
0x49: {  	_ =	shalt  }
0x4a: {  	_ =	shalt  }
0x4b: {  	_ =	shalt  }
0x4c: {  	_ =	shalt  }
0x4d: {  	_ =	shalt  }
0x4e: {  	_ =	shalt  }
0x4f: {  	_ =	shalt  }
0x50: {  	_ =	shalt  }
0x51: {  	_ =	shalt  }
0x52: {  	_ =	shalt  }
0x53: {  	_ =	shalt  }
0x54: {  	_ =	shalt  }
0x55: {  	_ =	shalt  }
0x56: {  	_ =	shalt  }
0x57: {  	_ =	shalt  }
0x58: {  	_ =	shalt  }
0x59: {  	_ =	shalt  }
0x5a: {  	_ =	shalt  }
0x5b: {  	_ =	shalt  }
0x5c: {  	_ =	shalt  }
0x5d: {  	_ =	shalt  }
0x5e: {  	_ =	shalt  }
0x5f: {  	_ =	shalt  }
0x60: {  	_ =	shalt  }
0x61: {  	_ =	shalt  }
0x62: {  	_ =	shalt  }
0x63: {  	_ =	shalt  }
0x64: {  	_ =	shalt  }
0x65: {  	_ =	shalt  }
0x66: {  	_ =	shalt  }
0x67: {  	_ =	shalt  }
0x68: {  	_ =	shalt  }
0x69: {  	_ =	shalt  }
0x6a: {  	_ =	shalt  }
0x6b: {  	_ =	shalt  }
0x6c: {  	_ =	shalt  }
0x6d: {  	_ =	shalt  }
0x6e: {  	_ =	shalt  }
0x6f: {  	_ =	shalt  }
0x70: {  	_ =	shalt  }
0x71: {  	_ =	shalt  }
0x72: {  	_ =	shalt  }
0x73: {  	_ =	shalt  }
0x74: {  	_ =	shalt  }
0x75: {  	_ =	shalt  }
0x76: {  	_ =	shalt  }
0x77: {  	_ =	shalt  }
0x78: {  	_ =	shalt  }
0x79: {  	_ =	shalt  }
0x7a: {  	_ =	shalt  }
0x7b: {  	_ =	shalt  }
0x7c: {  	_ =	shalt  }
0x7d: {  	_ =	shalt  }
0x7e: {  	_ =	shalt  }
0x7f: {  	_ =	shalt  }
0x80: {  	_ =	shalt  }
0x81: {  	_ =	shalt  }
0x82: {  	_ =	shalt  }
0x83: {  	_ =	shalt  }
0x84: {  	_ =	shalt  }
0x85: {  	_ =	shalt  }
0x86: {  	_ =	shalt  }
0x87: {  	_ =	shalt  }
.Lfunc_end0:
.L_simem_size_0:
called_computation.1_lowered:
.L_overlay_start_0:
0x88: {  	s2 =	sld [smem:$0x3FD9]  }
0x89: {  	s3 =	sld [smem:$0x3FFE];
	_ =	sdelay $0x1  }
0x8a: {  	s1 =	srdreg.scid  }
0x8b: {  	s0 =	sand.u32 $0x1, s1  }
0x8c: {  	s15 =	sshll.u32 s0, $0xA;
	s2 =	sadd.s32 s3, s2  }
0x8d: {  	s2 =	sadd.s32 s2, s15  }
0x8e: {  	[smem:$0x3FB8] =	sst s2  }
0x8f: {  	_ = 	snop  }
0x90: {  	s2 =	sld [smem:$0x3FD0];
	_ =	sdelay $0x2  }
0x91: {  	s16 =	simm.s32 $0xD;
	s4 =	simm.s32 $0x10  }
0x92: {  	[smem:s4], [sflag:s16] =	dma.local [hbm:s2], $0x1  }
0x93: {  	_ =	swait.eq [sflag:s16], $0x1  }
0x94: {  	[sflag:s16] =	ssyncset.done $0x0  }
0x95: {  	[sflag:s16] =	ssyncadd.s32 $0xFFFFFFFF  }
0x96: {  	s17 =	sld [smem:$0x10];
	(tm) =	ssettm $0x1  }
0x97: {  	s18 =	sld [smem:$0x3FFB];
	_ =	sdelay $0x3  }
0x98: {  	_ =	strace s18  }
0x99: {  	s2 =	sld [smem:$0x3FFC];
	_ =	sdelay $0x3  }
0x9a: {  	_ =	strace s2  }
0x9b: {  	s2 =	sld [smem:$0x3FFD];
	_ =	sdelay $0x3  }
0x9c: {  	_ =	strace s2  }
0x9d: {  	_ =	strace $0x8FFFFFFF  }
0x9e: {  	s19 =	sld [smem:$0x3FDB];
	_ =	sdelay $0x1  }
0x9f: {  	s20 =	simm.s32 $_scs_section_size  }
0xa0: {  	s5 =	simm.s32 $_size__tile_overlayer_lowered;
	s6 =	simm.s32 $_tile_overlayer_lowered  }
0xa1: {  	s7 =	simm.s32 $0x1BFF;
	s21 =	sshll.u32 s6, $0x1;
	s4 =	sadd.s32 s20, s19  }
0xa2: {  	s22 =	simm.s32 $0x0;
	s5 =	sshll.u32 s5, $0x1;
	s6 =	sadd.s32 s21, s4  }
0xa3: {  	[timem:s22], [sflag:s7] =	dma.local [hbm:s6], s5  }
0xa4: {  	_ =	swait.ge [sflag:s7], s5  }
0xa5: {  	s5 =	ssub.s32 $0x0, s5;
	[sflag:s7] =	ssyncset.done $0x0  }
0xa6: {  	[sflag:s7] =	ssyncadd.s32 s5;
	_ =	sdelay $0x1  }
0xa7: {  	s23 =	simm.s32 $0x1B8B  }
0xa8: {  	_ =	swait.ge [sflag:s23], $0x1  }
0xa9: {  	[sflag:s23] =	ssyncset.done $0x0  }
0xaa: {  	[sflag:s23] =	ssyncadd.s32 $0xFFFFFFFF  }
0xab: {  	s5 =	sld [smem:$0x0]  }
0xac: {  	s6 =	sand.u32 $0xFFFFFFFE, s1  }
0xad: {  	p0 =	sne.s32 s1, s6  }
0xae: {  	s6 =	sshll.u32 @p0 s6, $0xE  }
0xaf: {  	s6 =	sadd.s32 @p0 $0x11B8D, s6;
	s7 =	sshll.u32 @p0 s5, $0x11  }
0xb0: {  	s6 =	sor.u32 @p0 s7, s6  }
0xb1: {  	[sflag:s6] =	ssyncadd.remote.s32 @p0 $0x1;
	_ =	sdelay $0x1  }
0xb2: {  	s6 =	simm.s32 @p0 $0x1B8D  }
0xb3: {  	_ =	swait.eq @p0 [sflag:s6], $0x1  }
0xb4: {  	[sflag:s6] =	ssyncadd.s32 @p0 $0xFFFFFFFF  }
0xb5: {  	s7 =	sshll.u32 @!p0 s1, $0xE  }
0xb6: {  	s7 =	sor.u32 @!p0 $0x4000, s7;
	s6 =	simm.s32 @!p0 $0x1B8D  }
0xb7: {  	s5 =	sshll.u32 @!p0 s5, $0x11;
	s7 =	sadd.s32 @!p0 $0x11B8D, s7;
	_ =	swait.eq @!p0 [sflag:s6], $0x1  }
0xb8: {  	s5 =	sor.u32 @!p0 s5, s7;
	[sflag:s6] =	ssyncadd.s32 @!p0 $0xFFFFFFFF  }
0xb9: {  	s25 =	simm.s32 $0x1B8E;
	s24 =	sld [smem:$0x3FFE];
	[sflag:s5] =	ssyncadd.remote.s32 @!p0 $0x1  }
0xba: {  	s26 =	simm.s32 $execute0_lowered;
	[smem:$0x3FD2] =	sst s25  }
0xbb: {  	s6 =	sshll.u32 s26, $0x1;
	_ =	strace $0x80000049;
	[dreg:$0x1] =	wrdreg $0xFFFFFFFF  }
0xbc: {  	s28 =	simm.s32 $_size_execute0_lowered;
	s4 =	sadd.s32 s4, s6;
	[dreg:$0x0] =	wrdreg $0x0  }
0xbd: {  	s6 =	sshll.u32 s28, $0x1;
	[dreg:$0x2] =	wrdreg s4  }
0xbe: {  	[dreg:$0x3] =	wrdreg s6  }
0xbf: {  	[dreg:$0x4] =	wrdreg $0xC0  }
0xc0: {  	_ =	task [dreg:s22], $0x5FFFF  }
0xc1: {  	[dreg:$0x1] =	wrdreg $0xFFFFFFFF  }
0xc2: {  	[dreg:$0x0] =	wrdreg $0x60  }
0xc3: {  	[dreg:$0x2] =	wrdreg s17  }
0xc4: {  	[dreg:$0x3] =	wrdreg s24  }
0xc5: {  	[dreg:$0x4] =	wrdreg $0xA  }
0xc6: {  	_ =	task.clear_ibuf [dreg:s22], $0x5FFFF;
	_ =	strace $0x90000049  }
0xc7: {  	s29 =	simm.s32 $0xA;
	_ =	strace $0x8000004B  }
0xc8: {  	_ =	swait.ge [sflag:s29], $0x1  }
0xc9: {  	[sflag:s29] =	ssyncadd.s32 $0xFFFFFFFF  }
0xca: {  	_ =	strace $0x9000004B  }
0xcb: {  	_ =	sfence  }
0xcc: {  	s30 =	sld [smem:$0x0];
	_ =	sdelay $0x2  }
0xcd: {  	s31 =	sshll.u32 s1, $0xD;
	s1 =	sshrl.u32 s1, $0x2  }
0xce: {  	s4 =	sand.u32 $0x4000, s31;
	s1 =	sadd.s32 s1, s30  }
0xcf: {  	s0 =	sor.u32 s4, s0;
	s1 =	sshll.u32 s1, $0x11  }
0xd0: {  	s0 =	sor.u32 s1, s0  }
0xd1: {  	s0 =	sadd.s32 $0x8F2B, s0  }
0xd2: {  	[sflag:s0] =	ssyncadd.remote.s32 $0x1  }
0xd3: {  	_ =	sfence.sel $0xFFFF  }
0xd4: {  	[dreg:$0x0] =	wrdreg $0xFFFFFFFF;
	(pc) =	sbr.abs _section_cstart, $3  }
0xd5: {  	[dreg:$0x1] =	wrdreg $0xFFFFFFFF  }
0xd6: {  	_ =	task.clear_ibuf [dreg:s22], $0x2FFFF;
	_ =	strace $0x9FFFFFFF  }
0xd7: {  	(tm) =	ssettm $0x7FFFFFFF  }
tec
execute0_lowered:
.L_overlay_start_1:
0x0: {  	(tag) =	ssettag $0x1  }
0x1: {  	s2 =	rddreg [dreg:$0x0];
	s1 =	srdreg.scid  }
0x2: {  	s0 =	stileid.u32;
	s6 =	rddreg [dreg:$0x1]  }
0x3: {  	s3 =	simm.s32 $0x0;
	s12 =	simm.s32 $0x5;
	s13 =	simm.s32 $0x2780  }
0x4: {  	s14 =	simm.s32 $0x50;
	s15 =	simm.s32 $0x4F00;
	s16 =	simm.s32 $0x9F00  }
0x5: {  	s17 =	simm.s32 $0x7700;
	s18 =	simm.s32 $0x27D0;
	s19 =	simm.s32 $0xC700  }
0x6: {  	s20 =	simm.s32 $0x1;
	s21 =	simm.s32 $0x3;
	s22 =	simm.s32 $0x2  }
0x7: {  	s23 =	simm.s32 $0x4;
	s7 =	sand.u32 $0x1, s1;
	s4 =	sshll.u32 s0, $0x1  }
0x8: {  	s24 =	simm.s32 $0x0;
	s1 =	rddreg [dreg:$0x2];
	s8 =	sor.u32 s7, s4  }
0x9: {  	[smem:$0x7FF] =	sst s3;
	s7 =	ssub.s32 $0x2, s7;
	s4 =	smul.u32 $0x2710, s8  }
0xa: {  	s5 =	sadd.s32 $0xDCE00, s6;
	s8 =	smul.u32 $0x138800, s8;
	s10 =	sshrl.u32 s7, $0x1  }
0xb: {  	_ =	strace $0x8000004A;
	s11 =	ssub.s32 s7, s10;
	s9 =	sshrl.u32 s4, $0x3  }
0xc: {  	s31 =	sshrl.u32 s8, $0x3;
	s9 =	sadd.s32 s9, s6;
	s6 =	sadd.s32 $0x104000, s6  }
0xd: {  	s11 =	smax.u32 s11, $0x1;
	s7 =	sadd.s32 $0xFA00, s9;
	s10 =	sadd.s32 s6, s31  }
0xe: {  	s8 =	sadd.s32 $0x5C00, s9;
	s9 =	sadd.s32 $0x50, s4;
	s10 =	sadd.s32 $0x26C00, s10  }
.LBB2_1:
0xf: {  	[tilespmem:s3], [sflag:$0x5] =	stream.linear.gather [hbm4b:s7+s3], $0x2710, $0x38;
	[tilespmem:$0xEF00] =	vst v63  }
0x10: {  	_ =	swait.ge [sflag:s12], $0x2710  }
0x11: {  	[sflag:s12] =	ssyncset.done $0x0  }
0x12: {  	[sflag:s12] =	ssyncadd.s32 $0xFFFFD8F0  }
0x13: {  	[tilespmem:s13], [sflag:$0x5] =	stream.linear.gather [hbm4b:s8+s3], $0x2710, $0x38;
	[tilespmem:$0xEF00] =	vst v63  }
0x14: {  	_ =	swait.ge [sflag:s12], $0x2710  }
0x15: {  	[sflag:s12] =	ssyncset.done $0x0  }
0x16: {  	[sflag:s12] =	ssyncadd.s32 $0xFFFFD8F0  }
0x17: {  	[tilespmem:s15], [sflag:$0x1] =	stream.indirect.gather [hbm4b:s2+s14], $0x80, s3, s14, $0xb8;
	[tilespmem:$0xEF00] =	vst v63  }
0x18: {  	_ = 	snop  }
0x19: {  	[tilespmem:s16], [sflag:$0x3] =	stream.indirect.gather [hbm4b:s5+s14], $0x80, s13, s14, $0xb8;
	[tilespmem:$0xEF00] =	vst v63  }
0x1a: {  	_ = 	snop  }
0x1b: {  	[tilespmem:s17], [sflag:$0x2] =	stream.indirect.gather [hbm4b:s2+s14], $0x80, s14, s14, $0xb8;
	[tilespmem:$0xEF00] =	vst v63  }
0x1c: {  	s25 =	simm.s32 $0x0  }
0x1d: {  	[tilespmem:s19], [sflag:$0x4] =	stream.indirect.gather [hbm4b:s5+s14], $0x80, s18, s14, $0xb8;
	[tilespmem:$0xEF00] =	vst v63  }
.LBB2_2:
0x1e: {  	_ =	swait.ge [sflag:s20], $0x2800  }
0x1f: {  	[sflag:s20] =	ssyncset.done $0x0  }
0x20: {  	[sflag:s20] =	ssyncadd.s32 $0xFFFFD800  }
0x21: {  	_ =	swait.ge [sflag:s21], $0x2800  }
0x22: {  	[sflag:s21] =	ssyncset.done $0x0  }
0x23: {  	s28 =	simm.s32 $0x0;
	[sflag:s21] =	ssyncadd.s32 $0xFFFFD800  }
0x24: {  	v6 =	vld [tilespmem:s28+$0x9F00]  }
0x25: {  	v11 =	vld [tilespmem:s28+$0x9F10]  }
0x26: {  	v5 =	vld [tilespmem:s28+$0x9F20]  }
0x27: {  	v4 =	vld [tilespmem:s28+$0x9F30]  }
0x28: {  	v3 =	vld [tilespmem:s28+$0x9F40]  }
0x29: {  	v2 =	vld [tilespmem:s28+$0x9F50]  }
0x2a: {  	v1 =	vld [tilespmem:s28+$0x9F60]  }
0x2b: {  	v0 =	vld [tilespmem:s28+$0x9F70]  }
0x2c: {  	v12 =	vld [tilespmem:s28+$0x4F00]  }
0x2d: {  	v13 =	vld [tilespmem:s28+$0x4F10]  }
0x2e: {  	v10 =	vld [tilespmem:s28+$0x4F20]  }
0x2f: {  	v9 =	vld [tilespmem:s28+$0x4F30]  }
0x30: {  	v8 =	vld [tilespmem:s28+$0x4F40]  }
0x31: {  	v7 =	vld [tilespmem:s28+$0x4F50];
	v12 =	vadd.f32 v6, v12  }
0x32: {  	s26 =	simm.s32 $0x200;
	v11 =	vadd.f32 v11, v13;
	v6 =	vld [tilespmem:s28+$0x4F60]  }
.LBB2_3:
0x33: {  	s29 =	sshra.s32 s26, $0x2;
	p0 =	sne.s32 s26, $0x9E00;
	[tilespmem:s28+$0x4F00] =	vst v12;
	v5 =	vadd.f32 v5, v10;
	v10 =	vld [tilespmem:s28+$0x4F70]  }
0x34: {  	v12 =	vld [tilespmem:s29+$0x9F00];
	[tilespmem:s28+$0x4F10] =	vst v11;
	v4 =	vadd.f32 v4, v9  }
0x35: {  	v11 =	vld [tilespmem:s29+$0x9F10];
	[tilespmem:s28+$0x4F20] =	vst v5;
	v3 =	vadd.f32 v3, v8  }
0x36: {  	v5 =	vld [tilespmem:s29+$0x9F20];
	[tilespmem:s28+$0x4F30] =	vst v4;
	v2 =	vadd.f32 v2, v7  }
0x37: {  	v4 =	vld [tilespmem:s29+$0x9F30];
	[tilespmem:s28+$0x4F40] =	vst v3;
	v1 =	vadd.f32 v1, v6  }
0x38: {  	v3 =	vld [tilespmem:s29+$0x9F40];
	[tilespmem:s28+$0x4F50] =	vst v2;
	v0 =	vadd.f32 v0, v10  }
0x39: {  	v2 =	vld [tilespmem:s29+$0x9F50];
	[tilespmem:s28+$0x4F60] =	vst v1  }
0x3a: {  	v1 =	vld [tilespmem:s29+$0x9F60];
	[tilespmem:s28+$0x4F70] =	vst v0;
	s28 =	smov.u32 s29  }
0x3b: {  	v0 =	vld [tilespmem:s28+$0x9F70]  }
0x3c: {  	v6 =	vld [tilespmem:s28+$0x4F00]  }
0x3d: {  	v13 =	vld [tilespmem:s28+$0x4F10]  }
.Ltmp0:
0x3e: {  	v10 =	vld [tilespmem:s28+$0x4F20];
	(pc) =	sbr.rel @p0 .LBB2_3-.Ltmp0, $4  }
0x3f: {  	v9 =	vld [tilespmem:s28+$0x4F30]  }
0x40: {  	v8 =	vld [tilespmem:s28+$0x4F40]  }
0x41: {  	v12 =	vadd.f32 v12, v6;
	v7 =	vld [tilespmem:s28+$0x4F50]  }
0x42: {  	s26 =	sadd.s32 $0x200, s26;
	v11 =	vadd.f32 v11, v13;
	v6 =	vld [tilespmem:s28+$0x4F60]  }
0x43: {  	[tilespmem:s28+$0x4F00] =	vst v12;
	v5 =	vadd.f32 v5, v10;
	v10 =	vld [tilespmem:s28+$0x4F70]  }
0x44: {  	[tilespmem:s28+$0x4F10] =	vst v11;
	v4 =	vadd.f32 v4, v9  }
0x45: {  	[tilespmem:s28+$0x4F20] =	vst v5;
	v3 =	vadd.f32 v3, v8  }
0x46: {  	s26 =	smul.u32 $0xA0, s25;
	[tilespmem:s28+$0x4F30] =	vst v4;
	v2 =	vadd.f32 v2, v7  }
0x47: {  	[tilespmem:s28+$0x4F40] =	vst v3;
	v1 =	vadd.f32 v1, v6  }
0x48: {  	s29 =	sadd.s32 s4, s26;
	[tilespmem:s28+$0x4F50] =	vst v2;
	v0 =	vadd.f32 v0, v10  }
0x49: {  	s29 =	sshll.u32 s29, $0x4;
	[tilespmem:s28+$0x4F60] =	vst v1  }
0x4a: {  	[tilespmem:s28+$0x4F70] =	vst v0;
	s28 =	sadd.s32 s6, s29;
	s29 =	simm.s32 $0x0  }
0x4b: {  	[hbm4b:s28+s29] =	stream.linear.scatter [tilespmem:s15], [sflag:$0x5], $0x2800, $0x38;
	[tilespmem:$0xEF00] =	vst v63  }
0x4c: {  	_ =	swait.ge [sflag:s12], $0x2800  }
0x4d: {  	[sflag:s12] =	ssyncset.done $0x0  }
0x4e: {  	s28 =	sadd.s32 $0xA0, s26;
	[sflag:s12] =	ssyncadd.s32 $0xFFFFD800  }
0x4f: {  	[tilespmem:s15], [sflag:$0x1] =	stream.indirect.gather [hbm4b:s2+s14], $0x80, s28, s14, $0xb8;
	[tilespmem:$0xEF00] =	vst v63  }
0x50: {  	s28 =	sadd.s32 $0x2820, s26  }
0x51: {  	[tilespmem:s16], [sflag:$0x3] =	stream.indirect.gather [hbm4b:s5+s14], $0x80, s28, s14, $0xb8;
	[tilespmem:$0xEF00] =	vst v63  }
0x52: {  	_ =	swait.ge [sflag:s22], $0x2800  }
0x53: {  	[sflag:s22] =	ssyncset.done $0x0  }
0x54: {  	[sflag:s22] =	ssyncadd.s32 $0xFFFFD800  }
0x55: {  	_ =	swait.ge [sflag:s23], $0x2800  }
0x56: {  	[sflag:s23] =	ssyncset.done $0x0  }
0x57: {  	s28 =	simm.s32 $0x0;
	[sflag:s23] =	ssyncadd.s32 $0xFFFFD800  }
0x58: {  	v7 =	vld [tilespmem:s28+$0xC700]  }
0x59: {  	v11 =	vld [tilespmem:s28+$0xC710]  }
0x5a: {  	v5 =	vld [tilespmem:s28+$0xC720]  }
0x5b: {  	v4 =	vld [tilespmem:s28+$0xC730]  }
0x5c: {  	v3 =	vld [tilespmem:s28+$0xC740]  }
0x5d: {  	v2 =	vld [tilespmem:s28+$0xC750]  }
0x5e: {  	v1 =	vld [tilespmem:s28+$0xC760]  }
0x5f: {  	v0 =	vld [tilespmem:s28+$0xC770]  }
0x60: {  	v12 =	vld [tilespmem:s28+$0x7700]  }
0x61: {  	v13 =	vld [tilespmem:s28+$0x7710]  }
0x62: {  	v10 =	vld [tilespmem:s28+$0x7720]  }
0x63: {  	v9 =	vld [tilespmem:s28+$0x7730]  }
0x64: {  	v8 =	vld [tilespmem:s28+$0x7740]  }
0x65: {  	v6 =	vld [tilespmem:s28+$0x7750];
	v12 =	vadd.f32 v7, v12  }
0x66: {  	s29 =	simm.s32 $0x200;
	v11 =	vadd.f32 v11, v13;
	v7 =	vld [tilespmem:s28+$0x7760]  }
.LBB2_5:
0x67: {  	s30 =	sshra.s32 s29, $0x2;
	p0 =	sne.s32 s29, $0x9E00;
	[tilespmem:s28+$0x7700] =	vst v12;
	v5 =	vadd.f32 v5, v10;
	v10 =	vld [tilespmem:s28+$0x7770]  }
0x68: {  	v12 =	vld [tilespmem:s30+$0xC700];
	[tilespmem:s28+$0x7710] =	vst v11;
	v4 =	vadd.f32 v4, v9  }
0x69: {  	v11 =	vld [tilespmem:s30+$0xC710];
	[tilespmem:s28+$0x7720] =	vst v5;
	v3 =	vadd.f32 v3, v8  }
0x6a: {  	v5 =	vld [tilespmem:s30+$0xC720];
	[tilespmem:s28+$0x7730] =	vst v4;
	v2 =	vadd.f32 v2, v6  }
0x6b: {  	v4 =	vld [tilespmem:s30+$0xC730];
	[tilespmem:s28+$0x7740] =	vst v3;
	v1 =	vadd.f32 v1, v7  }
0x6c: {  	v3 =	vld [tilespmem:s30+$0xC740];
	[tilespmem:s28+$0x7750] =	vst v2;
	v0 =	vadd.f32 v0, v10  }
0x6d: {  	v2 =	vld [tilespmem:s30+$0xC750];
	[tilespmem:s28+$0x7760] =	vst v1  }
0x6e: {  	v1 =	vld [tilespmem:s30+$0xC760];
	[tilespmem:s28+$0x7770] =	vst v0;
	s28 =	smov.u32 s30  }
0x6f: {  	v0 =	vld [tilespmem:s28+$0xC770]  }
0x70: {  	v6 =	vld [tilespmem:s28+$0x7700]  }
0x71: {  	v7 =	vld [tilespmem:s28+$0x7710]  }
.Ltmp1:
0x72: {  	v10 =	vld [tilespmem:s28+$0x7720];
	(pc) =	sbr.rel @p0 .LBB2_5-.Ltmp1, $4  }
0x73: {  	v9 =	vld [tilespmem:s28+$0x7730]  }
0x74: {  	v8 =	vld [tilespmem:s28+$0x7740]  }
0x75: {  	v12 =	vadd.f32 v12, v6;
	v6 =	vld [tilespmem:s28+$0x7750]  }
0x76: {  	s29 =	sadd.s32 $0x200, s29;
	v11 =	vadd.f32 v11, v7;
	v7 =	vld [tilespmem:s28+$0x7760]  }
0x77: {  	[tilespmem:s28+$0x7700] =	vst v12;
	v5 =	vadd.f32 v5, v10;
	v63 =	vld [tilespmem:s28+$0x7770]  }
0x78: {  	[tilespmem:s28+$0x7710] =	vst v11;
	v4 =	vadd.f32 v4, v9  }
0x79: {  	[tilespmem:s28+$0x7720] =	vst v5;
	v3 =	vadd.f32 v3, v8  }
0x7a: {  	[tilespmem:s28+$0x7730] =	vst v4;
	v2 =	vadd.f32 v2, v6  }
0x7b: {  	[tilespmem:s28+$0x7740] =	vst v3;
	v1 =	vadd.f32 v1, v7  }
0x7c: {  	s29 =	sadd.s32 s26, s9;
	[tilespmem:s28+$0x7750] =	vst v2;
	v0 =	vadd.f32 v0, v63  }
0x7d: {  	p0 =	seq.s32 s25, $0x3D;
	s29 =	sshll.u32 s29, $0x4;
	[tilespmem:s28+$0x7760] =	vst v1  }
.Ltmp2:
0x7e: {  	s31 =	sadd.s32 s6, s29;
	[tilespmem:s28+$0x7770] =	vst v0;
	(pc) =	sbr.rel @p0 .LBB2_8-.Ltmp2, $4  }
0x7f: {  	[hbm4b:s31+s3] =	stream.linear.scatter [tilespmem:s17], [sflag:$0x5], $0x2800, $0x38;
	[tilespmem:$0xEF00] =	vst v63  }
0x80: {  	_ =	swait.ge [sflag:s12], $0x2800  }
0x81: {  	[sflag:s12] =	ssyncset.done $0x0  }
0x82: {  	[sflag:s12] =	ssyncadd.s32 $0xFFFFD800  }
.Ltmp3:
0x83: {  	(pc) =	sbr.rel .LBB2_2-.Ltmp3, $4  }
0x84: {  	s28 =	sadd.s32 $0xF0, s26  }
0x85: {  	[tilespmem:s17], [sflag:$0x2] =	stream.indirect.gather [hbm4b:s2+s14], $0x80, s28, s14, $0xb8;
	[tilespmem:$0xEF00] =	vst v63  }
0x86: {  	s31 =	sadd.s32 $0x2870, s26;
	s25 =	sadd.s32 $0x1, s25  }
0x87: {  	[tilespmem:s19], [sflag:$0x4] =	stream.indirect.gather [hbm4b:s5+s14], $0x80, s31, s14, $0xb8;
	[tilespmem:$0xEF00] =	vst v63  }
.LBB2_8:
0x88: {  	_ =	swait.ge [sflag:s20], $0x2800  }
0x89: {  	[sflag:s20] =	ssyncset.done $0x0  }
0x8a: {  	[sflag:s20] =	ssyncadd.s32 $0xFFFFD800  }
0x8b: {  	_ =	swait.ge [sflag:s21], $0x2800  }
0x8c: {  	[sflag:s21] =	ssyncset.done $0x0  }
0x8d: {  	s25 =	simm.s32 $0x0;
	[sflag:s21] =	ssyncadd.s32 $0xFFFFD800  }
0x8e: {  	v7 =	vld [tilespmem:s25+$0x9F00]  }
0x8f: {  	v11 =	vld [tilespmem:s25+$0x9F10]  }
0x90: {  	v5 =	vld [tilespmem:s25+$0x9F20]  }
0x91: {  	v4 =	vld [tilespmem:s25+$0x9F30]  }
0x92: {  	v3 =	vld [tilespmem:s25+$0x9F40]  }
0x93: {  	v2 =	vld [tilespmem:s25+$0x9F50]  }
0x94: {  	v1 =	vld [tilespmem:s25+$0x9F60]  }
0x95: {  	v0 =	vld [tilespmem:s25+$0x9F70]  }
0x96: {  	v12 =	vld [tilespmem:s25+$0x4F00]  }
0x97: {  	v13 =	vld [tilespmem:s25+$0x4F10]  }
0x98: {  	v10 =	vld [tilespmem:s25+$0x4F20]  }
0x99: {  	v9 =	vld [tilespmem:s25+$0x4F30]  }
0x9a: {  	v8 =	vld [tilespmem:s25+$0x4F40]  }
0x9b: {  	v6 =	vld [tilespmem:s25+$0x4F50];
	v12 =	vadd.f32 v7, v12  }
0x9c: {  	s26 =	simm.s32 $0x200;
	v11 =	vadd.f32 v11, v13;
	v7 =	vld [tilespmem:s25+$0x4F60]  }
.LBB2_9:
0x9d: {  	s28 =	sshra.s32 s26, $0x2;
	p0 =	sne.s32 s26, $0x9E00;
	[tilespmem:s25+$0x4F00] =	vst v12;
	v5 =	vadd.f32 v5, v10;
	v10 =	vld [tilespmem:s25+$0x4F70]  }
0x9e: {  	v12 =	vld [tilespmem:s28+$0x9F00];
	[tilespmem:s25+$0x4F10] =	vst v11;
	v4 =	vadd.f32 v4, v9  }
0x9f: {  	v11 =	vld [tilespmem:s28+$0x9F10];
	[tilespmem:s25+$0x4F20] =	vst v5;
	v3 =	vadd.f32 v3, v8  }
0xa0: {  	v5 =	vld [tilespmem:s28+$0x9F20];
	[tilespmem:s25+$0x4F30] =	vst v4;
	v2 =	vadd.f32 v2, v6  }
0xa1: {  	v4 =	vld [tilespmem:s28+$0x9F30];
	[tilespmem:s25+$0x4F40] =	vst v3;
	v1 =	vadd.f32 v1, v7  }
0xa2: {  	v3 =	vld [tilespmem:s28+$0x9F40];
	[tilespmem:s25+$0x4F50] =	vst v2;
	v0 =	vadd.f32 v0, v10  }
0xa3: {  	v2 =	vld [tilespmem:s28+$0x9F50];
	[tilespmem:s25+$0x4F60] =	vst v1  }
0xa4: {  	v1 =	vld [tilespmem:s28+$0x9F60];
	[tilespmem:s25+$0x4F70] =	vst v0;
	s25 =	smov.u32 s28  }
0xa5: {  	v0 =	vld [tilespmem:s25+$0x9F70]  }
0xa6: {  	v6 =	vld [tilespmem:s25+$0x4F00]  }
0xa7: {  	v7 =	vld [tilespmem:s25+$0x4F10]  }
.Ltmp4:
0xa8: {  	v10 =	vld [tilespmem:s25+$0x4F20];
	(pc) =	sbr.rel @p0 .LBB2_9-.Ltmp4, $4  }
0xa9: {  	v9 =	vld [tilespmem:s25+$0x4F30]  }
0xaa: {  	v8 =	vld [tilespmem:s25+$0x4F40]  }
0xab: {  	v12 =	vadd.f32 v12, v6;
	v6 =	vld [tilespmem:s25+$0x4F50]  }
0xac: {  	s26 =	sadd.s32 $0x200, s26;
	v11 =	vadd.f32 v11, v7;
	v7 =	vld [tilespmem:s25+$0x4F60]  }
0xad: {  	[tilespmem:s25+$0x4F00] =	vst v12;
	v5 =	vadd.f32 v5, v10;
	v63 =	vld [tilespmem:s25+$0x4F70]  }
0xae: {  	[tilespmem:s25+$0x4F10] =	vst v11;
	v4 =	vadd.f32 v4, v9  }
0xaf: {  	[tilespmem:s25+$0x4F20] =	vst v5;
	v3 =	vadd.f32 v3, v8  }
0xb0: {  	[tilespmem:s25+$0x4F30] =	vst v4;
	v2 =	vadd.f32 v2, v6  }
0xb1: {  	[tilespmem:s25+$0x4F40] =	vst v3;
	v1 =	vadd.f32 v1, v7  }
0xb2: {  	s24 =	sadd.s32 $0x1, s24;
	[tilespmem:s25+$0x4F50] =	vst v2;
	v0 =	vadd.f32 v0, v63  }
0xb3: {  	p0 =	sne.s32 s24, s11;
	[tilespmem:s25+$0x4F60] =	vst v1  }
.Ltmp5:
0xb4: {  	[tilespmem:s25+$0x4F70] =	vst v0;
	(pc) =	sbr.rel @p0 .LBB2_1-.Ltmp5, $4  }
0xb5: {  	[hbm4b:s10+s3] =	stream.linear.scatter [tilespmem:s15], [sflag:$0x5], $0x2800, $0x38;
	[tilespmem:$0xEF00] =	vst v63  }
0xb6: {  	_ =	swait.ge [sflag:s12], $0x2800  }
0xb7: {  	[sflag:s12] =	ssyncset.done $0x0  }
0xb8: {  	[sflag:s12] =	ssyncadd.s32 $0xFFFFD800  }
0xb9: {  	_ =	sfence.sel $0x180000  }
0xba: {  	[bflag:$0x0] =	sbarrier.arrive $0xFFFF  }
0xbb: {  	p0 =	sne.s32 s0, $0x0;
	_ =	strace $0x9000004A  }
0xbc: {  	s0 =	sadd.s32 @!p0 $0x100000, s1;
	[bflag:$0x2] =	sbarrier.arrive $0xFFFF  }
0xbd: {  	[sflag:s0] =	ssyncadd.tile.s32 @!p0 $0x1;
	_ =	shalt  }
.Lfunc_end2:
_tile_overlayer_lowered:
.L_overlay_start_2:
0xbe: {  	(tag) =	ssettag $0x2  }
0xbf: {  	s0 =	rddreg [dreg:$0x0];
	s2 =	stileid.u32  }
0xc0: {  	s1 =	rddreg [dreg:$0x1];
	p0 =	sne.s32 s2, $0x0  }
0xc1: {  	s3 =	rddreg [dreg:$0x2];
	[bflag:$0x3] =	sbarrier.arrive $0xFFFF;
	s2 =	simm.s32 @!p0 $0x1C05  }
0xc2: {  	[timem:s3], [sflag:s2] =	dma.local @!p0 [hbm:s0], s1  }
0xc3: {  	s0 =	simm.s32 @!p0 $0x5  }
0xc4: {  	_ =	swait.ge @!p0 [sflag:s0], s1  }
0xc5: {  	s1 =	ssub.s32 @!p0 $0x0, s1;
	[sflag:s0] =	ssyncset.done @!p0 $0x0  }
0xc6: {  	[sflag:s0] =	ssyncadd.s32 @!p0 s1  }
0xc7: {  	[bflag:$0x3] =	sbarrier.arrive $0xFFFF  }
0xc8: {  	_ =	shalt  }

// kernel: kernel.18.cloned.1.call-start
scs
__scs_entry_jumppad:
0x0: {  	(pc) =	sbr.rel $0x88, $3  }
0x1: {  	(tag) =	ssettag $0x0;
	lr =	simm.s32 $0x1  }
0x2: {  	[smem:$0x3F91] =	sst lr;
	_ =	strace $0xD0000000  }
0x3: {  	_ = 	snop  }
0x4: {  	_ = 	snop  }
0x5: {  	_ = 	snop  }
0x6: {  	_ = 	snop  }
0x7: {  	_ = 	snop  }
__scs_overlays_trampoline_lowered:
0x8: {  	[smem:$0x3FA0] =	sst s0  }
0x9: {  	[smem:$0x3FA1] =	sst s1  }
0xa: {  	[smem:$0x3FA2] =	sst s2  }
0xb: {  	[smem:$0x3FA3] =	sst s3  }
0xc: {  	[smem:$0x3FA4] =	sst s4  }
0xd: {  	[smem:$0x3FA5] =	sst s5  }
0xe: {  	[smem:$0x3FA6] =	sst s6  }
0xf: {  	[smem:$0x3FA7] =	sst s7  }
0x10: {  	[smem:$0x3FA8] =	sst s8  }
0x11: {  	[smem:$0x3FA9] =	sst s9;
	s0 =	simm.s32 @!p0 $0x0  }
0x12: {  	s1 =	sld [smem:$0x3F8F];
	s0 =	simm.s32 @p0 $0x1  }
0x13: {  	[smem:$0x3FAA] =	sst s0;
	s0 =	simm.s32 @!p1 $0x0  }
0x14: {  	s2 =	sld [smem:$0x3F8E];
	s0 =	simm.s32 @p1 $0x1  }
0x15: {  	[smem:$0x3FAB] =	sst s0;
	s0 =	simm.s32 @!p2 $0x0  }
0x16: {  	s3 =	sld [smem:$0x3FDB];
	s0 =	simm.s32 @p2 $0x1  }
0x17: {  	s4 =	simm.s32 $0x1BF5;
	[smem:$0x3FAD] =	sst s0  }
0x18: {  	s0 =	sld [smem:$0x3F90];
	_ =	swait.ge [sflag:s4], $0x0  }
0x19: {  	s7 =	sld [smem:$0x3F91]  }
0x1a: {  	s8 =	sadd.s32 $0xFFFFE003, lr  }
0x1b: {  	s9 =	sadd.s32 $0xFFFFFEF7, lr;
	s5 =	simm.s32 $0xFFFFFFFF;
	p2 =	slt.u32 s8, $0xFFFFF086  }
0x1c: {  	p1 =	slt.u32 s9, $0xF7A;
	s5 =	simm.s32 @!p2 $0x0  }
0x1d: {  	s5 =	simm.s32 @p1 $0x1;
	p0 =	seq.s32 s7, s2  }
0x1e: {  	s7 =	smul.u32 @!p0 $0xF7A, s2;
	p2 =	seq.s32 @!p0 s5, $0x0  }
0x1f: {  	s9 =	smul.u32 $0xF7A, s1;
	s8 =	simm.s32 @!p0 $0x1BF5;
	p2 =	por !p2, p0  }
0x20: {  	[sflag:s8] =	ssyncset.s32 @!p0 $0xFFFFF086;
	s6 =	sadd.s32 @!p0 s3, s7;
	s7 =	simm.s32 @!p0 $0x108  }
0x21: {  	s3 =	sadd.s32 s3, s9;
	s6 =	sadd.s32 @!p0 $0x88, s6;
	s7 =	simm.s32 @p2 $0x1082  }
0x22: {  	[simem:s7], [sflag:s8] =	dma.local @!p0 [hbm:s6], $0xF7A  }
0x23: {  	s9 =	sor.u32 $0xD0000000, s2;
	s6 =	simm.s32 $0x108;
	_ =	swait.ge @!p0 [sflag:s8], $0x0  }
0x24: {  	s3 =	sadd.s32 $0x88, s3;
	s6 =	simm.s32 @!p1 $0x1082;
	[sflag:s4] =	ssyncset.s32 $0xFFFFF086  }
0x25: {  	[simem:s6], [sflag:s4] =	dma.local [hbm:s3], $0xF7A  }
0x26: {  	[smem:$0x3F91] =	sst s1;
	(tag) =	ssettag s2;
	_ =	strace s9  }
0x27: {  	s1 =	sld [smem:$0x3FA1]  }
0x28: {  	s2 =	sld [smem:$0x3FA2]  }
0x29: {  	s4 =	sld [smem:$0x3FA4]  }
0x2a: {  	p0 =	seq.s32 s5, $0x0;
	s5 =	sld [smem:$0x3FA5]  }
0x2b: {  	s6 =	sld [smem:$0x3FA6]  }
0x2c: {  	s7 =	sld [smem:$0x3FA7]  }
0x2d: {  	s3 =	simm.s32 $0x108;
	s8 =	sld [smem:$0x3FA8]  }
0x2e: {  	s3 =	simm.s32 @!p0 $0x1082;
	s9 =	sld [smem:$0x3FA9]  }
0x2f: {  	lr =	sadd.s32 s0, s3;
	s0 =	sld [smem:$0x3FA0]  }
0x30: {  	s3 =	sld [smem:$0x3FA3]  }
0x31: {  	[smem:$0x3FAC] =	sst s10  }
0x32: {  	s10 =	sld [smem:$0x3FAA];
	_ =	sdelay $0x3  }
0x33: {  	p0 =	seq.s32 s10, $0x1;
	s10 =	sld [smem:$0x3FAC];
	_ =	sdelay $0x3  }
0x34: {  	[smem:$0x3FAC] =	sst s10  }
0x35: {  	s10 =	sld [smem:$0x3FAB];
	_ =	sdelay $0x3  }
0x36: {  	p1 =	seq.s32 s10, $0x1;
	s10 =	sld [smem:$0x3FAC];
	_ =	sdelay $0x3  }
0x37: {  	[smem:$0x3FAC] =	sst s10  }
0x38: {  	s10 =	sld [smem:$0x3FAD]  }
0x39: {  	_ = 	snop;
	(pc) =	sbr.ind lr, $3  }
0x3a: {  	_ = 	snop  }
0x3b: {  	_ = 	snop  }
0x3c: {  	p2 =	seq.s32 s10, $0x1;
	s10 =	sld [smem:$0x3FAC]  }
0x3d: {  	_ =	shalt  }
0x3e: {  	_ =	shalt  }
0x3f: {  	_ =	shalt  }
0x40: {  	_ =	shalt  }
0x41: {  	_ =	shalt  }
0x42: {  	_ =	shalt  }
0x43: {  	_ =	shalt  }
0x44: {  	_ =	shalt  }
0x45: {  	_ =	shalt  }
0x46: {  	_ =	shalt  }
0x47: {  	_ =	shalt  }
0x48: {  	_ =	shalt  }
0x49: {  	_ =	shalt  }
0x4a: {  	_ =	shalt  }
0x4b: {  	_ =	shalt  }
0x4c: {  	_ =	shalt  }
0x4d: {  	_ =	shalt  }
0x4e: {  	_ =	shalt  }
0x4f: {  	_ =	shalt  }
0x50: {  	_ =	shalt  }
0x51: {  	_ =	shalt  }
0x52: {  	_ =	shalt  }
0x53: {  	_ =	shalt  }
0x54: {  	_ =	shalt  }
0x55: {  	_ =	shalt  }
0x56: {  	_ =	shalt  }
0x57: {  	_ =	shalt  }
0x58: {  	_ =	shalt  }
0x59: {  	_ =	shalt  }
0x5a: {  	_ =	shalt  }
0x5b: {  	_ =	shalt  }
0x5c: {  	_ =	shalt  }
0x5d: {  	_ =	shalt  }
0x5e: {  	_ =	shalt  }
0x5f: {  	_ =	shalt  }
0x60: {  	_ =	shalt  }
0x61: {  	_ =	shalt  }
0x62: {  	_ =	shalt  }
0x63: {  	_ =	shalt  }
0x64: {  	_ =	shalt  }
0x65: {  	_ =	shalt  }
0x66: {  	_ =	shalt  }
0x67: {  	_ =	shalt  }
0x68: {  	_ =	shalt  }
0x69: {  	_ =	shalt  }
0x6a: {  	_ =	shalt  }
0x6b: {  	_ =	shalt  }
0x6c: {  	_ =	shalt  }
0x6d: {  	_ =	shalt  }
0x6e: {  	_ =	shalt  }
0x6f: {  	_ =	shalt  }
0x70: {  	_ =	shalt  }
0x71: {  	_ =	shalt  }
0x72: {  	_ =	shalt  }
0x73: {  	_ =	shalt  }
0x74: {  	_ =	shalt  }
0x75: {  	_ =	shalt  }
0x76: {  	_ =	shalt  }
0x77: {  	_ =	shalt  }
0x78: {  	_ =	shalt  }
0x79: {  	_ =	shalt  }
0x7a: {  	_ =	shalt  }
0x7b: {  	_ =	shalt  }
0x7c: {  	_ =	shalt  }
0x7d: {  	_ =	shalt  }
0x7e: {  	_ =	shalt  }
0x7f: {  	_ =	shalt  }
0x80: {  	_ =	shalt  }
0x81: {  	_ =	shalt  }
0x82: {  	_ =	shalt  }
0x83: {  	_ =	shalt  }
0x84: {  	_ =	shalt  }
0x85: {  	_ =	shalt  }
0x86: {  	_ =	shalt  }
0x87: {  	_ =	shalt  }
.Lfunc_end0:
.L_simem_size_0:
called_computation.2_lowered:
.L_overlay_start_0:
0x88: {  	s2 =	sld [smem:$0x3FD9]  }
0x89: {  	s3 =	sld [smem:$0x3FFE];
	_ =	sdelay $0x1  }
0x8a: {  	s1 =	srdreg.scid  }
0x8b: {  	s0 =	sand.u32 $0x1, s1  }
0x8c: {  	s17 =	sshll.u32 s0, $0xA;
	s2 =	sadd.s32 s3, s2  }
0x8d: {  	s2 =	sadd.s32 s2, s17  }
0x8e: {  	[smem:$0x3FB8] =	sst s2  }
0x8f: {  	_ = 	snop  }
0x90: {  	(tm) =	ssettm $0x1  }
0x91: {  	s18 =	sld [smem:$0x3FFB];
	_ =	sdelay $0x3  }
0x92: {  	_ =	strace s18  }
0x93: {  	s2 =	sld [smem:$0x3FFC];
	_ =	sdelay $0x3  }
0x94: {  	_ =	strace s2  }
0x95: {  	s2 =	sld [smem:$0x3FFD];
	_ =	sdelay $0x3  }
0x96: {  	_ =	strace s2  }
0x97: {  	_ =	strace $0x8FFFFFFF  }
0x98: {  	s19 =	sld [smem:$0x3FDB];
	_ =	sdelay $0x1  }
0x99: {  	s20 =	simm.s32 $_scs_section_size  }
0x9a: {  	s4 =	simm.s32 $_size__tile_overlayer_lowered;
	s5 =	simm.s32 $_tile_overlayer_lowered  }
0x9b: {  	s6 =	simm.s32 $0x1BFF;
	s21 =	sshll.u32 s5, $0x1;
	s3 =	sadd.s32 s20, s19  }
0x9c: {  	s22 =	simm.s32 $0x0;
	s4 =	sshll.u32 s4, $0x1;
	s5 =	sadd.s32 s21, s3  }
0x9d: {  	[timem:s22], [sflag:s6] =	dma.local [hbm:s5], s4  }
0x9e: {  	_ =	swait.ge [sflag:s6], s4  }
0x9f: {  	s4 =	ssub.s32 $0x0, s4;
	[sflag:s6] =	ssyncset.done $0x0  }
0xa0: {  	[sflag:s6] =	ssyncadd.s32 s4;
	_ =	sdelay $0x1  }
0xa1: {  	s23 =	simm.s32 $0x1B8B  }
0xa2: {  	_ =	swait.ge [sflag:s23], $0x1  }
0xa3: {  	[sflag:s23] =	ssyncset.done $0x0  }
0xa4: {  	[sflag:s23] =	ssyncadd.s32 $0xFFFFFFFF  }
0xa5: {  	s4 =	sld [smem:$0x0]  }
0xa6: {  	s5 =	sand.u32 $0xFFFFFFFE, s1  }
0xa7: {  	p0 =	sne.s32 s1, s5  }
0xa8: {  	s5 =	sshll.u32 @p0 s5, $0xE  }
0xa9: {  	s5 =	sadd.s32 @p0 $0x11B8D, s5;
	s6 =	sshll.u32 @p0 s4, $0x11  }
0xaa: {  	s5 =	sor.u32 @p0 s6, s5  }
0xab: {  	[sflag:s5] =	ssyncadd.remote.s32 @p0 $0x1;
	_ =	sdelay $0x1  }
0xac: {  	s5 =	simm.s32 @p0 $0x1B8D  }
0xad: {  	_ =	swait.eq @p0 [sflag:s5], $0x1  }
0xae: {  	[sflag:s5] =	ssyncadd.s32 @p0 $0xFFFFFFFF  }
0xaf: {  	s6 =	sshll.u32 @!p0 s1, $0xE  }
0xb0: {  	s6 =	sor.u32 @!p0 $0x4000, s6;
	s5 =	simm.s32 @!p0 $0x1B8D  }
0xb1: {  	s4 =	sshll.u32 @!p0 s4, $0x11;
	s6 =	sadd.s32 @!p0 $0x11B8D, s6;
	_ =	swait.eq @!p0 [sflag:s5], $0x1  }
0xb2: {  	s4 =	sor.u32 @!p0 s4, s6;
	[sflag:s5] =	ssyncadd.s32 @!p0 $0xFFFFFFFF  }
0xb3: {  	s25 =	simm.s32 $0x1B8E;
	s24 =	sld [smem:$0x3FFE];
	[sflag:s4] =	ssyncadd.remote.s32 @!p0 $0x1  }
0xb4: {  	s26 =	simm.s32 $execute0_lowered;
	[smem:$0x3FD2] =	sst s25  }
0xb5: {  	s5 =	sshll.u32 s26, $0x1;
	_ =	strace $0x80000055;
	[dreg:$0x1] =	wrdreg $0xFFFFFFFF  }
0xb6: {  	s28 =	simm.s32 $_size_execute0_lowered;
	s3 =	sadd.s32 s3, s5;
	[dreg:$0x0] =	wrdreg $0x0  }
0xb7: {  	s5 =	sshll.u32 s28, $0x1;
	[dreg:$0x2] =	wrdreg s3  }
0xb8: {  	[dreg:$0x3] =	wrdreg s5  }
0xb9: {  	[dreg:$0x4] =	wrdreg $0xC0  }
0xba: {  	_ =	task [dreg:s22], $0x5FFFF  }
0xbb: {  	[dreg:$0x1] =	wrdreg $0xFFFFFFFF  }
0xbc: {  	[dreg:$0x0] =	wrdreg $0x60  }
0xbd: {  	[dreg:$0x2] =	wrdreg s24  }
0xbe: {  	[dreg:$0x3] =	wrdreg $0x51000  }
0xbf: {  	[dreg:$0x4] =	wrdreg $0x9  }
0xc0: {  	_ =	task.clear_ibuf [dreg:s22], $0x5FFFF;
	_ =	strace $0x90000055  }
0xc1: {  	s29 =	simm.s32 $0x9;
	_ =	strace $0x80000057  }
0xc2: {  	_ =	swait.ge [sflag:s29], $0x1  }
0xc3: {  	[sflag:s29] =	ssyncadd.s32 $0xFFFFFFFF  }
0xc4: {  	_ =	strace $0x90000057  }
0xc5: {  	_ =	sfence  }
0xc6: {  	s30 =	sld [smem:$0x0];
	_ =	sdelay $0x2  }
0xc7: {  	s31 =	sshll.u32 s1, $0xD;
	s1 =	sshrl.u32 s1, $0x2  }
0xc8: {  	s4 =	sand.u32 $0x4000, s31;
	s1 =	sadd.s32 s1, s30  }
0xc9: {  	s0 =	sor.u32 s4, s0;
	s1 =	sshll.u32 s1, $0x11  }
0xca: {  	s0 =	sor.u32 s1, s0  }
0xcb: {  	s0 =	sadd.s32 $0x8F2B, s0  }
0xcc: {  	[sflag:s0] =	ssyncadd.remote.s32 $0x1  }
0xcd: {  	_ =	sfence.sel $0xFFFF  }
0xce: {  	[dreg:$0x0] =	wrdreg $0xFFFFFFFF;
	(pc) =	sbr.abs _section_cstart, $3  }
0xcf: {  	[dreg:$0x1] =	wrdreg $0xFFFFFFFF  }
0xd0: {  	_ =	task.clear_ibuf [dreg:s22], $0x2FFFF;
	_ =	strace $0x9FFFFFFF  }
0xd1: {  	(tm) =	ssettm $0x7FFFFFFF  }
tec
execute0_lowered:
.L_overlay_start_1:
0x0: {  	(tag) =	ssettag $0x1  }
0x1: {  	s5 =	rddreg [dreg:$0x0];
	s1 =	stileid.u32  }
0x2: {  	s2 =	rddreg [dreg:$0x1];
	s23 =	smul.u32 $0x2800, s1  }
0x3: {  	s0 =	rddreg [dreg:$0x2];
	s8 =	smul.u32 $0x50000, s1  }
0x4: {  	s3 =	simm.s32 $0x0;
	s4 =	srdreg.scid;
	s14 =	smul.u32 $0x2BC00, s1  }
0x5: {  	[smem:$0x7FF] =	sst s3;
	s10 =	sand.u32 $0x1, s4;
	s17 =	smul.u32 $0x2BC0, s1  }
0x6: {  	s11 =	sadd.s32 $0x1220600, s5;
	s4 =	sadd.s32 $0xFA00, s5;
	s6 =	smul.u32 $0x28000, s10  }
0x7: {  	s21 =	sshll.u32 s1, $0x1;
	s24 =	sshll.u32 s1, $0x6;
	s18 =	smul.u32 $0x15E0, s10  }
0x8: {  	_ =	strace $0x80000056;
	s20 =	ssub.s32 $0x2, s10;
	s19 =	smul.u32 $0x15E00, s10  }
0x9: {  	s7 =	sadd.s32 s23, s5;
	s9 =	sshrl.u32 s20, $0x1;
	s8 =	sshrl.u32 s8, $0x2  }
0xa: {  	s12 =	sadd.s32 s6, s5;
	s6 =	sor.u32 s10, s21;
	s13 =	ssub.s32 s20, s9  }
0xb: {  	s15 =	sadd.s32 s8, s2;
	s5 =	sadd.s32 $0x40A00, s7;
	s28 =	sadd.s32 s18, s17  }
0xc: {  	s17 =	simm.s32 $0x100;
	s18 =	simm.s32 $0x80;
	s22 =	smul.u32 $0x15E0, s6  }
0xd: {  	s20 =	simm.s32 $0x1;
	s21 =	simm.s32 $0x50;
	s25 =	smul.u32 $0x15E00, s6  }
0xe: {  	s6 =	sor.u32 $0x1C03, s24;
	s24 =	sadd.s32 $0x108A00, s12;
	s30 =	sadd.s32 $0xF0, s28  }
0xf: {  	s15 =	sshrl.u32 s15, $0x3;
	s31 =	sshrl.u32 s30, $0x3;
	s23 =	sadd.s32 s23, s24  }
0x10: {  	s24 =	simm.s32 $0x0;
	s26 =	sshrl.u32 s22, $0x3;
	s16 =	sadd.s32 $0x50, s22  }
0x11: {  	s8 =	sadd.s32 s11, s25;
	s22 =	simm.s32 $0x2;
	s9 =	sshrl.u32 s16, $0x3  }
0x12: {  	s7 =	sadd.s32 s4, s26;
	s16 =	sshll.u32 s16, $0x4;
	s9 =	sadd.s32 s4, s9  }
0x13: {  	s10 =	sadd.s32 s11, s16;
	s11 =	sadd.s32 s14, s11;
	s14 =	sadd.s32 $0xA0, s28  }
0x14: {  	s16 =	simm.s32 $0x3;
	s29 =	sadd.s32 s19, s11;
	s11 =	smax.u32 s13, $0x1  }
0x15: {  	s13 =	sadd.s32 s31, s4;
	s19 =	simm.s32 $0x2900;
	s12 =	sadd.s32 $0xF00, s29  }
.LBB2_1:
0x16: {  	[spmem:s15], [sflag:s6] =	dma.local [hbm:s5], $0x2800  }
0x17: {  	_ =	swait.ge [sflag:s16], $0x2800  }
0x18: {  	[sflag:s16] =	ssyncset.done $0x0  }
0x19: {  	[sflag:s16] =	ssyncadd.s32 $0xFFFFD800  }
0x1a: {  	[bflag:$0x0] =	sbarrier.arrive $0xFFFF  }
0x1b: {  	[tilespmem:s3], [sflag:$0x3] =	stream.linear.gather [hbm4b:s7+s3], $0x50, $0x38;
	[tilespmem:$0x19100] =	vst v63  }
0x1c: {  	_ =	swait.ge [sflag:s16], $0x50  }
0x1d: {  	[sflag:s16] =	ssyncset.done $0x0  }
0x1e: {  	[sflag:s16] =	ssyncadd.s32 $0xFFFFFFB0  }
0x1f: {  	[tilespmem:s17], [sflag:$0x1] =	stream.linear.gather [hbm4b:s8+s3], $0x2800, $0x38;
	[tilespmem:$0x19100] =	vst v63  }
0x20: {  	_ = 	snop  }
0x21: {  	[tilespmem:s18], [sflag:$0x3] =	stream.linear.gather [hbm4b:s9+s3], $0x50, $0x38;
	[tilespmem:$0x19100] =	vst v63  }
0x22: {  	_ =	swait.ge [sflag:s16], $0x50  }
0x23: {  	[sflag:s16] =	ssyncset.done $0x0  }
0x24: {  	[sflag:s16] =	ssyncadd.s32 $0xFFFFFFB0  }
0x25: {  	[tilespmem:s19], [sflag:$0x2] =	stream.linear.gather [hbm4b:s10+s3], $0x2800, $0x38;
	[tilespmem:$0x19100] =	vst v63  }
0x26: {  	_ =	swait.ge [sflag:s20], $0x2800  }
0x27: {  	[sflag:s20] =	ssyncset.done $0x0  }
0x28: {  	[sflag:s20] =	ssyncadd.s32 $0xFFFFD800  }
0x29: {  	[spmem:s2] =	stream.indirect.scatter.add.f32 [tilespmem:s17], [sflag:$0x3], $0x80, s3, s21, $0xb8;
	[tilespmem:$0x19100] =	vst v63  }
0x2a: {  	_ =	swait.ge [sflag:s16], $0x2800  }
0x2b: {  	s25 =	sshrl.u32 s14, $0x3;
	[sflag:s16] =	ssyncset.done $0x0  }
0x2c: {  	s25 =	sadd.s32 s4, s25;
	[sflag:s16] =	ssyncadd.s32 $0xFFFFD800  }
0x2d: {  	[tilespmem:s3], [sflag:$0x3] =	stream.linear.gather [hbm4b:s25+s3], $0x50, $0x38;
	[tilespmem:$0x19100] =	vst v63  }
0x2e: {  	_ =	swait.ge [sflag:s16], $0x50  }
0x2f: {  	[sflag:s16] =	ssyncset.done $0x0  }
0x30: {  	s30 =	sadd.s32 $0xFFFFFB00, s12;
	[sflag:s16] =	ssyncadd.s32 $0xFFFFFFB0  }
0x31: {  	[tilespmem:s17], [sflag:$0x1] =	stream.linear.gather [hbm4b:s30+s3], $0x2800, $0x38;
	[tilespmem:$0x19100] =	vst v63  }
0x32: {  	_ =	swait.ge [sflag:s22], $0x2800  }
0x33: {  	[sflag:s22] =	ssyncset.done $0x0  }
0x34: {  	[sflag:s22] =	ssyncadd.s32 $0xFFFFD800  }
0x35: {  	[spmem:s2] =	stream.indirect.scatter.add.f32 [tilespmem:s19], [sflag:$0x3], $0x80, s18, s21, $0xb8;
	[tilespmem:$0x19100] =	vst v63  }
0x36: {  	_ =	swait.ge [sflag:s16], $0x2800  }
0x37: {  	[sflag:s16] =	ssyncset.done $0x0  }
0x38: {  	s31 =	sadd.s32 $0x0, s13;
	[sflag:s16] =	ssyncadd.s32 $0xFFFFD800  }
0x39: {  	[tilespmem:s18], [sflag:$0x3] =	stream.linear.gather [hbm4b:s31+s3], $0x50, $0x38;
	[tilespmem:$0x19100] =	vst v63  }
0x3a: {  	_ =	swait.ge [sflag:s16], $0x50  }
0x3b: {  	s26 =	sadd.s32 $0xA00, s12;
	s28 =	sadd.s32 $0xA0, s14;
	[sflag:s16] =	ssyncset.done $0x0  }
0x3c: {  	s29 =	smov.u32 s12;
	s25 =	simm.s32 $0x14;
	[sflag:s16] =	ssyncadd.s32 $0xFFFFFFB0  }
.LBB2_2:
0x3d: {  	[tilespmem:s19], [sflag:$0x2] =	stream.linear.gather [hbm4b:s29+s3], $0x2800, $0x38;
	[tilespmem:$0x19100] =	vst v63  }
0x3e: {  	s30 =	smov.u32 s25;
	s29 =	smov.u32 s26  }
0x3f: {  	p0 =	sne.s32 s25, $0x294;
	s25 =	sadd.s32 $0x14, s25;
	_ =	swait.ge [sflag:s20], $0x2800  }
0x40: {  	[sflag:s20] =	ssyncset.done $0x0  }
0x41: {  	[sflag:s20] =	ssyncadd.s32 $0xFFFFD800  }
0x42: {  	[spmem:s2] =	stream.indirect.scatter.add.f32 [tilespmem:s17], [sflag:$0x3], $0x80, s3, s21, $0xb8;
	[tilespmem:$0x19100] =	vst v63  }
0x43: {  	_ =	swait.ge [sflag:s16], $0x2800  }
0x44: {  	s31 =	sshrl.u32 s28, $0x3;
	[sflag:s16] =	ssyncset.done $0x0  }
0x45: {  	s31 =	sadd.s32 s4, s31;
	[sflag:s16] =	ssyncadd.s32 $0xFFFFD800  }
0x46: {  	[tilespmem:s3], [sflag:$0x3] =	stream.linear.gather [hbm4b:s31+s3], $0x50, $0x38;
	[tilespmem:$0x19100] =	vst v63  }
0x47: {  	_ =	swait.ge [sflag:s16], $0x50  }
0x48: {  	[sflag:s16] =	ssyncset.done $0x0  }
0x49: {  	s31 =	sadd.s32 $0xFFFFFB00, s26;
	[sflag:s16] =	ssyncadd.s32 $0xFFFFFFB0  }
0x4a: {  	[tilespmem:s17], [sflag:$0x1] =	stream.linear.gather [hbm4b:s31+s3], $0x2800, $0x38;
	[tilespmem:$0x19100] =	vst v63  }
0x4b: {  	_ =	swait.ge [sflag:s22], $0x2800  }
0x4c: {  	[sflag:s22] =	ssyncset.done $0x0  }
0x4d: {  	[sflag:s22] =	ssyncadd.s32 $0xFFFFD800  }
0x4e: {  	[spmem:s2] =	stream.indirect.scatter.add.f32 [tilespmem:s19], [sflag:$0x3], $0x80, s18, s21, $0xb8;
	[tilespmem:$0x19100] =	vst v63  }
0x4f: {  	_ =	swait.ge [sflag:s16], $0x2800  }
0x50: {  	[sflag:s16] =	ssyncset.done $0x0  }
.Ltmp0:
0x51: {  	s30 =	sadd.s32 s30, s13;
	[sflag:s16] =	ssyncadd.s32 $0xFFFFD800;
	(pc) =	sbr.rel @p0 .LBB2_2-.Ltmp0, $4  }
0x52: {  	[tilespmem:s18], [sflag:$0x3] =	stream.linear.gather [hbm4b:s30+s3], $0x50, $0x38;
	[tilespmem:$0x19100] =	vst v63  }
0x53: {  	_ =	swait.ge [sflag:s16], $0x50  }
0x54: {  	[sflag:s16] =	ssyncset.done $0x0  }
0x55: {  	s28 =	sadd.s32 $0xA0, s28;
	s26 =	sadd.s32 $0xA00, s26;
	[sflag:s16] =	ssyncadd.s32 $0xFFFFFFB0  }
0x56: {  	[tilespmem:s19], [sflag:$0x2] =	stream.linear.gather [hbm4b:s29+s3], $0x2800, $0x38;
	[tilespmem:$0x19100] =	vst v63  }
0x57: {  	_ =	swait.ge [sflag:s20], $0x2800  }
0x58: {  	[sflag:s20] =	ssyncset.done $0x0  }
0x59: {  	[sflag:s20] =	ssyncadd.s32 $0xFFFFD800  }
0x5a: {  	[spmem:s2] =	stream.indirect.scatter.add.f32 [tilespmem:s17], [sflag:$0x3], $0x80, s3, s21, $0xb8;
	[tilespmem:$0x19100] =	vst v63  }
0x5b: {  	_ =	swait.ge [sflag:s16], $0x2800  }
0x5c: {  	[sflag:s16] =	ssyncset.done $0x0  }
0x5d: {  	[sflag:s16] =	ssyncadd.s32 $0xFFFFD800  }
0x5e: {  	_ =	swait.ge [sflag:s22], $0x2800  }
0x5f: {  	[sflag:s22] =	ssyncset.done $0x0  }
0x60: {  	[sflag:s22] =	ssyncadd.s32 $0xFFFFD800  }
0x61: {  	[spmem:s2] =	stream.indirect.scatter.add.f32 [tilespmem:s19], [sflag:$0x3], $0x80, s18, s21, $0xb8;
	[tilespmem:$0x19100] =	vst v63  }
0x62: {  	_ =	swait.ge [sflag:s16], $0x2800  }
0x63: {  	s24 =	sadd.s32 $0x1, s24;
	[sflag:s16] =	ssyncset.done $0x0  }
0x64: {  	p0 =	sne.s32 s24, s11;
	[sflag:s16] =	ssyncadd.s32 $0xFFFFD800  }
.Ltmp1:
0x65: {  	[bflag:$0x0] =	sbarrier.arrive $0xFFFF;
	(pc) =	sbr.rel @p0 .LBB2_1-.Ltmp1, $4  }
0x66: {  	[hbm:s23], [sflag:s6] =	dma.local [spmem:s15], $0x2800  }
0x67: {  	_ =	swait.ge [sflag:s16], $0x2800  }
0x68: {  	[sflag:s16] =	ssyncset.done $0x0  }
0x69: {  	[sflag:s16] =	ssyncadd.s32 $0xFFFFD800  }
0x6a: {  	_ =	sfence.sel $0x180000  }
0x6b: {  	[bflag:$0x0] =	sbarrier.arrive $0xFFFF  }
0x6c: {  	p0 =	sne.s32 s1, $0x0;
	_ =	strace $0x90000056  }
0x6d: {  	s0 =	sadd.s32 @!p0 $0x100000, s0;
	[bflag:$0x2] =	sbarrier.arrive $0xFFFF  }
0x6e: {  	[sflag:s0] =	ssyncadd.tile.s32 @!p0 $0x1;
	_ =	shalt  }
.Lfunc_end2:
_tile_overlayer_lowered:
.L_overlay_start_2:
0x6f: {  	(tag) =	ssettag $0x2  }
0x70: {  	s0 =	rddreg [dreg:$0x0];
	s2 =	stileid.u32  }
0x71: {  	s1 =	rddreg [dreg:$0x1];
	p0 =	sne.s32 s2, $0x0  }
0x72: {  	s3 =	rddreg [dreg:$0x2];
	[bflag:$0x3] =	sbarrier.arrive $0xFFFF;
	s2 =	simm.s32 @!p0 $0x1C03  }
0x73: {  	[timem:s3], [sflag:s2] =	dma.local @!p0 [hbm:s0], s1  }
0x74: {  	s0 =	simm.s32 @!p0 $0x3  }
0x75: {  	_ =	swait.ge @!p0 [sflag:s0], s1  }
0x76: {  	s1 =	ssub.s32 @!p0 $0x0, s1;
	[sflag:s0] =	ssyncset.done @!p0 $0x0  }
0x77: {  	[sflag:s0] =	ssyncadd.s32 @!p0 s1  }
0x78: {  	[bflag:$0x3] =	sbarrier.arrive $0xFFFF  }
0x79: {  	_ =	shalt  }

// kernel: kernel.21.cloned.1.call-start
scs
__scs_entry_jumppad:
0x0: {  	(pc) =	sbr.rel $0x88, $3  }
0x1: {  	(tag) =	ssettag $0x0;
	lr =	simm.s32 $0x1  }
0x2: {  	[smem:$0x3F91] =	sst lr;
	_ =	strace $0xD0000000  }
0x3: {  	_ = 	snop  }
0x4: {  	_ = 	snop  }
0x5: {  	_ = 	snop  }
0x6: {  	_ = 	snop  }
0x7: {  	_ = 	snop  }
__scs_overlays_trampoline_lowered:
0x8: {  	[smem:$0x3FA0] =	sst s0  }
0x9: {  	[smem:$0x3FA1] =	sst s1  }
0xa: {  	[smem:$0x3FA2] =	sst s2  }
0xb: {  	[smem:$0x3FA3] =	sst s3  }
0xc: {  	[smem:$0x3FA4] =	sst s4  }
0xd: {  	[smem:$0x3FA5] =	sst s5  }
0xe: {  	[smem:$0x3FA6] =	sst s6  }
0xf: {  	[smem:$0x3FA7] =	sst s7  }
0x10: {  	[smem:$0x3FA8] =	sst s8  }
0x11: {  	[smem:$0x3FA9] =	sst s9;
	s0 =	simm.s32 @!p0 $0x0  }
0x12: {  	s1 =	sld [smem:$0x3F8F];
	s0 =	simm.s32 @p0 $0x1  }
0x13: {  	[smem:$0x3FAA] =	sst s0;
	s0 =	simm.s32 @!p1 $0x0  }
0x14: {  	s2 =	sld [smem:$0x3F8E];
	s0 =	simm.s32 @p1 $0x1  }
0x15: {  	[smem:$0x3FAB] =	sst s0;
	s0 =	simm.s32 @!p2 $0x0  }
0x16: {  	s3 =	sld [smem:$0x3FDB];
	s0 =	simm.s32 @p2 $0x1  }
0x17: {  	s4 =	simm.s32 $0x1BF5;
	[smem:$0x3FAD] =	sst s0  }
0x18: {  	s0 =	sld [smem:$0x3F90];
	_ =	swait.ge [sflag:s4], $0x0  }
0x19: {  	s7 =	sld [smem:$0x3F91]  }
0x1a: {  	s8 =	sadd.s32 $0xFFFFE003, lr  }
0x1b: {  	s9 =	sadd.s32 $0xFFFFFEF7, lr;
	s5 =	simm.s32 $0xFFFFFFFF;
	p2 =	slt.u32 s8, $0xFFFFF086  }
0x1c: {  	p1 =	slt.u32 s9, $0xF7A;
	s5 =	simm.s32 @!p2 $0x0  }
0x1d: {  	s5 =	simm.s32 @p1 $0x1;
	p0 =	seq.s32 s7, s2  }
0x1e: {  	s7 =	smul.u32 @!p0 $0xF7A, s2;
	p2 =	seq.s32 @!p0 s5, $0x0  }
0x1f: {  	s9 =	smul.u32 $0xF7A, s1;
	s8 =	simm.s32 @!p0 $0x1BF5;
	p2 =	por !p2, p0  }
0x20: {  	[sflag:s8] =	ssyncset.s32 @!p0 $0xFFFFF086;
	s6 =	sadd.s32 @!p0 s3, s7;
	s7 =	simm.s32 @!p0 $0x108  }
0x21: {  	s3 =	sadd.s32 s3, s9;
	s6 =	sadd.s32 @!p0 $0x88, s6;
	s7 =	simm.s32 @p2 $0x1082  }
0x22: {  	[simem:s7], [sflag:s8] =	dma.local @!p0 [hbm:s6], $0xF7A  }
0x23: {  	s9 =	sor.u32 $0xD0000000, s2;
	s6 =	simm.s32 $0x108;
	_ =	swait.ge @!p0 [sflag:s8], $0x0  }
0x24: {  	s3 =	sadd.s32 $0x88, s3;
	s6 =	simm.s32 @!p1 $0x1082;
	[sflag:s4] =	ssyncset.s32 $0xFFFFF086  }
0x25: {  	[simem:s6], [sflag:s4] =	dma.local [hbm:s3], $0xF7A  }
0x26: {  	[smem:$0x3F91] =	sst s1;
	(tag) =	ssettag s2;
	_ =	strace s9  }
0x27: {  	s1 =	sld [smem:$0x3FA1]  }
0x28: {  	s2 =	sld [smem:$0x3FA2]  }
0x29: {  	s4 =	sld [smem:$0x3FA4]  }
0x2a: {  	p0 =	seq.s32 s5, $0x0;
	s5 =	sld [smem:$0x3FA5]  }
0x2b: {  	s6 =	sld [smem:$0x3FA6]  }
0x2c: {  	s7 =	sld [smem:$0x3FA7]  }
0x2d: {  	s3 =	simm.s32 $0x108;
	s8 =	sld [smem:$0x3FA8]  }
0x2e: {  	s3 =	simm.s32 @!p0 $0x1082;
	s9 =	sld [smem:$0x3FA9]  }
0x2f: {  	lr =	sadd.s32 s0, s3;
	s0 =	sld [smem:$0x3FA0]  }
0x30: {  	s3 =	sld [smem:$0x3FA3]  }
0x31: {  	[smem:$0x3FAC] =	sst s10  }
0x32: {  	s10 =	sld [smem:$0x3FAA];
	_ =	sdelay $0x3  }
0x33: {  	p0 =	seq.s32 s10, $0x1;
	s10 =	sld [smem:$0x3FAC];
	_ =	sdelay $0x3  }
0x34: {  	[smem:$0x3FAC] =	sst s10  }
0x35: {  	s10 =	sld [smem:$0x3FAB];
	_ =	sdelay $0x3  }
0x36: {  	p1 =	seq.s32 s10, $0x1;
	s10 =	sld [smem:$0x3FAC];
	_ =	sdelay $0x3  }
0x37: {  	[smem:$0x3FAC] =	sst s10  }
0x38: {  	s10 =	sld [smem:$0x3FAD]  }
0x39: {  	_ = 	snop;
	(pc) =	sbr.ind lr, $3  }
0x3a: {  	_ = 	snop  }
0x3b: {  	_ = 	snop  }
0x3c: {  	p2 =	seq.s32 s10, $0x1;
	s10 =	sld [smem:$0x3FAC]  }
0x3d: {  	_ =	shalt  }
0x3e: {  	_ =	shalt  }
0x3f: {  	_ =	shalt  }
0x40: {  	_ =	shalt  }
0x41: {  	_ =	shalt  }
0x42: {  	_ =	shalt  }
0x43: {  	_ =	shalt  }
0x44: {  	_ =	shalt  }
0x45: {  	_ =	shalt  }
0x46: {  	_ =	shalt  }
0x47: {  	_ =	shalt  }
0x48: {  	_ =	shalt  }
0x49: {  	_ =	shalt  }
0x4a: {  	_ =	shalt  }
0x4b: {  	_ =	shalt  }
0x4c: {  	_ =	shalt  }
0x4d: {  	_ =	shalt  }
0x4e: {  	_ =	shalt  }
0x4f: {  	_ =	shalt  }
0x50: {  	_ =	shalt  }
0x51: {  	_ =	shalt  }
0x52: {  	_ =	shalt  }
0x53: {  	_ =	shalt  }
0x54: {  	_ =	shalt  }
0x55: {  	_ =	shalt  }
0x56: {  	_ =	shalt  }
0x57: {  	_ =	shalt  }
0x58: {  	_ =	shalt  }
0x59: {  	_ =	shalt  }
0x5a: {  	_ =	shalt  }
0x5b: {  	_ =	shalt  }
0x5c: {  	_ =	shalt  }
0x5d: {  	_ =	shalt  }
0x5e: {  	_ =	shalt  }
0x5f: {  	_ =	shalt  }
0x60: {  	_ =	shalt  }
0x61: {  	_ =	shalt  }
0x62: {  	_ =	shalt  }
0x63: {  	_ =	shalt  }
0x64: {  	_ =	shalt  }
0x65: {  	_ =	shalt  }
0x66: {  	_ =	shalt  }
0x67: {  	_ =	shalt  }
0x68: {  	_ =	shalt  }
0x69: {  	_ =	shalt  }
0x6a: {  	_ =	shalt  }
0x6b: {  	_ =	shalt  }
0x6c: {  	_ =	shalt  }
0x6d: {  	_ =	shalt  }
0x6e: {  	_ =	shalt  }
0x6f: {  	_ =	shalt  }
0x70: {  	_ =	shalt  }
0x71: {  	_ =	shalt  }
0x72: {  	_ =	shalt  }
0x73: {  	_ =	shalt  }
0x74: {  	_ =	shalt  }
0x75: {  	_ =	shalt  }
0x76: {  	_ =	shalt  }
0x77: {  	_ =	shalt  }
0x78: {  	_ =	shalt  }
0x79: {  	_ =	shalt  }
0x7a: {  	_ =	shalt  }
0x7b: {  	_ =	shalt  }
0x7c: {  	_ =	shalt  }
0x7d: {  	_ =	shalt  }
0x7e: {  	_ =	shalt  }
0x7f: {  	_ =	shalt  }
0x80: {  	_ =	shalt  }
0x81: {  	_ =	shalt  }
0x82: {  	_ =	shalt  }
0x83: {  	_ =	shalt  }
0x84: {  	_ =	shalt  }
0x85: {  	_ =	shalt  }
0x86: {  	_ =	shalt  }
0x87: {  	_ =	shalt  }
.Lfunc_end0:
.L_simem_size_0:
called_computation.3_lowered:
.L_overlay_start_0:
0x88: {  	s2 =	sld [smem:$0x3FD9]  }
0x89: {  	s3 =	sld [smem:$0x3FFE];
	_ =	sdelay $0x1  }
0x8a: {  	s1 =	srdreg.scid  }
0x8b: {  	s0 =	sand.u32 $0x1, s1  }
0x8c: {  	s17 =	sshll.u32 s0, $0xA;
	s2 =	sadd.s32 s3, s2  }
0x8d: {  	s2 =	sadd.s32 s2, s17  }
0x8e: {  	[smem:$0x3FB8] =	sst s2  }
0x8f: {  	_ = 	snop  }
0x90: {  	(tm) =	ssettm $0x1  }
0x91: {  	s18 =	sld [smem:$0x3FFB];
	_ =	sdelay $0x3  }
0x92: {  	_ =	strace s18  }
0x93: {  	s2 =	sld [smem:$0x3FFC];
	_ =	sdelay $0x3  }
0x94: {  	_ =	strace s2  }
0x95: {  	s2 =	sld [smem:$0x3FFD];
	_ =	sdelay $0x3  }
0x96: {  	_ =	strace s2  }
0x97: {  	_ =	strace $0x8FFFFFFF  }
0x98: {  	s19 =	sld [smem:$0x3FDB];
	_ =	sdelay $0x1  }
0x99: {  	s20 =	simm.s32 $_scs_section_size  }
0x9a: {  	s4 =	simm.s32 $_size__tile_overlayer_lowered;
	s5 =	simm.s32 $_tile_overlayer_lowered  }
0x9b: {  	s6 =	simm.s32 $0x1BFF;
	s21 =	sshll.u32 s5, $0x1;
	s3 =	sadd.s32 s20, s19  }
0x9c: {  	s22 =	simm.s32 $0x0;
	s4 =	sshll.u32 s4, $0x1;
	s5 =	sadd.s32 s21, s3  }
0x9d: {  	[timem:s22], [sflag:s6] =	dma.local [hbm:s5], s4  }
0x9e: {  	_ =	swait.ge [sflag:s6], s4  }
0x9f: {  	s4 =	ssub.s32 $0x0, s4;
	[sflag:s6] =	ssyncset.done $0x0  }
0xa0: {  	[sflag:s6] =	ssyncadd.s32 s4;
	_ =	sdelay $0x1  }
0xa1: {  	s23 =	simm.s32 $0x1B8B  }
0xa2: {  	_ =	swait.ge [sflag:s23], $0x1  }
0xa3: {  	[sflag:s23] =	ssyncset.done $0x0  }
0xa4: {  	[sflag:s23] =	ssyncadd.s32 $0xFFFFFFFF  }
0xa5: {  	s4 =	sld [smem:$0x0]  }
0xa6: {  	s5 =	sand.u32 $0xFFFFFFFE, s1  }
0xa7: {  	p0 =	sne.s32 s1, s5  }
0xa8: {  	s5 =	sshll.u32 @p0 s5, $0xE  }
0xa9: {  	s5 =	sadd.s32 @p0 $0x11B8D, s5;
	s6 =	sshll.u32 @p0 s4, $0x11  }
0xaa: {  	s5 =	sor.u32 @p0 s6, s5  }
0xab: {  	[sflag:s5] =	ssyncadd.remote.s32 @p0 $0x1;
	_ =	sdelay $0x1  }
0xac: {  	s5 =	simm.s32 @p0 $0x1B8D  }
0xad: {  	_ =	swait.eq @p0 [sflag:s5], $0x1  }
0xae: {  	[sflag:s5] =	ssyncadd.s32 @p0 $0xFFFFFFFF  }
0xaf: {  	s6 =	sshll.u32 @!p0 s1, $0xE  }
0xb0: {  	s6 =	sor.u32 @!p0 $0x4000, s6;
	s5 =	simm.s32 @!p0 $0x1B8D  }
0xb1: {  	s4 =	sshll.u32 @!p0 s4, $0x11;
	s6 =	sadd.s32 @!p0 $0x11B8D, s6;
	_ =	swait.eq @!p0 [sflag:s5], $0x1  }
0xb2: {  	s4 =	sor.u32 @!p0 s4, s6;
	[sflag:s5] =	ssyncadd.s32 @!p0 $0xFFFFFFFF  }
0xb3: {  	s25 =	simm.s32 $0x1B8E;
	s24 =	sld [smem:$0x3FFE];
	[sflag:s4] =	ssyncadd.remote.s32 @!p0 $0x1  }
0xb4: {  	s26 =	simm.s32 $execute0_lowered;
	[smem:$0x3FD2] =	sst s25  }
0xb5: {  	s5 =	sshll.u32 s26, $0x1;
	_ =	strace $0x80000052;
	[dreg:$0x1] =	wrdreg $0xFFFFFFFF  }
0xb6: {  	s28 =	simm.s32 $_size_execute0_lowered;
	s3 =	sadd.s32 s3, s5;
	[dreg:$0x0] =	wrdreg $0x0  }
0xb7: {  	s5 =	sshll.u32 s28, $0x1;
	[dreg:$0x2] =	wrdreg s3  }
0xb8: {  	[dreg:$0x3] =	wrdreg s5  }
0xb9: {  	[dreg:$0x4] =	wrdreg $0xC0  }
0xba: {  	_ =	task [dreg:s22], $0x5FFFF  }
0xbb: {  	[dreg:$0x1] =	wrdreg $0xFFFFFFFF  }
0xbc: {  	[dreg:$0x0] =	wrdreg $0x60  }
0xbd: {  	[dreg:$0x2] =	wrdreg s24  }
0xbe: {  	[dreg:$0x3] =	wrdreg $0x51000  }
0xbf: {  	[dreg:$0x4] =	wrdreg $0xA  }
0xc0: {  	_ =	task.clear_ibuf [dreg:s22], $0x5FFFF;
	_ =	strace $0x90000052  }
0xc1: {  	s29 =	simm.s32 $0xA;
	_ =	strace $0x80000054  }
0xc2: {  	_ =	swait.ge [sflag:s29], $0x1  }
0xc3: {  	[sflag:s29] =	ssyncadd.s32 $0xFFFFFFFF  }
0xc4: {  	_ =	strace $0x90000054  }
0xc5: {  	_ =	sfence  }
0xc6: {  	s30 =	sld [smem:$0x0];
	_ =	sdelay $0x2  }
0xc7: {  	s31 =	sshll.u32 s1, $0xD;
	s1 =	sshrl.u32 s1, $0x2  }
0xc8: {  	s4 =	sand.u32 $0x4000, s31;
	s1 =	sadd.s32 s1, s30  }
0xc9: {  	s0 =	sor.u32 s4, s0;
	s1 =	sshll.u32 s1, $0x11  }
0xca: {  	s0 =	sor.u32 s1, s0  }
0xcb: {  	s0 =	sadd.s32 $0x8F2B, s0  }
0xcc: {  	[sflag:s0] =	ssyncadd.remote.s32 $0x1  }
0xcd: {  	_ =	sfence.sel $0xFFFF  }
0xce: {  	[dreg:$0x0] =	wrdreg $0xFFFFFFFF;
	(pc) =	sbr.abs _section_cstart, $3  }
0xcf: {  	[dreg:$0x1] =	wrdreg $0xFFFFFFFF  }
0xd0: {  	_ =	task.clear_ibuf [dreg:s22], $0x2FFFF;
	_ =	strace $0x9FFFFFFF  }
0xd1: {  	(tm) =	ssettm $0x7FFFFFFF  }
tec
execute0_lowered:
.L_overlay_start_1:
0x0: {  	(tag) =	ssettag $0x1  }
0x1: {  	s5 =	rddreg [dreg:$0x0];
	s1 =	stileid.u32  }
0x2: {  	s2 =	rddreg [dreg:$0x1];
	s23 =	smul.u32 $0x2800, s1  }
0x3: {  	s0 =	rddreg [dreg:$0x2];
	s8 =	smul.u32 $0x50000, s1  }
0x4: {  	s3 =	simm.s32 $0x0;
	s4 =	srdreg.scid;
	s14 =	smul.u32 $0x2BC00, s1  }
0x5: {  	[smem:$0x7FF] =	sst s3;
	s10 =	sand.u32 $0x1, s4;
	s17 =	smul.u32 $0x2BC0, s1  }
0x6: {  	s11 =	sadd.s32 $0xF64600, s5;
	s4 =	sadd.s32 $0xFA00, s5;
	s6 =	smul.u32 $0x28000, s10  }
0x7: {  	s21 =	sshll.u32 s1, $0x1;
	s24 =	sshll.u32 s1, $0x6;
	s18 =	smul.u32 $0x15E0, s10  }
0x8: {  	_ =	strace $0x80000053;
	s20 =	ssub.s32 $0x2, s10;
	s19 =	smul.u32 $0x15E00, s10  }
0x9: {  	s7 =	sadd.s32 s23, s5;
	s9 =	sshrl.u32 s20, $0x1;
	s8 =	sshrl.u32 s8, $0x2  }
0xa: {  	s12 =	sadd.s32 s6, s5;
	s6 =	sor.u32 s10, s21;
	s13 =	ssub.s32 s20, s9  }
0xb: {  	s15 =	sadd.s32 s8, s2;
	s5 =	sadd.s32 $0x40A00, s7;
	s28 =	sadd.s32 s18, s17  }
0xc: {  	s17 =	simm.s32 $0x100;
	s18 =	simm.s32 $0x80;
	s22 =	smul.u32 $0x15E0, s6  }
0xd: {  	s20 =	simm.s32 $0x1;
	s21 =	simm.s32 $0x50;
	s25 =	smul.u32 $0x15E00, s6  }
0xe: {  	s6 =	sor.u32 $0x1C03, s24;
	s24 =	sadd.s32 $0xB8A00, s12;
	s30 =	sadd.s32 $0xF0, s28  }
0xf: {  	s15 =	sshrl.u32 s15, $0x3;
	s31 =	sshrl.u32 s30, $0x3;
	s23 =	sadd.s32 s23, s24  }
0x10: {  	s24 =	simm.s32 $0x0;
	s26 =	sshrl.u32 s22, $0x3;
	s16 =	sadd.s32 $0x50, s22  }
0x11: {  	s8 =	sadd.s32 s11, s25;
	s22 =	simm.s32 $0x2;
	s9 =	sshrl.u32 s16, $0x3  }
0x12: {  	s7 =	sadd.s32 s4, s26;
	s16 =	sshll.u32 s16, $0x4;
	s9 =	sadd.s32 s4, s9  }
0x13: {  	s10 =	sadd.s32 s11, s16;
	s11 =	sadd.s32 s14, s11;
	s14 =	sadd.s32 $0xA0, s28  }
0x14: {  	s16 =	simm.s32 $0x3;
	s29 =	sadd.s32 s19, s11;
	s11 =	smax.u32 s13, $0x1  }
0x15: {  	s13 =	sadd.s32 s31, s4;
	s19 =	simm.s32 $0x2900;
	s12 =	sadd.s32 $0xF00, s29  }
.LBB2_1:
0x16: {  	[spmem:s15], [sflag:s6] =	dma.local [hbm:s5], $0x2800  }
0x17: {  	_ =	swait.ge [sflag:s16], $0x2800  }
0x18: {  	[sflag:s16] =	ssyncset.done $0x0  }
0x19: {  	[sflag:s16] =	ssyncadd.s32 $0xFFFFD800  }
0x1a: {  	[bflag:$0x0] =	sbarrier.arrive $0xFFFF  }
0x1b: {  	[tilespmem:s3], [sflag:$0x3] =	stream.linear.gather [hbm4b:s7+s3], $0x50, $0x38;
	[tilespmem:$0x19100] =	vst v63  }
0x1c: {  	_ =	swait.ge [sflag:s16], $0x50  }
0x1d: {  	[sflag:s16] =	ssyncset.done $0x0  }
0x1e: {  	[sflag:s16] =	ssyncadd.s32 $0xFFFFFFB0  }
0x1f: {  	[tilespmem:s17], [sflag:$0x1] =	stream.linear.gather [hbm4b:s8+s3], $0x2800, $0x38;
	[tilespmem:$0x19100] =	vst v63  }
0x20: {  	_ = 	snop  }
0x21: {  	[tilespmem:s18], [sflag:$0x3] =	stream.linear.gather [hbm4b:s9+s3], $0x50, $0x38;
	[tilespmem:$0x19100] =	vst v63  }
0x22: {  	_ =	swait.ge [sflag:s16], $0x50  }
0x23: {  	[sflag:s16] =	ssyncset.done $0x0  }
0x24: {  	[sflag:s16] =	ssyncadd.s32 $0xFFFFFFB0  }
0x25: {  	[tilespmem:s19], [sflag:$0x2] =	stream.linear.gather [hbm4b:s10+s3], $0x2800, $0x38;
	[tilespmem:$0x19100] =	vst v63  }
0x26: {  	_ =	swait.ge [sflag:s20], $0x2800  }
0x27: {  	[sflag:s20] =	ssyncset.done $0x0  }
0x28: {  	[sflag:s20] =	ssyncadd.s32 $0xFFFFD800  }
0x29: {  	[spmem:s2] =	stream.indirect.scatter.add.f32 [tilespmem:s17], [sflag:$0x3], $0x80, s3, s21, $0xb8;
	[tilespmem:$0x19100] =	vst v63  }
0x2a: {  	_ =	swait.ge [sflag:s16], $0x2800  }
0x2b: {  	s25 =	sshrl.u32 s14, $0x3;
	[sflag:s16] =	ssyncset.done $0x0  }
0x2c: {  	s25 =	sadd.s32 s4, s25;
	[sflag:s16] =	ssyncadd.s32 $0xFFFFD800  }
0x2d: {  	[tilespmem:s3], [sflag:$0x3] =	stream.linear.gather [hbm4b:s25+s3], $0x50, $0x38;
	[tilespmem:$0x19100] =	vst v63  }
0x2e: {  	_ =	swait.ge [sflag:s16], $0x50  }
0x2f: {  	[sflag:s16] =	ssyncset.done $0x0  }
0x30: {  	s30 =	sadd.s32 $0xFFFFFB00, s12;
	[sflag:s16] =	ssyncadd.s32 $0xFFFFFFB0  }
0x31: {  	[tilespmem:s17], [sflag:$0x1] =	stream.linear.gather [hbm4b:s30+s3], $0x2800, $0x38;
	[tilespmem:$0x19100] =	vst v63  }
0x32: {  	_ =	swait.ge [sflag:s22], $0x2800  }
0x33: {  	[sflag:s22] =	ssyncset.done $0x0  }
0x34: {  	[sflag:s22] =	ssyncadd.s32 $0xFFFFD800  }
0x35: {  	[spmem:s2] =	stream.indirect.scatter.add.f32 [tilespmem:s19], [sflag:$0x3], $0x80, s18, s21, $0xb8;
	[tilespmem:$0x19100] =	vst v63  }
0x36: {  	_ =	swait.ge [sflag:s16], $0x2800  }
0x37: {  	[sflag:s16] =	ssyncset.done $0x0  }
0x38: {  	s31 =	sadd.s32 $0x0, s13;
	[sflag:s16] =	ssyncadd.s32 $0xFFFFD800  }
0x39: {  	[tilespmem:s18], [sflag:$0x3] =	stream.linear.gather [hbm4b:s31+s3], $0x50, $0x38;
	[tilespmem:$0x19100] =	vst v63  }
0x3a: {  	_ =	swait.ge [sflag:s16], $0x50  }
0x3b: {  	s26 =	sadd.s32 $0xA00, s12;
	s28 =	sadd.s32 $0xA0, s14;
	[sflag:s16] =	ssyncset.done $0x0  }
0x3c: {  	s29 =	smov.u32 s12;
	s25 =	simm.s32 $0x14;
	[sflag:s16] =	ssyncadd.s32 $0xFFFFFFB0  }
.LBB2_2:
0x3d: {  	[tilespmem:s19], [sflag:$0x2] =	stream.linear.gather [hbm4b:s29+s3], $0x2800, $0x38;
	[tilespmem:$0x19100] =	vst v63  }
0x3e: {  	s30 =	smov.u32 s25;
	s29 =	smov.u32 s26  }
0x3f: {  	p0 =	sne.s32 s25, $0x294;
	s25 =	sadd.s32 $0x14, s25;
	_ =	swait.ge [sflag:s20], $0x2800  }
0x40: {  	[sflag:s20] =	ssyncset.done $0x0  }
0x41: {  	[sflag:s20] =	ssyncadd.s32 $0xFFFFD800  }
0x42: {  	[spmem:s2] =	stream.indirect.scatter.add.f32 [tilespmem:s17], [sflag:$0x3], $0x80, s3, s21, $0xb8;
	[tilespmem:$0x19100] =	vst v63  }
0x43: {  	_ =	swait.ge [sflag:s16], $0x2800  }
0x44: {  	s31 =	sshrl.u32 s28, $0x3;
	[sflag:s16] =	ssyncset.done $0x0  }
0x45: {  	s31 =	sadd.s32 s4, s31;
	[sflag:s16] =	ssyncadd.s32 $0xFFFFD800  }
0x46: {  	[tilespmem:s3], [sflag:$0x3] =	stream.linear.gather [hbm4b:s31+s3], $0x50, $0x38;
	[tilespmem:$0x19100] =	vst v63  }
0x47: {  	_ =	swait.ge [sflag:s16], $0x50  }
0x48: {  	[sflag:s16] =	ssyncset.done $0x0  }
0x49: {  	s31 =	sadd.s32 $0xFFFFFB00, s26;
	[sflag:s16] =	ssyncadd.s32 $0xFFFFFFB0  }
0x4a: {  	[tilespmem:s17], [sflag:$0x1] =	stream.linear.gather [hbm4b:s31+s3], $0x2800, $0x38;
	[tilespmem:$0x19100] =	vst v63  }
0x4b: {  	_ =	swait.ge [sflag:s22], $0x2800  }
0x4c: {  	[sflag:s22] =	ssyncset.done $0x0  }
0x4d: {  	[sflag:s22] =	ssyncadd.s32 $0xFFFFD800  }
0x4e: {  	[spmem:s2] =	stream.indirect.scatter.add.f32 [tilespmem:s19], [sflag:$0x3], $0x80, s18, s21, $0xb8;
	[tilespmem:$0x19100] =	vst v63  }
0x4f: {  	_ =	swait.ge [sflag:s16], $0x2800  }
0x50: {  	[sflag:s16] =	ssyncset.done $0x0  }
.Ltmp0:
0x51: {  	s30 =	sadd.s32 s30, s13;
	[sflag:s16] =	ssyncadd.s32 $0xFFFFD800;
	(pc) =	sbr.rel @p0 .LBB2_2-.Ltmp0, $4  }
0x52: {  	[tilespmem:s18], [sflag:$0x3] =	stream.linear.gather [hbm4b:s30+s3], $0x50, $0x38;
	[tilespmem:$0x19100] =	vst v63  }
0x53: {  	_ =	swait.ge [sflag:s16], $0x50  }
0x54: {  	[sflag:s16] =	ssyncset.done $0x0  }
0x55: {  	s28 =	sadd.s32 $0xA0, s28;
	s26 =	sadd.s32 $0xA00, s26;
	[sflag:s16] =	ssyncadd.s32 $0xFFFFFFB0  }
0x56: {  	[tilespmem:s19], [sflag:$0x2] =	stream.linear.gather [hbm4b:s29+s3], $0x2800, $0x38;
	[tilespmem:$0x19100] =	vst v63  }
0x57: {  	_ =	swait.ge [sflag:s20], $0x2800  }
0x58: {  	[sflag:s20] =	ssyncset.done $0x0  }
0x59: {  	[sflag:s20] =	ssyncadd.s32 $0xFFFFD800  }
0x5a: {  	[spmem:s2] =	stream.indirect.scatter.add.f32 [tilespmem:s17], [sflag:$0x3], $0x80, s3, s21, $0xb8;
	[tilespmem:$0x19100] =	vst v63  }
0x5b: {  	_ =	swait.ge [sflag:s16], $0x2800  }
0x5c: {  	[sflag:s16] =	ssyncset.done $0x0  }
0x5d: {  	[sflag:s16] =	ssyncadd.s32 $0xFFFFD800  }
0x5e: {  	_ =	swait.ge [sflag:s22], $0x2800  }
0x5f: {  	[sflag:s22] =	ssyncset.done $0x0  }
0x60: {  	[sflag:s22] =	ssyncadd.s32 $0xFFFFD800  }
0x61: {  	[spmem:s2] =	stream.indirect.scatter.add.f32 [tilespmem:s19], [sflag:$0x3], $0x80, s18, s21, $0xb8;
	[tilespmem:$0x19100] =	vst v63  }
0x62: {  	_ =	swait.ge [sflag:s16], $0x2800  }
0x63: {  	s24 =	sadd.s32 $0x1, s24;
	[sflag:s16] =	ssyncset.done $0x0  }
0x64: {  	p0 =	sne.s32 s24, s11;
	[sflag:s16] =	ssyncadd.s32 $0xFFFFD800  }
.Ltmp1:
0x65: {  	[bflag:$0x0] =	sbarrier.arrive $0xFFFF;
	(pc) =	sbr.rel @p0 .LBB2_1-.Ltmp1, $4  }
0x66: {  	[hbm:s23], [sflag:s6] =	dma.local [spmem:s15], $0x2800  }
0x67: {  	_ =	swait.ge [sflag:s16], $0x2800  }
0x68: {  	[sflag:s16] =	ssyncset.done $0x0  }
0x69: {  	[sflag:s16] =	ssyncadd.s32 $0xFFFFD800  }
0x6a: {  	_ =	sfence.sel $0x180000  }
0x6b: {  	[bflag:$0x0] =	sbarrier.arrive $0xFFFF  }
0x6c: {  	p0 =	sne.s32 s1, $0x0;
	_ =	strace $0x90000053  }
0x6d: {  	s0 =	sadd.s32 @!p0 $0x100000, s0;
	[bflag:$0x2] =	sbarrier.arrive $0xFFFF  }
0x6e: {  	[sflag:s0] =	ssyncadd.tile.s32 @!p0 $0x1;
	_ =	shalt  }
.Lfunc_end2:
_tile_overlayer_lowered:
.L_overlay_start_2:
0x6f: {  	(tag) =	ssettag $0x2  }
0x70: {  	s0 =	rddreg [dreg:$0x0];
	s2 =	stileid.u32  }
0x71: {  	s1 =	rddreg [dreg:$0x1];
	p0 =	sne.s32 s2, $0x0  }
0x72: {  	s3 =	rddreg [dreg:$0x2];
	[bflag:$0x3] =	sbarrier.arrive $0xFFFF;
	s2 =	simm.s32 @!p0 $0x1C03  }
0x73: {  	[timem:s3], [sflag:s2] =	dma.local @!p0 [hbm:s0], s1  }
0x74: {  	s0 =	simm.s32 @!p0 $0x3  }
0x75: {  	_ =	swait.ge @!p0 [sflag:s0], s1  }
0x76: {  	s1 =	ssub.s32 @!p0 $0x0, s1;
	[sflag:s0] =	ssyncset.done @!p0 $0x0  }
0x77: {  	[sflag:s0] =	ssyncadd.s32 @!p0 s1  }
0x78: {  	[bflag:$0x3] =	sbarrier.arrive $0xFFFF  }
0x79: {  	_ =	shalt  }

// kernel: kernel.24.cloned.1.call-start
scs
__scs_entry_jumppad:
0x0: {  	(pc) =	sbr.rel $0x88, $3  }
0x1: {  	(tag) =	ssettag $0x0;
	lr =	simm.s32 $0x1  }
0x2: {  	[smem:$0x3F91] =	sst lr;
	_ =	strace $0xD0000000  }
0x3: {  	_ = 	snop  }
0x4: {  	_ = 	snop  }
0x5: {  	_ = 	snop  }
0x6: {  	_ = 	snop  }
0x7: {  	_ = 	snop  }
__scs_overlays_trampoline_lowered:
0x8: {  	[smem:$0x3FA0] =	sst s0  }
0x9: {  	[smem:$0x3FA1] =	sst s1  }
0xa: {  	[smem:$0x3FA2] =	sst s2  }
0xb: {  	[smem:$0x3FA3] =	sst s3  }
0xc: {  	[smem:$0x3FA4] =	sst s4  }
0xd: {  	[smem:$0x3FA5] =	sst s5  }
0xe: {  	[smem:$0x3FA6] =	sst s6  }
0xf: {  	[smem:$0x3FA7] =	sst s7  }
0x10: {  	[smem:$0x3FA8] =	sst s8  }
0x11: {  	[smem:$0x3FA9] =	sst s9;
	s0 =	simm.s32 @!p0 $0x0  }
0x12: {  	s1 =	sld [smem:$0x3F8F];
	s0 =	simm.s32 @p0 $0x1  }
0x13: {  	[smem:$0x3FAA] =	sst s0;
	s0 =	simm.s32 @!p1 $0x0  }
0x14: {  	s2 =	sld [smem:$0x3F8E];
	s0 =	simm.s32 @p1 $0x1  }
0x15: {  	[smem:$0x3FAB] =	sst s0;
	s0 =	simm.s32 @!p2 $0x0  }
0x16: {  	s3 =	sld [smem:$0x3FDB];
	s0 =	simm.s32 @p2 $0x1  }
0x17: {  	s4 =	simm.s32 $0x1BF5;
	[smem:$0x3FAD] =	sst s0  }
0x18: {  	s0 =	sld [smem:$0x3F90];
	_ =	swait.ge [sflag:s4], $0x0  }
0x19: {  	s7 =	sld [smem:$0x3F91]  }
0x1a: {  	s8 =	sadd.s32 $0xFFFFE003, lr  }
0x1b: {  	s9 =	sadd.s32 $0xFFFFFEF7, lr;
	s5 =	simm.s32 $0xFFFFFFFF;
	p2 =	slt.u32 s8, $0xFFFFF086  }
0x1c: {  	p1 =	slt.u32 s9, $0xF7A;
	s5 =	simm.s32 @!p2 $0x0  }
0x1d: {  	s5 =	simm.s32 @p1 $0x1;
	p0 =	seq.s32 s7, s2  }
0x1e: {  	s7 =	smul.u32 @!p0 $0xF7A, s2;
	p2 =	seq.s32 @!p0 s5, $0x0  }
0x1f: {  	s9 =	smul.u32 $0xF7A, s1;
	s8 =	simm.s32 @!p0 $0x1BF5;
	p2 =	por !p2, p0  }
0x20: {  	[sflag:s8] =	ssyncset.s32 @!p0 $0xFFFFF086;
	s6 =	sadd.s32 @!p0 s3, s7;
	s7 =	simm.s32 @!p0 $0x108  }
0x21: {  	s3 =	sadd.s32 s3, s9;
	s6 =	sadd.s32 @!p0 $0x88, s6;
	s7 =	simm.s32 @p2 $0x1082  }
0x22: {  	[simem:s7], [sflag:s8] =	dma.local @!p0 [hbm:s6], $0xF7A  }
0x23: {  	s9 =	sor.u32 $0xD0000000, s2;
	s6 =	simm.s32 $0x108;
	_ =	swait.ge @!p0 [sflag:s8], $0x0  }
0x24: {  	s3 =	sadd.s32 $0x88, s3;
	s6 =	simm.s32 @!p1 $0x1082;
	[sflag:s4] =	ssyncset.s32 $0xFFFFF086  }
0x25: {  	[simem:s6], [sflag:s4] =	dma.local [hbm:s3], $0xF7A  }
0x26: {  	[smem:$0x3F91] =	sst s1;
	(tag) =	ssettag s2;
	_ =	strace s9  }
0x27: {  	s1 =	sld [smem:$0x3FA1]  }
0x28: {  	s2 =	sld [smem:$0x3FA2]  }
0x29: {  	s4 =	sld [smem:$0x3FA4]  }
0x2a: {  	p0 =	seq.s32 s5, $0x0;
	s5 =	sld [smem:$0x3FA5]  }
0x2b: {  	s6 =	sld [smem:$0x3FA6]  }
0x2c: {  	s7 =	sld [smem:$0x3FA7]  }
0x2d: {  	s3 =	simm.s32 $0x108;
	s8 =	sld [smem:$0x3FA8]  }
0x2e: {  	s3 =	simm.s32 @!p0 $0x1082;
	s9 =	sld [smem:$0x3FA9]  }
0x2f: {  	lr =	sadd.s32 s0, s3;
	s0 =	sld [smem:$0x3FA0]  }
0x30: {  	s3 =	sld [smem:$0x3FA3]  }
0x31: {  	[smem:$0x3FAC] =	sst s10  }
0x32: {  	s10 =	sld [smem:$0x3FAA];
	_ =	sdelay $0x3  }
0x33: {  	p0 =	seq.s32 s10, $0x1;
	s10 =	sld [smem:$0x3FAC];
	_ =	sdelay $0x3  }
0x34: {  	[smem:$0x3FAC] =	sst s10  }
0x35: {  	s10 =	sld [smem:$0x3FAB];
	_ =	sdelay $0x3  }
0x36: {  	p1 =	seq.s32 s10, $0x1;
	s10 =	sld [smem:$0x3FAC];
	_ =	sdelay $0x3  }
0x37: {  	[smem:$0x3FAC] =	sst s10  }
0x38: {  	s10 =	sld [smem:$0x3FAD]  }
0x39: {  	_ = 	snop;
	(pc) =	sbr.ind lr, $3  }
0x3a: {  	_ = 	snop  }
0x3b: {  	_ = 	snop  }
0x3c: {  	p2 =	seq.s32 s10, $0x1;
	s10 =	sld [smem:$0x3FAC]  }
0x3d: {  	_ =	shalt  }
0x3e: {  	_ =	shalt  }
0x3f: {  	_ =	shalt  }
0x40: {  	_ =	shalt  }
0x41: {  	_ =	shalt  }
0x42: {  	_ =	shalt  }
0x43: {  	_ =	shalt  }
0x44: {  	_ =	shalt  }
0x45: {  	_ =	shalt  }
0x46: {  	_ =	shalt  }
0x47: {  	_ =	shalt  }
0x48: {  	_ =	shalt  }
0x49: {  	_ =	shalt  }
0x4a: {  	_ =	shalt  }
0x4b: {  	_ =	shalt  }
0x4c: {  	_ =	shalt  }
0x4d: {  	_ =	shalt  }
0x4e: {  	_ =	shalt  }
0x4f: {  	_ =	shalt  }
0x50: {  	_ =	shalt  }
0x51: {  	_ =	shalt  }
0x52: {  	_ =	shalt  }
0x53: {  	_ =	shalt  }
0x54: {  	_ =	shalt  }
0x55: {  	_ =	shalt  }
0x56: {  	_ =	shalt  }
0x57: {  	_ =	shalt  }
0x58: {  	_ =	shalt  }
0x59: {  	_ =	shalt  }
0x5a: {  	_ =	shalt  }
0x5b: {  	_ =	shalt  }
0x5c: {  	_ =	shalt  }
0x5d: {  	_ =	shalt  }
0x5e: {  	_ =	shalt  }
0x5f: {  	_ =	shalt  }
0x60: {  	_ =	shalt  }
0x61: {  	_ =	shalt  }
0x62: {  	_ =	shalt  }
0x63: {  	_ =	shalt  }
0x64: {  	_ =	shalt  }
0x65: {  	_ =	shalt  }
0x66: {  	_ =	shalt  }
0x67: {  	_ =	shalt  }
0x68: {  	_ =	shalt  }
0x69: {  	_ =	shalt  }
0x6a: {  	_ =	shalt  }
0x6b: {  	_ =	shalt  }
0x6c: {  	_ =	shalt  }
0x6d: {  	_ =	shalt  }
0x6e: {  	_ =	shalt  }
0x6f: {  	_ =	shalt  }
0x70: {  	_ =	shalt  }
0x71: {  	_ =	shalt  }
0x72: {  	_ =	shalt  }
0x73: {  	_ =	shalt  }
0x74: {  	_ =	shalt  }
0x75: {  	_ =	shalt  }
0x76: {  	_ =	shalt  }
0x77: {  	_ =	shalt  }
0x78: {  	_ =	shalt  }
0x79: {  	_ =	shalt  }
0x7a: {  	_ =	shalt  }
0x7b: {  	_ =	shalt  }
0x7c: {  	_ =	shalt  }
0x7d: {  	_ =	shalt  }
0x7e: {  	_ =	shalt  }
0x7f: {  	_ =	shalt  }
0x80: {  	_ =	shalt  }
0x81: {  	_ =	shalt  }
0x82: {  	_ =	shalt  }
0x83: {  	_ =	shalt  }
0x84: {  	_ =	shalt  }
0x85: {  	_ =	shalt  }
0x86: {  	_ =	shalt  }
0x87: {  	_ =	shalt  }
.Lfunc_end0:
.L_simem_size_0:
called_computation.4_lowered:
.L_overlay_start_0:
0x88: {  	s2 =	sld [smem:$0x3FD9]  }
0x89: {  	s3 =	sld [smem:$0x3FFE];
	_ =	sdelay $0x1  }
0x8a: {  	s1 =	srdreg.scid  }
0x8b: {  	s0 =	sand.u32 $0x1, s1  }
0x8c: {  	s17 =	sshll.u32 s0, $0xA;
	s2 =	sadd.s32 s3, s2  }
0x8d: {  	s2 =	sadd.s32 s2, s17  }
0x8e: {  	[smem:$0x3FB8] =	sst s2  }
0x8f: {  	_ = 	snop  }
0x90: {  	(tm) =	ssettm $0x1  }
0x91: {  	s18 =	sld [smem:$0x3FFB];
	_ =	sdelay $0x3  }
0x92: {  	_ =	strace s18  }
0x93: {  	s2 =	sld [smem:$0x3FFC];
	_ =	sdelay $0x3  }
0x94: {  	_ =	strace s2  }
0x95: {  	s2 =	sld [smem:$0x3FFD];
	_ =	sdelay $0x3  }
0x96: {  	_ =	strace s2  }
0x97: {  	_ =	strace $0x8FFFFFFF  }
0x98: {  	s19 =	sld [smem:$0x3FDB];
	_ =	sdelay $0x1  }
0x99: {  	s20 =	simm.s32 $_scs_section_size  }
0x9a: {  	s4 =	simm.s32 $_size__tile_overlayer_lowered;
	s5 =	simm.s32 $_tile_overlayer_lowered  }
0x9b: {  	s6 =	simm.s32 $0x1BFF;
	s21 =	sshll.u32 s5, $0x1;
	s3 =	sadd.s32 s20, s19  }
0x9c: {  	s22 =	simm.s32 $0x0;
	s4 =	sshll.u32 s4, $0x1;
	s5 =	sadd.s32 s21, s3  }
0x9d: {  	[timem:s22], [sflag:s6] =	dma.local [hbm:s5], s4  }
0x9e: {  	_ =	swait.ge [sflag:s6], s4  }
0x9f: {  	s4 =	ssub.s32 $0x0, s4;
	[sflag:s6] =	ssyncset.done $0x0  }
0xa0: {  	[sflag:s6] =	ssyncadd.s32 s4;
	_ =	sdelay $0x1  }
0xa1: {  	s23 =	simm.s32 $0x1B8B  }
0xa2: {  	_ =	swait.ge [sflag:s23], $0x1  }
0xa3: {  	[sflag:s23] =	ssyncset.done $0x0  }
0xa4: {  	[sflag:s23] =	ssyncadd.s32 $0xFFFFFFFF  }
0xa5: {  	s4 =	sld [smem:$0x0]  }
0xa6: {  	s5 =	sand.u32 $0xFFFFFFFE, s1  }
0xa7: {  	p0 =	sne.s32 s1, s5  }
0xa8: {  	s5 =	sshll.u32 @p0 s5, $0xE  }
0xa9: {  	s5 =	sadd.s32 @p0 $0x11B8D, s5;
	s6 =	sshll.u32 @p0 s4, $0x11  }
0xaa: {  	s5 =	sor.u32 @p0 s6, s5  }
0xab: {  	[sflag:s5] =	ssyncadd.remote.s32 @p0 $0x1;
	_ =	sdelay $0x1  }
0xac: {  	s5 =	simm.s32 @p0 $0x1B8D  }
0xad: {  	_ =	swait.eq @p0 [sflag:s5], $0x1  }
0xae: {  	[sflag:s5] =	ssyncadd.s32 @p0 $0xFFFFFFFF  }
0xaf: {  	s6 =	sshll.u32 @!p0 s1, $0xE  }
0xb0: {  	s6 =	sor.u32 @!p0 $0x4000, s6;
	s5 =	simm.s32 @!p0 $0x1B8D  }
0xb1: {  	s4 =	sshll.u32 @!p0 s4, $0x11;
	s6 =	sadd.s32 @!p0 $0x11B8D, s6;
	_ =	swait.eq @!p0 [sflag:s5], $0x1  }
0xb2: {  	s4 =	sor.u32 @!p0 s4, s6;
	[sflag:s5] =	ssyncadd.s32 @!p0 $0xFFFFFFFF  }
0xb3: {  	s25 =	simm.s32 $0x1B8E;
	s24 =	sld [smem:$0x3FFE];
	[sflag:s4] =	ssyncadd.remote.s32 @!p0 $0x1  }
0xb4: {  	s26 =	simm.s32 $execute0_lowered;
	[smem:$0x3FD2] =	sst s25  }
0xb5: {  	s5 =	sshll.u32 s26, $0x1;
	_ =	strace $0x8000004F;
	[dreg:$0x1] =	wrdreg $0xFFFFFFFF  }
0xb6: {  	s28 =	simm.s32 $_size_execute0_lowered;
	s3 =	sadd.s32 s3, s5;
	[dreg:$0x0] =	wrdreg $0x0  }
0xb7: {  	s5 =	sshll.u32 s28, $0x1;
	[dreg:$0x2] =	wrdreg s3  }
0xb8: {  	[dreg:$0x3] =	wrdreg s5  }
0xb9: {  	[dreg:$0x4] =	wrdreg $0xC0  }
0xba: {  	_ =	task [dreg:s22], $0x5FFFF  }
0xbb: {  	[dreg:$0x1] =	wrdreg $0xFFFFFFFF  }
0xbc: {  	[dreg:$0x0] =	wrdreg $0x60  }
0xbd: {  	[dreg:$0x2] =	wrdreg s24  }
0xbe: {  	[dreg:$0x3] =	wrdreg $0x51000  }
0xbf: {  	[dreg:$0x4] =	wrdreg $0xB  }
0xc0: {  	_ =	task.clear_ibuf [dreg:s22], $0x5FFFF;
	_ =	strace $0x9000004F  }
0xc1: {  	s29 =	simm.s32 $0xB;
	_ =	strace $0x80000051  }
0xc2: {  	_ =	swait.ge [sflag:s29], $0x1  }
0xc3: {  	[sflag:s29] =	ssyncadd.s32 $0xFFFFFFFF  }
0xc4: {  	_ =	strace $0x90000051  }
0xc5: {  	_ =	sfence  }
0xc6: {  	s30 =	sld [smem:$0x0];
	_ =	sdelay $0x2  }
0xc7: {  	s31 =	sshll.u32 s1, $0xD;
	s1 =	sshrl.u32 s1, $0x2  }
0xc8: {  	s4 =	sand.u32 $0x4000, s31;
	s1 =	sadd.s32 s1, s30  }
0xc9: {  	s0 =	sor.u32 s4, s0;
	s1 =	sshll.u32 s1, $0x11  }
0xca: {  	s0 =	sor.u32 s1, s0  }
0xcb: {  	s0 =	sadd.s32 $0x8F2B, s0  }
0xcc: {  	[sflag:s0] =	ssyncadd.remote.s32 $0x1  }
0xcd: {  	_ =	sfence.sel $0xFFFF  }
0xce: {  	[dreg:$0x0] =	wrdreg $0xFFFFFFFF;
	(pc) =	sbr.abs _section_cstart, $3  }
0xcf: {  	[dreg:$0x1] =	wrdreg $0xFFFFFFFF  }
0xd0: {  	_ =	task.clear_ibuf [dreg:s22], $0x2FFFF;
	_ =	strace $0x9FFFFFFF  }
0xd1: {  	(tm) =	ssettm $0x7FFFFFFF  }
tec
execute0_lowered:
.L_overlay_start_1:
0x0: {  	(tag) =	ssettag $0x1  }
0x1: {  	s4 =	rddreg [dreg:$0x0]  }
0x2: {  	s1 =	rddreg [dreg:$0x1];
	s2 =	stileid.u32  }
0x3: {  	s0 =	rddreg [dreg:$0x2];
	s24 =	smul.u32 $0x2800, s2  }
0x4: {  	s3 =	simm.s32 $0x0;
	s5 =	srdreg.scid;
	s8 =	smul.u32 $0x50000, s2  }
0x5: {  	s20 =	simm.s32 $0x2900;
	s21 =	simm.s32 $0x1;
	s17 =	smul.u32 $0x2260, s2  }
0x6: {  	s22 =	simm.s32 $0x50;
	s14 =	sand.u32 $0x1, s5;
	s31 =	smul.u32 $0x22600, s2  }
0x7: {  	[smem:$0x7FF] =	sst s3;
	s13 =	sadd.s32 $0xCEE600, s4;
	s5 =	smul.u32 $0x28000, s14  }
0x8: {  	s15 =	sadd.s32 $0xFA00, s4;
	s6 =	sshll.u32 s2, $0x1;
	s18 =	smul.u32 $0x1130, s14  }
0x9: {  	s7 =	ssub.s32 $0x2, s14;
	s6 =	sor.u32 s14, s6;
	s14 =	smul.u32 $0x11300, s14  }
0xa: {  	s28 =	sshll.u32 s2, $0x6;
	_ =	strace $0x80000050;
	s11 =	smul.u32 $0x1130, s6  }
0xb: {  	s9 =	sadd.s32 s24, s4;
	s10 =	sshrl.u32 s7, $0x1;
	s26 =	smul.u32 $0x11300, s6  }
0xc: {  	s23 =	sshrl.u32 s8, $0x2;
	s29 =	smul.u32 $0x89800, s6;
	s12 =	sadd.s32 s5, s4  }
0xd: {  	s10 =	ssub.s32 s7, s10;
	s16 =	sadd.s32 s23, s1;
	s4 =	sadd.s32 $0x40A00, s9  }
0xe: {  	s5 =	sor.u32 $0x1C03, s28;
	s17 =	sadd.s32 s18, s17;
	s18 =	sadd.s32 s31, s13  }
0xf: {  	s23 =	simm.s32 $0x2;
	s25 =	sshrl.u32 s11, $0x3;
	s7 =	sadd.s32 s13, s26  }
0x10: {  	s30 =	sshrl.u32 s29, $0x3;
	s10 =	smax.u32 s10, $0x1;
	s19 =	sadd.s32 $0x2BCF0, s17  }
0x11: {  	s17 =	sadd.s32 $0x2BCA0, s17;
	s14 =	sadd.s32 s14, s18;
	s16 =	sshrl.u32 s16, $0x3  }
0x12: {  	s18 =	simm.s32 $0x100;
	s11 =	sadd.s32 s15, s25;
	s9 =	sadd.s32 s13, s30  }
0x13: {  	s25 =	sadd.s32 $0xF14600, s12;
	s12 =	sadd.s32 $0x10E00, s7;
	s19 =	sshrl.u32 s19, $0x3  }
0x14: {  	s17 =	sshrl.u32 s17, $0x3;
	s14 =	sadd.s32 $0xF00, s14;
	s6 =	sadd.s32 $0x5780, s11  }
0x15: {  	s8 =	sadd.s32 $0x578A, s11;
	s9 =	sadd.s32 $0x500, s9;
	s11 =	sadd.s32 $0x599C, s11  }
0x16: {  	s13 =	sadd.s32 s19, s15;
	s15 =	sadd.s32 s17, s15;
	s17 =	simm.s32 $0x3  }
0x17: {  	s19 =	simm.s32 $0x80;
	s24 =	sadd.s32 s24, s25;
	s25 =	simm.s32 $0x0  }
.LBB2_1:
0x18: {  	[spmem:s16], [sflag:s5] =	dma.local [hbm:s4], $0x2800  }
0x19: {  	_ =	swait.ge [sflag:s17], $0x2800  }
0x1a: {  	[sflag:s17] =	ssyncset.done $0x0  }
0x1b: {  	[sflag:s17] =	ssyncadd.s32 $0xFFFFD800  }
0x1c: {  	[bflag:$0x0] =	sbarrier.arrive $0xFFFF  }
0x1d: {  	[tilespmem:s3], [sflag:$0x3] =	stream.linear.gather [hbm4b:s6+s3], $0x50, $0x38;
	[tilespmem:$0x19100] =	vst v63  }
0x1e: {  	_ =	swait.ge [sflag:s17], $0x50  }
0x1f: {  	[sflag:s17] =	ssyncset.done $0x0  }
0x20: {  	[sflag:s17] =	ssyncadd.s32 $0xFFFFFFB0  }
0x21: {  	[tilespmem:s18], [sflag:$0x1] =	stream.linear.gather [hbm4b:s7+s3], $0x2800, $0x38;
	[tilespmem:$0x19100] =	vst v63  }
0x22: {  	_ = 	snop  }
0x23: {  	[tilespmem:s19], [sflag:$0x3] =	stream.linear.gather [hbm4b:s8+s3], $0x50, $0x38;
	[tilespmem:$0x19100] =	vst v63  }
0x24: {  	_ =	swait.ge [sflag:s17], $0x50  }
0x25: {  	[sflag:s17] =	ssyncset.done $0x0  }
0x26: {  	[sflag:s17] =	ssyncadd.s32 $0xFFFFFFB0  }
0x27: {  	[tilespmem:s20], [sflag:$0x2] =	stream.linear.gather [hbm4b:s9+s3], $0x2800, $0x38;
	[tilespmem:$0x19100] =	vst v63  }
0x28: {  	_ =	swait.ge [sflag:s21], $0x2800  }
0x29: {  	[sflag:s21] =	ssyncset.done $0x0  }
0x2a: {  	[sflag:s21] =	ssyncadd.s32 $0xFFFFD800  }
0x2b: {  	[spmem:s1] =	stream.indirect.scatter.add.f32 [tilespmem:s18], [sflag:$0x3], $0x80, s3, s22, $0xb8;
	[tilespmem:$0x19100] =	vst v63  }
0x2c: {  	_ =	swait.ge [sflag:s17], $0x2800  }
0x2d: {  	[sflag:s17] =	ssyncset.done $0x0  }
0x2e: {  	s26 =	sadd.s32 $0x0, s15;
	[sflag:s17] =	ssyncadd.s32 $0xFFFFD800  }
0x2f: {  	[tilespmem:s3], [sflag:$0x3] =	stream.linear.gather [hbm4b:s26+s3], $0x50, $0x38;
	[tilespmem:$0x19100] =	vst v63  }
0x30: {  	_ =	swait.ge [sflag:s17], $0x50  }
0x31: {  	[sflag:s17] =	ssyncset.done $0x0  }
0x32: {  	s30 =	sadd.s32 $0xFFFFFB00, s14;
	[sflag:s17] =	ssyncadd.s32 $0xFFFFFFB0  }
0x33: {  	[tilespmem:s18], [sflag:$0x1] =	stream.linear.gather [hbm4b:s30+s3], $0x2800, $0x38;
	[tilespmem:$0x19100] =	vst v63  }
0x34: {  	_ =	swait.ge [sflag:s23], $0x2800  }
0x35: {  	[sflag:s23] =	ssyncset.done $0x0  }
0x36: {  	[sflag:s23] =	ssyncadd.s32 $0xFFFFD800  }
0x37: {  	[spmem:s1] =	stream.indirect.scatter.add.f32 [tilespmem:s20], [sflag:$0x3], $0x80, s19, s22, $0xb8;
	[tilespmem:$0x19100] =	vst v63  }
0x38: {  	_ =	swait.ge [sflag:s17], $0x2800  }
0x39: {  	[sflag:s17] =	ssyncset.done $0x0  }
0x3a: {  	s31 =	sadd.s32 $0x0, s13;
	[sflag:s17] =	ssyncadd.s32 $0xFFFFD800  }
0x3b: {  	[tilespmem:s19], [sflag:$0x3] =	stream.linear.gather [hbm4b:s31+s3], $0x50, $0x38;
	[tilespmem:$0x19100] =	vst v63  }
0x3c: {  	_ =	swait.ge [sflag:s17], $0x50  }
0x3d: {  	s28 =	sadd.s32 $0xA00, s14;
	[sflag:s17] =	ssyncset.done $0x0  }
0x3e: {  	s29 =	smov.u32 s14;
	s26 =	simm.s32 $0x14;
	[sflag:s17] =	ssyncadd.s32 $0xFFFFFFB0  }
.LBB2_2:
0x3f: {  	[tilespmem:s20], [sflag:$0x2] =	stream.linear.gather [hbm4b:s29+s3], $0x2800, $0x38;
	[tilespmem:$0x19100] =	vst v63  }
0x40: {  	s30 =	smov.u32 s26;
	s29 =	smov.u32 s28  }
0x41: {  	p0 =	sne.s32 s26, $0x1F4;
	s26 =	sadd.s32 $0x14, s26;
	_ =	swait.ge [sflag:s21], $0x2800  }
0x42: {  	[sflag:s21] =	ssyncset.done $0x0  }
0x43: {  	[sflag:s21] =	ssyncadd.s32 $0xFFFFD800  }
0x44: {  	[spmem:s1] =	stream.indirect.scatter.add.f32 [tilespmem:s18], [sflag:$0x3], $0x80, s3, s22, $0xb8;
	[tilespmem:$0x19100] =	vst v63  }
0x45: {  	_ =	swait.ge [sflag:s17], $0x2800  }
0x46: {  	[sflag:s17] =	ssyncset.done $0x0  }
0x47: {  	s31 =	sadd.s32 s30, s15;
	[sflag:s17] =	ssyncadd.s32 $0xFFFFD800  }
0x48: {  	[tilespmem:s3], [sflag:$0x3] =	stream.linear.gather [hbm4b:s31+s3], $0x50, $0x38;
	[tilespmem:$0x19100] =	vst v63  }
0x49: {  	_ =	swait.ge [sflag:s17], $0x50  }
0x4a: {  	[sflag:s17] =	ssyncset.done $0x0  }
0x4b: {  	s31 =	sadd.s32 $0xFFFFFB00, s28;
	[sflag:s17] =	ssyncadd.s32 $0xFFFFFFB0  }
0x4c: {  	[tilespmem:s18], [sflag:$0x1] =	stream.linear.gather [hbm4b:s31+s3], $0x2800, $0x38;
	[tilespmem:$0x19100] =	vst v63  }
0x4d: {  	_ =	swait.ge [sflag:s23], $0x2800  }
0x4e: {  	[sflag:s23] =	ssyncset.done $0x0  }
0x4f: {  	[sflag:s23] =	ssyncadd.s32 $0xFFFFD800  }
0x50: {  	[spmem:s1] =	stream.indirect.scatter.add.f32 [tilespmem:s20], [sflag:$0x3], $0x80, s19, s22, $0xb8;
	[tilespmem:$0x19100] =	vst v63  }
0x51: {  	_ =	swait.ge [sflag:s17], $0x2800  }
0x52: {  	[sflag:s17] =	ssyncset.done $0x0  }
.Ltmp0:
0x53: {  	s30 =	sadd.s32 s30, s13;
	[sflag:s17] =	ssyncadd.s32 $0xFFFFD800;
	(pc) =	sbr.rel @p0 .LBB2_2-.Ltmp0, $4  }
0x54: {  	[tilespmem:s19], [sflag:$0x3] =	stream.linear.gather [hbm4b:s30+s3], $0x50, $0x38;
	[tilespmem:$0x19100] =	vst v63  }
0x55: {  	_ =	swait.ge [sflag:s17], $0x50  }
0x56: {  	[sflag:s17] =	ssyncset.done $0x0  }
0x57: {  	s28 =	sadd.s32 $0xA00, s28;
	[sflag:s17] =	ssyncadd.s32 $0xFFFFFFB0  }
0x58: {  	[tilespmem:s20], [sflag:$0x2] =	stream.linear.gather [hbm4b:s29+s3], $0x2800, $0x38;
	[tilespmem:$0x19100] =	vst v63  }
0x59: {  	_ =	swait.ge [sflag:s21], $0x2800  }
0x5a: {  	[sflag:s21] =	ssyncset.done $0x0  }
0x5b: {  	[sflag:s21] =	ssyncadd.s32 $0xFFFFD800  }
0x5c: {  	[spmem:s1] =	stream.indirect.scatter.add.f32 [tilespmem:s18], [sflag:$0x3], $0x80, s3, s22, $0xb8;
	[tilespmem:$0x19100] =	vst v63  }
0x5d: {  	_ =	swait.ge [sflag:s17], $0x2800  }
0x5e: {  	[sflag:s17] =	ssyncset.done $0x0  }
0x5f: {  	[sflag:s17] =	ssyncadd.s32 $0xFFFFD800  }
0x60: {  	[tilespmem:s3], [sflag:$0x3] =	stream.linear.gather [hbm4b:s11+s3], $0x50, $0x38;
	[tilespmem:$0x19100] =	vst v63  }
0x61: {  	_ =	swait.ge [sflag:s17], $0x50  }
0x62: {  	[sflag:s17] =	ssyncset.done $0x0  }
0x63: {  	[sflag:s17] =	ssyncadd.s32 $0xFFFFFFB0  }
0x64: {  	[tilespmem:s18], [sflag:$0x1] =	stream.linear.gather [hbm4b:s12+s3], $0x2800, $0x38;
	[tilespmem:$0x19100] =	vst v63  }
0x65: {  	_ =	swait.ge [sflag:s23], $0x2800  }
0x66: {  	[sflag:s23] =	ssyncset.done $0x0  }
0x67: {  	[sflag:s23] =	ssyncadd.s32 $0xFFFFD800  }
0x68: {  	[spmem:s1] =	stream.indirect.scatter.add.f32 [tilespmem:s20], [sflag:$0x3], $0x80, s19, s22, $0xb8;
	[tilespmem:$0x19100] =	vst v63  }
0x69: {  	_ =	swait.ge [sflag:s17], $0x2800  }
0x6a: {  	[sflag:s17] =	ssyncset.done $0x0  }
0x6b: {  	[sflag:s17] =	ssyncadd.s32 $0xFFFFD800  }
0x6c: {  	_ =	swait.ge [sflag:s21], $0x2800  }
0x6d: {  	[sflag:s21] =	ssyncset.done $0x0  }
0x6e: {  	[sflag:s21] =	ssyncadd.s32 $0xFFFFD800  }
0x6f: {  	[spmem:s1] =	stream.indirect.scatter.add.f32 [tilespmem:s18], [sflag:$0x3], $0x80, s3, s22, $0xb8;
	[tilespmem:$0x19100] =	vst v63  }
0x70: {  	_ =	swait.ge [sflag:s17], $0x2800  }
0x71: {  	s25 =	sadd.s32 $0x1, s25;
	[sflag:s17] =	ssyncset.done $0x0  }
0x72: {  	p0 =	sne.s32 s25, s10;
	[sflag:s17] =	ssyncadd.s32 $0xFFFFD800  }
.Ltmp1:
0x73: {  	[bflag:$0x0] =	sbarrier.arrive $0xFFFF;
	(pc) =	sbr.rel @p0 .LBB2_1-.Ltmp1, $4  }
0x74: {  	[hbm:s24], [sflag:s5] =	dma.local [spmem:s16], $0x2800  }
0x75: {  	_ =	swait.ge [sflag:s17], $0x2800  }
0x76: {  	[sflag:s17] =	ssyncset.done $0x0  }
0x77: {  	[sflag:s17] =	ssyncadd.s32 $0xFFFFD800  }
0x78: {  	_ =	sfence.sel $0x180000  }
0x79: {  	[bflag:$0x0] =	sbarrier.arrive $0xFFFF  }
0x7a: {  	p0 =	sne.s32 s2, $0x0;
	_ =	strace $0x90000050  }
0x7b: {  	s0 =	sadd.s32 @!p0 $0x100000, s0;
	[bflag:$0x2] =	sbarrier.arrive $0xFFFF  }
0x7c: {  	[sflag:s0] =	ssyncadd.tile.s32 @!p0 $0x1;
	_ =	shalt  }
.Lfunc_end2:
_tile_overlayer_lowered:
.L_overlay_start_2:
0x7d: {  	(tag) =	ssettag $0x2  }
0x7e: {  	s0 =	rddreg [dreg:$0x0];
	s2 =	stileid.u32  }
0x7f: {  	s1 =	rddreg [dreg:$0x1];
	p0 =	sne.s32 s2, $0x0  }
0x80: {  	s3 =	rddreg [dreg:$0x2];
	[bflag:$0x3] =	sbarrier.arrive $0xFFFF;
	s2 =	simm.s32 @!p0 $0x1C03  }
0x81: {  	[timem:s3], [sflag:s2] =	dma.local @!p0 [hbm:s0], s1  }
0x82: {  	s0 =	simm.s32 @!p0 $0x3  }
0x83: {  	_ =	swait.ge @!p0 [sflag:s0], s1  }
0x84: {  	s1 =	ssub.s32 @!p0 $0x0, s1;
	[sflag:s0] =	ssyncset.done @!p0 $0x0  }
0x85: {  	[sflag:s0] =	ssyncadd.s32 @!p0 s1  }
0x86: {  	[bflag:$0x3] =	sbarrier.arrive $0xFFFF  }
0x87: {  	_ =	shalt  }

// kernel: kernel.27.cloned.1.call-start
scs
__scs_entry_jumppad:
0x0: {  	(pc) =	sbr.rel $0x88, $3  }
0x1: {  	(tag) =	ssettag $0x0;
	lr =	simm.s32 $0x1  }
0x2: {  	[smem:$0x3F91] =	sst lr;
	_ =	strace $0xD0000000  }
0x3: {  	_ = 	snop  }
0x4: {  	_ = 	snop  }
0x5: {  	_ = 	snop  }
0x6: {  	_ = 	snop  }
0x7: {  	_ = 	snop  }
__scs_overlays_trampoline_lowered:
0x8: {  	[smem:$0x3FA0] =	sst s0  }
0x9: {  	[smem:$0x3FA1] =	sst s1  }
0xa: {  	[smem:$0x3FA2] =	sst s2  }
0xb: {  	[smem:$0x3FA3] =	sst s3  }
0xc: {  	[smem:$0x3FA4] =	sst s4  }
0xd: {  	[smem:$0x3FA5] =	sst s5  }
0xe: {  	[smem:$0x3FA6] =	sst s6  }
0xf: {  	[smem:$0x3FA7] =	sst s7  }
0x10: {  	[smem:$0x3FA8] =	sst s8  }
0x11: {  	[smem:$0x3FA9] =	sst s9;
	s0 =	simm.s32 @!p0 $0x0  }
0x12: {  	s1 =	sld [smem:$0x3F8F];
	s0 =	simm.s32 @p0 $0x1  }
0x13: {  	[smem:$0x3FAA] =	sst s0;
	s0 =	simm.s32 @!p1 $0x0  }
0x14: {  	s2 =	sld [smem:$0x3F8E];
	s0 =	simm.s32 @p1 $0x1  }
0x15: {  	[smem:$0x3FAB] =	sst s0;
	s0 =	simm.s32 @!p2 $0x0  }
0x16: {  	s3 =	sld [smem:$0x3FDB];
	s0 =	simm.s32 @p2 $0x1  }
0x17: {  	s4 =	simm.s32 $0x1BF5;
	[smem:$0x3FAD] =	sst s0  }
0x18: {  	s0 =	sld [smem:$0x3F90];
	_ =	swait.ge [sflag:s4], $0x0  }
0x19: {  	s7 =	sld [smem:$0x3F91]  }
0x1a: {  	s8 =	sadd.s32 $0xFFFFE003, lr  }
0x1b: {  	s9 =	sadd.s32 $0xFFFFFEF7, lr;
	s5 =	simm.s32 $0xFFFFFFFF;
	p2 =	slt.u32 s8, $0xFFFFF086  }
0x1c: {  	p1 =	slt.u32 s9, $0xF7A;
	s5 =	simm.s32 @!p2 $0x0  }
0x1d: {  	s5 =	simm.s32 @p1 $0x1;
	p0 =	seq.s32 s7, s2  }
0x1e: {  	s7 =	smul.u32 @!p0 $0xF7A, s2;
	p2 =	seq.s32 @!p0 s5, $0x0  }
0x1f: {  	s9 =	smul.u32 $0xF7A, s1;
	s8 =	simm.s32 @!p0 $0x1BF5;
	p2 =	por !p2, p0  }
0x20: {  	[sflag:s8] =	ssyncset.s32 @!p0 $0xFFFFF086;
	s6 =	sadd.s32 @!p0 s3, s7;
	s7 =	simm.s32 @!p0 $0x108  }
0x21: {  	s3 =	sadd.s32 s3, s9;
	s6 =	sadd.s32 @!p0 $0x88, s6;
	s7 =	simm.s32 @p2 $0x1082  }
0x22: {  	[simem:s7], [sflag:s8] =	dma.local @!p0 [hbm:s6], $0xF7A  }
0x23: {  	s9 =	sor.u32 $0xD0000000, s2;
	s6 =	simm.s32 $0x108;
	_ =	swait.ge @!p0 [sflag:s8], $0x0  }
0x24: {  	s3 =	sadd.s32 $0x88, s3;
	s6 =	simm.s32 @!p1 $0x1082;
	[sflag:s4] =	ssyncset.s32 $0xFFFFF086  }
0x25: {  	[simem:s6], [sflag:s4] =	dma.local [hbm:s3], $0xF7A  }
0x26: {  	[smem:$0x3F91] =	sst s1;
	(tag) =	ssettag s2;
	_ =	strace s9  }
0x27: {  	s1 =	sld [smem:$0x3FA1]  }
0x28: {  	s2 =	sld [smem:$0x3FA2]  }
0x29: {  	s4 =	sld [smem:$0x3FA4]  }
0x2a: {  	p0 =	seq.s32 s5, $0x0;
	s5 =	sld [smem:$0x3FA5]  }
0x2b: {  	s6 =	sld [smem:$0x3FA6]  }
0x2c: {  	s7 =	sld [smem:$0x3FA7]  }
0x2d: {  	s3 =	simm.s32 $0x108;
	s8 =	sld [smem:$0x3FA8]  }
0x2e: {  	s3 =	simm.s32 @!p0 $0x1082;
	s9 =	sld [smem:$0x3FA9]  }
0x2f: {  	lr =	sadd.s32 s0, s3;
	s0 =	sld [smem:$0x3FA0]  }
0x30: {  	s3 =	sld [smem:$0x3FA3]  }
0x31: {  	[smem:$0x3FAC] =	sst s10  }
0x32: {  	s10 =	sld [smem:$0x3FAA];
	_ =	sdelay $0x3  }
0x33: {  	p0 =	seq.s32 s10, $0x1;
	s10 =	sld [smem:$0x3FAC];
	_ =	sdelay $0x3  }
0x34: {  	[smem:$0x3FAC] =	sst s10  }
0x35: {  	s10 =	sld [smem:$0x3FAB];
	_ =	sdelay $0x3  }
0x36: {  	p1 =	seq.s32 s10, $0x1;
	s10 =	sld [smem:$0x3FAC];
	_ =	sdelay $0x3  }
0x37: {  	[smem:$0x3FAC] =	sst s10  }
0x38: {  	s10 =	sld [smem:$0x3FAD]  }
0x39: {  	_ = 	snop;
	(pc) =	sbr.ind lr, $3  }
0x3a: {  	_ = 	snop  }
0x3b: {  	_ = 	snop  }
0x3c: {  	p2 =	seq.s32 s10, $0x1;
	s10 =	sld [smem:$0x3FAC]  }
0x3d: {  	_ =	shalt  }
0x3e: {  	_ =	shalt  }
0x3f: {  	_ =	shalt  }
0x40: {  	_ =	shalt  }
0x41: {  	_ =	shalt  }
0x42: {  	_ =	shalt  }
0x43: {  	_ =	shalt  }
0x44: {  	_ =	shalt  }
0x45: {  	_ =	shalt  }
0x46: {  	_ =	shalt  }
0x47: {  	_ =	shalt  }
0x48: {  	_ =	shalt  }
0x49: {  	_ =	shalt  }
0x4a: {  	_ =	shalt  }
0x4b: {  	_ =	shalt  }
0x4c: {  	_ =	shalt  }
0x4d: {  	_ =	shalt  }
0x4e: {  	_ =	shalt  }
0x4f: {  	_ =	shalt  }
0x50: {  	_ =	shalt  }
0x51: {  	_ =	shalt  }
0x52: {  	_ =	shalt  }
0x53: {  	_ =	shalt  }
0x54: {  	_ =	shalt  }
0x55: {  	_ =	shalt  }
0x56: {  	_ =	shalt  }
0x57: {  	_ =	shalt  }
0x58: {  	_ =	shalt  }
0x59: {  	_ =	shalt  }
0x5a: {  	_ =	shalt  }
0x5b: {  	_ =	shalt  }
0x5c: {  	_ =	shalt  }
0x5d: {  	_ =	shalt  }
0x5e: {  	_ =	shalt  }
0x5f: {  	_ =	shalt  }
0x60: {  	_ =	shalt  }
0x61: {  	_ =	shalt  }
0x62: {  	_ =	shalt  }
0x63: {  	_ =	shalt  }
0x64: {  	_ =	shalt  }
0x65: {  	_ =	shalt  }
0x66: {  	_ =	shalt  }
0x67: {  	_ =	shalt  }
0x68: {  	_ =	shalt  }
0x69: {  	_ =	shalt  }
0x6a: {  	_ =	shalt  }
0x6b: {  	_ =	shalt  }
0x6c: {  	_ =	shalt  }
0x6d: {  	_ =	shalt  }
0x6e: {  	_ =	shalt  }
0x6f: {  	_ =	shalt  }
0x70: {  	_ =	shalt  }
0x71: {  	_ =	shalt  }
0x72: {  	_ =	shalt  }
0x73: {  	_ =	shalt  }
0x74: {  	_ =	shalt  }
0x75: {  	_ =	shalt  }
0x76: {  	_ =	shalt  }
0x77: {  	_ =	shalt  }
0x78: {  	_ =	shalt  }
0x79: {  	_ =	shalt  }
0x7a: {  	_ =	shalt  }
0x7b: {  	_ =	shalt  }
0x7c: {  	_ =	shalt  }
0x7d: {  	_ =	shalt  }
0x7e: {  	_ =	shalt  }
0x7f: {  	_ =	shalt  }
0x80: {  	_ =	shalt  }
0x81: {  	_ =	shalt  }
0x82: {  	_ =	shalt  }
0x83: {  	_ =	shalt  }
0x84: {  	_ =	shalt  }
0x85: {  	_ =	shalt  }
0x86: {  	_ =	shalt  }
0x87: {  	_ =	shalt  }
.Lfunc_end0:
.L_simem_size_0:
called_computation.5_lowered:
.L_overlay_start_0:
0x88: {  	s2 =	sld [smem:$0x3FD9]  }
0x89: {  	s3 =	sld [smem:$0x3FFE];
	_ =	sdelay $0x1  }
0x8a: {  	s1 =	srdreg.scid  }
0x8b: {  	s0 =	sand.u32 $0x1, s1  }
0x8c: {  	s16 =	sshll.u32 s0, $0xA;
	s2 =	sadd.s32 s3, s2  }
0x8d: {  	s2 =	sadd.s32 s2, s16  }
0x8e: {  	[smem:$0x3FB8] =	sst s2  }
0x8f: {  	_ = 	snop  }
0x90: {  	(tm) =	ssettm $0x1  }
0x91: {  	s17 =	sld [smem:$0x3FFB];
	_ =	sdelay $0x3  }
0x92: {  	_ =	strace s17  }
0x93: {  	s2 =	sld [smem:$0x3FFC];
	_ =	sdelay $0x3  }
0x94: {  	_ =	strace s2  }
0x95: {  	s2 =	sld [smem:$0x3FFD];
	_ =	sdelay $0x3  }
0x96: {  	_ =	strace s2  }
0x97: {  	_ =	strace $0x8FFFFFFF  }
0x98: {  	s18 =	sld [smem:$0x3FDB];
	_ =	sdelay $0x1  }
0x99: {  	s19 =	simm.s32 $_scs_section_size  }
0x9a: {  	s4 =	simm.s32 $_size__tile_overlayer_lowered;
	s5 =	simm.s32 $_tile_overlayer_lowered  }
0x9b: {  	s22 =	simm.s32 $0x1BFF;
	s21 =	sshll.u32 s5, $0x1;
	s2 =	sadd.s32 s19, s18  }
0x9c: {  	s6 =	simm.s32 $0x0;
	s20 =	sshll.u32 s4, $0x1;
	s4 =	sadd.s32 s21, s2  }
0x9d: {  	[timem:s6], [sflag:s22] =	dma.local [hbm:s4], s20  }
0x9e: {  	_ =	swait.ge [sflag:s22], s20  }
0x9f: {  	s3 =	ssub.s32 $0x0, s20;
	[sflag:s22] =	ssyncset.done $0x0  }
0xa0: {  	[sflag:s22] =	ssyncadd.s32 s3;
	_ =	sdelay $0x1  }
0xa1: {  	s23 =	simm.s32 $0x1B8B  }
0xa2: {  	_ =	swait.ge [sflag:s23], $0x1  }
0xa3: {  	[sflag:s23] =	ssyncset.done $0x0  }
0xa4: {  	s25 =	simm.s32 $0x1B8E;
	s24 =	sld [smem:$0x3FFE];
	[sflag:s23] =	ssyncadd.s32 $0xFFFFFFFF  }
0xa5: {  	s26 =	simm.s32 $execute0_lowered;
	[smem:$0x3FD2] =	sst s25  }
0xa6: {  	s4 =	sshll.u32 s26, $0x1;
	_ =	strace $0x8000004C;
	[dreg:$0x1] =	wrdreg $0xFFFFFFFF  }
0xa7: {  	s28 =	simm.s32 $_size_execute0_lowered;
	s2 =	sadd.s32 s2, s4;
	[dreg:$0x0] =	wrdreg $0x0  }
0xa8: {  	s4 =	sshll.u32 s28, $0x1;
	[dreg:$0x2] =	wrdreg s2  }
0xa9: {  	[dreg:$0x3] =	wrdreg s4  }
0xaa: {  	[dreg:$0x4] =	wrdreg $0xC0  }
0xab: {  	_ =	task [dreg:s6], $0x5FFFF  }
0xac: {  	[dreg:$0x1] =	wrdreg $0xFFFFFFFF  }
0xad: {  	[dreg:$0x0] =	wrdreg $0x60  }
0xae: {  	[dreg:$0x2] =	wrdreg s24  }
0xaf: {  	[dreg:$0x3] =	wrdreg $0x51000  }
0xb0: {  	[dreg:$0x4] =	wrdreg $0xC  }
0xb1: {  	_ =	task.clear_ibuf [dreg:s6], $0x5FFFF;
	_ =	strace $0x9000004C  }
0xb2: {  	s29 =	simm.s32 $0xC;
	_ =	strace $0x8000004E  }
0xb3: {  	_ =	swait.ge [sflag:s29], $0x1  }
0xb4: {  	[sflag:s29] =	ssyncadd.s32 $0xFFFFFFFF  }
0xb5: {  	_ =	strace $0x9000004E  }
0xb6: {  	_ =	sfence  }
0xb7: {  	s30 =	sld [smem:$0x0];
	_ =	sdelay $0x2  }
0xb8: {  	s31 =	sshll.u32 s1, $0xD;
	s1 =	sshrl.u32 s1, $0x2  }
0xb9: {  	s3 =	sand.u32 $0x4000, s31;
	s1 =	sadd.s32 s1, s30  }
0xba: {  	s0 =	sor.u32 s3, s0;
	s1 =	sshll.u32 s1, $0x11  }
0xbb: {  	s0 =	sor.u32 s1, s0  }
0xbc: {  	s0 =	sadd.s32 $0x8F2B, s0  }
0xbd: {  	[sflag:s0] =	ssyncadd.remote.s32 $0x1  }
0xbe: {  	_ =	sfence.sel $0xFFFF  }
0xbf: {  	[dreg:$0x0] =	wrdreg $0xFFFFFFFF;
	(pc) =	sbr.abs _section_cstart, $3  }
0xc0: {  	[dreg:$0x1] =	wrdreg $0xFFFFFFFF  }
0xc1: {  	_ =	task.clear_ibuf [dreg:s6], $0x2FFFF;
	_ =	strace $0x9FFFFFFF  }
0xc2: {  	(tm) =	ssettm $0x7FFFFFFF  }
0xc3: {  	_ =	shalt  }
tec
execute0_lowered:
.L_overlay_start_1:
0x0: {  	(tag) =	ssettag $0x1  }
0x1: {  	s4 =	rddreg [dreg:$0x0]  }
0x2: {  	s1 =	rddreg [dreg:$0x1];
	s2 =	stileid.u32  }
0x3: {  	s0 =	rddreg [dreg:$0x2];
	s24 =	smul.u32 $0x2800, s2  }
0x4: {  	s3 =	simm.s32 $0x0;
	s5 =	srdreg.scid;
	s8 =	smul.u32 $0x50000, s2  }
0x5: {  	s20 =	simm.s32 $0x2900;
	s21 =	simm.s32 $0x1;
	s17 =	smul.u32 $0x2260, s2  }
0x6: {  	s22 =	simm.s32 $0x50;
	s14 =	sand.u32 $0x1, s5;
	s31 =	smul.u32 $0x22600, s2  }
0x7: {  	[smem:$0x7FF] =	sst s3;
	s13 =	sadd.s32 $0xAC8600, s4;
	s5 =	smul.u32 $0x28000, s14  }
0x8: {  	s15 =	sadd.s32 $0xFA00, s4;
	s6 =	sshll.u32 s2, $0x1;
	s18 =	smul.u32 $0x1130, s14  }
0x9: {  	s7 =	ssub.s32 $0x2, s14;
	s6 =	sor.u32 s14, s6;
	s14 =	smul.u32 $0x11300, s14  }
0xa: {  	s28 =	sshll.u32 s2, $0x6;
	_ =	strace $0x8000004D;
	s11 =	smul.u32 $0x1130, s6  }
0xb: {  	s9 =	sadd.s32 s24, s4;
	s10 =	sshrl.u32 s7, $0x1;
	s26 =	smul.u32 $0x11300, s6  }
0xc: {  	s23 =	sshrl.u32 s8, $0x2;
	s29 =	smul.u32 $0x89800, s6;
	s12 =	sadd.s32 s5, s4  }
0xd: {  	s10 =	ssub.s32 s7, s10;
	s16 =	sadd.s32 s23, s1;
	s4 =	sadd.s32 $0x40A00, s9  }
0xe: {  	s5 =	sor.u32 $0x1C03, s28;
	s17 =	sadd.s32 s18, s17;
	s18 =	sadd.s32 s31, s13  }
0xf: {  	s23 =	simm.s32 $0x2;
	s25 =	sshrl.u32 s11, $0x3;
	s7 =	sadd.s32 s13, s26  }
0x10: {  	s30 =	sshrl.u32 s29, $0x3;
	s10 =	smax.u32 s10, $0x1;
	s19 =	sadd.s32 $0x2BCF0, s17  }
0x11: {  	s17 =	sadd.s32 $0x2BCA0, s17;
	s14 =	sadd.s32 s14, s18;
	s16 =	sshrl.u32 s16, $0x3  }
0x12: {  	s18 =	simm.s32 $0x100;
	s11 =	sadd.s32 s15, s25;
	s9 =	sadd.s32 s13, s30  }
0x13: {  	s25 =	sadd.s32 $0x68A00, s12;
	s12 =	sadd.s32 $0x10E00, s7;
	s19 =	sshrl.u32 s19, $0x3  }
0x14: {  	s17 =	sshrl.u32 s17, $0x3;
	s14 =	sadd.s32 $0xF00, s14;
	s6 =	sadd.s32 $0x5780, s11  }
0x15: {  	s8 =	sadd.s32 $0x578A, s11;
	s9 =	sadd.s32 $0x500, s9;
	s11 =	sadd.s32 $0x599C, s11  }
0x16: {  	s13 =	sadd.s32 s19, s15;
	s15 =	sadd.s32 s17, s15;
	s17 =	simm.s32 $0x3  }
0x17: {  	s19 =	simm.s32 $0x80;
	s24 =	sadd.s32 s24, s25;
	s25 =	simm.s32 $0x0  }
.LBB2_1:
0x18: {  	[spmem:s16], [sflag:s5] =	dma.local [hbm:s4], $0x2800  }
0x19: {  	_ =	swait.ge [sflag:s17], $0x2800  }
0x1a: {  	[sflag:s17] =	ssyncset.done $0x0  }
0x1b: {  	[sflag:s17] =	ssyncadd.s32 $0xFFFFD800  }
0x1c: {  	[bflag:$0x0] =	sbarrier.arrive $0xFFFF  }
0x1d: {  	[tilespmem:s3], [sflag:$0x3] =	stream.linear.gather [hbm4b:s6+s3], $0x50, $0x38;
	[tilespmem:$0x19100] =	vst v63  }
0x1e: {  	_ =	swait.ge [sflag:s17], $0x50  }
0x1f: {  	[sflag:s17] =	ssyncset.done $0x0  }
0x20: {  	[sflag:s17] =	ssyncadd.s32 $0xFFFFFFB0  }
0x21: {  	[tilespmem:s18], [sflag:$0x1] =	stream.linear.gather [hbm4b:s7+s3], $0x2800, $0x38;
	[tilespmem:$0x19100] =	vst v63  }
0x22: {  	_ = 	snop  }
0x23: {  	[tilespmem:s19], [sflag:$0x3] =	stream.linear.gather [hbm4b:s8+s3], $0x50, $0x38;
	[tilespmem:$0x19100] =	vst v63  }
0x24: {  	_ =	swait.ge [sflag:s17], $0x50  }
0x25: {  	[sflag:s17] =	ssyncset.done $0x0  }
0x26: {  	[sflag:s17] =	ssyncadd.s32 $0xFFFFFFB0  }
0x27: {  	[tilespmem:s20], [sflag:$0x2] =	stream.linear.gather [hbm4b:s9+s3], $0x2800, $0x38;
	[tilespmem:$0x19100] =	vst v63  }
0x28: {  	_ =	swait.ge [sflag:s21], $0x2800  }
0x29: {  	[sflag:s21] =	ssyncset.done $0x0  }
0x2a: {  	[sflag:s21] =	ssyncadd.s32 $0xFFFFD800  }
0x2b: {  	[spmem:s1] =	stream.indirect.scatter.add.f32 [tilespmem:s18], [sflag:$0x3], $0x80, s3, s22, $0xb8;
	[tilespmem:$0x19100] =	vst v63  }
0x2c: {  	_ =	swait.ge [sflag:s17], $0x2800  }
0x2d: {  	[sflag:s17] =	ssyncset.done $0x0  }
0x2e: {  	s26 =	sadd.s32 $0x0, s15;
	[sflag:s17] =	ssyncadd.s32 $0xFFFFD800  }
0x2f: {  	[tilespmem:s3], [sflag:$0x3] =	stream.linear.gather [hbm4b:s26+s3], $0x50, $0x38;
	[tilespmem:$0x19100] =	vst v63  }
0x30: {  	_ =	swait.ge [sflag:s17], $0x50  }
0x31: {  	[sflag:s17] =	ssyncset.done $0x0  }
0x32: {  	s30 =	sadd.s32 $0xFFFFFB00, s14;
	[sflag:s17] =	ssyncadd.s32 $0xFFFFFFB0  }
0x33: {  	[tilespmem:s18], [sflag:$0x1] =	stream.linear.gather [hbm4b:s30+s3], $0x2800, $0x38;
	[tilespmem:$0x19100] =	vst v63  }
0x34: {  	_ =	swait.ge [sflag:s23], $0x2800  }
0x35: {  	[sflag:s23] =	ssyncset.done $0x0  }
0x36: {  	[sflag:s23] =	ssyncadd.s32 $0xFFFFD800  }
0x37: {  	[spmem:s1] =	stream.indirect.scatter.add.f32 [tilespmem:s20], [sflag:$0x3], $0x80, s19, s22, $0xb8;
	[tilespmem:$0x19100] =	vst v63  }
0x38: {  	_ =	swait.ge [sflag:s17], $0x2800  }
0x39: {  	[sflag:s17] =	ssyncset.done $0x0  }
0x3a: {  	s31 =	sadd.s32 $0x0, s13;
	[sflag:s17] =	ssyncadd.s32 $0xFFFFD800  }
0x3b: {  	[tilespmem:s19], [sflag:$0x3] =	stream.linear.gather [hbm4b:s31+s3], $0x50, $0x38;
	[tilespmem:$0x19100] =	vst v63  }
0x3c: {  	_ =	swait.ge [sflag:s17], $0x50  }
0x3d: {  	s28 =	sadd.s32 $0xA00, s14;
	[sflag:s17] =	ssyncset.done $0x0  }
0x3e: {  	s29 =	smov.u32 s14;
	s26 =	simm.s32 $0x14;
	[sflag:s17] =	ssyncadd.s32 $0xFFFFFFB0  }
.LBB2_2:
0x3f: {  	[tilespmem:s20], [sflag:$0x2] =	stream.linear.gather [hbm4b:s29+s3], $0x2800, $0x38;
	[tilespmem:$0x19100] =	vst v63  }
0x40: {  	s30 =	smov.u32 s26;
	s29 =	smov.u32 s28  }
0x41: {  	p0 =	sne.s32 s26, $0x1F4;
	s26 =	sadd.s32 $0x14, s26;
	_ =	swait.ge [sflag:s21], $0x2800  }
0x42: {  	[sflag:s21] =	ssyncset.done $0x0  }
0x43: {  	[sflag:s21] =	ssyncadd.s32 $0xFFFFD800  }
0x44: {  	[spmem:s1] =	stream.indirect.scatter.add.f32 [tilespmem:s18], [sflag:$0x3], $0x80, s3, s22, $0xb8;
	[tilespmem:$0x19100] =	vst v63  }
0x45: {  	_ =	swait.ge [sflag:s17], $0x2800  }
0x46: {  	[sflag:s17] =	ssyncset.done $0x0  }
0x47: {  	s31 =	sadd.s32 s30, s15;
	[sflag:s17] =	ssyncadd.s32 $0xFFFFD800  }
0x48: {  	[tilespmem:s3], [sflag:$0x3] =	stream.linear.gather [hbm4b:s31+s3], $0x50, $0x38;
	[tilespmem:$0x19100] =	vst v63  }
0x49: {  	_ =	swait.ge [sflag:s17], $0x50  }
0x4a: {  	[sflag:s17] =	ssyncset.done $0x0  }
0x4b: {  	s31 =	sadd.s32 $0xFFFFFB00, s28;
	[sflag:s17] =	ssyncadd.s32 $0xFFFFFFB0  }
0x4c: {  	[tilespmem:s18], [sflag:$0x1] =	stream.linear.gather [hbm4b:s31+s3], $0x2800, $0x38;
	[tilespmem:$0x19100] =	vst v63  }
0x4d: {  	_ =	swait.ge [sflag:s23], $0x2800  }
0x4e: {  	[sflag:s23] =	ssyncset.done $0x0  }
0x4f: {  	[sflag:s23] =	ssyncadd.s32 $0xFFFFD800  }
0x50: {  	[spmem:s1] =	stream.indirect.scatter.add.f32 [tilespmem:s20], [sflag:$0x3], $0x80, s19, s22, $0xb8;
	[tilespmem:$0x19100] =	vst v63  }
0x51: {  	_ =	swait.ge [sflag:s17], $0x2800  }
0x52: {  	[sflag:s17] =	ssyncset.done $0x0  }
.Ltmp0:
0x53: {  	s30 =	sadd.s32 s30, s13;
	[sflag:s17] =	ssyncadd.s32 $0xFFFFD800;
	(pc) =	sbr.rel @p0 .LBB2_2-.Ltmp0, $4  }
0x54: {  	[tilespmem:s19], [sflag:$0x3] =	stream.linear.gather [hbm4b:s30+s3], $0x50, $0x38;
	[tilespmem:$0x19100] =	vst v63  }
0x55: {  	_ =	swait.ge [sflag:s17], $0x50  }
0x56: {  	[sflag:s17] =	ssyncset.done $0x0  }
0x57: {  	s28 =	sadd.s32 $0xA00, s28;
	[sflag:s17] =	ssyncadd.s32 $0xFFFFFFB0  }
0x58: {  	[tilespmem:s20], [sflag:$0x2] =	stream.linear.gather [hbm4b:s29+s3], $0x2800, $0x38;
	[tilespmem:$0x19100] =	vst v63  }
0x59: {  	_ =	swait.ge [sflag:s21], $0x2800  }
0x5a: {  	[sflag:s21] =	ssyncset.done $0x0  }
0x5b: {  	[sflag:s21] =	ssyncadd.s32 $0xFFFFD800  }
0x5c: {  	[spmem:s1] =	stream.indirect.scatter.add.f32 [tilespmem:s18], [sflag:$0x3], $0x80, s3, s22, $0xb8;
	[tilespmem:$0x19100] =	vst v63  }
0x5d: {  	_ =	swait.ge [sflag:s17], $0x2800  }
0x5e: {  	[sflag:s17] =	ssyncset.done $0x0  }
0x5f: {  	[sflag:s17] =	ssyncadd.s32 $0xFFFFD800  }
0x60: {  	[tilespmem:s3], [sflag:$0x3] =	stream.linear.gather [hbm4b:s11+s3], $0x50, $0x38;
	[tilespmem:$0x19100] =	vst v63  }
0x61: {  	_ =	swait.ge [sflag:s17], $0x50  }
0x62: {  	[sflag:s17] =	ssyncset.done $0x0  }
0x63: {  	[sflag:s17] =	ssyncadd.s32 $0xFFFFFFB0  }
0x64: {  	[tilespmem:s18], [sflag:$0x1] =	stream.linear.gather [hbm4b:s12+s3], $0x2800, $0x38;
	[tilespmem:$0x19100] =	vst v63  }
0x65: {  	_ =	swait.ge [sflag:s23], $0x2800  }
0x66: {  	[sflag:s23] =	ssyncset.done $0x0  }
0x67: {  	[sflag:s23] =	ssyncadd.s32 $0xFFFFD800  }
0x68: {  	[spmem:s1] =	stream.indirect.scatter.add.f32 [tilespmem:s20], [sflag:$0x3], $0x80, s19, s22, $0xb8;
	[tilespmem:$0x19100] =	vst v63  }
0x69: {  	_ =	swait.ge [sflag:s17], $0x2800  }
0x6a: {  	[sflag:s17] =	ssyncset.done $0x0  }
0x6b: {  	[sflag:s17] =	ssyncadd.s32 $0xFFFFD800  }
0x6c: {  	_ =	swait.ge [sflag:s21], $0x2800  }
0x6d: {  	[sflag:s21] =	ssyncset.done $0x0  }
0x6e: {  	[sflag:s21] =	ssyncadd.s32 $0xFFFFD800  }
0x6f: {  	[spmem:s1] =	stream.indirect.scatter.add.f32 [tilespmem:s18], [sflag:$0x3], $0x80, s3, s22, $0xb8;
	[tilespmem:$0x19100] =	vst v63  }
0x70: {  	_ =	swait.ge [sflag:s17], $0x2800  }
0x71: {  	s25 =	sadd.s32 $0x1, s25;
	[sflag:s17] =	ssyncset.done $0x0  }
0x72: {  	p0 =	sne.s32 s25, s10;
	[sflag:s17] =	ssyncadd.s32 $0xFFFFD800  }
.Ltmp1:
0x73: {  	[bflag:$0x0] =	sbarrier.arrive $0xFFFF;
	(pc) =	sbr.rel @p0 .LBB2_1-.Ltmp1, $4  }
0x74: {  	[hbm:s24], [sflag:s5] =	dma.local [spmem:s16], $0x2800  }
0x75: {  	_ =	swait.ge [sflag:s17], $0x2800  }
0x76: {  	[sflag:s17] =	ssyncset.done $0x0  }
0x77: {  	[sflag:s17] =	ssyncadd.s32 $0xFFFFD800  }
0x78: {  	_ =	sfence.sel $0x180000  }
0x79: {  	[bflag:$0x0] =	sbarrier.arrive $0xFFFF  }
0x7a: {  	p0 =	sne.s32 s2, $0x0;
	_ =	strace $0x9000004D  }
0x7b: {  	s0 =	sadd.s32 @!p0 $0x100000, s0;
	[bflag:$0x2] =	sbarrier.arrive $0xFFFF  }
0x7c: {  	[sflag:s0] =	ssyncadd.tile.s32 @!p0 $0x1;
	_ =	shalt  }
.Lfunc_end2:
_tile_overlayer_lowered:
.L_overlay_start_2:
0x7d: {  	(tag) =	ssettag $0x2  }
0x7e: {  	s0 =	rddreg [dreg:$0x0];
	s2 =	stileid.u32  }
0x7f: {  	s1 =	rddreg [dreg:$0x1];
	p0 =	sne.s32 s2, $0x0  }
0x80: {  	s3 =	rddreg [dreg:$0x2];
	[bflag:$0x3] =	sbarrier.arrive $0xFFFF;
	s2 =	simm.s32 @!p0 $0x1C03  }
0x81: {  	[timem:s3], [sflag:s2] =	dma.local @!p0 [hbm:s0], s1  }
0x82: {  	s0 =	simm.s32 @!p0 $0x3  }
0x83: {  	_ =	swait.ge @!p0 [sflag:s0], s1  }
0x84: {  	s1 =	ssub.s32 @!p0 $0x0, s1;
	[sflag:s0] =	ssyncset.done @!p0 $0x0  }
0x85: {  	[sflag:s0] =	ssyncadd.s32 @!p0 s1  }
0x86: {  	[bflag:$0x3] =	sbarrier.arrive $0xFFFF  }
0x87: {  	_ =	shalt  }

</sc_bundles>
